<compile_context>
chip_gen: v7x
topology: tpu7x:2x2x1
jax: 0.10.2.dev20260603
libtpu: 0.0.44.dev20260713+nightly
codegen_flags: <defaults>
</compile_context>

<pallas_src>
import functools

import jax
import jax.numpy as jnp
from jax import lax
from jax.experimental import pallas as pl
from jax.experimental.pallas import tpu as pltpu
from jax.experimental.pallas import tpu_sc as plsc

VOCAB = 100000
CTX = 200
DIM = 64
BATCH = 4096
SEQ = 200

N = BATCH * SEQ
NC = 2
NS = 16
NW = NC * NS
R = N // NW
IDXW = 80
IDX_ROWS = R // IDXW
CHUNK = 2 * CTX
IDX_PER_CHUNK = CHUNK // IDXW
NCHUNK = R // CHUNK
NBUF = 3
LANES = 16
DSEG = DIM // LANES

_mesh = plsc.VectorSubcoreMesh(core_axis_name="c", subcore_axis_name="s")


@functools.partial(
    pl.kernel,
    mesh=_mesh,
    compiler_params=pltpu.CompilerParams(use_tc_tiling_on_sc=False),
    out_type=jax.ShapeDtypeStruct((BATCH, SEQ, DIM), jnp.float32),
    scratch_types=[
        pltpu.VMEM((IDX_ROWS, IDXW), jnp.int32),
        pltpu.VMEM((CTX, DIM), jnp.float32),
        pltpu.VMEM((CHUNK, DIM), jnp.float32),
        pltpu.VMEM((CHUNK, DIM), jnp.float32),
        pltpu.VMEM((CHUNK, DIM), jnp.float32),
        pltpu.SemaphoreType.DMA,
        pltpu.SemaphoreType.DMA,
        pltpu.SemaphoreType.DMA,
        pltpu.SemaphoreType.DMA,
        pltpu.SemaphoreType.DMA,
        pltpu.SemaphoreType.DMA,
    ],
)
def _embed(x_hbm, vocab_hbm, pos_hbm, out_hbm,
           idx_v, pos_v, r0, r1, r2, g0, g1, g2, s0, s1, s2):
    cid = lax.axis_index("c")
    sid = lax.axis_index("s")
    wid = sid * NC + cid
    rows = (r0, r1, r2)
    gsem = (g0, g1, g2)
    ssem = (s0, s1, s2)

    def fire_gathers(k, buf, sem):
        for j in range(IDX_PER_CHUNK):
            pltpu.async_copy(
                vocab_hbm.at[idx_v.at[k * IDX_PER_CHUNK + j]],
                buf.at[pl.ds(j * IDXW, IDXW)],
                sem,
            )

    def wait_gathers(buf, sem):
        pltpu.make_async_copy(vocab_hbm.at[pl.ds(0, CHUNK)], buf, sem).wait()

    def fire_scatter(k, buf, sem):
        for j in range(CHUNK // CTX):
            pltpu.async_copy(
                buf.at[pl.ds(j * CTX, CTX)],
                out_hbm.at[wid * (R // CTX) + (CHUNK // CTX) * k + j],
                sem,
            )

    def wait_scatter(buf, sem):
        for j in range(CHUNK // CTX):
            pltpu.make_async_copy(buf.at[pl.ds(0, CTX)], out_hbm.at[0], sem).wait()

    def add_pos(buf):
        def body(i, carry):
            for j in range(DSEG):
                sl = pl.ds(j * LANES, LANES)
                p = pos_v[i, sl]
                buf[i, sl] = buf[i, sl] + p
                buf[i + CTX, sl] = buf[i + CTX, sl] + p
            return carry
        lax.fori_loop(0, CTX, body, jnp.int32(0), unroll=4)

    pltpu.sync_copy(x_hbm.at[pl.ds(wid * IDX_ROWS, IDX_ROWS)], idx_v)
    pltpu.sync_copy(pos_hbm, pos_v)

    fire_gathers(0, rows[0], gsem[0])

    def slot(k, s):
        sn = (s + 1) % NBUF
        wait_gathers(rows[s], gsem[s])

        @pl.when(k >= 2)
        def _():
            wait_scatter(rows[sn], ssem[sn])
        fire_gathers(k + 1, rows[sn], gsem[sn])
        add_pos(rows[s])
        fire_scatter(k, rows[s], ssem[s])

    def round_body(g, carry):
        k = NBUF * g
        slot(k, 0)
        slot(k + 1, 1)
        slot(k + 2, 2)
        return carry

    lax.fori_loop(0, (NCHUNK - 1) // NBUF, round_body, jnp.int32(0),
                  unroll=False)

    k_last = NCHUNK - 1
    sl_last = k_last % NBUF
    wait_gathers(rows[sl_last], gsem[sl_last])
    add_pos(rows[sl_last])
    fire_scatter(k_last, rows[sl_last], ssem[sl_last])
    for s in range(NBUF):
        wait_scatter(rows[s], ssem[s])


def kernel(x_bc, vocab_table, pos_table):
    x_flat = x_bc.astype(jnp.int32).reshape(N // IDXW, IDXW)
    return _embed(x_flat, vocab_table, pos_table)

# --- scband reference (transcript-rebuilt; emitter-appended) ---
"""Pipeline reference for scband-embedder-38388417692302 (READ-ONLY COPY).

The authoritative reference and input builder live on the scoring server;
editing this copy changes nothing except your own understanding.
"""

import jax, jax.numpy as jnp
import numpy as np

VOCAB = 100000
CTX = 200
DIM = 64
BATCH = 4096
SEQ = 200

def setup_inputs(seed: int = 0) -> dict:
    key = jax.random.key(seed)
    k1, k2, k3 = jax.random.split(key, 3)
    x_bc = jax.random.randint(k1, (BATCH, SEQ), 0, VOCAB, dtype=jnp.int64 if jax.config.jax_enable_x64 else jnp.int32)
    vocab_table = jax.random.normal(k2, (VOCAB, DIM), dtype=jnp.float32)
    pos_table = jax.random.normal(k3, (CTX, DIM), dtype=jnp.float32)
    return {"x_bc": x_bc, "vocab_table": vocab_table, "pos_table": pos_table}

def reference(x_bc, vocab_table, pos_table):
    C = x_bc.shape[1]
    ctx = jnp.arange(0, C)
    tok_emb = jnp.take(vocab_table, x_bc, axis=0)            # [B, C, D]
    pos_emb = jnp.take(pos_table, ctx, axis=0)               # [C, D]
    return tok_emb + pos_emb[None, :, :]

if __name__ == "__main__":
    import jax
    _d = setup_inputs()
    print(jax.jit(kernel)(*tuple(_d.values())))

</pallas_src>

<mosaic_0001>
#map = affine_map<(d0, d1) -> (0, 0)>
#map1 = affine_map<(d0, d1) -> (0, 0, 0)>
module attributes {stable_mosaic.version = 14 : i64} {
  func.func @_embed(%arg0: i32, %arg1: i32, %arg2: memref<10240x80xi32, #tpu.memory_space<hbm>>, %arg3: memref<100000x64xf32, #tpu.memory_space<hbm>>, %arg4: memref<200x64xf32, #tpu.memory_space<hbm>>, %arg5: memref<4096x200x64xf32, #tpu.memory_space<hbm>>, %arg6: memref<320x80xi32, #tpu.memory_space<vmem>>, %arg7: memref<200x64xf32, #tpu.memory_space<vmem>>, %arg8: memref<400x64xf32, #tpu.memory_space<vmem>>, %arg9: memref<400x64xf32, #tpu.memory_space<vmem>>, %arg10: memref<400x64xf32, #tpu.memory_space<vmem>>, %arg11: memref<!tpu.dma_semaphore, #tpu.memory_space<semaphore_mem>>, %arg12: memref<!tpu.dma_semaphore, #tpu.memory_space<semaphore_mem>>, %arg13: memref<!tpu.dma_semaphore, #tpu.memory_space<semaphore_mem>>, %arg14: memref<!tpu.dma_semaphore, #tpu.memory_space<semaphore_mem>>, %arg15: memref<!tpu.dma_semaphore, #tpu.memory_space<semaphore_mem>>, %arg16: memref<!tpu.dma_semaphore, #tpu.memory_space<semaphore_mem>>) attributes {dimension_semantics = [#tpu.dimension_semantics<core_parallel>, #tpu.dimension_semantics<subcore_parallel>], iteration_bounds = array<i64: 2, 16>, scalar_prefetch = 0 : i64, scratch_operands = 11 : i64, tpu.core_type = #tpu.core_type<sc_vector_subcore>, window_params = [{transform_indices = #map}, {transform_indices = #map}, {transform_indices = #map}, {transform_indices = #map1}]} {
    %mul3A = arith.constant 2 : i32
    %mul3A_0 = arith.muli %arg1, %mul3A : i32
    %add3A = arith.addi %mul3A_0, %arg0 : i32
    %mul3A_1 = arith.constant 320 : i32
    %mul3A_2 = arith.muli %add3A, %mul3A_1 : i32
    "tpu.region"() ({
      %run_scoped3A = tpu.sem_alloc : memref<!tpu.dma_semaphore, #tpu.memory_space<semaphore_mem>>
      %dma_start3A_198 = arith.constant 0 : i32
      %dma_start3A_199 = tpu.memref_slice %arg2[%mul3A_2, %dma_start3A_198] : memref<10240x80xi32, #tpu.memory_space<hbm>> -> memref<320x80xi32, #tpu.memory_space<hbm>>
      %dma_start3A_200 = arith.constant 0 : i32
      %dma_start3A_201 = tpu.memref_slice %arg2[%mul3A_2, %dma_start3A_200] : memref<10240x80xi32, #tpu.memory_space<hbm>> -> memref<320x80xi32, #tpu.memory_space<hbm>>
      tpu.enqueue_dma source(%dma_start3A_201 : memref<320x80xi32, #tpu.memory_space<hbm>>) target(%arg6 : memref<320x80xi32, #tpu.memory_space<vmem>>) target_semaphore(%run_scoped3A : memref<!tpu.dma_semaphore, #tpu.memory_space<semaphore_mem>>)
      %dma_wait3A_202 = arith.constant 0 : i32
      %dma_wait3A_203 = tpu.memref_slice %arg2[%mul3A_2, %dma_wait3A_202] : memref<10240x80xi32, #tpu.memory_space<hbm>> -> memref<320x80xi32, #tpu.memory_space<hbm>>
      %dma_wait3A_204 = arith.constant 0 : i32
      %dma_wait3A_205 = tpu.memref_slice %arg2[%mul3A_2, %dma_wait3A_204] : memref<10240x80xi32, #tpu.memory_space<hbm>> -> memref<320x80xi32, #tpu.memory_space<hbm>>
      tpu.wait_dma2 semaphore(%run_scoped3A : memref<!tpu.dma_semaphore, #tpu.memory_space<semaphore_mem>>) src(%dma_wait3A_205 : memref<320x80xi32, #tpu.memory_space<hbm>>) dst(%arg6 : memref<320x80xi32, #tpu.memory_space<vmem>>)
      tpu.yield
    }) : () -> ()
    "tpu.region"() ({
      %run_scoped3A = tpu.sem_alloc : memref<!tpu.dma_semaphore, #tpu.memory_space<semaphore_mem>>
      tpu.enqueue_dma source(%arg4 : memref<200x64xf32, #tpu.memory_space<hbm>>) target(%arg7 : memref<200x64xf32, #tpu.memory_space<vmem>>) target_semaphore(%run_scoped3A : memref<!tpu.dma_semaphore, #tpu.memory_space<semaphore_mem>>)
      tpu.wait_dma2 semaphore(%run_scoped3A : memref<!tpu.dma_semaphore, #tpu.memory_space<semaphore_mem>>) src(%arg4 : memref<200x64xf32, #tpu.memory_space<hbm>>) dst(%arg7 : memref<200x64xf32, #tpu.memory_space<vmem>>)
      tpu.yield
    }) : () -> ()
    %dma_start3A = arith.constant 0 : i32
    %dma_start3A_3 = arith.constant 0 : i32
    %dma_start3A_4 = arith.constant 0 : i32
    %dma_start3A_5 = tpu.memref_slice %arg8[%dma_start3A_3, %dma_start3A_4] : memref<400x64xf32, #tpu.memory_space<vmem>> -> memref<80x64xf32, #tpu.memory_space<vmem>>
    %dma_start3A_6 = arith.constant 0 : i32
    %dma_start3A_7 = tpu.memref_slice %arg6[%dma_start3A, %dma_start3A_6] : memref<320x80xi32, #tpu.memory_space<vmem>> -> memref<1x80xi32, #tpu.memory_space<vmem>>
    %dma_start3A_8 = tpu.memref_squeeze %dma_start3A_7 : memref<1x80xi32, #tpu.memory_space<vmem>> -> memref<80xi32, #tpu.memory_space<vmem>>
    %dma_start3A_9 = arith.constant 0 : i32
    %dma_start3A_10 = arith.constant 0 : i32
    %dma_start3A_11 = tpu.memref_slice %arg3[%dma_start3A_9, %dma_start3A_10] : memref<100000x64xf32, #tpu.memory_space<hbm>> -> memref<100000x64xf32, #tpu.memory_space<hbm>>
    tpu.enqueue_indirect_dma source(%dma_start3A_11 : memref<100000x64xf32, #tpu.memory_space<hbm>>) target(%dma_start3A_5 : memref<80x64xf32, #tpu.memory_space<vmem>>) offsets(%dma_start3A_8 : memref<80xi32, #tpu.memory_space<vmem>>) semaphore(%arg11 : memref<!tpu.dma_semaphore, #tpu.memory_space<semaphore_mem>>)
    %dma_start3A_12 = arith.constant 1 : i32
    %dma_start3A_13 = arith.constant 80 : i32
    %dma_start3A_14 = arith.constant 0 : i32
    %dma_start3A_15 = tpu.memref_slice %arg8[%dma_start3A_13, %dma_start3A_14] : memref<400x64xf32, #tpu.memory_space<vmem>> -> memref<80x64xf32, #tpu.memory_space<vmem>>
    %dma_start3A_16 = arith.constant 0 : i32
    %dma_start3A_17 = tpu.memref_slice %arg6[%dma_start3A_12, %dma_start3A_16] : memref<320x80xi32, #tpu.memory_space<vmem>> -> memref<1x80xi32, #tpu.memory_space<vmem>>
    %dma_start3A_18 = tpu.memref_squeeze %dma_start3A_17 : memref<1x80xi32, #tpu.memory_space<vmem>> -> memref<80xi32, #tpu.memory_space<vmem>>
    %dma_start3A_19 = arith.constant 0 : i32
    %dma_start3A_20 = arith.constant 0 : i32
    %dma_start3A_21 = tpu.memref_slice %arg3[%dma_start3A_19, %dma_start3A_20] : memref<100000x64xf32, #tpu.memory_space<hbm>> -> memref<100000x64xf32, #tpu.memory_space<hbm>>
    tpu.enqueue_indirect_dma source(%dma_start3A_21 : memref<100000x64xf32, #tpu.memory_space<hbm>>) target(%dma_start3A_15 : memref<80x64xf32, #tpu.memory_space<vmem>>) offsets(%dma_start3A_18 : memref<80xi32, #tpu.memory_space<vmem>>) semaphore(%arg11 : memref<!tpu.dma_semaphore, #tpu.memory_space<semaphore_mem>>)
    %dma_start3A_22 = arith.constant 2 : i32
    %dma_start3A_23 = arith.constant 160 : i32
    %dma_start3A_24 = arith.constant 0 : i32
    %dma_start3A_25 = tpu.memref_slice %arg8[%dma_start3A_23, %dma_start3A_24] : memref<400x64xf32, #tpu.memory_space<vmem>> -> memref<80x64xf32, #tpu.memory_space<vmem>>
    %dma_start3A_26 = arith.constant 0 : i32
    %dma_start3A_27 = tpu.memref_slice %arg6[%dma_start3A_22, %dma_start3A_26] : memref<320x80xi32, #tpu.memory_space<vmem>> -> memref<1x80xi32, #tpu.memory_space<vmem>>
    %dma_start3A_28 = tpu.memref_squeeze %dma_start3A_27 : memref<1x80xi32, #tpu.memory_space<vmem>> -> memref<80xi32, #tpu.memory_space<vmem>>
    %dma_start3A_29 = arith.constant 0 : i32
    %dma_start3A_30 = arith.constant 0 : i32
    %dma_start3A_31 = tpu.memref_slice %arg3[%dma_start3A_29, %dma_start3A_30] : memref<100000x64xf32, #tpu.memory_space<hbm>> -> memref<100000x64xf32, #tpu.memory_space<hbm>>
    tpu.enqueue_indirect_dma source(%dma_start3A_31 : memref<100000x64xf32, #tpu.memory_space<hbm>>) target(%dma_start3A_25 : memref<80x64xf32, #tpu.memory_space<vmem>>) offsets(%dma_start3A_28 : memref<80xi32, #tpu.memory_space<vmem>>) semaphore(%arg11 : memref<!tpu.dma_semaphore, #tpu.memory_space<semaphore_mem>>)
    %dma_start3A_32 = arith.constant 3 : i32
    %dma_start3A_33 = arith.constant 240 : i32
    %dma_start3A_34 = arith.constant 0 : i32
    %dma_start3A_35 = tpu.memref_slice %arg8[%dma_start3A_33, %dma_start3A_34] : memref<400x64xf32, #tpu.memory_space<vmem>> -> memref<80x64xf32, #tpu.memory_space<vmem>>
    %dma_start3A_36 = arith.constant 0 : i32
    %dma_start3A_37 = tpu.memref_slice %arg6[%dma_start3A_32, %dma_start3A_36] : memref<320x80xi32, #tpu.memory_space<vmem>> -> memref<1x80xi32, #tpu.memory_space<vmem>>
    %dma_start3A_38 = tpu.memref_squeeze %dma_start3A_37 : memref<1x80xi32, #tpu.memory_space<vmem>> -> memref<80xi32, #tpu.memory_space<vmem>>
    %dma_start3A_39 = arith.constant 0 : i32
    %dma_start3A_40 = arith.constant 0 : i32
    %dma_start3A_41 = tpu.memref_slice %arg3[%dma_start3A_39, %dma_start3A_40] : memref<100000x64xf32, #tpu.memory_space<hbm>> -> memref<100000x64xf32, #tpu.memory_space<hbm>>
    tpu.enqueue_indirect_dma source(%dma_start3A_41 : memref<100000x64xf32, #tpu.memory_space<hbm>>) target(%dma_start3A_35 : memref<80x64xf32, #tpu.memory_space<vmem>>) offsets(%dma_start3A_38 : memref<80xi32, #tpu.memory_space<vmem>>) semaphore(%arg11 : memref<!tpu.dma_semaphore, #tpu.memory_space<semaphore_mem>>)
    %dma_start3A_42 = arith.constant 4 : i32
    %dma_start3A_43 = arith.constant 320 : i32
    %dma_start3A_44 = arith.constant 0 : i32
    %dma_start3A_45 = tpu.memref_slice %arg8[%dma_start3A_43, %dma_start3A_44] : memref<400x64xf32, #tpu.memory_space<vmem>> -> memref<80x64xf32, #tpu.memory_space<vmem>>
    %dma_start3A_46 = arith.constant 0 : i32
    %dma_start3A_47 = tpu.memref_slice %arg6[%dma_start3A_42, %dma_start3A_46] : memref<320x80xi32, #tpu.memory_space<vmem>> -> memref<1x80xi32, #tpu.memory_space<vmem>>
    %dma_start3A_48 = tpu.memref_squeeze %dma_start3A_47 : memref<1x80xi32, #tpu.memory_space<vmem>> -> memref<80xi32, #tpu.memory_space<vmem>>
    %dma_start3A_49 = arith.constant 0 : i32
    %dma_start3A_50 = arith.constant 0 : i32
    %dma_start3A_51 = tpu.memref_slice %arg3[%dma_start3A_49, %dma_start3A_50] : memref<100000x64xf32, #tpu.memory_space<hbm>> -> memref<100000x64xf32, #tpu.memory_space<hbm>>
    tpu.enqueue_indirect_dma source(%dma_start3A_51 : memref<100000x64xf32, #tpu.memory_space<hbm>>) target(%dma_start3A_45 : memref<80x64xf32, #tpu.memory_space<vmem>>) offsets(%dma_start3A_48 : memref<80xi32, #tpu.memory_space<vmem>>) semaphore(%arg11 : memref<!tpu.dma_semaphore, #tpu.memory_space<semaphore_mem>>)
    %scan3A = arith.constant 0 : i32
    %scan3A_52 = arith.constant 0 : i32
    %scan3A_53 = arith.constant 21 : i32
    %scan3A_54 = arith.addi %scan3A_52, %scan3A_53 : i32
    %scan3A_55 = arith.constant 1 : i32
    scf.for %scan3A_198 = %scan3A_52 to %scan3A_54 step %scan3A_55  : i32 {
      %mul3A_199 = arith.constant 3 : i32
      %mul3A_200 = arith.muli %mul3A_199, %scan3A_198 : i32
      %dma_wait3A_201 = arith.constant 0 : i32
      %dma_wait3A_202 = arith.constant 0 : i32
      %dma_wait3A_203 = tpu.memref_slice %arg3[%dma_wait3A_201, %dma_wait3A_202] : memref<100000x64xf32, #tpu.memory_space<hbm>> -> memref<400x64xf32, #tpu.memory_space<hbm>>
      %dma_wait3A_204 = arith.constant 0 : i32
      %dma_wait3A_205 = arith.constant 0 : i32
      %dma_wait3A_206 = tpu.memref_slice %arg3[%dma_wait3A_204, %dma_wait3A_205] : memref<100000x64xf32, #tpu.memory_space<hbm>> -> memref<400x64xf32, #tpu.memory_space<hbm>>
      tpu.wait_dma2 semaphore(%arg11 : memref<!tpu.dma_semaphore, #tpu.memory_space<semaphore_mem>>) src(%dma_wait3A_206 : memref<400x64xf32, #tpu.memory_space<hbm>>) dst(%arg8 : memref<400x64xf32, #tpu.memory_space<vmem>>)
      %ge3A = arith.constant 2 : i32
      %ge3A_207 = arith.cmpi sge, %mul3A_200, %ge3A : i32
      %convert_element_type3A = arith.extui %ge3A_207 : i1 to i32
      %cond3A = arith.constant 0 : i32
      %cond3A_208 = arith.cmpi ne, %convert_element_type3A, %cond3A : i32
      scf.if %cond3A_208 {
        %dma_wait3A_580 = arith.constant 0 : i32
        %dma_wait3A_581 = arith.constant 0 : i32
        %dma_wait3A_582 = arith.constant 0 : i32
        %dma_wait3A_583 = tpu.memref_slice %arg9[%dma_wait3A_581, %dma_wait3A_582] : memref<400x64xf32, #tpu.memory_space<vmem>> -> memref<200x64xf32, #tpu.memory_space<vmem>>
        %dma_wait3A_584 = arith.constant 0 : i32
        %dma_wait3A_585 = arith.constant 0 : i32
        %dma_wait3A_586 = tpu.memref_slice %arg5[%dma_wait3A_580, %dma_wait3A_584, %dma_wait3A_585] : memref<4096x200x64xf32, #tpu.memory_space<hbm>> -> memref<1x200x64xf32, #tpu.memory_space<hbm>>
        %dma_wait3A_587 = tpu.memref_squeeze %dma_wait3A_586 : memref<1x200x64xf32, #tpu.memory_space<hbm>> -> memref<200x64xf32, #tpu.memory_space<hbm>>
        %dma_wait3A_588 = arith.constant 0 : i32
        %dma_wait3A_589 = arith.constant 0 : i32
        %dma_wait3A_590 = tpu.memref_slice %arg5[%dma_wait3A_580, %dma_wait3A_588, %dma_wait3A_589] : memref<4096x200x64xf32, #tpu.memory_space<hbm>> -> memref<1x200x64xf32, #tpu.memory_space<hbm>>
        %dma_wait3A_591 = tpu.memref_squeeze %dma_wait3A_590 : memref<1x200x64xf32, #tpu.memory_space<hbm>> -> memref<200x64xf32, #tpu.memory_space<hbm>>
        %dma_wait3A_592 = arith.constant 0 : i32
        %dma_wait3A_593 = arith.constant 0 : i32
        %dma_wait3A_594 = tpu.memref_slice %arg9[%dma_wait3A_592, %dma_wait3A_593] : memref<400x64xf32, #tpu.memory_space<vmem>> -> memref<200x64xf32, #tpu.memory_space<vmem>>
        tpu.wait_dma2 semaphore(%arg15 : memref<!tpu.dma_semaphore, #tpu.memory_space<semaphore_mem>>) src(%dma_wait3A_594 : memref<200x64xf32, #tpu.memory_space<vmem>>) dst(%dma_wait3A_591 : memref<200x64xf32, #tpu.memory_space<hbm>>)
        %dma_wait3A_595 = arith.constant 0 : i32
        %dma_wait3A_596 = arith.constant 0 : i32
        %dma_wait3A_597 = arith.constant 0 : i32
        %dma_wait3A_598 = tpu.memref_slice %arg9[%dma_wait3A_596, %dma_wait3A_597] : memref<400x64xf32, #tpu.memory_space<vmem>> -> memref<200x64xf32, #tpu.memory_space<vmem>>
        %dma_wait3A_599 = arith.constant 0 : i32
        %dma_wait3A_600 = arith.constant 0 : i32
        %dma_wait3A_601 = tpu.memref_slice %arg5[%dma_wait3A_595, %dma_wait3A_599, %dma_wait3A_600] : memref<4096x200x64xf32, #tpu.memory_space<hbm>> -> memref<1x200x64xf32, #tpu.memory_space<hbm>>
        %dma_wait3A_602 = tpu.memref_squeeze %dma_wait3A_601 : memref<1x200x64xf32, #tpu.memory_space<hbm>> -> memref<200x64xf32, #tpu.memory_space<hbm>>
        %dma_wait3A_603 = arith.constant 0 : i32
        %dma_wait3A_604 = arith.constant 0 : i32
        %dma_wait3A_605 = tpu.memref_slice %arg5[%dma_wait3A_595, %dma_wait3A_603, %dma_wait3A_604] : memref<4096x200x64xf32, #tpu.memory_space<hbm>> -> memref<1x200x64xf32, #tpu.memory_space<hbm>>
        %dma_wait3A_606 = tpu.memref_squeeze %dma_wait3A_605 : memref<1x200x64xf32, #tpu.memory_space<hbm>> -> memref<200x64xf32, #tpu.memory_space<hbm>>
        %dma_wait3A_607 = arith.constant 0 : i32
        %dma_wait3A_608 = arith.constant 0 : i32
        %dma_wait3A_609 = tpu.memref_slice %arg9[%dma_wait3A_607, %dma_wait3A_608] : memref<400x64xf32, #tpu.memory_space<vmem>> -> memref<200x64xf32, #tpu.memory_space<vmem>>
        tpu.wait_dma2 semaphore(%arg15 : memref<!tpu.dma_semaphore, #tpu.memory_space<semaphore_mem>>) src(%dma_wait3A_609 : memref<200x64xf32, #tpu.memory_space<vmem>>) dst(%dma_wait3A_606 : memref<200x64xf32, #tpu.memory_space<hbm>>)
      } else {
      }
      %add3A_209 = arith.constant 1 : i32
      %add3A_210 = arith.addi %mul3A_200, %add3A_209 : i32
      %mul3A_211 = arith.constant 5 : i32
      %mul3A_212 = arith.muli %add3A_210, %mul3A_211 : i32
      %add3A_213 = arith.constant 0 : i32
      %add3A_214 = arith.addi %mul3A_212, %add3A_213 : i32
      %dma_start3A_215 = arith.constant 0 : i32
      %dma_start3A_216 = arith.constant 0 : i32
      %dma_start3A_217 = tpu.memref_slice %arg9[%dma_start3A_215, %dma_start3A_216] : memref<400x64xf32, #tpu.memory_space<vmem>> -> memref<80x64xf32, #tpu.memory_space<vmem>>
      %dma_start3A_218 = arith.constant 0 : i32
      %dma_start3A_219 = tpu.memref_slice %arg6[%add3A_214, %dma_start3A_218] : memref<320x80xi32, #tpu.memory_space<vmem>> -> memref<1x80xi32, #tpu.memory_space<vmem>>
      %dma_start3A_220 = tpu.memref_squeeze %dma_start3A_219 : memref<1x80xi32, #tpu.memory_space<vmem>> -> memref<80xi32, #tpu.memory_space<vmem>>
      %dma_start3A_221 = arith.constant 0 : i32
      %dma_start3A_222 = arith.constant 0 : i32
      %dma_start3A_223 = tpu.memref_slice %arg3[%dma_start3A_221, %dma_start3A_222] : memref<100000x64xf32, #tpu.memory_space<hbm>> -> memref<100000x64xf32, #tpu.memory_space<hbm>>
      tpu.enqueue_indirect_dma source(%dma_start3A_223 : memref<100000x64xf32, #tpu.memory_space<hbm>>) target(%dma_start3A_217 : memref<80x64xf32, #tpu.memory_space<vmem>>) offsets(%dma_start3A_220 : memref<80xi32, #tpu.memory_space<vmem>>) semaphore(%arg12 : memref<!tpu.dma_semaphore, #tpu.memory_space<semaphore_mem>>)
      %mul3A_224 = arith.constant 5 : i32
      %mul3A_225 = arith.muli %add3A_210, %mul3A_224 : i32
      %add3A_226 = arith.constant 1 : i32
      %add3A_227 = arith.addi %mul3A_225, %add3A_226 : i32
      %dma_start3A_228 = arith.constant 80 : i32
      %dma_start3A_229 = arith.constant 0 : i32
      %dma_start3A_230 = tpu.memref_slice %arg9[%dma_start3A_228, %dma_start3A_229] : memref<400x64xf32, #tpu.memory_space<vmem>> -> memref<80x64xf32, #tpu.memory_space<vmem>>
      %dma_start3A_231 = arith.constant 0 : i32
      %dma_start3A_232 = tpu.memref_slice %arg6[%add3A_227, %dma_start3A_231] : memref<320x80xi32, #tpu.memory_space<vmem>> -> memref<1x80xi32, #tpu.memory_space<vmem>>
      %dma_start3A_233 = tpu.memref_squeeze %dma_start3A_232 : memref<1x80xi32, #tpu.memory_space<vmem>> -> memref<80xi32, #tpu.memory_space<vmem>>
      %dma_start3A_234 = arith.constant 0 : i32
      %dma_start3A_235 = arith.constant 0 : i32
      %dma_start3A_236 = tpu.memref_slice %arg3[%dma_start3A_234, %dma_start3A_235] : memref<100000x64xf32, #tpu.memory_space<hbm>> -> memref<100000x64xf32, #tpu.memory_space<hbm>>
      tpu.enqueue_indirect_dma source(%dma_start3A_236 : memref<100000x64xf32, #tpu.memory_space<hbm>>) target(%dma_start3A_230 : memref<80x64xf32, #tpu.memory_space<vmem>>) offsets(%dma_start3A_233 : memref<80xi32, #tpu.memory_space<vmem>>) semaphore(%arg12 : memref<!tpu.dma_semaphore, #tpu.memory_space<semaphore_mem>>)
      %mul3A_237 = arith.constant 5 : i32
      %mul3A_238 = arith.muli %add3A_210, %mul3A_237 : i32
      %add3A_239 = arith.constant 2 : i32
      %add3A_240 = arith.addi %mul3A_238, %add3A_239 : i32
      %dma_start3A_241 = arith.constant 160 : i32
      %dma_start3A_242 = arith.constant 0 : i32
      %dma_start3A_243 = tpu.memref_slice %arg9[%dma_start3A_241, %dma_start3A_242] : memref<400x64xf32, #tpu.memory_space<vmem>> -> memref<80x64xf32, #tpu.memory_space<vmem>>
      %dma_start3A_244 = arith.constant 0 : i32
      %dma_start3A_245 = tpu.memref_slice %arg6[%add3A_240, %dma_start3A_244] : memref<320x80xi32, #tpu.memory_space<vmem>> -> memref<1x80xi32, #tpu.memory_space<vmem>>
      %dma_start3A_246 = tpu.memref_squeeze %dma_start3A_245 : memref<1x80xi32, #tpu.memory_space<vmem>> -> memref<80xi32, #tpu.memory_space<vmem>>
      %dma_start3A_247 = arith.constant 0 : i32
      %dma_start3A_248 = arith.constant 0 : i32
      %dma_start3A_249 = tpu.memref_slice %arg3[%dma_start3A_247, %dma_start3A_248] : memref<100000x64xf32, #tpu.memory_space<hbm>> -> memref<100000x64xf32, #tpu.memory_space<hbm>>
      tpu.enqueue_indirect_dma source(%dma_start3A_249 : memref<100000x64xf32, #tpu.memory_space<hbm>>) target(%dma_start3A_243 : memref<80x64xf32, #tpu.memory_space<vmem>>) offsets(%dma_start3A_246 : memref<80xi32, #tpu.memory_space<vmem>>) semaphore(%arg12 : memref<!tpu.dma_semaphore, #tpu.memory_space<semaphore_mem>>)
      %mul3A_250 = arith.constant 5 : i32
      %mul3A_251 = arith.muli %add3A_210, %mul3A_250 : i32
      %add3A_252 = arith.constant 3 : i32
      %add3A_253 = arith.addi %mul3A_251, %add3A_252 : i32
      %dma_start3A_254 = arith.constant 240 : i32
      %dma_start3A_255 = arith.constant 0 : i32
      %dma_start3A_256 = tpu.memref_slice %arg9[%dma_start3A_254, %dma_start3A_255] : memref<400x64xf32, #tpu.memory_space<vmem>> -> memref<80x64xf32, #tpu.memory_space<vmem>>
      %dma_start3A_257 = arith.constant 0 : i32
      %dma_start3A_258 = tpu.memref_slice %arg6[%add3A_253, %dma_start3A_257] : memref<320x80xi32, #tpu.memory_space<vmem>> -> memref<1x80xi32, #tpu.memory_space<vmem>>
      %dma_start3A_259 = tpu.memref_squeeze %dma_start3A_258 : memref<1x80xi32, #tpu.memory_space<vmem>> -> memref<80xi32, #tpu.memory_space<vmem>>
      %dma_start3A_260 = arith.constant 0 : i32
      %dma_start3A_261 = arith.constant 0 : i32
      %dma_start3A_262 = tpu.memref_slice %arg3[%dma_start3A_260, %dma_start3A_261] : memref<100000x64xf32, #tpu.memory_space<hbm>> -> memref<100000x64xf32, #tpu.memory_space<hbm>>
      tpu.enqueue_indirect_dma source(%dma_start3A_262 : memref<100000x64xf32, #tpu.memory_space<hbm>>) target(%dma_start3A_256 : memref<80x64xf32, #tpu.memory_space<vmem>>) offsets(%dma_start3A_259 : memref<80xi32, #tpu.memory_space<vmem>>) semaphore(%arg12 : memref<!tpu.dma_semaphore, #tpu.memory_space<semaphore_mem>>)
      %mul3A_263 = arith.constant 5 : i32
      %mul3A_264 = arith.muli %add3A_210, %mul3A_263 : i32
      %add3A_265 = arith.constant 4 : i32
      %add3A_266 = arith.addi %mul3A_264, %add3A_265 : i32
      %dma_start3A_267 = arith.constant 320 : i32
      %dma_start3A_268 = arith.constant 0 : i32
      %dma_start3A_269 = tpu.memref_slice %arg9[%dma_start3A_267, %dma_start3A_268] : memref<400x64xf32, #tpu.memory_space<vmem>> -> memref<80x64xf32, #tpu.memory_space<vmem>>
      %dma_start3A_270 = arith.constant 0 : i32
      %dma_start3A_271 = tpu.memref_slice %arg6[%add3A_266, %dma_start3A_270] : memref<320x80xi32, #tpu.memory_space<vmem>> -> memref<1x80xi32, #tpu.memory_space<vmem>>
      %dma_start3A_272 = tpu.memref_squeeze %dma_start3A_271 : memref<1x80xi32, #tpu.memory_space<vmem>> -> memref<80xi32, #tpu.memory_space<vmem>>
      %dma_start3A_273 = arith.constant 0 : i32
      %dma_start3A_274 = arith.constant 0 : i32
      %dma_start3A_275 = tpu.memref_slice %arg3[%dma_start3A_273, %dma_start3A_274] : memref<100000x64xf32, #tpu.memory_space<hbm>> -> memref<100000x64xf32, #tpu.memory_space<hbm>>
      tpu.enqueue_indirect_dma source(%dma_start3A_275 : memref<100000x64xf32, #tpu.memory_space<hbm>>) target(%dma_start3A_269 : memref<80x64xf32, #tpu.memory_space<vmem>>) offsets(%dma_start3A_272 : memref<80xi32, #tpu.memory_space<vmem>>) semaphore(%arg12 : memref<!tpu.dma_semaphore, #tpu.memory_space<semaphore_mem>>)
      %scan3A_276 = arith.constant 0 : i32
      %scan3A_277 = arith.constant 0 : i32
      %scan3A_278 = arith.constant 200 : i32
      %scan3A_279 = arith.addi %scan3A_277, %scan3A_278 : i32
      %scan3A_280 = arith.constant 4 : i32
      scf.for %scan3A_580 = %scan3A_277 to %scan3A_279 step %scan3A_280  : i32 {
        %get3A = arith.index_cast %scan3A_580 : i32 to index
        %get3A_581 = arith.constant 0 : index
        %get3A_582 = tpu.vector_load %arg7[%get3A, %get3A_581] {strides = array<i32>} : memref<200x64xf32, #tpu.memory_space<vmem>>, vector<1x16xf32>,
        %get3A_583 = vector.shape_cast %get3A_582 : vector<1x16xf32> to vector<16xf32>
        %get3A_584 = arith.index_cast %scan3A_580 : i32 to index
        %get3A_585 = arith.constant 0 : index
        %get3A_586 = tpu.vector_load %arg8[%get3A_584, %get3A_585] {strides = array<i32>} : memref<400x64xf32, #tpu.memory_space<vmem>>, vector<1x16xf32>,
        %get3A_587 = vector.shape_cast %get3A_586 : vector<1x16xf32> to vector<16xf32>
        %add3A_588 = arith.addf %get3A_587, %get3A_583 : vector<16xf32>
        %swap3A = arith.index_cast %scan3A_580 : i32 to index
        %swap3A_589 = arith.constant 0 : index
        %swap3A_590 = tpu.vector_load %arg8[%swap3A, %swap3A_589] {strides = array<i32>} : memref<400x64xf32, #tpu.memory_space<vmem>>, vector<1x16xf32>,
        %swap3A_591 = vector.shape_cast %swap3A_590 : vector<1x16xf32> to vector<16xf32>
        %swap3A_592 = vector.shape_cast %add3A_588 : vector<16xf32> to vector<1x16xf32>
        tpu.vector_store %arg8[%swap3A, %swap3A_589], %swap3A_592 {strides = array<i32>} : memref<400x64xf32, #tpu.memory_space<vmem>>, vector<1x16xf32>,
        %add3A_593 = arith.constant 200 : i32
        %add3A_594 = arith.addi %scan3A_580, %add3A_593 : i32
        %get3A_595 = arith.index_cast %add3A_594 : i32 to index
        %get3A_596 = arith.constant 0 : index
        %get3A_597 = tpu.vector_load %arg8[%get3A_595, %get3A_596] {strides = array<i32>} : memref<400x64xf32, #tpu.memory_space<vmem>>, vector<1x16xf32>,
        %get3A_598 = vector.shape_cast %get3A_597 : vector<1x16xf32> to vector<16xf32>
        %add3A_599 = arith.addf %get3A_598, %get3A_583 : vector<16xf32>
        %add3A_600 = arith.constant 200 : i32
        %add3A_601 = arith.addi %scan3A_580, %add3A_600 : i32
        %swap3A_602 = arith.index_cast %add3A_601 : i32 to index
        %swap3A_603 = arith.constant 0 : index
        %swap3A_604 = tpu.vector_load %arg8[%swap3A_602, %swap3A_603] {strides = array<i32>} : memref<400x64xf32, #tpu.memory_space<vmem>>, vector<1x16xf32>,
        %swap3A_605 = vector.shape_cast %swap3A_604 : vector<1x16xf32> to vector<16xf32>
        %swap3A_606 = vector.shape_cast %add3A_599 : vector<16xf32> to vector<1x16xf32>
        tpu.vector_store %arg8[%swap3A_602, %swap3A_603], %swap3A_606 {strides = array<i32>} : memref<400x64xf32, #tpu.memory_space<vmem>>, vector<1x16xf32>,
        %get3A_607 = arith.index_cast %scan3A_580 : i32 to index
        %get3A_608 = arith.constant 16 : index
        %get3A_609 = tpu.vector_load %arg7[%get3A_607, %get3A_608] {strides = array<i32>} : memref<200x64xf32, #tpu.memory_space<vmem>>, vector<1x16xf32>,
        %get3A_610 = vector.shape_cast %get3A_609 : vector<1x16xf32> to vector<16xf32>
        %get3A_611 = arith.index_cast %scan3A_580 : i32 to index
        %get3A_612 = arith.constant 16 : index
        %get3A_613 = tpu.vector_load %arg8[%get3A_611, %get3A_612] {strides = array<i32>} : memref<400x64xf32, #tpu.memory_space<vmem>>, vector<1x16xf32>,
        %get3A_614 = vector.shape_cast %get3A_613 : vector<1x16xf32> to vector<16xf32>
        %add3A_615 = arith.addf %get3A_614, %get3A_610 : vector<16xf32>
        %swap3A_616 = arith.index_cast %scan3A_580 : i32 to index
        %swap3A_617 = arith.constant 16 : index
        %swap3A_618 = tpu.vector_load %arg8[%swap3A_616, %swap3A_617] {strides = array<i32>} : memref<400x64xf32, #tpu.memory_space<vmem>>, vector<1x16xf32>,
        %swap3A_619 = vector.shape_cast %swap3A_618 : vector<1x16xf32> to vector<16xf32>
        %swap3A_620 = vector.shape_cast %add3A_615 : vector<16xf32> to vector<1x16xf32>
        tpu.vector_store %arg8[%swap3A_616, %swap3A_617], %swap3A_620 {strides = array<i32>} : memref<400x64xf32, #tpu.memory_space<vmem>>, vector<1x16xf32>,
        %add3A_621 = arith.constant 200 : i32
        %add3A_622 = arith.addi %scan3A_580, %add3A_621 : i32
        %get3A_623 = arith.index_cast %add3A_622 : i32 to index
        %get3A_624 = arith.constant 16 : index
        %get3A_625 = tpu.vector_load %arg8[%get3A_623, %get3A_624] {strides = array<i32>} : memref<400x64xf32, #tpu.memory_space<vmem>>, vector<1x16xf32>,
        %get3A_626 = vector.shape_cast %get3A_625 : vector<1x16xf32> to vector<16xf32>
        %add3A_627 = arith.addf %get3A_626, %get3A_610 : vector<16xf32>
        %add3A_628 = arith.constant 200 : i32
        %add3A_629 = arith.addi %scan3A_580, %add3A_628 : i32
        %swap3A_630 = arith.index_cast %add3A_629 : i32 to index
        %swap3A_631 = arith.constant 16 : index
        %swap3A_632 = tpu.vector_load %arg8[%swap3A_630, %swap3A_631] {strides = array<i32>} : memref<400x64xf32, #tpu.memory_space<vmem>>, vector<1x16xf32>,
        %swap3A_633 = vector.shape_cast %swap3A_632 : vector<1x16xf32> to vector<16xf32>
        %swap3A_634 = vector.shape_cast %add3A_627 : vector<16xf32> to vector<1x16xf32>
        tpu.vector_store %arg8[%swap3A_630, %swap3A_631], %swap3A_634 {strides = array<i32>} : memref<400x64xf32, #tpu.memory_space<vmem>>, vector<1x16xf32>,
        %get3A_635 = arith.index_cast %scan3A_580 : i32 to index
        %get3A_636 = arith.constant 32 : index
        %get3A_637 = tpu.vector_load %arg7[%get3A_635, %get3A_636] {strides = array<i32>} : memref<200x64xf32, #tpu.memory_space<vmem>>, vector<1x16xf32>,
        %get3A_638 = vector.shape_cast %get3A_637 : vector<1x16xf32> to vector<16xf32>
        %get3A_639 = arith.index_cast %scan3A_580 : i32 to index
        %get3A_640 = arith.constant 32 : index
        %get3A_641 = tpu.vector_load %arg8[%get3A_639, %get3A_640] {strides = array<i32>} : memref<400x64xf32, #tpu.memory_space<vmem>>, vector<1x16xf32>,
        %get3A_642 = vector.shape_cast %get3A_641 : vector<1x16xf32> to vector<16xf32>
        %add3A_643 = arith.addf %get3A_642, %get3A_638 : vector<16xf32>
        %swap3A_644 = arith.index_cast %scan3A_580 : i32 to index
        %swap3A_645 = arith.constant 32 : index
        %swap3A_646 = tpu.vector_load %arg8[%swap3A_644, %swap3A_645] {strides = array<i32>} : memref<400x64xf32, #tpu.memory_space<vmem>>, vector<1x16xf32>,
        %swap3A_647 = vector.shape_cast %swap3A_646 : vector<1x16xf32> to vector<16xf32>
        %swap3A_648 = vector.shape_cast %add3A_643 : vector<16xf32> to vector<1x16xf32>
        tpu.vector_store %arg8[%swap3A_644, %swap3A_645], %swap3A_648 {strides = array<i32>} : memref<400x64xf32, #tpu.memory_space<vmem>>, vector<1x16xf32>,
        %add3A_649 = arith.constant 200 : i32
        %add3A_650 = arith.addi %scan3A_580, %add3A_649 : i32
        %get3A_651 = arith.index_cast %add3A_650 : i32 to index
        %get3A_652 = arith.constant 32 : index
        %get3A_653 = tpu.vector_load %arg8[%get3A_651, %get3A_652] {strides = array<i32>} : memref<400x64xf32, #tpu.memory_space<vmem>>, vector<1x16xf32>,
        %get3A_654 = vector.shape_cast %get3A_653 : vector<1x16xf32> to vector<16xf32>
        %add3A_655 = arith.addf %get3A_654, %get3A_638 : vector<16xf32>
        %add3A_656 = arith.constant 200 : i32
        %add3A_657 = arith.addi %scan3A_580, %add3A_656 : i32
        %swap3A_658 = arith.index_cast %add3A_657 : i32 to index
        %swap3A_659 = arith.constant 32 : index
        %swap3A_660 = tpu.vector_load %arg8[%swap3A_658, %swap3A_659] {strides = array<i32>} : memref<400x64xf32, #tpu.memory_space<vmem>>, vector<1x16xf32>,
        %swap3A_661 = vector.shape_cast %swap3A_660 : vector<1x16xf32> to vector<16xf32>
        %swap3A_662 = vector.shape_cast %add3A_655 : vector<16xf32> to vector<1x16xf32>
        tpu.vector_store %arg8[%swap3A_658, %swap3A_659], %swap3A_662 {strides = array<i32>} : memref<400x64xf32, #tpu.memory_space<vmem>>, vector<1x16xf32>,
        %get3A_663 = arith.index_cast %scan3A_580 : i32 to index
        %get3A_664 = arith.constant 48 : index
        %get3A_665 = tpu.vector_load %arg7[%get3A_663, %get3A_664] {strides = array<i32>} : memref<200x64xf32, #tpu.memory_space<vmem>>, vector<1x16xf32>,
        %get3A_666 = vector.shape_cast %get3A_665 : vector<1x16xf32> to vector<16xf32>
        %get3A_667 = arith.index_cast %scan3A_580 : i32 to index
        %get3A_668 = arith.constant 48 : index
        %get3A_669 = tpu.vector_load %arg8[%get3A_667, %get3A_668] {strides = array<i32>} : memref<400x64xf32, #tpu.memory_space<vmem>>, vector<1x16xf32>,
        %get3A_670 = vector.shape_cast %get3A_669 : vector<1x16xf32> to vector<16xf32>
        %add3A_671 = arith.addf %get3A_670, %get3A_666 : vector<16xf32>
        %swap3A_672 = arith.index_cast %scan3A_580 : i32 to index
        %swap3A_673 = arith.constant 48 : index
        %swap3A_674 = tpu.vector_load %arg8[%swap3A_672, %swap3A_673] {strides = array<i32>} : memref<400x64xf32, #tpu.memory_space<vmem>>, vector<1x16xf32>,
        %swap3A_675 = vector.shape_cast %swap3A_674 : vector<1x16xf32> to vector<16xf32>
        %swap3A_676 = vector.shape_cast %add3A_671 : vector<16xf32> to vector<1x16xf32>
        tpu.vector_store %arg8[%swap3A_672, %swap3A_673], %swap3A_676 {strides = array<i32>} : memref<400x64xf32, #tpu.memory_space<vmem>>, vector<1x16xf32>,
        %add3A_677 = arith.constant 200 : i32
        %add3A_678 = arith.addi %scan3A_580, %add3A_677 : i32
        %get3A_679 = arith.index_cast %add3A_678 : i32 to index
        %get3A_680 = arith.constant 48 : index
        %get3A_681 = tpu.vector_load %arg8[%get3A_679, %get3A_680] {strides = array<i32>} : memref<400x64xf32, #tpu.memory_space<vmem>>, vector<1x16xf32>,
        %get3A_682 = vector.shape_cast %get3A_681 : vector<1x16xf32> to vector<16xf32>
        %add3A_683 = arith.addf %get3A_682, %get3A_666 : vector<16xf32>
        %add3A_684 = arith.constant 200 : i32
        %add3A_685 = arith.addi %scan3A_580, %add3A_684 : i32
        %swap3A_686 = arith.index_cast %add3A_685 : i32 to index
        %swap3A_687 = arith.constant 48 : index
        %swap3A_688 = tpu.vector_load %arg8[%swap3A_686, %swap3A_687] {strides = array<i32>} : memref<400x64xf32, #tpu.memory_space<vmem>>, vector<1x16xf32>,
        %swap3A_689 = vector.shape_cast %swap3A_688 : vector<1x16xf32> to vector<16xf32>
        %swap3A_690 = vector.shape_cast %add3A_683 : vector<16xf32> to vector<1x16xf32>
        tpu.vector_store %arg8[%swap3A_686, %swap3A_687], %swap3A_690 {strides = array<i32>} : memref<400x64xf32, #tpu.memory_space<vmem>>, vector<1x16xf32>,
        %scan3A_691 = arith.constant 1 : i32
        %scan3A_692 = arith.addi %scan3A_580, %scan3A_691 : i32
        %get3A_693 = arith.index_cast %scan3A_692 : i32 to index
        %get3A_694 = arith.constant 0 : index
        %get3A_695 = tpu.vector_load %arg7[%get3A_693, %get3A_694] {strides = array<i32>} : memref<200x64xf32, #tpu.memory_space<vmem>>, vector<1x16xf32>,
        %get3A_696 = vector.shape_cast %get3A_695 : vector<1x16xf32> to vector<16xf32>
        %get3A_697 = arith.index_cast %scan3A_692 : i32 to index
        %get3A_698 = arith.constant 0 : index
        %get3A_699 = tpu.vector_load %arg8[%get3A_697, %get3A_698] {strides = array<i32>} : memref<400x64xf32, #tpu.memory_space<vmem>>, vector<1x16xf32>,
        %get3A_700 = vector.shape_cast %get3A_699 : vector<1x16xf32> to vector<16xf32>
        %add3A_701 = arith.addf %get3A_700, %get3A_696 : vector<16xf32>
        %swap3A_702 = arith.index_cast %scan3A_692 : i32 to index
        %swap3A_703 = arith.constant 0 : index
        %swap3A_704 = tpu.vector_load %arg8[%swap3A_702, %swap3A_703] {strides = array<i32>} : memref<400x64xf32, #tpu.memory_space<vmem>>, vector<1x16xf32>,
        %swap3A_705 = vector.shape_cast %swap3A_704 : vector<1x16xf32> to vector<16xf32>
        %swap3A_706 = vector.shape_cast %add3A_701 : vector<16xf32> to vector<1x16xf32>
        tpu.vector_store %arg8[%swap3A_702, %swap3A_703], %swap3A_706 {strides = array<i32>} : memref<400x64xf32, #tpu.memory_space<vmem>>, vector<1x16xf32>,
        %add3A_707 = arith.constant 200 : i32
        %add3A_708 = arith.addi %scan3A_692, %add3A_707 : i32
        %get3A_709 = arith.index_cast %add3A_708 : i32 to index
        %get3A_710 = arith.constant 0 : index
        %get3A_711 = tpu.vector_load %arg8[%get3A_709, %get3A_710] {strides = array<i32>} : memref<400x64xf32, #tpu.memory_space<vmem>>, vector<1x16xf32>,
        %get3A_712 = vector.shape_cast %get3A_711 : vector<1x16xf32> to vector<16xf32>
        %add3A_713 = arith.addf %get3A_712, %get3A_696 : vector<16xf32>
        %add3A_714 = arith.constant 200 : i32
        %add3A_715 = arith.addi %scan3A_692, %add3A_714 : i32
        %swap3A_716 = arith.index_cast %add3A_715 : i32 to index
        %swap3A_717 = arith.constant 0 : index
        %swap3A_718 = tpu.vector_load %arg8[%swap3A_716, %swap3A_717] {strides = array<i32>} : memref<400x64xf32, #tpu.memory_space<vmem>>, vector<1x16xf32>,
        %swap3A_719 = vector.shape_cast %swap3A_718 : vector<1x16xf32> to vector<16xf32>
        %swap3A_720 = vector.shape_cast %add3A_713 : vector<16xf32> to vector<1x16xf32>
        tpu.vector_store %arg8[%swap3A_716, %swap3A_717], %swap3A_720 {strides = array<i32>} : memref<400x64xf32, #tpu.memory_space<vmem>>, vector<1x16xf32>,
        %get3A_721 = arith.index_cast %scan3A_692 : i32 to index
        %get3A_722 = arith.constant 16 : index
        %get3A_723 = tpu.vector_load %arg7[%get3A_721, %get3A_722] {strides = array<i32>} : memref<200x64xf32, #tpu.memory_space<vmem>>, vector<1x16xf32>,
        %get3A_724 = vector.shape_cast %get3A_723 : vector<1x16xf32> to vector<16xf32>
        %get3A_725 = arith.index_cast %scan3A_692 : i32 to index
        %get3A_726 = arith.constant 16 : index
        %get3A_727 = tpu.vector_load %arg8[%get3A_725, %get3A_726] {strides = array<i32>} : memref<400x64xf32, #tpu.memory_space<vmem>>, vector<1x16xf32>,
        %get3A_728 = vector.shape_cast %get3A_727 : vector<1x16xf32> to vector<16xf32>
        %add3A_729 = arith.addf %get3A_728, %get3A_724 : vector<16xf32>
        %swap3A_730 = arith.index_cast %scan3A_692 : i32 to index
        %swap3A_731 = arith.constant 16 : index
        %swap3A_732 = tpu.vector_load %arg8[%swap3A_730, %swap3A_731] {strides = array<i32>} : memref<400x64xf32, #tpu.memory_space<vmem>>, vector<1x16xf32>,
        %swap3A_733 = vector.shape_cast %swap3A_732 : vector<1x16xf32> to vector<16xf32>
        %swap3A_734 = vector.shape_cast %add3A_729 : vector<16xf32> to vector<1x16xf32>
        tpu.vector_store %arg8[%swap3A_730, %swap3A_731], %swap3A_734 {strides = array<i32>} : memref<400x64xf32, #tpu.memory_space<vmem>>, vector<1x16xf32>,
        %add3A_735 = arith.constant 200 : i32
        %add3A_736 = arith.addi %scan3A_692, %add3A_735 : i32
        %get3A_737 = arith.index_cast %add3A_736 : i32 to index
        %get3A_738 = arith.constant 16 : index
        %get3A_739 = tpu.vector_load %arg8[%get3A_737, %get3A_738] {strides = array<i32>} : memref<400x64xf32, #tpu.memory_space<vmem>>, vector<1x16xf32>,
        %get3A_740 = vector.shape_cast %get3A_739 : vector<1x16xf32> to vector<16xf32>
        %add3A_741 = arith.addf %get3A_740, %get3A_724 : vector<16xf32>
        %add3A_742 = arith.constant 200 : i32
        %add3A_743 = arith.addi %scan3A_692, %add3A_742 : i32
        %swap3A_744 = arith.index_cast %add3A_743 : i32 to index
        %swap3A_745 = arith.constant 16 : index
        %swap3A_746 = tpu.vector_load %arg8[%swap3A_744, %swap3A_745] {strides = array<i32>} : memref<400x64xf32, #tpu.memory_space<vmem>>, vector<1x16xf32>,
        %swap3A_747 = vector.shape_cast %swap3A_746 : vector<1x16xf32> to vector<16xf32>
        %swap3A_748 = vector.shape_cast %add3A_741 : vector<16xf32> to vector<1x16xf32>
        tpu.vector_store %arg8[%swap3A_744, %swap3A_745], %swap3A_748 {strides = array<i32>} : memref<400x64xf32, #tpu.memory_space<vmem>>, vector<1x16xf32>,
        %get3A_749 = arith.index_cast %scan3A_692 : i32 to index
        %get3A_750 = arith.constant 32 : index
        %get3A_751 = tpu.vector_load %arg7[%get3A_749, %get3A_750] {strides = array<i32>} : memref<200x64xf32, #tpu.memory_space<vmem>>, vector<1x16xf32>,
        %get3A_752 = vector.shape_cast %get3A_751 : vector<1x16xf32> to vector<16xf32>
        %get3A_753 = arith.index_cast %scan3A_692 : i32 to index
        %get3A_754 = arith.constant 32 : index
        %get3A_755 = tpu.vector_load %arg8[%get3A_753, %get3A_754] {strides = array<i32>} : memref<400x64xf32, #tpu.memory_space<vmem>>, vector<1x16xf32>,
        %get3A_756 = vector.shape_cast %get3A_755 : vector<1x16xf32> to vector<16xf32>
        %add3A_757 = arith.addf %get3A_756, %get3A_752 : vector<16xf32>
        %swap3A_758 = arith.index_cast %scan3A_692 : i32 to index
        %swap3A_759 = arith.constant 32 : index
        %swap3A_760 = tpu.vector_load %arg8[%swap3A_758, %swap3A_759] {strides = array<i32>} : memref<400x64xf32, #tpu.memory_space<vmem>>, vector<1x16xf32>,
        %swap3A_761 = vector.shape_cast %swap3A_760 : vector<1x16xf32> to vector<16xf32>
        %swap3A_762 = vector.shape_cast %add3A_757 : vector<16xf32> to vector<1x16xf32>
        tpu.vector_store %arg8[%swap3A_758, %swap3A_759], %swap3A_762 {strides = array<i32>} : memref<400x64xf32, #tpu.memory_space<vmem>>, vector<1x16xf32>,
        %add3A_763 = arith.constant 200 : i32
        %add3A_764 = arith.addi %scan3A_692, %add3A_763 : i32
        %get3A_765 = arith.index_cast %add3A_764 : i32 to index
        %get3A_766 = arith.constant 32 : index
        %get3A_767 = tpu.vector_load %arg8[%get3A_765, %get3A_766] {strides = array<i32>} : memref<400x64xf32, #tpu.memory_space<vmem>>, vector<1x16xf32>,
        %get3A_768 = vector.shape_cast %get3A_767 : vector<1x16xf32> to vector<16xf32>
        %add3A_769 = arith.addf %get3A_768, %get3A_752 : vector<16xf32>
        %add3A_770 = arith.constant 200 : i32
        %add3A_771 = arith.addi %scan3A_692, %add3A_770 : i32
        %swap3A_772 = arith.index_cast %add3A_771 : i32 to index
        %swap3A_773 = arith.constant 32 : index
        %swap3A_774 = tpu.vector_load %arg8[%swap3A_772, %swap3A_773] {strides = array<i32>} : memref<400x64xf32, #tpu.memory_space<vmem>>, vector<1x16xf32>,
        %swap3A_775 = vector.shape_cast %swap3A_774 : vector<1x16xf32> to vector<16xf32>
        %swap3A_776 = vector.shape_cast %add3A_769 : vector<16xf32> to vector<1x16xf32>
        tpu.vector_store %arg8[%swap3A_772, %swap3A_773], %swap3A_776 {strides = array<i32>} : memref<400x64xf32, #tpu.memory_space<vmem>>, vector<1x16xf32>,
        %get3A_777 = arith.index_cast %scan3A_692 : i32 to index
        %get3A_778 = arith.constant 48 : index
        %get3A_779 = tpu.vector_load %arg7[%get3A_777, %get3A_778] {strides = array<i32>} : memref<200x64xf32, #tpu.memory_space<vmem>>, vector<1x16xf32>,
        %get3A_780 = vector.shape_cast %get3A_779 : vector<1x16xf32> to vector<16xf32>
        %get3A_781 = arith.index_cast %scan3A_692 : i32 to index
        %get3A_782 = arith.constant 48 : index
        %get3A_783 = tpu.vector_load %arg8[%get3A_781, %get3A_782] {strides = array<i32>} : memref<400x64xf32, #tpu.memory_space<vmem>>, vector<1x16xf32>,
        %get3A_784 = vector.shape_cast %get3A_783 : vector<1x16xf32> to vector<16xf32>
        %add3A_785 = arith.addf %get3A_784, %get3A_780 : vector<16xf32>
        %swap3A_786 = arith.index_cast %scan3A_692 : i32 to index
        %swap3A_787 = arith.constant 48 : index
        %swap3A_788 = tpu.vector_load %arg8[%swap3A_786, %swap3A_787] {strides = array<i32>} : memref<400x64xf32, #tpu.memory_space<vmem>>, vector<1x16xf32>,
        %swap3A_789 = vector.shape_cast %swap3A_788 : vector<1x16xf32> to vector<16xf32>
        %swap3A_790 = vector.shape_cast %add3A_785 : vector<16xf32> to vector<1x16xf32>
        tpu.vector_store %arg8[%swap3A_786, %swap3A_787], %swap3A_790 {strides = array<i32>} : memref<400x64xf32, #tpu.memory_space<vmem>>, vector<1x16xf32>,
        %add3A_791 = arith.constant 200 : i32
        %add3A_792 = arith.addi %scan3A_692, %add3A_791 : i32
        %get3A_793 = arith.index_cast %add3A_792 : i32 to index
        %get3A_794 = arith.constant 48 : index
        %get3A_795 = tpu.vector_load %arg8[%get3A_793, %get3A_794] {strides = array<i32>} : memref<400x64xf32, #tpu.memory_space<vmem>>, vector<1x16xf32>,
        %get3A_796 = vector.shape_cast %get3A_795 : vector<1x16xf32> to vector<16xf32>
        %add3A_797 = arith.addf %get3A_796, %get3A_780 : vector<16xf32>
        %add3A_798 = arith.constant 200 : i32
        %add3A_799 = arith.addi %scan3A_692, %add3A_798 : i32
        %swap3A_800 = arith.index_cast %add3A_799 : i32 to index
        %swap3A_801 = arith.constant 48 : index
        %swap3A_802 = tpu.vector_load %arg8[%swap3A_800, %swap3A_801] {strides = array<i32>} : memref<400x64xf32, #tpu.memory_space<vmem>>, vector<1x16xf32>,
        %swap3A_803 = vector.shape_cast %swap3A_802 : vector<1x16xf32> to vector<16xf32>
        %swap3A_804 = vector.shape_cast %add3A_797 : vector<16xf32> to vector<1x16xf32>
        tpu.vector_store %arg8[%swap3A_800, %swap3A_801], %swap3A_804 {strides = array<i32>} : memref<400x64xf32, #tpu.memory_space<vmem>>, vector<1x16xf32>,
        %scan3A_805 = arith.constant 2 : i32
        %scan3A_806 = arith.addi %scan3A_580, %scan3A_805 : i32
        %get3A_807 = arith.index_cast %scan3A_806 : i32 to index
        %get3A_808 = arith.constant 0 : index
        %get3A_809 = tpu.vector_load %arg7[%get3A_807, %get3A_808] {strides = array<i32>} : memref<200x64xf32, #tpu.memory_space<vmem>>, vector<1x16xf32>,
        %get3A_810 = vector.shape_cast %get3A_809 : vector<1x16xf32> to vector<16xf32>
        %get3A_811 = arith.index_cast %scan3A_806 : i32 to index
        %get3A_812 = arith.constant 0 : index
        %get3A_813 = tpu.vector_load %arg8[%get3A_811, %get3A_812] {strides = array<i32>} : memref<400x64xf32, #tpu.memory_space<vmem>>, vector<1x16xf32>,
        %get3A_814 = vector.shape_cast %get3A_813 : vector<1x16xf32> to vector<16xf32>
        %add3A_815 = arith.addf %get3A_814, %get3A_810 : vector<16xf32>
        %swap3A_816 = arith.index_cast %scan3A_806 : i32 to index
        %swap3A_817 = arith.constant 0 : index
        %swap3A_818 = tpu.vector_load %arg8[%swap3A_816, %swap3A_817] {strides = array<i32>} : memref<400x64xf32, #tpu.memory_space<vmem>>, vector<1x16xf32>,
        %swap3A_819 = vector.shape_cast %swap3A_818 : vector<1x16xf32> to vector<16xf32>
        %swap3A_820 = vector.shape_cast %add3A_815 : vector<16xf32> to vector<1x16xf32>
        tpu.vector_store %arg8[%swap3A_816, %swap3A_817], %swap3A_820 {strides = array<i32>} : memref<400x64xf32, #tpu.memory_space<vmem>>, vector<1x16xf32>,
        %add3A_821 = arith.constant 200 : i32
        %add3A_822 = arith.addi %scan3A_806, %add3A_821 : i32
        %get3A_823 = arith.index_cast %add3A_822 : i32 to index
        %get3A_824 = arith.constant 0 : index
        %get3A_825 = tpu.vector_load %arg8[%get3A_823, %get3A_824] {strides = array<i32>} : memref<400x64xf32, #tpu.memory_space<vmem>>, vector<1x16xf32>,
        %get3A_826 = vector.shape_cast %get3A_825 : vector<1x16xf32> to vector<16xf32>
        %add3A_827 = arith.addf %get3A_826, %get3A_810 : vector<16xf32>
        %add3A_828 = arith.constant 200 : i32
        %add3A_829 = arith.addi %scan3A_806, %add3A_828 : i32
        %swap3A_830 = arith.index_cast %add3A_829 : i32 to index
        %swap3A_831 = arith.constant 0 : index
        %swap3A_832 = tpu.vector_load %arg8[%swap3A_830, %swap3A_831] {strides = array<i32>} : memref<400x64xf32, #tpu.memory_space<vmem>>, vector<1x16xf32>,
        %swap3A_833 = vector.shape_cast %swap3A_832 : vector<1x16xf32> to vector<16xf32>
        %swap3A_834 = vector.shape_cast %add3A_827 : vector<16xf32> to vector<1x16xf32>
        tpu.vector_store %arg8[%swap3A_830, %swap3A_831], %swap3A_834 {strides = array<i32>} : memref<400x64xf32, #tpu.memory_space<vmem>>, vector<1x16xf32>,
        %get3A_835 = arith.index_cast %scan3A_806 : i32 to index
        %get3A_836 = arith.constant 16 : index
        %get3A_837 = tpu.vector_load %arg7[%get3A_835, %get3A_836] {strides = array<i32>} : memref<200x64xf32, #tpu.memory_space<vmem>>, vector<1x16xf32>,
        %get3A_838 = vector.shape_cast %get3A_837 : vector<1x16xf32> to vector<16xf32>
        %get3A_839 = arith.index_cast %scan3A_806 : i32 to index
        %get3A_840 = arith.constant 16 : index
        %get3A_841 = tpu.vector_load %arg8[%get3A_839, %get3A_840] {strides = array<i32>} : memref<400x64xf32, #tpu.memory_space<vmem>>, vector<1x16xf32>,
        %get3A_842 = vector.shape_cast %get3A_841 : vector<1x16xf32> to vector<16xf32>
        %add3A_843 = arith.addf %get3A_842, %get3A_838 : vector<16xf32>
        %swap3A_844 = arith.index_cast %scan3A_806 : i32 to index
        %swap3A_845 = arith.constant 16 : index
        %swap3A_846 = tpu.vector_load %arg8[%swap3A_844, %swap3A_845] {strides = array<i32>} : memref<400x64xf32, #tpu.memory_space<vmem>>, vector<1x16xf32>,
        %swap3A_847 = vector.shape_cast %swap3A_846 : vector<1x16xf32> to vector<16xf32>
        %swap3A_848 = vector.shape_cast %add3A_843 : vector<16xf32> to vector<1x16xf32>
        tpu.vector_store %arg8[%swap3A_844, %swap3A_845], %swap3A_848 {strides = array<i32>} : memref<400x64xf32, #tpu.memory_space<vmem>>, vector<1x16xf32>,
        %add3A_849 = arith.constant 200 : i32
        %add3A_850 = arith.addi %scan3A_806, %add3A_849 : i32
        %get3A_851 = arith.index_cast %add3A_850 : i32 to index
        %get3A_852 = arith.constant 16 : index
        %get3A_853 = tpu.vector_load %arg8[%get3A_851, %get3A_852] {strides = array<i32>} : memref<400x64xf32, #tpu.memory_space<vmem>>, vector<1x16xf32>,
        %get3A_854 = vector.shape_cast %get3A_853 : vector<1x16xf32> to vector<16xf32>
        %add3A_855 = arith.addf %get3A_854, %get3A_838 : vector<16xf32>
        %add3A_856 = arith.constant 200 : i32
        %add3A_857 = arith.addi %scan3A_806, %add3A_856 : i32
        %swap3A_858 = arith.index_cast %add3A_857 : i32 to index
        %swap3A_859 = arith.constant 16 : index
        %swap3A_860 = tpu.vector_load %arg8[%swap3A_858, %swap3A_859] {strides = array<i32>} : memref<400x64xf32, #tpu.memory_space<vmem>>, vector<1x16xf32>,
        %swap3A_861 = vector.shape_cast %swap3A_860 : vector<1x16xf32> to vector<16xf32>
        %swap3A_862 = vector.shape_cast %add3A_855 : vector<16xf32> to vector<1x16xf32>
        tpu.vector_store %arg8[%swap3A_858, %swap3A_859], %swap3A_862 {strides = array<i32>} : memref<400x64xf32, #tpu.memory_space<vmem>>, vector<1x16xf32>,
        %get3A_863 = arith.index_cast %scan3A_806 : i32 to index
        %get3A_864 = arith.constant 32 : index
        %get3A_865 = tpu.vector_load %arg7[%get3A_863, %get3A_864] {strides = array<i32>} : memref<200x64xf32, #tpu.memory_space<vmem>>, vector<1x16xf32>,
        %get3A_866 = vector.shape_cast %get3A_865 : vector<1x16xf32> to vector<16xf32>
        %get3A_867 = arith.index_cast %scan3A_806 : i32 to index
        %get3A_868 = arith.constant 32 : index
        %get3A_869 = tpu.vector_load %arg8[%get3A_867, %get3A_868] {strides = array<i32>} : memref<400x64xf32, #tpu.memory_space<vmem>>, vector<1x16xf32>,
        %get3A_870 = vector.shape_cast %get3A_869 : vector<1x16xf32> to vector<16xf32>
        %add3A_871 = arith.addf %get3A_870, %get3A_866 : vector<16xf32>
        %swap3A_872 = arith.index_cast %scan3A_806 : i32 to index
        %swap3A_873 = arith.constant 32 : index
        %swap3A_874 = tpu.vector_load %arg8[%swap3A_872, %swap3A_873] {strides = array<i32>} : memref<400x64xf32, #tpu.memory_space<vmem>>, vector<1x16xf32>,
        %swap3A_875 = vector.shape_cast %swap3A_874 : vector<1x16xf32> to vector<16xf32>
        %swap3A_876 = vector.shape_cast %add3A_871 : vector<16xf32> to vector<1x16xf32>
        tpu.vector_store %arg8[%swap3A_872, %swap3A_873], %swap3A_876 {strides = array<i32>} : memref<400x64xf32, #tpu.memory_space<vmem>>, vector<1x16xf32>,
        %add3A_877 = arith.constant 200 : i32
        %add3A_878 = arith.addi %scan3A_806, %add3A_877 : i32
        %get3A_879 = arith.index_cast %add3A_878 : i32 to index
        %get3A_880 = arith.constant 32 : index
        %get3A_881 = tpu.vector_load %arg8[%get3A_879, %get3A_880] {strides = array<i32>} : memref<400x64xf32, #tpu.memory_space<vmem>>, vector<1x16xf32>,
        %get3A_882 = vector.shape_cast %get3A_881 : vector<1x16xf32> to vector<16xf32>
        %add3A_883 = arith.addf %get3A_882, %get3A_866 : vector<16xf32>
        %add3A_884 = arith.constant 200 : i32
        %add3A_885 = arith.addi %scan3A_806, %add3A_884 : i32
        %swap3A_886 = arith.index_cast %add3A_885 : i32 to index
        %swap3A_887 = arith.constant 32 : index
        %swap3A_888 = tpu.vector_load %arg8[%swap3A_886, %swap3A_887] {strides = array<i32>} : memref<400x64xf32, #tpu.memory_space<vmem>>, vector<1x16xf32>,
        %swap3A_889 = vector.shape_cast %swap3A_888 : vector<1x16xf32> to vector<16xf32>
        %swap3A_890 = vector.shape_cast %add3A_883 : vector<16xf32> to vector<1x16xf32>
        tpu.vector_store %arg8[%swap3A_886, %swap3A_887], %swap3A_890 {strides = array<i32>} : memref<400x64xf32, #tpu.memory_space<vmem>>, vector<1x16xf32>,
        %get3A_891 = arith.index_cast %scan3A_806 : i32 to index
        %get3A_892 = arith.constant 48 : index
        %get3A_893 = tpu.vector_load %arg7[%get3A_891, %get3A_892] {strides = array<i32>} : memref<200x64xf32, #tpu.memory_space<vmem>>, vector<1x16xf32>,
        %get3A_894 = vector.shape_cast %get3A_893 : vector<1x16xf32> to vector<16xf32>
        %get3A_895 = arith.index_cast %scan3A_806 : i32 to index
        %get3A_896 = arith.constant 48 : index
        %get3A_897 = tpu.vector_load %arg8[%get3A_895, %get3A_896] {strides = array<i32>} : memref<400x64xf32, #tpu.memory_space<vmem>>, vector<1x16xf32>,
        %get3A_898 = vector.shape_cast %get3A_897 : vector<1x16xf32> to vector<16xf32>
        %add3A_899 = arith.addf %get3A_898, %get3A_894 : vector<16xf32>
        %swap3A_900 = arith.index_cast %scan3A_806 : i32 to index
        %swap3A_901 = arith.constant 48 : index
        %swap3A_902 = tpu.vector_load %arg8[%swap3A_900, %swap3A_901] {strides = array<i32>} : memref<400x64xf32, #tpu.memory_space<vmem>>, vector<1x16xf32>,
        %swap3A_903 = vector.shape_cast %swap3A_902 : vector<1x16xf32> to vector<16xf32>
        %swap3A_904 = vector.shape_cast %add3A_899 : vector<16xf32> to vector<1x16xf32>
        tpu.vector_store %arg8[%swap3A_900, %swap3A_901], %swap3A_904 {strides = array<i32>} : memref<400x64xf32, #tpu.memory_space<vmem>>, vector<1x16xf32>,
        %add3A_905 = arith.constant 200 : i32
        %add3A_906 = arith.addi %scan3A_806, %add3A_905 : i32
        %get3A_907 = arith.index_cast %add3A_906 : i32 to index
        %get3A_908 = arith.constant 48 : index
        %get3A_909 = tpu.vector_load %arg8[%get3A_907, %get3A_908] {strides = array<i32>} : memref<400x64xf32, #tpu.memory_space<vmem>>, vector<1x16xf32>,
        %get3A_910 = vector.shape_cast %get3A_909 : vector<1x16xf32> to vector<16xf32>
        %add3A_911 = arith.addf %get3A_910, %get3A_894 : vector<16xf32>
        %add3A_912 = arith.constant 200 : i32
        %add3A_913 = arith.addi %scan3A_806, %add3A_912 : i32
        %swap3A_914 = arith.index_cast %add3A_913 : i32 to index
        %swap3A_915 = arith.constant 48 : index
        %swap3A_916 = tpu.vector_load %arg8[%swap3A_914, %swap3A_915] {strides = array<i32>} : memref<400x64xf32, #tpu.memory_space<vmem>>, vector<1x16xf32>,
        %swap3A_917 = vector.shape_cast %swap3A_916 : vector<1x16xf32> to vector<16xf32>
        %swap3A_918 = vector.shape_cast %add3A_911 : vector<16xf32> to vector<1x16xf32>
        tpu.vector_store %arg8[%swap3A_914, %swap3A_915], %swap3A_918 {strides = array<i32>} : memref<400x64xf32, #tpu.memory_space<vmem>>, vector<1x16xf32>,
        %scan3A_919 = arith.constant 3 : i32
        %scan3A_920 = arith.addi %scan3A_580, %scan3A_919 : i32
        %get3A_921 = arith.index_cast %scan3A_920 : i32 to index
        %get3A_922 = arith.constant 0 : index
        %get3A_923 = tpu.vector_load %arg7[%get3A_921, %get3A_922] {strides = array<i32>} : memref<200x64xf32, #tpu.memory_space<vmem>>, vector<1x16xf32>,
        %get3A_924 = vector.shape_cast %get3A_923 : vector<1x16xf32> to vector<16xf32>
        %get3A_925 = arith.index_cast %scan3A_920 : i32 to index
        %get3A_926 = arith.constant 0 : index
        %get3A_927 = tpu.vector_load %arg8[%get3A_925, %get3A_926] {strides = array<i32>} : memref<400x64xf32, #tpu.memory_space<vmem>>, vector<1x16xf32>,
        %get3A_928 = vector.shape_cast %get3A_927 : vector<1x16xf32> to vector<16xf32>
        %add3A_929 = arith.addf %get3A_928, %get3A_924 : vector<16xf32>
        %swap3A_930 = arith.index_cast %scan3A_920 : i32 to index
        %swap3A_931 = arith.constant 0 : index
        %swap3A_932 = tpu.vector_load %arg8[%swap3A_930, %swap3A_931] {strides = array<i32>} : memref<400x64xf32, #tpu.memory_space<vmem>>, vector<1x16xf32>,
        %swap3A_933 = vector.shape_cast %swap3A_932 : vector<1x16xf32> to vector<16xf32>
        %swap3A_934 = vector.shape_cast %add3A_929 : vector<16xf32> to vector<1x16xf32>
        tpu.vector_store %arg8[%swap3A_930, %swap3A_931], %swap3A_934 {strides = array<i32>} : memref<400x64xf32, #tpu.memory_space<vmem>>, vector<1x16xf32>,
        %add3A_935 = arith.constant 200 : i32
        %add3A_936 = arith.addi %scan3A_920, %add3A_935 : i32
        %get3A_937 = arith.index_cast %add3A_936 : i32 to index
        %get3A_938 = arith.constant 0 : index
        %get3A_939 = tpu.vector_load %arg8[%get3A_937, %get3A_938] {strides = array<i32>} : memref<400x64xf32, #tpu.memory_space<vmem>>, vector<1x16xf32>,
        %get3A_940 = vector.shape_cast %get3A_939 : vector<1x16xf32> to vector<16xf32>
        %add3A_941 = arith.addf %get3A_940, %get3A_924 : vector<16xf32>
        %add3A_942 = arith.constant 200 : i32
        %add3A_943 = arith.addi %scan3A_920, %add3A_942 : i32
        %swap3A_944 = arith.index_cast %add3A_943 : i32 to index
        %swap3A_945 = arith.constant 0 : index
        %swap3A_946 = tpu.vector_load %arg8[%swap3A_944, %swap3A_945] {strides = array<i32>} : memref<400x64xf32, #tpu.memory_space<vmem>>, vector<1x16xf32>,
        %swap3A_947 = vector.shape_cast %swap3A_946 : vector<1x16xf32> to vector<16xf32>
        %swap3A_948 = vector.shape_cast %add3A_941 : vector<16xf32> to vector<1x16xf32>
        tpu.vector_store %arg8[%swap3A_944, %swap3A_945], %swap3A_948 {strides = array<i32>} : memref<400x64xf32, #tpu.memory_space<vmem>>, vector<1x16xf32>,
        %get3A_949 = arith.index_cast %scan3A_920 : i32 to index
        %get3A_950 = arith.constant 16 : index
        %get3A_951 = tpu.vector_load %arg7[%get3A_949, %get3A_950] {strides = array<i32>} : memref<200x64xf32, #tpu.memory_space<vmem>>, vector<1x16xf32>,
        %get3A_952 = vector.shape_cast %get3A_951 : vector<1x16xf32> to vector<16xf32>
        %get3A_953 = arith.index_cast %scan3A_920 : i32 to index
        %get3A_954 = arith.constant 16 : index
        %get3A_955 = tpu.vector_load %arg8[%get3A_953, %get3A_954] {strides = array<i32>} : memref<400x64xf32, #tpu.memory_space<vmem>>, vector<1x16xf32>,
        %get3A_956 = vector.shape_cast %get3A_955 : vector<1x16xf32> to vector<16xf32>
        %add3A_957 = arith.addf %get3A_956, %get3A_952 : vector<16xf32>
        %swap3A_958 = arith.index_cast %scan3A_920 : i32 to index
        %swap3A_959 = arith.constant 16 : index
        %swap3A_960 = tpu.vector_load %arg8[%swap3A_958, %swap3A_959] {strides = array<i32>} : memref<400x64xf32, #tpu.memory_space<vmem>>, vector<1x16xf32>,
        %swap3A_961 = vector.shape_cast %swap3A_960 : vector<1x16xf32> to vector<16xf32>
        %swap3A_962 = vector.shape_cast %add3A_957 : vector<16xf32> to vector<1x16xf32>
        tpu.vector_store %arg8[%swap3A_958, %swap3A_959], %swap3A_962 {strides = array<i32>} : memref<400x64xf32, #tpu.memory_space<vmem>>, vector<1x16xf32>,
        %add3A_963 = arith.constant 200 : i32
        %add3A_964 = arith.addi %scan3A_920, %add3A_963 : i32
        %get3A_965 = arith.index_cast %add3A_964 : i32 to index
        %get3A_966 = arith.constant 16 : index
        %get3A_967 = tpu.vector_load %arg8[%get3A_965, %get3A_966] {strides = array<i32>} : memref<400x64xf32, #tpu.memory_space<vmem>>, vector<1x16xf32>,
        %get3A_968 = vector.shape_cast %get3A_967 : vector<1x16xf32> to vector<16xf32>
        %add3A_969 = arith.addf %get3A_968, %get3A_952 : vector<16xf32>
        %add3A_970 = arith.constant 200 : i32
        %add3A_971 = arith.addi %scan3A_920, %add3A_970 : i32
        %swap3A_972 = arith.index_cast %add3A_971 : i32 to index
        %swap3A_973 = arith.constant 16 : index
        %swap3A_974 = tpu.vector_load %arg8[%swap3A_972, %swap3A_973] {strides = array<i32>} : memref<400x64xf32, #tpu.memory_space<vmem>>, vector<1x16xf32>,
        %swap3A_975 = vector.shape_cast %swap3A_974 : vector<1x16xf32> to vector<16xf32>
        %swap3A_976 = vector.shape_cast %add3A_969 : vector<16xf32> to vector<1x16xf32>
        tpu.vector_store %arg8[%swap3A_972, %swap3A_973], %swap3A_976 {strides = array<i32>} : memref<400x64xf32, #tpu.memory_space<vmem>>, vector<1x16xf32>,
        %get3A_977 = arith.index_cast %scan3A_920 : i32 to index
        %get3A_978 = arith.constant 32 : index
        %get3A_979 = tpu.vector_load %arg7[%get3A_977, %get3A_978] {strides = array<i32>} : memref<200x64xf32, #tpu.memory_space<vmem>>, vector<1x16xf32>,
        %get3A_980 = vector.shape_cast %get3A_979 : vector<1x16xf32> to vector<16xf32>
        %get3A_981 = arith.index_cast %scan3A_920 : i32 to index
        %get3A_982 = arith.constant 32 : index
        %get3A_983 = tpu.vector_load %arg8[%get3A_981, %get3A_982] {strides = array<i32>} : memref<400x64xf32, #tpu.memory_space<vmem>>, vector<1x16xf32>,
        %get3A_984 = vector.shape_cast %get3A_983 : vector<1x16xf32> to vector<16xf32>
        %add3A_985 = arith.addf %get3A_984, %get3A_980 : vector<16xf32>
        %swap3A_986 = arith.index_cast %scan3A_920 : i32 to index
        %swap3A_987 = arith.constant 32 : index
        %swap3A_988 = tpu.vector_load %arg8[%swap3A_986, %swap3A_987] {strides = array<i32>} : memref<400x64xf32, #tpu.memory_space<vmem>>, vector<1x16xf32>,
        %swap3A_989 = vector.shape_cast %swap3A_988 : vector<1x16xf32> to vector<16xf32>
        %swap3A_990 = vector.shape_cast %add3A_985 : vector<16xf32> to vector<1x16xf32>
        tpu.vector_store %arg8[%swap3A_986, %swap3A_987], %swap3A_990 {strides = array<i32>} : memref<400x64xf32, #tpu.memory_space<vmem>>, vector<1x16xf32>,
        %add3A_991 = arith.constant 200 : i32
        %add3A_992 = arith.addi %scan3A_920, %add3A_991 : i32
        %get3A_993 = arith.index_cast %add3A_992 : i32 to index
        %get3A_994 = arith.constant 32 : index
        %get3A_995 = tpu.vector_load %arg8[%get3A_993, %get3A_994] {strides = array<i32>} : memref<400x64xf32, #tpu.memory_space<vmem>>, vector<1x16xf32>,
        %get3A_996 = vector.shape_cast %get3A_995 : vector<1x16xf32> to vector<16xf32>
        %add3A_997 = arith.addf %get3A_996, %get3A_980 : vector<16xf32>
        %add3A_998 = arith.constant 200 : i32
        %add3A_999 = arith.addi %scan3A_920, %add3A_998 : i32
        %swap3A_1000 = arith.index_cast %add3A_999 : i32 to index
        %swap3A_1001 = arith.constant 32 : index
        %swap3A_1002 = tpu.vector_load %arg8[%swap3A_1000, %swap3A_1001] {strides = array<i32>} : memref<400x64xf32, #tpu.memory_space<vmem>>, vector<1x16xf32>,
        %swap3A_1003 = vector.shape_cast %swap3A_1002 : vector<1x16xf32> to vector<16xf32>
        %swap3A_1004 = vector.shape_cast %add3A_997 : vector<16xf32> to vector<1x16xf32>
        tpu.vector_store %arg8[%swap3A_1000, %swap3A_1001], %swap3A_1004 {strides = array<i32>} : memref<400x64xf32, #tpu.memory_space<vmem>>, vector<1x16xf32>,
        %get3A_1005 = arith.index_cast %scan3A_920 : i32 to index
        %get3A_1006 = arith.constant 48 : index
        %get3A_1007 = tpu.vector_load %arg7[%get3A_1005, %get3A_1006] {strides = array<i32>} : memref<200x64xf32, #tpu.memory_space<vmem>>, vector<1x16xf32>,
        %get3A_1008 = vector.shape_cast %get3A_1007 : vector<1x16xf32> to vector<16xf32>
        %get3A_1009 = arith.index_cast %scan3A_920 : i32 to index
        %get3A_1010 = arith.constant 48 : index
        %get3A_1011 = tpu.vector_load %arg8[%get3A_1009, %get3A_1010] {strides = array<i32>} : memref<400x64xf32, #tpu.memory_space<vmem>>, vector<1x16xf32>,
        %get3A_1012 = vector.shape_cast %get3A_1011 : vector<1x16xf32> to vector<16xf32>
        %add3A_1013 = arith.addf %get3A_1012, %get3A_1008 : vector<16xf32>
        %swap3A_1014 = arith.index_cast %scan3A_920 : i32 to index
        %swap3A_1015 = arith.constant 48 : index
        %swap3A_1016 = tpu.vector_load %arg8[%swap3A_1014, %swap3A_1015] {strides = array<i32>} : memref<400x64xf32, #tpu.memory_space<vmem>>, vector<1x16xf32>,
        %swap3A_1017 = vector.shape_cast %swap3A_1016 : vector<1x16xf32> to vector<16xf32>
        %swap3A_1018 = vector.shape_cast %add3A_1013 : vector<16xf32> to vector<1x16xf32>
        tpu.vector_store %arg8[%swap3A_1014, %swap3A_1015], %swap3A_1018 {strides = array<i32>} : memref<400x64xf32, #tpu.memory_space<vmem>>, vector<1x16xf32>,
        %add3A_1019 = arith.constant 200 : i32
        %add3A_1020 = arith.addi %scan3A_920, %add3A_1019 : i32
        %get3A_1021 = arith.index_cast %add3A_1020 : i32 to index
        %get3A_1022 = arith.constant 48 : index
        %get3A_1023 = tpu.vector_load %arg8[%get3A_1021, %get3A_1022] {strides = array<i32>} : memref<400x64xf32, #tpu.memory_space<vmem>>, vector<1x16xf32>,
        %get3A_1024 = vector.shape_cast %get3A_1023 : vector<1x16xf32> to vector<16xf32>
        %add3A_1025 = arith.addf %get3A_1024, %get3A_1008 : vector<16xf32>
        %add3A_1026 = arith.constant 200 : i32
        %add3A_1027 = arith.addi %scan3A_920, %add3A_1026 : i32
        %swap3A_1028 = arith.index_cast %add3A_1027 : i32 to index
        %swap3A_1029 = arith.constant 48 : index
        %swap3A_1030 = tpu.vector_load %arg8[%swap3A_1028, %swap3A_1029] {strides = array<i32>} : memref<400x64xf32, #tpu.memory_space<vmem>>, vector<1x16xf32>,
        %swap3A_1031 = vector.shape_cast %swap3A_1030 : vector<1x16xf32> to vector<16xf32>
        %swap3A_1032 = vector.shape_cast %add3A_1025 : vector<16xf32> to vector<1x16xf32>
        tpu.vector_store %arg8[%swap3A_1028, %swap3A_1029], %swap3A_1032 {strides = array<i32>} : memref<400x64xf32, #tpu.memory_space<vmem>>, vector<1x16xf32>,
      }
      %scan3A_281 = arith.constant 200 : i32
      %mul3A_282 = arith.constant 128 : i32
      %mul3A_283 = arith.muli %add3A, %mul3A_282 : i32
      %mul3A_284 = arith.constant 2 : i32
      %mul3A_285 = arith.muli %mul3A_284, %mul3A_200 : i32
      %add3A_286 = arith.addi %mul3A_283, %mul3A_285 : i32
      %add3A_287 = arith.constant 0 : i32
      %add3A_288 = arith.addi %add3A_286, %add3A_287 : i32
      %dma_start3A_289 = arith.constant 0 : i32
      %dma_start3A_290 = arith.constant 0 : i32
      %dma_start3A_291 = tpu.memref_slice %arg8[%dma_start3A_289, %dma_start3A_290] : memref<400x64xf32, #tpu.memory_space<vmem>> -> memref<200x64xf32, #tpu.memory_space<vmem>>
      %dma_start3A_292 = arith.constant 0 : i32
      %dma_start3A_293 = arith.constant 0 : i32
      %dma_start3A_294 = tpu.memref_slice %arg5[%add3A_288, %dma_start3A_292, %dma_start3A_293] : memref<4096x200x64xf32, #tpu.memory_space<hbm>> -> memref<1x200x64xf32, #tpu.memory_space<hbm>>
      %dma_start3A_295 = tpu.memref_squeeze %dma_start3A_294 : memref<1x200x64xf32, #tpu.memory_space<hbm>> -> memref<200x64xf32, #tpu.memory_space<hbm>>
      %dma_start3A_296 = arith.constant 0 : i32
      %dma_start3A_297 = arith.constant 0 : i32
      %dma_start3A_298 = tpu.memref_slice %arg5[%add3A_288, %dma_start3A_296, %dma_start3A_297] : memref<4096x200x64xf32, #tpu.memory_space<hbm>> -> memref<1x200x64xf32, #tpu.memory_space<hbm>>
      %dma_start3A_299 = tpu.memref_squeeze %dma_start3A_298 : memref<1x200x64xf32, #tpu.memory_space<hbm>> -> memref<200x64xf32, #tpu.memory_space<hbm>>
      %dma_start3A_300 = arith.constant 0 : i32
      %dma_start3A_301 = arith.constant 0 : i32
      %dma_start3A_302 = tpu.memref_slice %arg8[%dma_start3A_300, %dma_start3A_301] : memref<400x64xf32, #tpu.memory_space<vmem>> -> memref<200x64xf32, #tpu.memory_space<vmem>>
      tpu.enqueue_dma source(%dma_start3A_302 : memref<200x64xf32, #tpu.memory_space<vmem>>) target(%dma_start3A_299 : memref<200x64xf32, #tpu.memory_space<hbm>>) target_semaphore(%arg14 : memref<!tpu.dma_semaphore, #tpu.memory_space<semaphore_mem>>)
      %mul3A_303 = arith.constant 128 : i32
      %mul3A_304 = arith.muli %add3A, %mul3A_303 : i32
      %mul3A_305 = arith.constant 2 : i32
      %mul3A_306 = arith.muli %mul3A_305, %mul3A_200 : i32
      %add3A_307 = arith.addi %mul3A_304, %mul3A_306 : i32
      %add3A_308 = arith.constant 1 : i32
      %add3A_309 = arith.addi %add3A_307, %add3A_308 : i32
      %dma_start3A_310 = arith.constant 200 : i32
      %dma_start3A_311 = arith.constant 0 : i32
      %dma_start3A_312 = tpu.memref_slice %arg8[%dma_start3A_310, %dma_start3A_311] : memref<400x64xf32, #tpu.memory_space<vmem>> -> memref<200x64xf32, #tpu.memory_space<vmem>>
      %dma_start3A_313 = arith.constant 0 : i32
      %dma_start3A_314 = arith.constant 0 : i32
      %dma_start3A_315 = tpu.memref_slice %arg5[%add3A_309, %dma_start3A_313, %dma_start3A_314] : memref<4096x200x64xf32, #tpu.memory_space<hbm>> -> memref<1x200x64xf32, #tpu.memory_space<hbm>>
      %dma_start3A_316 = tpu.memref_squeeze %dma_start3A_315 : memref<1x200x64xf32, #tpu.memory_space<hbm>> -> memref<200x64xf32, #tpu.memory_space<hbm>>
      %dma_start3A_317 = arith.constant 0 : i32
      %dma_start3A_318 = arith.constant 0 : i32
      %dma_start3A_319 = tpu.memref_slice %arg5[%add3A_309, %dma_start3A_317, %dma_start3A_318] : memref<4096x200x64xf32, #tpu.memory_space<hbm>> -> memref<1x200x64xf32, #tpu.memory_space<hbm>>
      %dma_start3A_320 = tpu.memref_squeeze %dma_start3A_319 : memref<1x200x64xf32, #tpu.memory_space<hbm>> -> memref<200x64xf32, #tpu.memory_space<hbm>>
      %dma_start3A_321 = arith.constant 200 : i32
      %dma_start3A_322 = arith.constant 0 : i32
      %dma_start3A_323 = tpu.memref_slice %arg8[%dma_start3A_321, %dma_start3A_322] : memref<400x64xf32, #tpu.memory_space<vmem>> -> memref<200x64xf32, #tpu.memory_space<vmem>>
      tpu.enqueue_dma source(%dma_start3A_323 : memref<200x64xf32, #tpu.memory_space<vmem>>) target(%dma_start3A_320 : memref<200x64xf32, #tpu.memory_space<hbm>>) target_semaphore(%arg14 : memref<!tpu.dma_semaphore, #tpu.memory_space<semaphore_mem>>)
      %add3A_324 = arith.constant 1 : i32
      %add3A_325 = arith.addi %mul3A_200, %add3A_324 : i32
      %dma_wait3A_326 = arith.constant 0 : i32
      %dma_wait3A_327 = arith.constant 0 : i32
      %dma_wait3A_328 = tpu.memref_slice %arg3[%dma_wait3A_326, %dma_wait3A_327] : memref<100000x64xf32, #tpu.memory_space<hbm>> -> memref<400x64xf32, #tpu.memory_space<hbm>>
      %dma_wait3A_329 = arith.constant 0 : i32
      %dma_wait3A_330 = arith.constant 0 : i32
      %dma_wait3A_331 = tpu.memref_slice %arg3[%dma_wait3A_329, %dma_wait3A_330] : memref<100000x64xf32, #tpu.memory_space<hbm>> -> memref<400x64xf32, #tpu.memory_space<hbm>>
      tpu.wait_dma2 semaphore(%arg12 : memref<!tpu.dma_semaphore, #tpu.memory_space<semaphore_mem>>) src(%dma_wait3A_331 : memref<400x64xf32, #tpu.memory_space<hbm>>) dst(%arg9 : memref<400x64xf32, #tpu.memory_space<vmem>>)
      %ge3A_332 = arith.constant 2 : i32
      %ge3A_333 = arith.cmpi sge, %add3A_325, %ge3A_332 : i32
      %convert_element_type3A_334 = arith.extui %ge3A_333 : i1 to i32
      %cond3A_335 = arith.constant 0 : i32
      %cond3A_336 = arith.cmpi ne, %convert_element_type3A_334, %cond3A_335 : i32
      scf.if %cond3A_336 {
        %dma_wait3A_580 = arith.constant 0 : i32
        %dma_wait3A_581 = arith.constant 0 : i32
        %dma_wait3A_582 = arith.constant 0 : i32
        %dma_wait3A_583 = tpu.memref_slice %arg10[%dma_wait3A_581, %dma_wait3A_582] : memref<400x64xf32, #tpu.memory_space<vmem>> -> memref<200x64xf32, #tpu.memory_space<vmem>>
        %dma_wait3A_584 = arith.constant 0 : i32
        %dma_wait3A_585 = arith.constant 0 : i32
        %dma_wait3A_586 = tpu.memref_slice %arg5[%dma_wait3A_580, %dma_wait3A_584, %dma_wait3A_585] : memref<4096x200x64xf32, #tpu.memory_space<hbm>> -> memref<1x200x64xf32, #tpu.memory_space<hbm>>
        %dma_wait3A_587 = tpu.memref_squeeze %dma_wait3A_586 : memref<1x200x64xf32, #tpu.memory_space<hbm>> -> memref<200x64xf32, #tpu.memory_space<hbm>>
        %dma_wait3A_588 = arith.constant 0 : i32
        %dma_wait3A_589 = arith.constant 0 : i32
        %dma_wait3A_590 = tpu.memref_slice %arg5[%dma_wait3A_580, %dma_wait3A_588, %dma_wait3A_589] : memref<4096x200x64xf32, #tpu.memory_space<hbm>> -> memref<1x200x64xf32, #tpu.memory_space<hbm>>
        %dma_wait3A_591 = tpu.memref_squeeze %dma_wait3A_590 : memref<1x200x64xf32, #tpu.memory_space<hbm>> -> memref<200x64xf32, #tpu.memory_space<hbm>>
        %dma_wait3A_592 = arith.constant 0 : i32
        %dma_wait3A_593 = arith.constant 0 : i32
        %dma_wait3A_594 = tpu.memref_slice %arg10[%dma_wait3A_592, %dma_wait3A_593] : memref<400x64xf32, #tpu.memory_space<vmem>> -> memref<200x64xf32, #tpu.memory_space<vmem>>
        tpu.wait_dma2 semaphore(%arg16 : memref<!tpu.dma_semaphore, #tpu.memory_space<semaphore_mem>>) src(%dma_wait3A_594 : memref<200x64xf32, #tpu.memory_space<vmem>>) dst(%dma_wait3A_591 : memref<200x64xf32, #tpu.memory_space<hbm>>)
        %dma_wait3A_595 = arith.constant 0 : i32
        %dma_wait3A_596 = arith.constant 0 : i32
        %dma_wait3A_597 = arith.constant 0 : i32
        %dma_wait3A_598 = tpu.memref_slice %arg10[%dma_wait3A_596, %dma_wait3A_597] : memref<400x64xf32, #tpu.memory_space<vmem>> -> memref<200x64xf32, #tpu.memory_space<vmem>>
        %dma_wait3A_599 = arith.constant 0 : i32
        %dma_wait3A_600 = arith.constant 0 : i32
        %dma_wait3A_601 = tpu.memref_slice %arg5[%dma_wait3A_595, %dma_wait3A_599, %dma_wait3A_600] : memref<4096x200x64xf32, #tpu.memory_space<hbm>> -> memref<1x200x64xf32, #tpu.memory_space<hbm>>
        %dma_wait3A_602 = tpu.memref_squeeze %dma_wait3A_601 : memref<1x200x64xf32, #tpu.memory_space<hbm>> -> memref<200x64xf32, #tpu.memory_space<hbm>>
        %dma_wait3A_603 = arith.constant 0 : i32
        %dma_wait3A_604 = arith.constant 0 : i32
        %dma_wait3A_605 = tpu.memref_slice %arg5[%dma_wait3A_595, %dma_wait3A_603, %dma_wait3A_604] : memref<4096x200x64xf32, #tpu.memory_space<hbm>> -> memref<1x200x64xf32, #tpu.memory_space<hbm>>
        %dma_wait3A_606 = tpu.memref_squeeze %dma_wait3A_605 : memref<1x200x64xf32, #tpu.memory_space<hbm>> -> memref<200x64xf32, #tpu.memory_space<hbm>>
        %dma_wait3A_607 = arith.constant 0 : i32
        %dma_wait3A_608 = arith.constant 0 : i32
        %dma_wait3A_609 = tpu.memref_slice %arg10[%dma_wait3A_607, %dma_wait3A_608] : memref<400x64xf32, #tpu.memory_space<vmem>> -> memref<200x64xf32, #tpu.memory_space<vmem>>
        tpu.wait_dma2 semaphore(%arg16 : memref<!tpu.dma_semaphore, #tpu.memory_space<semaphore_mem>>) src(%dma_wait3A_609 : memref<200x64xf32, #tpu.memory_space<vmem>>) dst(%dma_wait3A_606 : memref<200x64xf32, #tpu.memory_space<hbm>>)
      } else {
      }
      %add3A_337 = arith.constant 1 : i32
      %add3A_338 = arith.addi %add3A_325, %add3A_337 : i32
      %mul3A_339 = arith.constant 5 : i32
      %mul3A_340 = arith.muli %add3A_338, %mul3A_339 : i32
      %add3A_341 = arith.constant 0 : i32
      %add3A_342 = arith.addi %mul3A_340, %add3A_341 : i32
      %dma_start3A_343 = arith.constant 0 : i32
      %dma_start3A_344 = arith.constant 0 : i32
      %dma_start3A_345 = tpu.memref_slice %arg10[%dma_start3A_343, %dma_start3A_344] : memref<400x64xf32, #tpu.memory_space<vmem>> -> memref<80x64xf32, #tpu.memory_space<vmem>>
      %dma_start3A_346 = arith.constant 0 : i32
      %dma_start3A_347 = tpu.memref_slice %arg6[%add3A_342, %dma_start3A_346] : memref<320x80xi32, #tpu.memory_space<vmem>> -> memref<1x80xi32, #tpu.memory_space<vmem>>
      %dma_start3A_348 = tpu.memref_squeeze %dma_start3A_347 : memref<1x80xi32, #tpu.memory_space<vmem>> -> memref<80xi32, #tpu.memory_space<vmem>>
      %dma_start3A_349 = arith.constant 0 : i32
      %dma_start3A_350 = arith.constant 0 : i32
      %dma_start3A_351 = tpu.memref_slice %arg3[%dma_start3A_349, %dma_start3A_350] : memref<100000x64xf32, #tpu.memory_space<hbm>> -> memref<100000x64xf32, #tpu.memory_space<hbm>>
      tpu.enqueue_indirect_dma source(%dma_start3A_351 : memref<100000x64xf32, #tpu.memory_space<hbm>>) target(%dma_start3A_345 : memref<80x64xf32, #tpu.memory_space<vmem>>) offsets(%dma_start3A_348 : memref<80xi32, #tpu.memory_space<vmem>>) semaphore(%arg13 : memref<!tpu.dma_semaphore, #tpu.memory_space<semaphore_mem>>)
      %mul3A_352 = arith.constant 5 : i32
      %mul3A_353 = arith.muli %add3A_338, %mul3A_352 : i32
      %add3A_354 = arith.constant 1 : i32
      %add3A_355 = arith.addi %mul3A_353, %add3A_354 : i32
      %dma_start3A_356 = arith.constant 80 : i32
      %dma_start3A_357 = arith.constant 0 : i32
      %dma_start3A_358 = tpu.memref_slice %arg10[%dma_start3A_356, %dma_start3A_357] : memref<400x64xf32, #tpu.memory_space<vmem>> -> memref<80x64xf32, #tpu.memory_space<vmem>>
      %dma_start3A_359 = arith.constant 0 : i32
      %dma_start3A_360 = tpu.memref_slice %arg6[%add3A_355, %dma_start3A_359] : memref<320x80xi32, #tpu.memory_space<vmem>> -> memref<1x80xi32, #tpu.memory_space<vmem>>
      %dma_start3A_361 = tpu.memref_squeeze %dma_start3A_360 : memref<1x80xi32, #tpu.memory_space<vmem>> -> memref<80xi32, #tpu.memory_space<vmem>>
      %dma_start3A_362 = arith.constant 0 : i32
      %dma_start3A_363 = arith.constant 0 : i32
      %dma_start3A_364 = tpu.memref_slice %arg3[%dma_start3A_362, %dma_start3A_363] : memref<100000x64xf32, #tpu.memory_space<hbm>> -> memref<100000x64xf32, #tpu.memory_space<hbm>>
      tpu.enqueue_indirect_dma source(%dma_start3A_364 : memref<100000x64xf32, #tpu.memory_space<hbm>>) target(%dma_start3A_358 : memref<80x64xf32, #tpu.memory_space<vmem>>) offsets(%dma_start3A_361 : memref<80xi32, #tpu.memory_space<vmem>>) semaphore(%arg13 : memref<!tpu.dma_semaphore, #tpu.memory_space<semaphore_mem>>)
      %mul3A_365 = arith.constant 5 : i32
      %mul3A_366 = arith.muli %add3A_338, %mul3A_365 : i32
      %add3A_367 = arith.constant 2 : i32
      %add3A_368 = arith.addi %mul3A_366, %add3A_367 : i32
      %dma_start3A_369 = arith.constant 160 : i32
      %dma_start3A_370 = arith.constant 0 : i32
      %dma_start3A_371 = tpu.memref_slice %arg10[%dma_start3A_369, %dma_start3A_370] : memref<400x64xf32, #tpu.memory_space<vmem>> -> memref<80x64xf32, #tpu.memory_space<vmem>>
      %dma_start3A_372 = arith.constant 0 : i32
      %dma_start3A_373 = tpu.memref_slice %arg6[%add3A_368, %dma_start3A_372] : memref<320x80xi32, #tpu.memory_space<vmem>> -> memref<1x80xi32, #tpu.memory_space<vmem>>
      %dma_start3A_374 = tpu.memref_squeeze %dma_start3A_373 : memref<1x80xi32, #tpu.memory_space<vmem>> -> memref<80xi32, #tpu.memory_space<vmem>>
      %dma_start3A_375 = arith.constant 0 : i32
      %dma_start3A_376 = arith.constant 0 : i32
      %dma_start3A_377 = tpu.memref_slice %arg3[%dma_start3A_375, %dma_start3A_376] : memref<100000x64xf32, #tpu.memory_space<hbm>> -> memref<100000x64xf32, #tpu.memory_space<hbm>>
      tpu.enqueue_indirect_dma source(%dma_start3A_377 : memref<100000x64xf32, #tpu.memory_space<hbm>>) target(%dma_start3A_371 : memref<80x64xf32, #tpu.memory_space<vmem>>) offsets(%dma_start3A_374 : memref<80xi32, #tpu.memory_space<vmem>>) semaphore(%arg13 : memref<!tpu.dma_semaphore, #tpu.memory_space<semaphore_mem>>)
      %mul3A_378 = arith.constant 5 : i32
      %mul3A_379 = arith.muli %add3A_338, %mul3A_378 : i32
      %add3A_380 = arith.constant 3 : i32
      %add3A_381 = arith.addi %mul3A_379, %add3A_380 : i32
      %dma_start3A_382 = arith.constant 240 : i32
      %dma_start3A_383 = arith.constant 0 : i32
      %dma_start3A_384 = tpu.memref_slice %arg10[%dma_start3A_382, %dma_start3A_383] : memref<400x64xf32, #tpu.memory_space<vmem>> -> memref<80x64xf32, #tpu.memory_space<vmem>>
      %dma_start3A_385 = arith.constant 0 : i32
      %dma_start3A_386 = tpu.memref_slice %arg6[%add3A_381, %dma_start3A_385] : memref<320x80xi32, #tpu.memory_space<vmem>> -> memref<1x80xi32, #tpu.memory_space<vmem>>
      %dma_start3A_387 = tpu.memref_squeeze %dma_start3A_386 : memref<1x80xi32, #tpu.memory_space<vmem>> -> memref<80xi32, #tpu.memory_space<vmem>>
      %dma_start3A_388 = arith.constant 0 : i32
      %dma_start3A_389 = arith.constant 0 : i32
      %dma_start3A_390 = tpu.memref_slice %arg3[%dma_start3A_388, %dma_start3A_389] : memref<100000x64xf32, #tpu.memory_space<hbm>> -> memref<100000x64xf32, #tpu.memory_space<hbm>>
      tpu.enqueue_indirect_dma source(%dma_start3A_390 : memref<100000x64xf32, #tpu.memory_space<hbm>>) target(%dma_start3A_384 : memref<80x64xf32, #tpu.memory_space<vmem>>) offsets(%dma_start3A_387 : memref<80xi32, #tpu.memory_space<vmem>>) semaphore(%arg13 : memref<!tpu.dma_semaphore, #tpu.memory_space<semaphore_mem>>)
      %mul3A_391 = arith.constant 5 : i32
      %mul3A_392 = arith.muli %add3A_338, %mul3A_391 : i32
      %add3A_393 = arith.constant 4 : i32
      %add3A_394 = arith.addi %mul3A_392, %add3A_393 : i32
      %dma_start3A_395 = arith.constant 320 : i32
      %dma_start3A_396 = arith.constant 0 : i32
      %dma_start3A_397 = tpu.memref_slice %arg10[%dma_start3A_395, %dma_start3A_396] : memref<400x64xf32, #tpu.memory_space<vmem>> -> memref<80x64xf32, #tpu.memory_space<vmem>>
      %dma_start3A_398 = arith.constant 0 : i32
      %dma_start3A_399 = tpu.memref_slice %arg6[%add3A_394, %dma_start3A_398] : memref<320x80xi32, #tpu.memory_space<vmem>> -> memref<1x80xi32, #tpu.memory_space<vmem>>
      %dma_start3A_400 = tpu.memref_squeeze %dma_start3A_399 : memref<1x80xi32, #tpu.memory_space<vmem>> -> memref<80xi32, #tpu.memory_space<vmem>>
      %dma_start3A_401 = arith.constant 0 : i32
      %dma_start3A_402 = arith.constant 0 : i32
      %dma_start3A_403 = tpu.memref_slice %arg3[%dma_start3A_401, %dma_start3A_402] : memref<100000x64xf32, #tpu.memory_space<hbm>> -> memref<100000x64xf32, #tpu.memory_space<hbm>>
      tpu.enqueue_indirect_dma source(%dma_start3A_403 : memref<100000x64xf32, #tpu.memory_space<hbm>>) target(%dma_start3A_397 : memref<80x64xf32, #tpu.memory_space<vmem>>) offsets(%dma_start3A_400 : memref<80xi32, #tpu.memory_space<vmem>>) semaphore(%arg13 : memref<!tpu.dma_semaphore, #tpu.memory_space<semaphore_mem>>)
      %scan3A_404 = arith.constant 0 : i32
      %scan3A_405 = arith.constant 0 : i32
      %scan3A_406 = arith.constant 200 : i32
      %scan3A_407 = arith.addi %scan3A_405, %scan3A_406 : i32
      %scan3A_408 = arith.constant 4 : i32
      scf.for %scan3A_580 = %scan3A_405 to %scan3A_407 step %scan3A_408  : i32 {
        %get3A = arith.index_cast %scan3A_580 : i32 to index
        %get3A_581 = arith.constant 0 : index
        %get3A_582 = tpu.vector_load %arg7[%get3A, %get3A_581] {strides = array<i32>} : memref<200x64xf32, #tpu.memory_space<vmem>>, vector<1x16xf32>,
        %get3A_583 = vector.shape_cast %get3A_582 : vector<1x16xf32> to vector<16xf32>
        %get3A_584 = arith.index_cast %scan3A_580 : i32 to index
        %get3A_585 = arith.constant 0 : index
        %get3A_586 = tpu.vector_load %arg9[%get3A_584, %get3A_585] {strides = array<i32>} : memref<400x64xf32, #tpu.memory_space<vmem>>, vector<1x16xf32>,
        %get3A_587 = vector.shape_cast %get3A_586 : vector<1x16xf32> to vector<16xf32>
        %add3A_588 = arith.addf %get3A_587, %get3A_583 : vector<16xf32>
        %swap3A = arith.index_cast %scan3A_580 : i32 to index
        %swap3A_589 = arith.constant 0 : index
        %swap3A_590 = tpu.vector_load %arg9[%swap3A, %swap3A_589] {strides = array<i32>} : memref<400x64xf32, #tpu.memory_space<vmem>>, vector<1x16xf32>,
        %swap3A_591 = vector.shape_cast %swap3A_590 : vector<1x16xf32> to vector<16xf32>
        %swap3A_592 = vector.shape_cast %add3A_588 : vector<16xf32> to vector<1x16xf32>
        tpu.vector_store %arg9[%swap3A, %swap3A_589], %swap3A_592 {strides = array<i32>} : memref<400x64xf32, #tpu.memory_space<vmem>>, vector<1x16xf32>,
        %add3A_593 = arith.constant 200 : i32
        %add3A_594 = arith.addi %scan3A_580, %add3A_593 : i32
        %get3A_595 = arith.index_cast %add3A_594 : i32 to index
        %get3A_596 = arith.constant 0 : index
        %get3A_597 = tpu.vector_load %arg9[%get3A_595, %get3A_596] {strides = array<i32>} : memref<400x64xf32, #tpu.memory_space<vmem>>, vector<1x16xf32>,
        %get3A_598 = vector.shape_cast %get3A_597 : vector<1x16xf32> to vector<16xf32>
        %add3A_599 = arith.addf %get3A_598, %get3A_583 : vector<16xf32>
        %add3A_600 = arith.constant 200 : i32
        %add3A_601 = arith.addi %scan3A_580, %add3A_600 : i32
        %swap3A_602 = arith.index_cast %add3A_601 : i32 to index
        %swap3A_603 = arith.constant 0 : index
        %swap3A_604 = tpu.vector_load %arg9[%swap3A_602, %swap3A_603] {strides = array<i32>} : memref<400x64xf32, #tpu.memory_space<vmem>>, vector<1x16xf32>,
        %swap3A_605 = vector.shape_cast %swap3A_604 : vector<1x16xf32> to vector<16xf32>
        %swap3A_606 = vector.shape_cast %add3A_599 : vector<16xf32> to vector<1x16xf32>
        tpu.vector_store %arg9[%swap3A_602, %swap3A_603], %swap3A_606 {strides = array<i32>} : memref<400x64xf32, #tpu.memory_space<vmem>>, vector<1x16xf32>,
        %get3A_607 = arith.index_cast %scan3A_580 : i32 to index
        %get3A_608 = arith.constant 16 : index
        %get3A_609 = tpu.vector_load %arg7[%get3A_607, %get3A_608] {strides = array<i32>} : memref<200x64xf32, #tpu.memory_space<vmem>>, vector<1x16xf32>,
        %get3A_610 = vector.shape_cast %get3A_609 : vector<1x16xf32> to vector<16xf32>
        %get3A_611 = arith.index_cast %scan3A_580 : i32 to index
        %get3A_612 = arith.constant 16 : index
        %get3A_613 = tpu.vector_load %arg9[%get3A_611, %get3A_612] {strides = array<i32>} : memref<400x64xf32, #tpu.memory_space<vmem>>, vector<1x16xf32>,
        %get3A_614 = vector.shape_cast %get3A_613 : vector<1x16xf32> to vector<16xf32>
        %add3A_615 = arith.addf %get3A_614, %get3A_610 : vector<16xf32>
        %swap3A_616 = arith.index_cast %scan3A_580 : i32 to index
        %swap3A_617 = arith.constant 16 : index
        %swap3A_618 = tpu.vector_load %arg9[%swap3A_616, %swap3A_617] {strides = array<i32>} : memref<400x64xf32, #tpu.memory_space<vmem>>, vector<1x16xf32>,
        %swap3A_619 = vector.shape_cast %swap3A_618 : vector<1x16xf32> to vector<16xf32>
        %swap3A_620 = vector.shape_cast %add3A_615 : vector<16xf32> to vector<1x16xf32>
        tpu.vector_store %arg9[%swap3A_616, %swap3A_617], %swap3A_620 {strides = array<i32>} : memref<400x64xf32, #tpu.memory_space<vmem>>, vector<1x16xf32>,
        %add3A_621 = arith.constant 200 : i32
        %add3A_622 = arith.addi %scan3A_580, %add3A_621 : i32
        %get3A_623 = arith.index_cast %add3A_622 : i32 to index
        %get3A_624 = arith.constant 16 : index
        %get3A_625 = tpu.vector_load %arg9[%get3A_623, %get3A_624] {strides = array<i32>} : memref<400x64xf32, #tpu.memory_space<vmem>>, vector<1x16xf32>,
        %get3A_626 = vector.shape_cast %get3A_625 : vector<1x16xf32> to vector<16xf32>
        %add3A_627 = arith.addf %get3A_626, %get3A_610 : vector<16xf32>
        %add3A_628 = arith.constant 200 : i32
        %add3A_629 = arith.addi %scan3A_580, %add3A_628 : i32
        %swap3A_630 = arith.index_cast %add3A_629 : i32 to index
        %swap3A_631 = arith.constant 16 : index
        %swap3A_632 = tpu.vector_load %arg9[%swap3A_630, %swap3A_631] {strides = array<i32>} : memref<400x64xf32, #tpu.memory_space<vmem>>, vector<1x16xf32>,
        %swap3A_633 = vector.shape_cast %swap3A_632 : vector<1x16xf32> to vector<16xf32>
        %swap3A_634 = vector.shape_cast %add3A_627 : vector<16xf32> to vector<1x16xf32>
        tpu.vector_store %arg9[%swap3A_630, %swap3A_631], %swap3A_634 {strides = array<i32>} : memref<400x64xf32, #tpu.memory_space<vmem>>, vector<1x16xf32>,
        %get3A_635 = arith.index_cast %scan3A_580 : i32 to index
        %get3A_636 = arith.constant 32 : index
        %get3A_637 = tpu.vector_load %arg7[%get3A_635, %get3A_636] {strides = array<i32>} : memref<200x64xf32, #tpu.memory_space<vmem>>, vector<1x16xf32>,
        %get3A_638 = vector.shape_cast %get3A_637 : vector<1x16xf32> to vector<16xf32>
        %get3A_639 = arith.index_cast %scan3A_580 : i32 to index
        %get3A_640 = arith.constant 32 : index
        %get3A_641 = tpu.vector_load %arg9[%get3A_639, %get3A_640] {strides = array<i32>} : memref<400x64xf32, #tpu.memory_space<vmem>>, vector<1x16xf32>,
        %get3A_642 = vector.shape_cast %get3A_641 : vector<1x16xf32> to vector<16xf32>
        %add3A_643 = arith.addf %get3A_642, %get3A_638 : vector<16xf32>
        %swap3A_644 = arith.index_cast %scan3A_580 : i32 to index
        %swap3A_645 = arith.constant 32 : index
        %swap3A_646 = tpu.vector_load %arg9[%swap3A_644, %swap3A_645] {strides = array<i32>} : memref<400x64xf32, #tpu.memory_space<vmem>>, vector<1x16xf32>,
        %swap3A_647 = vector.shape_cast %swap3A_646 : vector<1x16xf32> to vector<16xf32>
        %swap3A_648 = vector.shape_cast %add3A_643 : vector<16xf32> to vector<1x16xf32>
        tpu.vector_store %arg9[%swap3A_644, %swap3A_645], %swap3A_648 {strides = array<i32>} : memref<400x64xf32, #tpu.memory_space<vmem>>, vector<1x16xf32>,
        %add3A_649 = arith.constant 200 : i32
        %add3A_650 = arith.addi %scan3A_580, %add3A_649 : i32
        %get3A_651 = arith.index_cast %add3A_650 : i32 to index
        %get3A_652 = arith.constant 32 : index
        %get3A_653 = tpu.vector_load %arg9[%get3A_651, %get3A_652] {strides = array<i32>} : memref<400x64xf32, #tpu.memory_space<vmem>>, vector<1x16xf32>,
        %get3A_654 = vector.shape_cast %get3A_653 : vector<1x16xf32> to vector<16xf32>
        %add3A_655 = arith.addf %get3A_654, %get3A_638 : vector<16xf32>
        %add3A_656 = arith.constant 200 : i32
        %add3A_657 = arith.addi %scan3A_580, %add3A_656 : i32
        %swap3A_658 = arith.index_cast %add3A_657 : i32 to index
        %swap3A_659 = arith.constant 32 : index
        %swap3A_660 = tpu.vector_load %arg9[%swap3A_658, %swap3A_659] {strides = array<i32>} : memref<400x64xf32, #tpu.memory_space<vmem>>, vector<1x16xf32>,
        %swap3A_661 = vector.shape_cast %swap3A_660 : vector<1x16xf32> to vector<16xf32>
        %swap3A_662 = vector.shape_cast %add3A_655 : vector<16xf32> to vector<1x16xf32>
        tpu.vector_store %arg9[%swap3A_658, %swap3A_659], %swap3A_662 {strides = array<i32>} : memref<400x64xf32, #tpu.memory_space<vmem>>, vector<1x16xf32>,
        %get3A_663 = arith.index_cast %scan3A_580 : i32 to index
        %get3A_664 = arith.constant 48 : index
        %get3A_665 = tpu.vector_load %arg7[%get3A_663, %get3A_664] {strides = array<i32>} : memref<200x64xf32, #tpu.memory_space<vmem>>, vector<1x16xf32>,
        %get3A_666 = vector.shape_cast %get3A_665 : vector<1x16xf32> to vector<16xf32>
        %get3A_667 = arith.index_cast %scan3A_580 : i32 to index
        %get3A_668 = arith.constant 48 : index
        %get3A_669 = tpu.vector_load %arg9[%get3A_667, %get3A_668] {strides = array<i32>} : memref<400x64xf32, #tpu.memory_space<vmem>>, vector<1x16xf32>,
        %get3A_670 = vector.shape_cast %get3A_669 : vector<1x16xf32> to vector<16xf32>
        %add3A_671 = arith.addf %get3A_670, %get3A_666 : vector<16xf32>
        %swap3A_672 = arith.index_cast %scan3A_580 : i32 to index
        %swap3A_673 = arith.constant 48 : index
        %swap3A_674 = tpu.vector_load %arg9[%swap3A_672, %swap3A_673] {strides = array<i32>} : memref<400x64xf32, #tpu.memory_space<vmem>>, vector<1x16xf32>,
        %swap3A_675 = vector.shape_cast %swap3A_674 : vector<1x16xf32> to vector<16xf32>
        %swap3A_676 = vector.shape_cast %add3A_671 : vector<16xf32> to vector<1x16xf32>
        tpu.vector_store %arg9[%swap3A_672, %swap3A_673], %swap3A_676 {strides = array<i32>} : memref<400x64xf32, #tpu.memory_space<vmem>>, vector<1x16xf32>,
        %add3A_677 = arith.constant 200 : i32
        %add3A_678 = arith.addi %scan3A_580, %add3A_677 : i32
        %get3A_679 = arith.index_cast %add3A_678 : i32 to index
        %get3A_680 = arith.constant 48 : index
        %get3A_681 = tpu.vector_load %arg9[%get3A_679, %get3A_680] {strides = array<i32>} : memref<400x64xf32, #tpu.memory_space<vmem>>, vector<1x16xf32>,
        %get3A_682 = vector.shape_cast %get3A_681 : vector<1x16xf32> to vector<16xf32>
        %add3A_683 = arith.addf %get3A_682, %get3A_666 : vector<16xf32>
        %add3A_684 = arith.constant 200 : i32
        %add3A_685 = arith.addi %scan3A_580, %add3A_684 : i32
        %swap3A_686 = arith.index_cast %add3A_685 : i32 to index
        %swap3A_687 = arith.constant 48 : index
        %swap3A_688 = tpu.vector_load %arg9[%swap3A_686, %swap3A_687] {strides = array<i32>} : memref<400x64xf32, #tpu.memory_space<vmem>>, vector<1x16xf32>,
        %swap3A_689 = vector.shape_cast %swap3A_688 : vector<1x16xf32> to vector<16xf32>
        %swap3A_690 = vector.shape_cast %add3A_683 : vector<16xf32> to vector<1x16xf32>
        tpu.vector_store %arg9[%swap3A_686, %swap3A_687], %swap3A_690 {strides = array<i32>} : memref<400x64xf32, #tpu.memory_space<vmem>>, vector<1x16xf32>,
        %scan3A_691 = arith.constant 1 : i32
        %scan3A_692 = arith.addi %scan3A_580, %scan3A_691 : i32
        %get3A_693 = arith.index_cast %scan3A_692 : i32 to index
        %get3A_694 = arith.constant 0 : index
        %get3A_695 = tpu.vector_load %arg7[%get3A_693, %get3A_694] {strides = array<i32>} : memref<200x64xf32, #tpu.memory_space<vmem>>, vector<1x16xf32>,
        %get3A_696 = vector.shape_cast %get3A_695 : vector<1x16xf32> to vector<16xf32>
        %get3A_697 = arith.index_cast %scan3A_692 : i32 to index
        %get3A_698 = arith.constant 0 : index
        %get3A_699 = tpu.vector_load %arg9[%get3A_697, %get3A_698] {strides = array<i32>} : memref<400x64xf32, #tpu.memory_space<vmem>>, vector<1x16xf32>,
        %get3A_700 = vector.shape_cast %get3A_699 : vector<1x16xf32> to vector<16xf32>
        %add3A_701 = arith.addf %get3A_700, %get3A_696 : vector<16xf32>
        %swap3A_702 = arith.index_cast %scan3A_692 : i32 to index
        %swap3A_703 = arith.constant 0 : index
        %swap3A_704 = tpu.vector_load %arg9[%swap3A_702, %swap3A_703] {strides = array<i32>} : memref<400x64xf32, #tpu.memory_space<vmem>>, vector<1x16xf32>,
        %swap3A_705 = vector.shape_cast %swap3A_704 : vector<1x16xf32> to vector<16xf32>
        %swap3A_706 = vector.shape_cast %add3A_701 : vector<16xf32> to vector<1x16xf32>
        tpu.vector_store %arg9[%swap3A_702, %swap3A_703], %swap3A_706 {strides = array<i32>} : memref<400x64xf32, #tpu.memory_space<vmem>>, vector<1x16xf32>,
        %add3A_707 = arith.constant 200 : i32
        %add3A_708 = arith.addi %scan3A_692, %add3A_707 : i32
        %get3A_709 = arith.index_cast %add3A_708 : i32 to index
        %get3A_710 = arith.constant 0 : index
        %get3A_711 = tpu.vector_load %arg9[%get3A_709, %get3A_710] {strides = array<i32>} : memref<400x64xf32, #tpu.memory_space<vmem>>, vector<1x16xf32>,
        %get3A_712 = vector.shape_cast %get3A_711 : vector<1x16xf32> to vector<16xf32>
        %add3A_713 = arith.addf %get3A_712, %get3A_696 : vector<16xf32>
        %add3A_714 = arith.constant 200 : i32
        %add3A_715 = arith.addi %scan3A_692, %add3A_714 : i32
        %swap3A_716 = arith.index_cast %add3A_715 : i32 to index
        %swap3A_717 = arith.constant 0 : index
        %swap3A_718 = tpu.vector_load %arg9[%swap3A_716, %swap3A_717] {strides = array<i32>} : memref<400x64xf32, #tpu.memory_space<vmem>>, vector<1x16xf32>,
        %swap3A_719 = vector.shape_cast %swap3A_718 : vector<1x16xf32> to vector<16xf32>
        %swap3A_720 = vector.shape_cast %add3A_713 : vector<16xf32> to vector<1x16xf32>
        tpu.vector_store %arg9[%swap3A_716, %swap3A_717], %swap3A_720 {strides = array<i32>} : memref<400x64xf32, #tpu.memory_space<vmem>>, vector<1x16xf32>,
        %get3A_721 = arith.index_cast %scan3A_692 : i32 to index
        %get3A_722 = arith.constant 16 : index
        %get3A_723 = tpu.vector_load %arg7[%get3A_721, %get3A_722] {strides = array<i32>} : memref<200x64xf32, #tpu.memory_space<vmem>>, vector<1x16xf32>,
        %get3A_724 = vector.shape_cast %get3A_723 : vector<1x16xf32> to vector<16xf32>
        %get3A_725 = arith.index_cast %scan3A_692 : i32 to index
        %get3A_726 = arith.constant 16 : index
        %get3A_727 = tpu.vector_load %arg9[%get3A_725, %get3A_726] {strides = array<i32>} : memref<400x64xf32, #tpu.memory_space<vmem>>, vector<1x16xf32>,
        %get3A_728 = vector.shape_cast %get3A_727 : vector<1x16xf32> to vector<16xf32>
        %add3A_729 = arith.addf %get3A_728, %get3A_724 : vector<16xf32>
        %swap3A_730 = arith.index_cast %scan3A_692 : i32 to index
        %swap3A_731 = arith.constant 16 : index
        %swap3A_732 = tpu.vector_load %arg9[%swap3A_730, %swap3A_731] {strides = array<i32>} : memref<400x64xf32, #tpu.memory_space<vmem>>, vector<1x16xf32>,
        %swap3A_733 = vector.shape_cast %swap3A_732 : vector<1x16xf32> to vector<16xf32>
        %swap3A_734 = vector.shape_cast %add3A_729 : vector<16xf32> to vector<1x16xf32>
        tpu.vector_store %arg9[%swap3A_730, %swap3A_731], %swap3A_734 {strides = array<i32>} : memref<400x64xf32, #tpu.memory_space<vmem>>, vector<1x16xf32>,
        %add3A_735 = arith.constant 200 : i32
        %add3A_736 = arith.addi %scan3A_692, %add3A_735 : i32
        %get3A_737 = arith.index_cast %add3A_736 : i32 to index
        %get3A_738 = arith.constant 16 : index
        %get3A_739 = tpu.vector_load %arg9[%get3A_737, %get3A_738] {strides = array<i32>} : memref<400x64xf32, #tpu.memory_space<vmem>>, vector<1x16xf32>,
        %get3A_740 = vector.shape_cast %get3A_739 : vector<1x16xf32> to vector<16xf32>
        %add3A_741 = arith.addf %get3A_740, %get3A_724 : vector<16xf32>
        %add3A_742 = arith.constant 200 : i32
        %add3A_743 = arith.addi %scan3A_692, %add3A_742 : i32
        %swap3A_744 = arith.index_cast %add3A_743 : i32 to index
        %swap3A_745 = arith.constant 16 : index
        %swap3A_746 = tpu.vector_load %arg9[%swap3A_744, %swap3A_745] {strides = array<i32>} : memref<400x64xf32, #tpu.memory_space<vmem>>, vector<1x16xf32>,
        %swap3A_747 = vector.shape_cast %swap3A_746 : vector<1x16xf32> to vector<16xf32>
        %swap3A_748 = vector.shape_cast %add3A_741 : vector<16xf32> to vector<1x16xf32>
        tpu.vector_store %arg9[%swap3A_744, %swap3A_745], %swap3A_748 {strides = array<i32>} : memref<400x64xf32, #tpu.memory_space<vmem>>, vector<1x16xf32>,
        %get3A_749 = arith.index_cast %scan3A_692 : i32 to index
        %get3A_750 = arith.constant 32 : index
        %get3A_751 = tpu.vector_load %arg7[%get3A_749, %get3A_750] {strides = array<i32>} : memref<200x64xf32, #tpu.memory_space<vmem>>, vector<1x16xf32>,
        %get3A_752 = vector.shape_cast %get3A_751 : vector<1x16xf32> to vector<16xf32>
        %get3A_753 = arith.index_cast %scan3A_692 : i32 to index
        %get3A_754 = arith.constant 32 : index
        %get3A_755 = tpu.vector_load %arg9[%get3A_753, %get3A_754] {strides = array<i32>} : memref<400x64xf32, #tpu.memory_space<vmem>>, vector<1x16xf32>,
        %get3A_756 = vector.shape_cast %get3A_755 : vector<1x16xf32> to vector<16xf32>
        %add3A_757 = arith.addf %get3A_756, %get3A_752 : vector<16xf32>
        %swap3A_758 = arith.index_cast %scan3A_692 : i32 to index
        %swap3A_759 = arith.constant 32 : index
        %swap3A_760 = tpu.vector_load %arg9[%swap3A_758, %swap3A_759] {strides = array<i32>} : memref<400x64xf32, #tpu.memory_space<vmem>>, vector<1x16xf32>,
        %swap3A_761 = vector.shape_cast %swap3A_760 : vector<1x16xf32> to vector<16xf32>
        %swap3A_762 = vector.shape_cast %add3A_757 : vector<16xf32> to vector<1x16xf32>
        tpu.vector_store %arg9[%swap3A_758, %swap3A_759], %swap3A_762 {strides = array<i32>} : memref<400x64xf32, #tpu.memory_space<vmem>>, vector<1x16xf32>,
        %add3A_763 = arith.constant 200 : i32
        %add3A_764 = arith.addi %scan3A_692, %add3A_763 : i32
        %get3A_765 = arith.index_cast %add3A_764 : i32 to index
        %get3A_766 = arith.constant 32 : index
        %get3A_767 = tpu.vector_load %arg9[%get3A_765, %get3A_766] {strides = array<i32>} : memref<400x64xf32, #tpu.memory_space<vmem>>, vector<1x16xf32>,
        %get3A_768 = vector.shape_cast %get3A_767 : vector<1x16xf32> to vector<16xf32>
        %add3A_769 = arith.addf %get3A_768, %get3A_752 : vector<16xf32>
        %add3A_770 = arith.constant 200 : i32
        %add3A_771 = arith.addi %scan3A_692, %add3A_770 : i32
        %swap3A_772 = arith.index_cast %add3A_771 : i32 to index
        %swap3A_773 = arith.constant 32 : index
        %swap3A_774 = tpu.vector_load %arg9[%swap3A_772, %swap3A_773] {strides = array<i32>} : memref<400x64xf32, #tpu.memory_space<vmem>>, vector<1x16xf32>,
        %swap3A_775 = vector.shape_cast %swap3A_774 : vector<1x16xf32> to vector<16xf32>
        %swap3A_776 = vector.shape_cast %add3A_769 : vector<16xf32> to vector<1x16xf32>
        tpu.vector_store %arg9[%swap3A_772, %swap3A_773], %swap3A_776 {strides = array<i32>} : memref<400x64xf32, #tpu.memory_space<vmem>>, vector<1x16xf32>,
        %get3A_777 = arith.index_cast %scan3A_692 : i32 to index
        %get3A_778 = arith.constant 48 : index
        %get3A_779 = tpu.vector_load %arg7[%get3A_777, %get3A_778] {strides = array<i32>} : memref<200x64xf32, #tpu.memory_space<vmem>>, vector<1x16xf32>,
        %get3A_780 = vector.shape_cast %get3A_779 : vector<1x16xf32> to vector<16xf32>
        %get3A_781 = arith.index_cast %scan3A_692 : i32 to index
        %get3A_782 = arith.constant 48 : index
        %get3A_783 = tpu.vector_load %arg9[%get3A_781, %get3A_782] {strides = array<i32>} : memref<400x64xf32, #tpu.memory_space<vmem>>, vector<1x16xf32>,
        %get3A_784 = vector.shape_cast %get3A_783 : vector<1x16xf32> to vector<16xf32>
        %add3A_785 = arith.addf %get3A_784, %get3A_780 : vector<16xf32>
        %swap3A_786 = arith.index_cast %scan3A_692 : i32 to index
        %swap3A_787 = arith.constant 48 : index
        %swap3A_788 = tpu.vector_load %arg9[%swap3A_786, %swap3A_787] {strides = array<i32>} : memref<400x64xf32, #tpu.memory_space<vmem>>, vector<1x16xf32>,
        %swap3A_789 = vector.shape_cast %swap3A_788 : vector<1x16xf32> to vector<16xf32>
        %swap3A_790 = vector.shape_cast %add3A_785 : vector<16xf32> to vector<1x16xf32>
        tpu.vector_store %arg9[%swap3A_786, %swap3A_787], %swap3A_790 {strides = array<i32>} : memref<400x64xf32, #tpu.memory_space<vmem>>, vector<1x16xf32>,
        %add3A_791 = arith.constant 200 : i32
        %add3A_792 = arith.addi %scan3A_692, %add3A_791 : i32
        %get3A_793 = arith.index_cast %add3A_792 : i32 to index
        %get3A_794 = arith.constant 48 : index
        %get3A_795 = tpu.vector_load %arg9[%get3A_793, %get3A_794] {strides = array<i32>} : memref<400x64xf32, #tpu.memory_space<vmem>>, vector<1x16xf32>,
        %get3A_796 = vector.shape_cast %get3A_795 : vector<1x16xf32> to vector<16xf32>
        %add3A_797 = arith.addf %get3A_796, %get3A_780 : vector<16xf32>
        %add3A_798 = arith.constant 200 : i32
        %add3A_799 = arith.addi %scan3A_692, %add3A_798 : i32
        %swap3A_800 = arith.index_cast %add3A_799 : i32 to index
        %swap3A_801 = arith.constant 48 : index
        %swap3A_802 = tpu.vector_load %arg9[%swap3A_800, %swap3A_801] {strides = array<i32>} : memref<400x64xf32, #tpu.memory_space<vmem>>, vector<1x16xf32>,
        %swap3A_803 = vector.shape_cast %swap3A_802 : vector<1x16xf32> to vector<16xf32>
        %swap3A_804 = vector.shape_cast %add3A_797 : vector<16xf32> to vector<1x16xf32>
        tpu.vector_store %arg9[%swap3A_800, %swap3A_801], %swap3A_804 {strides = array<i32>} : memref<400x64xf32, #tpu.memory_space<vmem>>, vector<1x16xf32>,
        %scan3A_805 = arith.constant 2 : i32
        %scan3A_806 = arith.addi %scan3A_580, %scan3A_805 : i32
        %get3A_807 = arith.index_cast %scan3A_806 : i32 to index
        %get3A_808 = arith.constant 0 : index
        %get3A_809 = tpu.vector_load %arg7[%get3A_807, %get3A_808] {strides = array<i32>} : memref<200x64xf32, #tpu.memory_space<vmem>>, vector<1x16xf32>,
        %get3A_810 = vector.shape_cast %get3A_809 : vector<1x16xf32> to vector<16xf32>
        %get3A_811 = arith.index_cast %scan3A_806 : i32 to index
        %get3A_812 = arith.constant 0 : index
        %get3A_813 = tpu.vector_load %arg9[%get3A_811, %get3A_812] {strides = array<i32>} : memref<400x64xf32, #tpu.memory_space<vmem>>, vector<1x16xf32>,
        %get3A_814 = vector.shape_cast %get3A_813 : vector<1x16xf32> to vector<16xf32>
        %add3A_815 = arith.addf %get3A_814, %get3A_810 : vector<16xf32>
        %swap3A_816 = arith.index_cast %scan3A_806 : i32 to index
        %swap3A_817 = arith.constant 0 : index
        %swap3A_818 = tpu.vector_load %arg9[%swap3A_816, %swap3A_817] {strides = array<i32>} : memref<400x64xf32, #tpu.memory_space<vmem>>, vector<1x16xf32>,
        %swap3A_819 = vector.shape_cast %swap3A_818 : vector<1x16xf32> to vector<16xf32>
        %swap3A_820 = vector.shape_cast %add3A_815 : vector<16xf32> to vector<1x16xf32>
        tpu.vector_store %arg9[%swap3A_816, %swap3A_817], %swap3A_820 {strides = array<i32>} : memref<400x64xf32, #tpu.memory_space<vmem>>, vector<1x16xf32>,
        %add3A_821 = arith.constant 200 : i32
        %add3A_822 = arith.addi %scan3A_806, %add3A_821 : i32
        %get3A_823 = arith.index_cast %add3A_822 : i32 to index
        %get3A_824 = arith.constant 0 : index
        %get3A_825 = tpu.vector_load %arg9[%get3A_823, %get3A_824] {strides = array<i32>} : memref<400x64xf32, #tpu.memory_space<vmem>>, vector<1x16xf32>,
        %get3A_826 = vector.shape_cast %get3A_825 : vector<1x16xf32> to vector<16xf32>
        %add3A_827 = arith.addf %get3A_826, %get3A_810 : vector<16xf32>
        %add3A_828 = arith.constant 200 : i32
        %add3A_829 = arith.addi %scan3A_806, %add3A_828 : i32
        %swap3A_830 = arith.index_cast %add3A_829 : i32 to index
        %swap3A_831 = arith.constant 0 : index
        %swap3A_832 = tpu.vector_load %arg9[%swap3A_830, %swap3A_831] {strides = array<i32>} : memref<400x64xf32, #tpu.memory_space<vmem>>, vector<1x16xf32>,
        %swap3A_833 = vector.shape_cast %swap3A_832 : vector<1x16xf32> to vector<16xf32>
        %swap3A_834 = vector.shape_cast %add3A_827 : vector<16xf32> to vector<1x16xf32>
        tpu.vector_store %arg9[%swap3A_830, %swap3A_831], %swap3A_834 {strides = array<i32>} : memref<400x64xf32, #tpu.memory_space<vmem>>, vector<1x16xf32>,
        %get3A_835 = arith.index_cast %scan3A_806 : i32 to index
        %get3A_836 = arith.constant 16 : index
        %get3A_837 = tpu.vector_load %arg7[%get3A_835, %get3A_836] {strides = array<i32>} : memref<200x64xf32, #tpu.memory_space<vmem>>, vector<1x16xf32>,
        %get3A_838 = vector.shape_cast %get3A_837 : vector<1x16xf32> to vector<16xf32>
        %get3A_839 = arith.index_cast %scan3A_806 : i32 to index
        %get3A_840 = arith.constant 16 : index
        %get3A_841 = tpu.vector_load %arg9[%get3A_839, %get3A_840] {strides = array<i32>} : memref<400x64xf32, #tpu.memory_space<vmem>>, vector<1x16xf32>,
        %get3A_842 = vector.shape_cast %get3A_841 : vector<1x16xf32> to vector<16xf32>
        %add3A_843 = arith.addf %get3A_842, %get3A_838 : vector<16xf32>
        %swap3A_844 = arith.index_cast %scan3A_806 : i32 to index
        %swap3A_845 = arith.constant 16 : index
        %swap3A_846 = tpu.vector_load %arg9[%swap3A_844, %swap3A_845] {strides = array<i32>} : memref<400x64xf32, #tpu.memory_space<vmem>>, vector<1x16xf32>,
        %swap3A_847 = vector.shape_cast %swap3A_846 : vector<1x16xf32> to vector<16xf32>
        %swap3A_848 = vector.shape_cast %add3A_843 : vector<16xf32> to vector<1x16xf32>
        tpu.vector_store %arg9[%swap3A_844, %swap3A_845], %swap3A_848 {strides = array<i32>} : memref<400x64xf32, #tpu.memory_space<vmem>>, vector<1x16xf32>,
        %add3A_849 = arith.constant 200 : i32
        %add3A_850 = arith.addi %scan3A_806, %add3A_849 : i32
        %get3A_851 = arith.index_cast %add3A_850 : i32 to index
        %get3A_852 = arith.constant 16 : index
        %get3A_853 = tpu.vector_load %arg9[%get3A_851, %get3A_852] {strides = array<i32>} : memref<400x64xf32, #tpu.memory_space<vmem>>, vector<1x16xf32>,
        %get3A_854 = vector.shape_cast %get3A_853 : vector<1x16xf32> to vector<16xf32>
        %add3A_855 = arith.addf %get3A_854, %get3A_838 : vector<16xf32>
        %add3A_856 = arith.constant 200 : i32
        %add3A_857 = arith.addi %scan3A_806, %add3A_856 : i32
        %swap3A_858 = arith.index_cast %add3A_857 : i32 to index
        %swap3A_859 = arith.constant 16 : index
        %swap3A_860 = tpu.vector_load %arg9[%swap3A_858, %swap3A_859] {strides = array<i32>} : memref<400x64xf32, #tpu.memory_space<vmem>>, vector<1x16xf32>,
        %swap3A_861 = vector.shape_cast %swap3A_860 : vector<1x16xf32> to vector<16xf32>
        %swap3A_862 = vector.shape_cast %add3A_855 : vector<16xf32> to vector<1x16xf32>
        tpu.vector_store %arg9[%swap3A_858, %swap3A_859], %swap3A_862 {strides = array<i32>} : memref<400x64xf32, #tpu.memory_space<vmem>>, vector<1x16xf32>,
        %get3A_863 = arith.index_cast %scan3A_806 : i32 to index
        %get3A_864 = arith.constant 32 : index
        %get3A_865 = tpu.vector_load %arg7[%get3A_863, %get3A_864] {strides = array<i32>} : memref<200x64xf32, #tpu.memory_space<vmem>>, vector<1x16xf32>,
        %get3A_866 = vector.shape_cast %get3A_865 : vector<1x16xf32> to vector<16xf32>
        %get3A_867 = arith.index_cast %scan3A_806 : i32 to index
        %get3A_868 = arith.constant 32 : index
        %get3A_869 = tpu.vector_load %arg9[%get3A_867, %get3A_868] {strides = array<i32>} : memref<400x64xf32, #tpu.memory_space<vmem>>, vector<1x16xf32>,
        %get3A_870 = vector.shape_cast %get3A_869 : vector<1x16xf32> to vector<16xf32>
        %add3A_871 = arith.addf %get3A_870, %get3A_866 : vector<16xf32>
        %swap3A_872 = arith.index_cast %scan3A_806 : i32 to index
        %swap3A_873 = arith.constant 32 : index
        %swap3A_874 = tpu.vector_load %arg9[%swap3A_872, %swap3A_873] {strides = array<i32>} : memref<400x64xf32, #tpu.memory_space<vmem>>, vector<1x16xf32>,
        %swap3A_875 = vector.shape_cast %swap3A_874 : vector<1x16xf32> to vector<16xf32>
        %swap3A_876 = vector.shape_cast %add3A_871 : vector<16xf32> to vector<1x16xf32>
        tpu.vector_store %arg9[%swap3A_872, %swap3A_873], %swap3A_876 {strides = array<i32>} : memref<400x64xf32, #tpu.memory_space<vmem>>, vector<1x16xf32>,
        %add3A_877 = arith.constant 200 : i32
        %add3A_878 = arith.addi %scan3A_806, %add3A_877 : i32
        %get3A_879 = arith.index_cast %add3A_878 : i32 to index
        %get3A_880 = arith.constant 32 : index
        %get3A_881 = tpu.vector_load %arg9[%get3A_879, %get3A_880] {strides = array<i32>} : memref<400x64xf32, #tpu.memory_space<vmem>>, vector<1x16xf32>,
        %get3A_882 = vector.shape_cast %get3A_881 : vector<1x16xf32> to vector<16xf32>
        %add3A_883 = arith.addf %get3A_882, %get3A_866 : vector<16xf32>
        %add3A_884 = arith.constant 200 : i32
        %add3A_885 = arith.addi %scan3A_806, %add3A_884 : i32
        %swap3A_886 = arith.index_cast %add3A_885 : i32 to index
        %swap3A_887 = arith.constant 32 : index
        %swap3A_888 = tpu.vector_load %arg9[%swap3A_886, %swap3A_887] {strides = array<i32>} : memref<400x64xf32, #tpu.memory_space<vmem>>, vector<1x16xf32>,
        %swap3A_889 = vector.shape_cast %swap3A_888 : vector<1x16xf32> to vector<16xf32>
        %swap3A_890 = vector.shape_cast %add3A_883 : vector<16xf32> to vector<1x16xf32>
        tpu.vector_store %arg9[%swap3A_886, %swap3A_887], %swap3A_890 {strides = array<i32>} : memref<400x64xf32, #tpu.memory_space<vmem>>, vector<1x16xf32>,
        %get3A_891 = arith.index_cast %scan3A_806 : i32 to index
        %get3A_892 = arith.constant 48 : index
        %get3A_893 = tpu.vector_load %arg7[%get3A_891, %get3A_892] {strides = array<i32>} : memref<200x64xf32, #tpu.memory_space<vmem>>, vector<1x16xf32>,
        %get3A_894 = vector.shape_cast %get3A_893 : vector<1x16xf32> to vector<16xf32>
        %get3A_895 = arith.index_cast %scan3A_806 : i32 to index
        %get3A_896 = arith.constant 48 : index
        %get3A_897 = tpu.vector_load %arg9[%get3A_895, %get3A_896] {strides = array<i32>} : memref<400x64xf32, #tpu.memory_space<vmem>>, vector<1x16xf32>,
        %get3A_898 = vector.shape_cast %get3A_897 : vector<1x16xf32> to vector<16xf32>
        %add3A_899 = arith.addf %get3A_898, %get3A_894 : vector<16xf32>
        %swap3A_900 = arith.index_cast %scan3A_806 : i32 to index
        %swap3A_901 = arith.constant 48 : index
        %swap3A_902 = tpu.vector_load %arg9[%swap3A_900, %swap3A_901] {strides = array<i32>} : memref<400x64xf32, #tpu.memory_space<vmem>>, vector<1x16xf32>,
        %swap3A_903 = vector.shape_cast %swap3A_902 : vector<1x16xf32> to vector<16xf32>
        %swap3A_904 = vector.shape_cast %add3A_899 : vector<16xf32> to vector<1x16xf32>
        tpu.vector_store %arg9[%swap3A_900, %swap3A_901], %swap3A_904 {strides = array<i32>} : memref<400x64xf32, #tpu.memory_space<vmem>>, vector<1x16xf32>,
        %add3A_905 = arith.constant 200 : i32
        %add3A_906 = arith.addi %scan3A_806, %add3A_905 : i32
        %get3A_907 = arith.index_cast %add3A_906 : i32 to index
        %get3A_908 = arith.constant 48 : index
        %get3A_909 = tpu.vector_load %arg9[%get3A_907, %get3A_908] {strides = array<i32>} : memref<400x64xf32, #tpu.memory_space<vmem>>, vector<1x16xf32>,
        %get3A_910 = vector.shape_cast %get3A_909 : vector<1x16xf32> to vector<16xf32>
        %add3A_911 = arith.addf %get3A_910, %get3A_894 : vector<16xf32>
        %add3A_912 = arith.constant 200 : i32
        %add3A_913 = arith.addi %scan3A_806, %add3A_912 : i32
        %swap3A_914 = arith.index_cast %add3A_913 : i32 to index
        %swap3A_915 = arith.constant 48 : index
        %swap3A_916 = tpu.vector_load %arg9[%swap3A_914, %swap3A_915] {strides = array<i32>} : memref<400x64xf32, #tpu.memory_space<vmem>>, vector<1x16xf32>,
        %swap3A_917 = vector.shape_cast %swap3A_916 : vector<1x16xf32> to vector<16xf32>
        %swap3A_918 = vector.shape_cast %add3A_911 : vector<16xf32> to vector<1x16xf32>
        tpu.vector_store %arg9[%swap3A_914, %swap3A_915], %swap3A_918 {strides = array<i32>} : memref<400x64xf32, #tpu.memory_space<vmem>>, vector<1x16xf32>,
        %scan3A_919 = arith.constant 3 : i32
        %scan3A_920 = arith.addi %scan3A_580, %scan3A_919 : i32
        %get3A_921 = arith.index_cast %scan3A_920 : i32 to index
        %get3A_922 = arith.constant 0 : index
        %get3A_923 = tpu.vector_load %arg7[%get3A_921, %get3A_922] {strides = array<i32>} : memref<200x64xf32, #tpu.memory_space<vmem>>, vector<1x16xf32>,
        %get3A_924 = vector.shape_cast %get3A_923 : vector<1x16xf32> to vector<16xf32>
        %get3A_925 = arith.index_cast %scan3A_920 : i32 to index
        %get3A_926 = arith.constant 0 : index
        %get3A_927 = tpu.vector_load %arg9[%get3A_925, %get3A_926] {strides = array<i32>} : memref<400x64xf32, #tpu.memory_space<vmem>>, vector<1x16xf32>,
        %get3A_928 = vector.shape_cast %get3A_927 : vector<1x16xf32> to vector<16xf32>
        %add3A_929 = arith.addf %get3A_928, %get3A_924 : vector<16xf32>
        %swap3A_930 = arith.index_cast %scan3A_920 : i32 to index
        %swap3A_931 = arith.constant 0 : index
        %swap3A_932 = tpu.vector_load %arg9[%swap3A_930, %swap3A_931] {strides = array<i32>} : memref<400x64xf32, #tpu.memory_space<vmem>>, vector<1x16xf32>,
        %swap3A_933 = vector.shape_cast %swap3A_932 : vector<1x16xf32> to vector<16xf32>
        %swap3A_934 = vector.shape_cast %add3A_929 : vector<16xf32> to vector<1x16xf32>
        tpu.vector_store %arg9[%swap3A_930, %swap3A_931], %swap3A_934 {strides = array<i32>} : memref<400x64xf32, #tpu.memory_space<vmem>>, vector<1x16xf32>,
        %add3A_935 = arith.constant 200 : i32
        %add3A_936 = arith.addi %scan3A_920, %add3A_935 : i32
        %get3A_937 = arith.index_cast %add3A_936 : i32 to index
        %get3A_938 = arith.constant 0 : index
        %get3A_939 = tpu.vector_load %arg9[%get3A_937, %get3A_938] {strides = array<i32>} : memref<400x64xf32, #tpu.memory_space<vmem>>, vector<1x16xf32>,
        %get3A_940 = vector.shape_cast %get3A_939 : vector<1x16xf32> to vector<16xf32>
        %add3A_941 = arith.addf %get3A_940, %get3A_924 : vector<16xf32>
        %add3A_942 = arith.constant 200 : i32
        %add3A_943 = arith.addi %scan3A_920, %add3A_942 : i32
        %swap3A_944 = arith.index_cast %add3A_943 : i32 to index
        %swap3A_945 = arith.constant 0 : index
        %swap3A_946 = tpu.vector_load %arg9[%swap3A_944, %swap3A_945] {strides = array<i32>} : memref<400x64xf32, #tpu.memory_space<vmem>>, vector<1x16xf32>,
        %swap3A_947 = vector.shape_cast %swap3A_946 : vector<1x16xf32> to vector<16xf32>
        %swap3A_948 = vector.shape_cast %add3A_941 : vector<16xf32> to vector<1x16xf32>
        tpu.vector_store %arg9[%swap3A_944, %swap3A_945], %swap3A_948 {strides = array<i32>} : memref<400x64xf32, #tpu.memory_space<vmem>>, vector<1x16xf32>,
        %get3A_949 = arith.index_cast %scan3A_920 : i32 to index
        %get3A_950 = arith.constant 16 : index
        %get3A_951 = tpu.vector_load %arg7[%get3A_949, %get3A_950] {strides = array<i32>} : memref<200x64xf32, #tpu.memory_space<vmem>>, vector<1x16xf32>,
        %get3A_952 = vector.shape_cast %get3A_951 : vector<1x16xf32> to vector<16xf32>
        %get3A_953 = arith.index_cast %scan3A_920 : i32 to index
        %get3A_954 = arith.constant 16 : index
        %get3A_955 = tpu.vector_load %arg9[%get3A_953, %get3A_954] {strides = array<i32>} : memref<400x64xf32, #tpu.memory_space<vmem>>, vector<1x16xf32>,
        %get3A_956 = vector.shape_cast %get3A_955 : vector<1x16xf32> to vector<16xf32>
        %add3A_957 = arith.addf %get3A_956, %get3A_952 : vector<16xf32>
        %swap3A_958 = arith.index_cast %scan3A_920 : i32 to index
        %swap3A_959 = arith.constant 16 : index
        %swap3A_960 = tpu.vector_load %arg9[%swap3A_958, %swap3A_959] {strides = array<i32>} : memref<400x64xf32, #tpu.memory_space<vmem>>, vector<1x16xf32>,
        %swap3A_961 = vector.shape_cast %swap3A_960 : vector<1x16xf32> to vector<16xf32>
        %swap3A_962 = vector.shape_cast %add3A_957 : vector<16xf32> to vector<1x16xf32>
        tpu.vector_store %arg9[%swap3A_958, %swap3A_959], %swap3A_962 {strides = array<i32>} : memref<400x64xf32, #tpu.memory_space<vmem>>, vector<1x16xf32>,
        %add3A_963 = arith.constant 200 : i32
        %add3A_964 = arith.addi %scan3A_920, %add3A_963 : i32
        %get3A_965 = arith.index_cast %add3A_964 : i32 to index
        %get3A_966 = arith.constant 16 : index
        %get3A_967 = tpu.vector_load %arg9[%get3A_965, %get3A_966] {strides = array<i32>} : memref<400x64xf32, #tpu.memory_space<vmem>>, vector<1x16xf32>,
        %get3A_968 = vector.shape_cast %get3A_967 : vector<1x16xf32> to vector<16xf32>
        %add3A_969 = arith.addf %get3A_968, %get3A_952 : vector<16xf32>
        %add3A_970 = arith.constant 200 : i32
        %add3A_971 = arith.addi %scan3A_920, %add3A_970 : i32
        %swap3A_972 = arith.index_cast %add3A_971 : i32 to index
        %swap3A_973 = arith.constant 16 : index
        %swap3A_974 = tpu.vector_load %arg9[%swap3A_972, %swap3A_973] {strides = array<i32>} : memref<400x64xf32, #tpu.memory_space<vmem>>, vector<1x16xf32>,
        %swap3A_975 = vector.shape_cast %swap3A_974 : vector<1x16xf32> to vector<16xf32>
        %swap3A_976 = vector.shape_cast %add3A_969 : vector<16xf32> to vector<1x16xf32>
        tpu.vector_store %arg9[%swap3A_972, %swap3A_973], %swap3A_976 {strides = array<i32>} : memref<400x64xf32, #tpu.memory_space<vmem>>, vector<1x16xf32>,
        %get3A_977 = arith.index_cast %scan3A_920 : i32 to index
        %get3A_978 = arith.constant 32 : index
        %get3A_979 = tpu.vector_load %arg7[%get3A_977, %get3A_978] {strides = array<i32>} : memref<200x64xf32, #tpu.memory_space<vmem>>, vector<1x16xf32>,
        %get3A_980 = vector.shape_cast %get3A_979 : vector<1x16xf32> to vector<16xf32>
        %get3A_981 = arith.index_cast %scan3A_920 : i32 to index
        %get3A_982 = arith.constant 32 : index
        %get3A_983 = tpu.vector_load %arg9[%get3A_981, %get3A_982] {strides = array<i32>} : memref<400x64xf32, #tpu.memory_space<vmem>>, vector<1x16xf32>,
        %get3A_984 = vector.shape_cast %get3A_983 : vector<1x16xf32> to vector<16xf32>
        %add3A_985 = arith.addf %get3A_984, %get3A_980 : vector<16xf32>
        %swap3A_986 = arith.index_cast %scan3A_920 : i32 to index
        %swap3A_987 = arith.constant 32 : index
        %swap3A_988 = tpu.vector_load %arg9[%swap3A_986, %swap3A_987] {strides = array<i32>} : memref<400x64xf32, #tpu.memory_space<vmem>>, vector<1x16xf32>,
        %swap3A_989 = vector.shape_cast %swap3A_988 : vector<1x16xf32> to vector<16xf32>
        %swap3A_990 = vector.shape_cast %add3A_985 : vector<16xf32> to vector<1x16xf32>
        tpu.vector_store %arg9[%swap3A_986, %swap3A_987], %swap3A_990 {strides = array<i32>} : memref<400x64xf32, #tpu.memory_space<vmem>>, vector<1x16xf32>,
        %add3A_991 = arith.constant 200 : i32
        %add3A_992 = arith.addi %scan3A_920, %add3A_991 : i32
        %get3A_993 = arith.index_cast %add3A_992 : i32 to index
        %get3A_994 = arith.constant 32 : index
        %get3A_995 = tpu.vector_load %arg9[%get3A_993, %get3A_994] {strides = array<i32>} : memref<400x64xf32, #tpu.memory_space<vmem>>, vector<1x16xf32>,
        %get3A_996 = vector.shape_cast %get3A_995 : vector<1x16xf32> to vector<16xf32>
        %add3A_997 = arith.addf %get3A_996, %get3A_980 : vector<16xf32>
        %add3A_998 = arith.constant 200 : i32
        %add3A_999 = arith.addi %scan3A_920, %add3A_998 : i32
        %swap3A_1000 = arith.index_cast %add3A_999 : i32 to index
        %swap3A_1001 = arith.constant 32 : index
        %swap3A_1002 = tpu.vector_load %arg9[%swap3A_1000, %swap3A_1001] {strides = array<i32>} : memref<400x64xf32, #tpu.memory_space<vmem>>, vector<1x16xf32>,
        %swap3A_1003 = vector.shape_cast %swap3A_1002 : vector<1x16xf32> to vector<16xf32>
        %swap3A_1004 = vector.shape_cast %add3A_997 : vector<16xf32> to vector<1x16xf32>
        tpu.vector_store %arg9[%swap3A_1000, %swap3A_1001], %swap3A_1004 {strides = array<i32>} : memref<400x64xf32, #tpu.memory_space<vmem>>, vector<1x16xf32>,
        %get3A_1005 = arith.index_cast %scan3A_920 : i32 to index
        %get3A_1006 = arith.constant 48 : index
        %get3A_1007 = tpu.vector_load %arg7[%get3A_1005, %get3A_1006] {strides = array<i32>} : memref<200x64xf32, #tpu.memory_space<vmem>>, vector<1x16xf32>,
        %get3A_1008 = vector.shape_cast %get3A_1007 : vector<1x16xf32> to vector<16xf32>
        %get3A_1009 = arith.index_cast %scan3A_920 : i32 to index
        %get3A_1010 = arith.constant 48 : index
        %get3A_1011 = tpu.vector_load %arg9[%get3A_1009, %get3A_1010] {strides = array<i32>} : memref<400x64xf32, #tpu.memory_space<vmem>>, vector<1x16xf32>,
        %get3A_1012 = vector.shape_cast %get3A_1011 : vector<1x16xf32> to vector<16xf32>
        %add3A_1013 = arith.addf %get3A_1012, %get3A_1008 : vector<16xf32>
        %swap3A_1014 = arith.index_cast %scan3A_920 : i32 to index
        %swap3A_1015 = arith.constant 48 : index
        %swap3A_1016 = tpu.vector_load %arg9[%swap3A_1014, %swap3A_1015] {strides = array<i32>} : memref<400x64xf32, #tpu.memory_space<vmem>>, vector<1x16xf32>,
        %swap3A_1017 = vector.shape_cast %swap3A_1016 : vector<1x16xf32> to vector<16xf32>
        %swap3A_1018 = vector.shape_cast %add3A_1013 : vector<16xf32> to vector<1x16xf32>
        tpu.vector_store %arg9[%swap3A_1014, %swap3A_1015], %swap3A_1018 {strides = array<i32>} : memref<400x64xf32, #tpu.memory_space<vmem>>, vector<1x16xf32>,
        %add3A_1019 = arith.constant 200 : i32
        %add3A_1020 = arith.addi %scan3A_920, %add3A_1019 : i32
        %get3A_1021 = arith.index_cast %add3A_1020 : i32 to index
        %get3A_1022 = arith.constant 48 : index
        %get3A_1023 = tpu.vector_load %arg9[%get3A_1021, %get3A_1022] {strides = array<i32>} : memref<400x64xf32, #tpu.memory_space<vmem>>, vector<1x16xf32>,
        %get3A_1024 = vector.shape_cast %get3A_1023 : vector<1x16xf32> to vector<16xf32>
        %add3A_1025 = arith.addf %get3A_1024, %get3A_1008 : vector<16xf32>
        %add3A_1026 = arith.constant 200 : i32
        %add3A_1027 = arith.addi %scan3A_920, %add3A_1026 : i32
        %swap3A_1028 = arith.index_cast %add3A_1027 : i32 to index
        %swap3A_1029 = arith.constant 48 : index
        %swap3A_1030 = tpu.vector_load %arg9[%swap3A_1028, %swap3A_1029] {strides = array<i32>} : memref<400x64xf32, #tpu.memory_space<vmem>>, vector<1x16xf32>,
        %swap3A_1031 = vector.shape_cast %swap3A_1030 : vector<1x16xf32> to vector<16xf32>
        %swap3A_1032 = vector.shape_cast %add3A_1025 : vector<16xf32> to vector<1x16xf32>
        tpu.vector_store %arg9[%swap3A_1028, %swap3A_1029], %swap3A_1032 {strides = array<i32>} : memref<400x64xf32, #tpu.memory_space<vmem>>, vector<1x16xf32>,
      }
      %scan3A_409 = arith.constant 200 : i32
      %mul3A_410 = arith.constant 128 : i32
      %mul3A_411 = arith.muli %add3A, %mul3A_410 : i32
      %mul3A_412 = arith.constant 2 : i32
      %mul3A_413 = arith.muli %mul3A_412, %add3A_325 : i32
      %add3A_414 = arith.addi %mul3A_411, %mul3A_413 : i32
      %add3A_415 = arith.constant 0 : i32
      %add3A_416 = arith.addi %add3A_414, %add3A_415 : i32
      %dma_start3A_417 = arith.constant 0 : i32
      %dma_start3A_418 = arith.constant 0 : i32
      %dma_start3A_419 = tpu.memref_slice %arg9[%dma_start3A_417, %dma_start3A_418] : memref<400x64xf32, #tpu.memory_space<vmem>> -> memref<200x64xf32, #tpu.memory_space<vmem>>
      %dma_start3A_420 = arith.constant 0 : i32
      %dma_start3A_421 = arith.constant 0 : i32
      %dma_start3A_422 = tpu.memref_slice %arg5[%add3A_416, %dma_start3A_420, %dma_start3A_421] : memref<4096x200x64xf32, #tpu.memory_space<hbm>> -> memref<1x200x64xf32, #tpu.memory_space<hbm>>
      %dma_start3A_423 = tpu.memref_squeeze %dma_start3A_422 : memref<1x200x64xf32, #tpu.memory_space<hbm>> -> memref<200x64xf32, #tpu.memory_space<hbm>>
      %dma_start3A_424 = arith.constant 0 : i32
      %dma_start3A_425 = arith.constant 0 : i32
      %dma_start3A_426 = tpu.memref_slice %arg5[%add3A_416, %dma_start3A_424, %dma_start3A_425] : memref<4096x200x64xf32, #tpu.memory_space<hbm>> -> memref<1x200x64xf32, #tpu.memory_space<hbm>>
      %dma_start3A_427 = tpu.memref_squeeze %dma_start3A_426 : memref<1x200x64xf32, #tpu.memory_space<hbm>> -> memref<200x64xf32, #tpu.memory_space<hbm>>
      %dma_start3A_428 = arith.constant 0 : i32
      %dma_start3A_429 = arith.constant 0 : i32
      %dma_start3A_430 = tpu.memref_slice %arg9[%dma_start3A_428, %dma_start3A_429] : memref<400x64xf32, #tpu.memory_space<vmem>> -> memref<200x64xf32, #tpu.memory_space<vmem>>
      tpu.enqueue_dma source(%dma_start3A_430 : memref<200x64xf32, #tpu.memory_space<vmem>>) target(%dma_start3A_427 : memref<200x64xf32, #tpu.memory_space<hbm>>) target_semaphore(%arg15 : memref<!tpu.dma_semaphore, #tpu.memory_space<semaphore_mem>>)
      %mul3A_431 = arith.constant 128 : i32
      %mul3A_432 = arith.muli %add3A, %mul3A_431 : i32
      %mul3A_433 = arith.constant 2 : i32
      %mul3A_434 = arith.muli %mul3A_433, %add3A_325 : i32
      %add3A_435 = arith.addi %mul3A_432, %mul3A_434 : i32
      %add3A_436 = arith.constant 1 : i32
      %add3A_437 = arith.addi %add3A_435, %add3A_436 : i32
      %dma_start3A_438 = arith.constant 200 : i32
      %dma_start3A_439 = arith.constant 0 : i32
      %dma_start3A_440 = tpu.memref_slice %arg9[%dma_start3A_438, %dma_start3A_439] : memref<400x64xf32, #tpu.memory_space<vmem>> -> memref<200x64xf32, #tpu.memory_space<vmem>>
      %dma_start3A_441 = arith.constant 0 : i32
      %dma_start3A_442 = arith.constant 0 : i32
      %dma_start3A_443 = tpu.memref_slice %arg5[%add3A_437, %dma_start3A_441, %dma_start3A_442] : memref<4096x200x64xf32, #tpu.memory_space<hbm>> -> memref<1x200x64xf32, #tpu.memory_space<hbm>>
      %dma_start3A_444 = tpu.memref_squeeze %dma_start3A_443 : memref<1x200x64xf32, #tpu.memory_space<hbm>> -> memref<200x64xf32, #tpu.memory_space<hbm>>
      %dma_start3A_445 = arith.constant 0 : i32
      %dma_start3A_446 = arith.constant 0 : i32
      %dma_start3A_447 = tpu.memref_slice %arg5[%add3A_437, %dma_start3A_445, %dma_start3A_446] : memref<4096x200x64xf32, #tpu.memory_space<hbm>> -> memref<1x200x64xf32, #tpu.memory_space<hbm>>
      %dma_start3A_448 = tpu.memref_squeeze %dma_start3A_447 : memref<1x200x64xf32, #tpu.memory_space<hbm>> -> memref<200x64xf32, #tpu.memory_space<hbm>>
      %dma_start3A_449 = arith.constant 200 : i32
      %dma_start3A_450 = arith.constant 0 : i32
      %dma_start3A_451 = tpu.memref_slice %arg9[%dma_start3A_449, %dma_start3A_450] : memref<400x64xf32, #tpu.memory_space<vmem>> -> memref<200x64xf32, #tpu.memory_space<vmem>>
      tpu.enqueue_dma source(%dma_start3A_451 : memref<200x64xf32, #tpu.memory_space<vmem>>) target(%dma_start3A_448 : memref<200x64xf32, #tpu.memory_space<hbm>>) target_semaphore(%arg15 : memref<!tpu.dma_semaphore, #tpu.memory_space<semaphore_mem>>)
      %add3A_452 = arith.constant 2 : i32
      %add3A_453 = arith.addi %mul3A_200, %add3A_452 : i32
      %dma_wait3A_454 = arith.constant 0 : i32
      %dma_wait3A_455 = arith.constant 0 : i32
      %dma_wait3A_456 = tpu.memref_slice %arg3[%dma_wait3A_454, %dma_wait3A_455] : memref<100000x64xf32, #tpu.memory_space<hbm>> -> memref<400x64xf32, #tpu.memory_space<hbm>>
      %dma_wait3A_457 = arith.constant 0 : i32
      %dma_wait3A_458 = arith.constant 0 : i32
      %dma_wait3A_459 = tpu.memref_slice %arg3[%dma_wait3A_457, %dma_wait3A_458] : memref<100000x64xf32, #tpu.memory_space<hbm>> -> memref<400x64xf32, #tpu.memory_space<hbm>>
      tpu.wait_dma2 semaphore(%arg13 : memref<!tpu.dma_semaphore, #tpu.memory_space<semaphore_mem>>) src(%dma_wait3A_459 : memref<400x64xf32, #tpu.memory_space<hbm>>) dst(%arg10 : memref<400x64xf32, #tpu.memory_space<vmem>>)
      %ge3A_460 = arith.constant 2 : i32
      %ge3A_461 = arith.cmpi sge, %add3A_453, %ge3A_460 : i32
      %convert_element_type3A_462 = arith.extui %ge3A_461 : i1 to i32
      %cond3A_463 = arith.constant 0 : i32
      %cond3A_464 = arith.cmpi ne, %convert_element_type3A_462, %cond3A_463 : i32
      scf.if %cond3A_464 {
        %dma_wait3A_580 = arith.constant 0 : i32
        %dma_wait3A_581 = arith.constant 0 : i32
        %dma_wait3A_582 = arith.constant 0 : i32
        %dma_wait3A_583 = tpu.memref_slice %arg8[%dma_wait3A_581, %dma_wait3A_582] : memref<400x64xf32, #tpu.memory_space<vmem>> -> memref<200x64xf32, #tpu.memory_space<vmem>>
        %dma_wait3A_584 = arith.constant 0 : i32
        %dma_wait3A_585 = arith.constant 0 : i32
        %dma_wait3A_586 = tpu.memref_slice %arg5[%dma_wait3A_580, %dma_wait3A_584, %dma_wait3A_585] : memref<4096x200x64xf32, #tpu.memory_space<hbm>> -> memref<1x200x64xf32, #tpu.memory_space<hbm>>
        %dma_wait3A_587 = tpu.memref_squeeze %dma_wait3A_586 : memref<1x200x64xf32, #tpu.memory_space<hbm>> -> memref<200x64xf32, #tpu.memory_space<hbm>>
        %dma_wait3A_588 = arith.constant 0 : i32
        %dma_wait3A_589 = arith.constant 0 : i32
        %dma_wait3A_590 = tpu.memref_slice %arg5[%dma_wait3A_580, %dma_wait3A_588, %dma_wait3A_589] : memref<4096x200x64xf32, #tpu.memory_space<hbm>> -> memref<1x200x64xf32, #tpu.memory_space<hbm>>
        %dma_wait3A_591 = tpu.memref_squeeze %dma_wait3A_590 : memref<1x200x64xf32, #tpu.memory_space<hbm>> -> memref<200x64xf32, #tpu.memory_space<hbm>>
        %dma_wait3A_592 = arith.constant 0 : i32
        %dma_wait3A_593 = arith.constant 0 : i32
        %dma_wait3A_594 = tpu.memref_slice %arg8[%dma_wait3A_592, %dma_wait3A_593] : memref<400x64xf32, #tpu.memory_space<vmem>> -> memref<200x64xf32, #tpu.memory_space<vmem>>
        tpu.wait_dma2 semaphore(%arg14 : memref<!tpu.dma_semaphore, #tpu.memory_space<semaphore_mem>>) src(%dma_wait3A_594 : memref<200x64xf32, #tpu.memory_space<vmem>>) dst(%dma_wait3A_591 : memref<200x64xf32, #tpu.memory_space<hbm>>)
        %dma_wait3A_595 = arith.constant 0 : i32
        %dma_wait3A_596 = arith.constant 0 : i32
        %dma_wait3A_597 = arith.constant 0 : i32
        %dma_wait3A_598 = tpu.memref_slice %arg8[%dma_wait3A_596, %dma_wait3A_597] : memref<400x64xf32, #tpu.memory_space<vmem>> -> memref<200x64xf32, #tpu.memory_space<vmem>>
        %dma_wait3A_599 = arith.constant 0 : i32
        %dma_wait3A_600 = arith.constant 0 : i32
        %dma_wait3A_601 = tpu.memref_slice %arg5[%dma_wait3A_595, %dma_wait3A_599, %dma_wait3A_600] : memref<4096x200x64xf32, #tpu.memory_space<hbm>> -> memref<1x200x64xf32, #tpu.memory_space<hbm>>
        %dma_wait3A_602 = tpu.memref_squeeze %dma_wait3A_601 : memref<1x200x64xf32, #tpu.memory_space<hbm>> -> memref<200x64xf32, #tpu.memory_space<hbm>>
        %dma_wait3A_603 = arith.constant 0 : i32
        %dma_wait3A_604 = arith.constant 0 : i32
        %dma_wait3A_605 = tpu.memref_slice %arg5[%dma_wait3A_595, %dma_wait3A_603, %dma_wait3A_604] : memref<4096x200x64xf32, #tpu.memory_space<hbm>> -> memref<1x200x64xf32, #tpu.memory_space<hbm>>
        %dma_wait3A_606 = tpu.memref_squeeze %dma_wait3A_605 : memref<1x200x64xf32, #tpu.memory_space<hbm>> -> memref<200x64xf32, #tpu.memory_space<hbm>>
        %dma_wait3A_607 = arith.constant 0 : i32
        %dma_wait3A_608 = arith.constant 0 : i32
        %dma_wait3A_609 = tpu.memref_slice %arg8[%dma_wait3A_607, %dma_wait3A_608] : memref<400x64xf32, #tpu.memory_space<vmem>> -> memref<200x64xf32, #tpu.memory_space<vmem>>
        tpu.wait_dma2 semaphore(%arg14 : memref<!tpu.dma_semaphore, #tpu.memory_space<semaphore_mem>>) src(%dma_wait3A_609 : memref<200x64xf32, #tpu.memory_space<vmem>>) dst(%dma_wait3A_606 : memref<200x64xf32, #tpu.memory_space<hbm>>)
      } else {
      }
      %add3A_465 = arith.constant 1 : i32
      %add3A_466 = arith.addi %add3A_453, %add3A_465 : i32
      %mul3A_467 = arith.constant 5 : i32
      %mul3A_468 = arith.muli %add3A_466, %mul3A_467 : i32
      %add3A_469 = arith.constant 0 : i32
      %add3A_470 = arith.addi %mul3A_468, %add3A_469 : i32
      %dma_start3A_471 = arith.constant 0 : i32
      %dma_start3A_472 = arith.constant 0 : i32
      %dma_start3A_473 = tpu.memref_slice %arg8[%dma_start3A_471, %dma_start3A_472] : memref<400x64xf32, #tpu.memory_space<vmem>> -> memref<80x64xf32, #tpu.memory_space<vmem>>
      %dma_start3A_474 = arith.constant 0 : i32
      %dma_start3A_475 = tpu.memref_slice %arg6[%add3A_470, %dma_start3A_474] : memref<320x80xi32, #tpu.memory_space<vmem>> -> memref<1x80xi32, #tpu.memory_space<vmem>>
      %dma_start3A_476 = tpu.memref_squeeze %dma_start3A_475 : memref<1x80xi32, #tpu.memory_space<vmem>> -> memref<80xi32, #tpu.memory_space<vmem>>
      %dma_start3A_477 = arith.constant 0 : i32
      %dma_start3A_478 = arith.constant 0 : i32
      %dma_start3A_479 = tpu.memref_slice %arg3[%dma_start3A_477, %dma_start3A_478] : memref<100000x64xf32, #tpu.memory_space<hbm>> -> memref<100000x64xf32, #tpu.memory_space<hbm>>
      tpu.enqueue_indirect_dma source(%dma_start3A_479 : memref<100000x64xf32, #tpu.memory_space<hbm>>) target(%dma_start3A_473 : memref<80x64xf32, #tpu.memory_space<vmem>>) offsets(%dma_start3A_476 : memref<80xi32, #tpu.memory_space<vmem>>) semaphore(%arg11 : memref<!tpu.dma_semaphore, #tpu.memory_space<semaphore_mem>>)
      %mul3A_480 = arith.constant 5 : i32
      %mul3A_481 = arith.muli %add3A_466, %mul3A_480 : i32
      %add3A_482 = arith.constant 1 : i32
      %add3A_483 = arith.addi %mul3A_481, %add3A_482 : i32
      %dma_start3A_484 = arith.constant 80 : i32
      %dma_start3A_485 = arith.constant 0 : i32
      %dma_start3A_486 = tpu.memref_slice %arg8[%dma_start3A_484, %dma_start3A_485] : memref<400x64xf32, #tpu.memory_space<vmem>> -> memref<80x64xf32, #tpu.memory_space<vmem>>
      %dma_start3A_487 = arith.constant 0 : i32
      %dma_start3A_488 = tpu.memref_slice %arg6[%add3A_483, %dma_start3A_487] : memref<320x80xi32, #tpu.memory_space<vmem>> -> memref<1x80xi32, #tpu.memory_space<vmem>>
      %dma_start3A_489 = tpu.memref_squeeze %dma_start3A_488 : memref<1x80xi32, #tpu.memory_space<vmem>> -> memref<80xi32, #tpu.memory_space<vmem>>
      %dma_start3A_490 = arith.constant 0 : i32
      %dma_start3A_491 = arith.constant 0 : i32
      %dma_start3A_492 = tpu.memref_slice %arg3[%dma_start3A_490, %dma_start3A_491] : memref<100000x64xf32, #tpu.memory_space<hbm>> -> memref<100000x64xf32, #tpu.memory_space<hbm>>
      tpu.enqueue_indirect_dma source(%dma_start3A_492 : memref<100000x64xf32, #tpu.memory_space<hbm>>) target(%dma_start3A_486 : memref<80x64xf32, #tpu.memory_space<vmem>>) offsets(%dma_start3A_489 : memref<80xi32, #tpu.memory_space<vmem>>) semaphore(%arg11 : memref<!tpu.dma_semaphore, #tpu.memory_space<semaphore_mem>>)
      %mul3A_493 = arith.constant 5 : i32
      %mul3A_494 = arith.muli %add3A_466, %mul3A_493 : i32
      %add3A_495 = arith.constant 2 : i32
      %add3A_496 = arith.addi %mul3A_494, %add3A_495 : i32
      %dma_start3A_497 = arith.constant 160 : i32
      %dma_start3A_498 = arith.constant 0 : i32
      %dma_start3A_499 = tpu.memref_slice %arg8[%dma_start3A_497, %dma_start3A_498] : memref<400x64xf32, #tpu.memory_space<vmem>> -> memref<80x64xf32, #tpu.memory_space<vmem>>
      %dma_start3A_500 = arith.constant 0 : i32
      %dma_start3A_501 = tpu.memref_slice %arg6[%add3A_496, %dma_start3A_500] : memref<320x80xi32, #tpu.memory_space<vmem>> -> memref<1x80xi32, #tpu.memory_space<vmem>>
      %dma_start3A_502 = tpu.memref_squeeze %dma_start3A_501 : memref<1x80xi32, #tpu.memory_space<vmem>> -> memref<80xi32, #tpu.memory_space<vmem>>
      %dma_start3A_503 = arith.constant 0 : i32
      %dma_start3A_504 = arith.constant 0 : i32
      %dma_start3A_505 = tpu.memref_slice %arg3[%dma_start3A_503, %dma_start3A_504] : memref<100000x64xf32, #tpu.memory_space<hbm>> -> memref<100000x64xf32, #tpu.memory_space<hbm>>
      tpu.enqueue_indirect_dma source(%dma_start3A_505 : memref<100000x64xf32, #tpu.memory_space<hbm>>) target(%dma_start3A_499 : memref<80x64xf32, #tpu.memory_space<vmem>>) offsets(%dma_start3A_502 : memref<80xi32, #tpu.memory_space<vmem>>) semaphore(%arg11 : memref<!tpu.dma_semaphore, #tpu.memory_space<semaphore_mem>>)
      %mul3A_506 = arith.constant 5 : i32
      %mul3A_507 = arith.muli %add3A_466, %mul3A_506 : i32
      %add3A_508 = arith.constant 3 : i32
      %add3A_509 = arith.addi %mul3A_507, %add3A_508 : i32
      %dma_start3A_510 = arith.constant 240 : i32
      %dma_start3A_511 = arith.constant 0 : i32
      %dma_start3A_512 = tpu.memref_slice %arg8[%dma_start3A_510, %dma_start3A_511] : memref<400x64xf32, #tpu.memory_space<vmem>> -> memref<80x64xf32, #tpu.memory_space<vmem>>
      %dma_start3A_513 = arith.constant 0 : i32
      %dma_start3A_514 = tpu.memref_slice %arg6[%add3A_509, %dma_start3A_513] : memref<320x80xi32, #tpu.memory_space<vmem>> -> memref<1x80xi32, #tpu.memory_space<vmem>>
      %dma_start3A_515 = tpu.memref_squeeze %dma_start3A_514 : memref<1x80xi32, #tpu.memory_space<vmem>> -> memref<80xi32, #tpu.memory_space<vmem>>
      %dma_start3A_516 = arith.constant 0 : i32
      %dma_start3A_517 = arith.constant 0 : i32
      %dma_start3A_518 = tpu.memref_slice %arg3[%dma_start3A_516, %dma_start3A_517] : memref<100000x64xf32, #tpu.memory_space<hbm>> -> memref<100000x64xf32, #tpu.memory_space<hbm>>
      tpu.enqueue_indirect_dma source(%dma_start3A_518 : memref<100000x64xf32, #tpu.memory_space<hbm>>) target(%dma_start3A_512 : memref<80x64xf32, #tpu.memory_space<vmem>>) offsets(%dma_start3A_515 : memref<80xi32, #tpu.memory_space<vmem>>) semaphore(%arg11 : memref<!tpu.dma_semaphore, #tpu.memory_space<semaphore_mem>>)
      %mul3A_519 = arith.constant 5 : i32
      %mul3A_520 = arith.muli %add3A_466, %mul3A_519 : i32
      %add3A_521 = arith.constant 4 : i32
      %add3A_522 = arith.addi %mul3A_520, %add3A_521 : i32
      %dma_start3A_523 = arith.constant 320 : i32
      %dma_start3A_524 = arith.constant 0 : i32
      %dma_start3A_525 = tpu.memref_slice %arg8[%dma_start3A_523, %dma_start3A_524] : memref<400x64xf32, #tpu.memory_space<vmem>> -> memref<80x64xf32, #tpu.memory_space<vmem>>
      %dma_start3A_526 = arith.constant 0 : i32
      %dma_start3A_527 = tpu.memref_slice %arg6[%add3A_522, %dma_start3A_526] : memref<320x80xi32, #tpu.memory_space<vmem>> -> memref<1x80xi32, #tpu.memory_space<vmem>>
      %dma_start3A_528 = tpu.memref_squeeze %dma_start3A_527 : memref<1x80xi32, #tpu.memory_space<vmem>> -> memref<80xi32, #tpu.memory_space<vmem>>
      %dma_start3A_529 = arith.constant 0 : i32
      %dma_start3A_530 = arith.constant 0 : i32
      %dma_start3A_531 = tpu.memref_slice %arg3[%dma_start3A_529, %dma_start3A_530] : memref<100000x64xf32, #tpu.memory_space<hbm>> -> memref<100000x64xf32, #tpu.memory_space<hbm>>
      tpu.enqueue_indirect_dma source(%dma_start3A_531 : memref<100000x64xf32, #tpu.memory_space<hbm>>) target(%dma_start3A_525 : memref<80x64xf32, #tpu.memory_space<vmem>>) offsets(%dma_start3A_528 : memref<80xi32, #tpu.memory_space<vmem>>) semaphore(%arg11 : memref<!tpu.dma_semaphore, #tpu.memory_space<semaphore_mem>>)
      %scan3A_532 = arith.constant 0 : i32
      %scan3A_533 = arith.constant 0 : i32
      %scan3A_534 = arith.constant 200 : i32
      %scan3A_535 = arith.addi %scan3A_533, %scan3A_534 : i32
      %scan3A_536 = arith.constant 4 : i32
      scf.for %scan3A_580 = %scan3A_533 to %scan3A_535 step %scan3A_536  : i32 {
        %get3A = arith.index_cast %scan3A_580 : i32 to index
        %get3A_581 = arith.constant 0 : index
        %get3A_582 = tpu.vector_load %arg7[%get3A, %get3A_581] {strides = array<i32>} : memref<200x64xf32, #tpu.memory_space<vmem>>, vector<1x16xf32>,
        %get3A_583 = vector.shape_cast %get3A_582 : vector<1x16xf32> to vector<16xf32>
        %get3A_584 = arith.index_cast %scan3A_580 : i32 to index
        %get3A_585 = arith.constant 0 : index
        %get3A_586 = tpu.vector_load %arg10[%get3A_584, %get3A_585] {strides = array<i32>} : memref<400x64xf32, #tpu.memory_space<vmem>>, vector<1x16xf32>,
        %get3A_587 = vector.shape_cast %get3A_586 : vector<1x16xf32> to vector<16xf32>
        %add3A_588 = arith.addf %get3A_587, %get3A_583 : vector<16xf32>
        %swap3A = arith.index_cast %scan3A_580 : i32 to index
        %swap3A_589 = arith.constant 0 : index
        %swap3A_590 = tpu.vector_load %arg10[%swap3A, %swap3A_589] {strides = array<i32>} : memref<400x64xf32, #tpu.memory_space<vmem>>, vector<1x16xf32>,
        %swap3A_591 = vector.shape_cast %swap3A_590 : vector<1x16xf32> to vector<16xf32>
        %swap3A_592 = vector.shape_cast %add3A_588 : vector<16xf32> to vector<1x16xf32>
        tpu.vector_store %arg10[%swap3A, %swap3A_589], %swap3A_592 {strides = array<i32>} : memref<400x64xf32, #tpu.memory_space<vmem>>, vector<1x16xf32>,
        %add3A_593 = arith.constant 200 : i32
        %add3A_594 = arith.addi %scan3A_580, %add3A_593 : i32
        %get3A_595 = arith.index_cast %add3A_594 : i32 to index
        %get3A_596 = arith.constant 0 : index
        %get3A_597 = tpu.vector_load %arg10[%get3A_595, %get3A_596] {strides = array<i32>} : memref<400x64xf32, #tpu.memory_space<vmem>>, vector<1x16xf32>,
        %get3A_598 = vector.shape_cast %get3A_597 : vector<1x16xf32> to vector<16xf32>
        %add3A_599 = arith.addf %get3A_598, %get3A_583 : vector<16xf32>
        %add3A_600 = arith.constant 200 : i32
        %add3A_601 = arith.addi %scan3A_580, %add3A_600 : i32
        %swap3A_602 = arith.index_cast %add3A_601 : i32 to index
        %swap3A_603 = arith.constant 0 : index
        %swap3A_604 = tpu.vector_load %arg10[%swap3A_602, %swap3A_603] {strides = array<i32>} : memref<400x64xf32, #tpu.memory_space<vmem>>, vector<1x16xf32>,
        %swap3A_605 = vector.shape_cast %swap3A_604 : vector<1x16xf32> to vector<16xf32>
        %swap3A_606 = vector.shape_cast %add3A_599 : vector<16xf32> to vector<1x16xf32>
        tpu.vector_store %arg10[%swap3A_602, %swap3A_603], %swap3A_606 {strides = array<i32>} : memref<400x64xf32, #tpu.memory_space<vmem>>, vector<1x16xf32>,
        %get3A_607 = arith.index_cast %scan3A_580 : i32 to index
        %get3A_608 = arith.constant 16 : index
        %get3A_609 = tpu.vector_load %arg7[%get3A_607, %get3A_608] {strides = array<i32>} : memref<200x64xf32, #tpu.memory_space<vmem>>, vector<1x16xf32>,
        %get3A_610 = vector.shape_cast %get3A_609 : vector<1x16xf32> to vector<16xf32>
        %get3A_611 = arith.index_cast %scan3A_580 : i32 to index
        %get3A_612 = arith.constant 16 : index
        %get3A_613 = tpu.vector_load %arg10[%get3A_611, %get3A_612] {strides = array<i32>} : memref<400x64xf32, #tpu.memory_space<vmem>>, vector<1x16xf32>,
        %get3A_614 = vector.shape_cast %get3A_613 : vector<1x16xf32> to vector<16xf32>
        %add3A_615 = arith.addf %get3A_614, %get3A_610 : vector<16xf32>
        %swap3A_616 = arith.index_cast %scan3A_580 : i32 to index
        %swap3A_617 = arith.constant 16 : index
        %swap3A_618 = tpu.vector_load %arg10[%swap3A_616, %swap3A_617] {strides = array<i32>} : memref<400x64xf32, #tpu.memory_space<vmem>>, vector<1x16xf32>,
        %swap3A_619 = vector.shape_cast %swap3A_618 : vector<1x16xf32> to vector<16xf32>
        %swap3A_620 = vector.shape_cast %add3A_615 : vector<16xf32> to vector<1x16xf32>
        tpu.vector_store %arg10[%swap3A_616, %swap3A_617], %swap3A_620 {strides = array<i32>} : memref<400x64xf32, #tpu.memory_space<vmem>>, vector<1x16xf32>,
        %add3A_621 = arith.constant 200 : i32
        %add3A_622 = arith.addi %scan3A_580, %add3A_621 : i32
        %get3A_623 = arith.index_cast %add3A_622 : i32 to index
        %get3A_624 = arith.constant 16 : index
        %get3A_625 = tpu.vector_load %arg10[%get3A_623, %get3A_624] {strides = array<i32>} : memref<400x64xf32, #tpu.memory_space<vmem>>, vector<1x16xf32>,
        %get3A_626 = vector.shape_cast %get3A_625 : vector<1x16xf32> to vector<16xf32>
        %add3A_627 = arith.addf %get3A_626, %get3A_610 : vector<16xf32>
        %add3A_628 = arith.constant 200 : i32
        %add3A_629 = arith.addi %scan3A_580, %add3A_628 : i32
        %swap3A_630 = arith.index_cast %add3A_629 : i32 to index
        %swap3A_631 = arith.constant 16 : index
        %swap3A_632 = tpu.vector_load %arg10[%swap3A_630, %swap3A_631] {strides = array<i32>} : memref<400x64xf32, #tpu.memory_space<vmem>>, vector<1x16xf32>,
        %swap3A_633 = vector.shape_cast %swap3A_632 : vector<1x16xf32> to vector<16xf32>
        %swap3A_634 = vector.shape_cast %add3A_627 : vector<16xf32> to vector<1x16xf32>
        tpu.vector_store %arg10[%swap3A_630, %swap3A_631], %swap3A_634 {strides = array<i32>} : memref<400x64xf32, #tpu.memory_space<vmem>>, vector<1x16xf32>,
        %get3A_635 = arith.index_cast %scan3A_580 : i32 to index
        %get3A_636 = arith.constant 32 : index
        %get3A_637 = tpu.vector_load %arg7[%get3A_635, %get3A_636] {strides = array<i32>} : memref<200x64xf32, #tpu.memory_space<vmem>>, vector<1x16xf32>,
        %get3A_638 = vector.shape_cast %get3A_637 : vector<1x16xf32> to vector<16xf32>
        %get3A_639 = arith.index_cast %scan3A_580 : i32 to index
        %get3A_640 = arith.constant 32 : index
        %get3A_641 = tpu.vector_load %arg10[%get3A_639, %get3A_640] {strides = array<i32>} : memref<400x64xf32, #tpu.memory_space<vmem>>, vector<1x16xf32>,
        %get3A_642 = vector.shape_cast %get3A_641 : vector<1x16xf32> to vector<16xf32>
        %add3A_643 = arith.addf %get3A_642, %get3A_638 : vector<16xf32>
        %swap3A_644 = arith.index_cast %scan3A_580 : i32 to index
        %swap3A_645 = arith.constant 32 : index
        %swap3A_646 = tpu.vector_load %arg10[%swap3A_644, %swap3A_645] {strides = array<i32>} : memref<400x64xf32, #tpu.memory_space<vmem>>, vector<1x16xf32>,
        %swap3A_647 = vector.shape_cast %swap3A_646 : vector<1x16xf32> to vector<16xf32>
        %swap3A_648 = vector.shape_cast %add3A_643 : vector<16xf32> to vector<1x16xf32>
        tpu.vector_store %arg10[%swap3A_644, %swap3A_645], %swap3A_648 {strides = array<i32>} : memref<400x64xf32, #tpu.memory_space<vmem>>, vector<1x16xf32>,
        %add3A_649 = arith.constant 200 : i32
        %add3A_650 = arith.addi %scan3A_580, %add3A_649 : i32
        %get3A_651 = arith.index_cast %add3A_650 : i32 to index
        %get3A_652 = arith.constant 32 : index
        %get3A_653 = tpu.vector_load %arg10[%get3A_651, %get3A_652] {strides = array<i32>} : memref<400x64xf32, #tpu.memory_space<vmem>>, vector<1x16xf32>,
        %get3A_654 = vector.shape_cast %get3A_653 : vector<1x16xf32> to vector<16xf32>
        %add3A_655 = arith.addf %get3A_654, %get3A_638 : vector<16xf32>
        %add3A_656 = arith.constant 200 : i32
        %add3A_657 = arith.addi %scan3A_580, %add3A_656 : i32
        %swap3A_658 = arith.index_cast %add3A_657 : i32 to index
        %swap3A_659 = arith.constant 32 : index
        %swap3A_660 = tpu.vector_load %arg10[%swap3A_658, %swap3A_659] {strides = array<i32>} : memref<400x64xf32, #tpu.memory_space<vmem>>, vector<1x16xf32>,
        %swap3A_661 = vector.shape_cast %swap3A_660 : vector<1x16xf32> to vector<16xf32>
        %swap3A_662 = vector.shape_cast %add3A_655 : vector<16xf32> to vector<1x16xf32>
        tpu.vector_store %arg10[%swap3A_658, %swap3A_659], %swap3A_662 {strides = array<i32>} : memref<400x64xf32, #tpu.memory_space<vmem>>, vector<1x16xf32>,
        %get3A_663 = arith.index_cast %scan3A_580 : i32 to index
        %get3A_664 = arith.constant 48 : index
        %get3A_665 = tpu.vector_load %arg7[%get3A_663, %get3A_664] {strides = array<i32>} : memref<200x64xf32, #tpu.memory_space<vmem>>, vector<1x16xf32>,
        %get3A_666 = vector.shape_cast %get3A_665 : vector<1x16xf32> to vector<16xf32>
        %get3A_667 = arith.index_cast %scan3A_580 : i32 to index
        %get3A_668 = arith.constant 48 : index
        %get3A_669 = tpu.vector_load %arg10[%get3A_667, %get3A_668] {strides = array<i32>} : memref<400x64xf32, #tpu.memory_space<vmem>>, vector<1x16xf32>,
        %get3A_670 = vector.shape_cast %get3A_669 : vector<1x16xf32> to vector<16xf32>
        %add3A_671 = arith.addf %get3A_670, %get3A_666 : vector<16xf32>
        %swap3A_672 = arith.index_cast %scan3A_580 : i32 to index
        %swap3A_673 = arith.constant 48 : index
        %swap3A_674 = tpu.vector_load %arg10[%swap3A_672, %swap3A_673] {strides = array<i32>} : memref<400x64xf32, #tpu.memory_space<vmem>>, vector<1x16xf32>,
        %swap3A_675 = vector.shape_cast %swap3A_674 : vector<1x16xf32> to vector<16xf32>
        %swap3A_676 = vector.shape_cast %add3A_671 : vector<16xf32> to vector<1x16xf32>
        tpu.vector_store %arg10[%swap3A_672, %swap3A_673], %swap3A_676 {strides = array<i32>} : memref<400x64xf32, #tpu.memory_space<vmem>>, vector<1x16xf32>,
        %add3A_677 = arith.constant 200 : i32
        %add3A_678 = arith.addi %scan3A_580, %add3A_677 : i32
        %get3A_679 = arith.index_cast %add3A_678 : i32 to index
        %get3A_680 = arith.constant 48 : index
        %get3A_681 = tpu.vector_load %arg10[%get3A_679, %get3A_680] {strides = array<i32>} : memref<400x64xf32, #tpu.memory_space<vmem>>, vector<1x16xf32>,
        %get3A_682 = vector.shape_cast %get3A_681 : vector<1x16xf32> to vector<16xf32>
        %add3A_683 = arith.addf %get3A_682, %get3A_666 : vector<16xf32>
        %add3A_684 = arith.constant 200 : i32
        %add3A_685 = arith.addi %scan3A_580, %add3A_684 : i32
        %swap3A_686 = arith.index_cast %add3A_685 : i32 to index
        %swap3A_687 = arith.constant 48 : index
        %swap3A_688 = tpu.vector_load %arg10[%swap3A_686, %swap3A_687] {strides = array<i32>} : memref<400x64xf32, #tpu.memory_space<vmem>>, vector<1x16xf32>,
        %swap3A_689 = vector.shape_cast %swap3A_688 : vector<1x16xf32> to vector<16xf32>
        %swap3A_690 = vector.shape_cast %add3A_683 : vector<16xf32> to vector<1x16xf32>
        tpu.vector_store %arg10[%swap3A_686, %swap3A_687], %swap3A_690 {strides = array<i32>} : memref<400x64xf32, #tpu.memory_space<vmem>>, vector<1x16xf32>,
        %scan3A_691 = arith.constant 1 : i32
        %scan3A_692 = arith.addi %scan3A_580, %scan3A_691 : i32
        %get3A_693 = arith.index_cast %scan3A_692 : i32 to index
        %get3A_694 = arith.constant 0 : index
        %get3A_695 = tpu.vector_load %arg7[%get3A_693, %get3A_694] {strides = array<i32>} : memref<200x64xf32, #tpu.memory_space<vmem>>, vector<1x16xf32>,
        %get3A_696 = vector.shape_cast %get3A_695 : vector<1x16xf32> to vector<16xf32>
        %get3A_697 = arith.index_cast %scan3A_692 : i32 to index
        %get3A_698 = arith.constant 0 : index
        %get3A_699 = tpu.vector_load %arg10[%get3A_697, %get3A_698] {strides = array<i32>} : memref<400x64xf32, #tpu.memory_space<vmem>>, vector<1x16xf32>,
        %get3A_700 = vector.shape_cast %get3A_699 : vector<1x16xf32> to vector<16xf32>
        %add3A_701 = arith.addf %get3A_700, %get3A_696 : vector<16xf32>
        %swap3A_702 = arith.index_cast %scan3A_692 : i32 to index
        %swap3A_703 = arith.constant 0 : index
        %swap3A_704 = tpu.vector_load %arg10[%swap3A_702, %swap3A_703] {strides = array<i32>} : memref<400x64xf32, #tpu.memory_space<vmem>>, vector<1x16xf32>,
        %swap3A_705 = vector.shape_cast %swap3A_704 : vector<1x16xf32> to vector<16xf32>
        %swap3A_706 = vector.shape_cast %add3A_701 : vector<16xf32> to vector<1x16xf32>
        tpu.vector_store %arg10[%swap3A_702, %swap3A_703], %swap3A_706 {strides = array<i32>} : memref<400x64xf32, #tpu.memory_space<vmem>>, vector<1x16xf32>,
        %add3A_707 = arith.constant 200 : i32
        %add3A_708 = arith.addi %scan3A_692, %add3A_707 : i32
        %get3A_709 = arith.index_cast %add3A_708 : i32 to index
        %get3A_710 = arith.constant 0 : index
        %get3A_711 = tpu.vector_load %arg10[%get3A_709, %get3A_710] {strides = array<i32>} : memref<400x64xf32, #tpu.memory_space<vmem>>, vector<1x16xf32>,
        %get3A_712 = vector.shape_cast %get3A_711 : vector<1x16xf32> to vector<16xf32>
        %add3A_713 = arith.addf %get3A_712, %get3A_696 : vector<16xf32>
        %add3A_714 = arith.constant 200 : i32
        %add3A_715 = arith.addi %scan3A_692, %add3A_714 : i32
        %swap3A_716 = arith.index_cast %add3A_715 : i32 to index
        %swap3A_717 = arith.constant 0 : index
        %swap3A_718 = tpu.vector_load %arg10[%swap3A_716, %swap3A_717] {strides = array<i32>} : memref<400x64xf32, #tpu.memory_space<vmem>>, vector<1x16xf32>,
        %swap3A_719 = vector.shape_cast %swap3A_718 : vector<1x16xf32> to vector<16xf32>
        %swap3A_720 = vector.shape_cast %add3A_713 : vector<16xf32> to vector<1x16xf32>
        tpu.vector_store %arg10[%swap3A_716, %swap3A_717], %swap3A_720 {strides = array<i32>} : memref<400x64xf32, #tpu.memory_space<vmem>>, vector<1x16xf32>,
        %get3A_721 = arith.index_cast %scan3A_692 : i32 to index
        %get3A_722 = arith.constant 16 : index
        %get3A_723 = tpu.vector_load %arg7[%get3A_721, %get3A_722] {strides = array<i32>} : memref<200x64xf32, #tpu.memory_space<vmem>>, vector<1x16xf32>,
        %get3A_724 = vector.shape_cast %get3A_723 : vector<1x16xf32> to vector<16xf32>
        %get3A_725 = arith.index_cast %scan3A_692 : i32 to index
        %get3A_726 = arith.constant 16 : index
        %get3A_727 = tpu.vector_load %arg10[%get3A_725, %get3A_726] {strides = array<i32>} : memref<400x64xf32, #tpu.memory_space<vmem>>, vector<1x16xf32>,
        %get3A_728 = vector.shape_cast %get3A_727 : vector<1x16xf32> to vector<16xf32>
        %add3A_729 = arith.addf %get3A_728, %get3A_724 : vector<16xf32>
        %swap3A_730 = arith.index_cast %scan3A_692 : i32 to index
        %swap3A_731 = arith.constant 16 : index
        %swap3A_732 = tpu.vector_load %arg10[%swap3A_730, %swap3A_731] {strides = array<i32>} : memref<400x64xf32, #tpu.memory_space<vmem>>, vector<1x16xf32>,
        %swap3A_733 = vector.shape_cast %swap3A_732 : vector<1x16xf32> to vector<16xf32>
        %swap3A_734 = vector.shape_cast %add3A_729 : vector<16xf32> to vector<1x16xf32>
        tpu.vector_store %arg10[%swap3A_730, %swap3A_731], %swap3A_734 {strides = array<i32>} : memref<400x64xf32, #tpu.memory_space<vmem>>, vector<1x16xf32>,
        %add3A_735 = arith.constant 200 : i32
        %add3A_736 = arith.addi %scan3A_692, %add3A_735 : i32
        %get3A_737 = arith.index_cast %add3A_736 : i32 to index
        %get3A_738 = arith.constant 16 : index
        %get3A_739 = tpu.vector_load %arg10[%get3A_737, %get3A_738] {strides = array<i32>} : memref<400x64xf32, #tpu.memory_space<vmem>>, vector<1x16xf32>,
        %get3A_740 = vector.shape_cast %get3A_739 : vector<1x16xf32> to vector<16xf32>
        %add3A_741 = arith.addf %get3A_740, %get3A_724 : vector<16xf32>
        %add3A_742 = arith.constant 200 : i32
        %add3A_743 = arith.addi %scan3A_692, %add3A_742 : i32
        %swap3A_744 = arith.index_cast %add3A_743 : i32 to index
        %swap3A_745 = arith.constant 16 : index
        %swap3A_746 = tpu.vector_load %arg10[%swap3A_744, %swap3A_745] {strides = array<i32>} : memref<400x64xf32, #tpu.memory_space<vmem>>, vector<1x16xf32>,
        %swap3A_747 = vector.shape_cast %swap3A_746 : vector<1x16xf32> to vector<16xf32>
        %swap3A_748 = vector.shape_cast %add3A_741 : vector<16xf32> to vector<1x16xf32>
        tpu.vector_store %arg10[%swap3A_744, %swap3A_745], %swap3A_748 {strides = array<i32>} : memref<400x64xf32, #tpu.memory_space<vmem>>, vector<1x16xf32>,
        %get3A_749 = arith.index_cast %scan3A_692 : i32 to index
        %get3A_750 = arith.constant 32 : index
        %get3A_751 = tpu.vector_load %arg7[%get3A_749, %get3A_750] {strides = array<i32>} : memref<200x64xf32, #tpu.memory_space<vmem>>, vector<1x16xf32>,
        %get3A_752 = vector.shape_cast %get3A_751 : vector<1x16xf32> to vector<16xf32>
        %get3A_753 = arith.index_cast %scan3A_692 : i32 to index
        %get3A_754 = arith.constant 32 : index
        %get3A_755 = tpu.vector_load %arg10[%get3A_753, %get3A_754] {strides = array<i32>} : memref<400x64xf32, #tpu.memory_space<vmem>>, vector<1x16xf32>,
        %get3A_756 = vector.shape_cast %get3A_755 : vector<1x16xf32> to vector<16xf32>
        %add3A_757 = arith.addf %get3A_756, %get3A_752 : vector<16xf32>
        %swap3A_758 = arith.index_cast %scan3A_692 : i32 to index
        %swap3A_759 = arith.constant 32 : index
        %swap3A_760 = tpu.vector_load %arg10[%swap3A_758, %swap3A_759] {strides = array<i32>} : memref<400x64xf32, #tpu.memory_space<vmem>>, vector<1x16xf32>,
        %swap3A_761 = vector.shape_cast %swap3A_760 : vector<1x16xf32> to vector<16xf32>
        %swap3A_762 = vector.shape_cast %add3A_757 : vector<16xf32> to vector<1x16xf32>
        tpu.vector_store %arg10[%swap3A_758, %swap3A_759], %swap3A_762 {strides = array<i32>} : memref<400x64xf32, #tpu.memory_space<vmem>>, vector<1x16xf32>,
        %add3A_763 = arith.constant 200 : i32
        %add3A_764 = arith.addi %scan3A_692, %add3A_763 : i32
        %get3A_765 = arith.index_cast %add3A_764 : i32 to index
        %get3A_766 = arith.constant 32 : index
        %get3A_767 = tpu.vector_load %arg10[%get3A_765, %get3A_766] {strides = array<i32>} : memref<400x64xf32, #tpu.memory_space<vmem>>, vector<1x16xf32>,
        %get3A_768 = vector.shape_cast %get3A_767 : vector<1x16xf32> to vector<16xf32>
        %add3A_769 = arith.addf %get3A_768, %get3A_752 : vector<16xf32>
        %add3A_770 = arith.constant 200 : i32
        %add3A_771 = arith.addi %scan3A_692, %add3A_770 : i32
        %swap3A_772 = arith.index_cast %add3A_771 : i32 to index
        %swap3A_773 = arith.constant 32 : index
        %swap3A_774 = tpu.vector_load %arg10[%swap3A_772, %swap3A_773] {strides = array<i32>} : memref<400x64xf32, #tpu.memory_space<vmem>>, vector<1x16xf32>,
        %swap3A_775 = vector.shape_cast %swap3A_774 : vector<1x16xf32> to vector<16xf32>
        %swap3A_776 = vector.shape_cast %add3A_769 : vector<16xf32> to vector<1x16xf32>
        tpu.vector_store %arg10[%swap3A_772, %swap3A_773], %swap3A_776 {strides = array<i32>} : memref<400x64xf32, #tpu.memory_space<vmem>>, vector<1x16xf32>,
        %get3A_777 = arith.index_cast %scan3A_692 : i32 to index
        %get3A_778 = arith.constant 48 : index
        %get3A_779 = tpu.vector_load %arg7[%get3A_777, %get3A_778] {strides = array<i32>} : memref<200x64xf32, #tpu.memory_space<vmem>>, vector<1x16xf32>,
        %get3A_780 = vector.shape_cast %get3A_779 : vector<1x16xf32> to vector<16xf32>
        %get3A_781 = arith.index_cast %scan3A_692 : i32 to index
        %get3A_782 = arith.constant 48 : index
        %get3A_783 = tpu.vector_load %arg10[%get3A_781, %get3A_782] {strides = array<i32>} : memref<400x64xf32, #tpu.memory_space<vmem>>, vector<1x16xf32>,
        %get3A_784 = vector.shape_cast %get3A_783 : vector<1x16xf32> to vector<16xf32>
        %add3A_785 = arith.addf %get3A_784, %get3A_780 : vector<16xf32>
        %swap3A_786 = arith.index_cast %scan3A_692 : i32 to index
        %swap3A_787 = arith.constant 48 : index
        %swap3A_788 = tpu.vector_load %arg10[%swap3A_786, %swap3A_787] {strides = array<i32>} : memref<400x64xf32, #tpu.memory_space<vmem>>, vector<1x16xf32>,
        %swap3A_789 = vector.shape_cast %swap3A_788 : vector<1x16xf32> to vector<16xf32>
        %swap3A_790 = vector.shape_cast %add3A_785 : vector<16xf32> to vector<1x16xf32>
        tpu.vector_store %arg10[%swap3A_786, %swap3A_787], %swap3A_790 {strides = array<i32>} : memref<400x64xf32, #tpu.memory_space<vmem>>, vector<1x16xf32>,
        %add3A_791 = arith.constant 200 : i32
        %add3A_792 = arith.addi %scan3A_692, %add3A_791 : i32
        %get3A_793 = arith.index_cast %add3A_792 : i32 to index
        %get3A_794 = arith.constant 48 : index
        %get3A_795 = tpu.vector_load %arg10[%get3A_793, %get3A_794] {strides = array<i32>} : memref<400x64xf32, #tpu.memory_space<vmem>>, vector<1x16xf32>,
        %get3A_796 = vector.shape_cast %get3A_795 : vector<1x16xf32> to vector<16xf32>
        %add3A_797 = arith.addf %get3A_796, %get3A_780 : vector<16xf32>
        %add3A_798 = arith.constant 200 : i32
        %add3A_799 = arith.addi %scan3A_692, %add3A_798 : i32
        %swap3A_800 = arith.index_cast %add3A_799 : i32 to index
        %swap3A_801 = arith.constant 48 : index
        %swap3A_802 = tpu.vector_load %arg10[%swap3A_800, %swap3A_801] {strides = array<i32>} : memref<400x64xf32, #tpu.memory_space<vmem>>, vector<1x16xf32>,
        %swap3A_803 = vector.shape_cast %swap3A_802 : vector<1x16xf32> to vector<16xf32>
        %swap3A_804 = vector.shape_cast %add3A_797 : vector<16xf32> to vector<1x16xf32>
        tpu.vector_store %arg10[%swap3A_800, %swap3A_801], %swap3A_804 {strides = array<i32>} : memref<400x64xf32, #tpu.memory_space<vmem>>, vector<1x16xf32>,
        %scan3A_805 = arith.constant 2 : i32
        %scan3A_806 = arith.addi %scan3A_580, %scan3A_805 : i32
        %get3A_807 = arith.index_cast %scan3A_806 : i32 to index
        %get3A_808 = arith.constant 0 : index
        %get3A_809 = tpu.vector_load %arg7[%get3A_807, %get3A_808] {strides = array<i32>} : memref<200x64xf32, #tpu.memory_space<vmem>>, vector<1x16xf32>,
        %get3A_810 = vector.shape_cast %get3A_809 : vector<1x16xf32> to vector<16xf32>
        %get3A_811 = arith.index_cast %scan3A_806 : i32 to index
        %get3A_812 = arith.constant 0 : index
        %get3A_813 = tpu.vector_load %arg10[%get3A_811, %get3A_812] {strides = array<i32>} : memref<400x64xf32, #tpu.memory_space<vmem>>, vector<1x16xf32>,
        %get3A_814 = vector.shape_cast %get3A_813 : vector<1x16xf32> to vector<16xf32>
        %add3A_815 = arith.addf %get3A_814, %get3A_810 : vector<16xf32>
        %swap3A_816 = arith.index_cast %scan3A_806 : i32 to index
        %swap3A_817 = arith.constant 0 : index
        %swap3A_818 = tpu.vector_load %arg10[%swap3A_816, %swap3A_817] {strides = array<i32>} : memref<400x64xf32, #tpu.memory_space<vmem>>, vector<1x16xf32>,
        %swap3A_819 = vector.shape_cast %swap3A_818 : vector<1x16xf32> to vector<16xf32>
        %swap3A_820 = vector.shape_cast %add3A_815 : vector<16xf32> to vector<1x16xf32>
        tpu.vector_store %arg10[%swap3A_816, %swap3A_817], %swap3A_820 {strides = array<i32>} : memref<400x64xf32, #tpu.memory_space<vmem>>, vector<1x16xf32>,
        %add3A_821 = arith.constant 200 : i32
        %add3A_822 = arith.addi %scan3A_806, %add3A_821 : i32
        %get3A_823 = arith.index_cast %add3A_822 : i32 to index
        %get3A_824 = arith.constant 0 : index
        %get3A_825 = tpu.vector_load %arg10[%get3A_823, %get3A_824] {strides = array<i32>} : memref<400x64xf32, #tpu.memory_space<vmem>>, vector<1x16xf32>,
        %get3A_826 = vector.shape_cast %get3A_825 : vector<1x16xf32> to vector<16xf32>
        %add3A_827 = arith.addf %get3A_826, %get3A_810 : vector<16xf32>
        %add3A_828 = arith.constant 200 : i32
        %add3A_829 = arith.addi %scan3A_806, %add3A_828 : i32
        %swap3A_830 = arith.index_cast %add3A_829 : i32 to index
        %swap3A_831 = arith.constant 0 : index
        %swap3A_832 = tpu.vector_load %arg10[%swap3A_830, %swap3A_831] {strides = array<i32>} : memref<400x64xf32, #tpu.memory_space<vmem>>, vector<1x16xf32>,
        %swap3A_833 = vector.shape_cast %swap3A_832 : vector<1x16xf32> to vector<16xf32>
        %swap3A_834 = vector.shape_cast %add3A_827 : vector<16xf32> to vector<1x16xf32>
        tpu.vector_store %arg10[%swap3A_830, %swap3A_831], %swap3A_834 {strides = array<i32>} : memref<400x64xf32, #tpu.memory_space<vmem>>, vector<1x16xf32>,
        %get3A_835 = arith.index_cast %scan3A_806 : i32 to index
        %get3A_836 = arith.constant 16 : index
        %get3A_837 = tpu.vector_load %arg7[%get3A_835, %get3A_836] {strides = array<i32>} : memref<200x64xf32, #tpu.memory_space<vmem>>, vector<1x16xf32>,
        %get3A_838 = vector.shape_cast %get3A_837 : vector<1x16xf32> to vector<16xf32>
        %get3A_839 = arith.index_cast %scan3A_806 : i32 to index
        %get3A_840 = arith.constant 16 : index
        %get3A_841 = tpu.vector_load %arg10[%get3A_839, %get3A_840] {strides = array<i32>} : memref<400x64xf32, #tpu.memory_space<vmem>>, vector<1x16xf32>,
        %get3A_842 = vector.shape_cast %get3A_841 : vector<1x16xf32> to vector<16xf32>
        %add3A_843 = arith.addf %get3A_842, %get3A_838 : vector<16xf32>
        %swap3A_844 = arith.index_cast %scan3A_806 : i32 to index
        %swap3A_845 = arith.constant 16 : index
        %swap3A_846 = tpu.vector_load %arg10[%swap3A_844, %swap3A_845] {strides = array<i32>} : memref<400x64xf32, #tpu.memory_space<vmem>>, vector<1x16xf32>,
        %swap3A_847 = vector.shape_cast %swap3A_846 : vector<1x16xf32> to vector<16xf32>
        %swap3A_848 = vector.shape_cast %add3A_843 : vector<16xf32> to vector<1x16xf32>
        tpu.vector_store %arg10[%swap3A_844, %swap3A_845], %swap3A_848 {strides = array<i32>} : memref<400x64xf32, #tpu.memory_space<vmem>>, vector<1x16xf32>,
        %add3A_849 = arith.constant 200 : i32
        %add3A_850 = arith.addi %scan3A_806, %add3A_849 : i32
        %get3A_851 = arith.index_cast %add3A_850 : i32 to index
        %get3A_852 = arith.constant 16 : index
        %get3A_853 = tpu.vector_load %arg10[%get3A_851, %get3A_852] {strides = array<i32>} : memref<400x64xf32, #tpu.memory_space<vmem>>, vector<1x16xf32>,
        %get3A_854 = vector.shape_cast %get3A_853 : vector<1x16xf32> to vector<16xf32>
        %add3A_855 = arith.addf %get3A_854, %get3A_838 : vector<16xf32>
        %add3A_856 = arith.constant 200 : i32
        %add3A_857 = arith.addi %scan3A_806, %add3A_856 : i32
        %swap3A_858 = arith.index_cast %add3A_857 : i32 to index
        %swap3A_859 = arith.constant 16 : index
        %swap3A_860 = tpu.vector_load %arg10[%swap3A_858, %swap3A_859] {strides = array<i32>} : memref<400x64xf32, #tpu.memory_space<vmem>>, vector<1x16xf32>,
        %swap3A_861 = vector.shape_cast %swap3A_860 : vector<1x16xf32> to vector<16xf32>
        %swap3A_862 = vector.shape_cast %add3A_855 : vector<16xf32> to vector<1x16xf32>
        tpu.vector_store %arg10[%swap3A_858, %swap3A_859], %swap3A_862 {strides = array<i32>} : memref<400x64xf32, #tpu.memory_space<vmem>>, vector<1x16xf32>,
        %get3A_863 = arith.index_cast %scan3A_806 : i32 to index
        %get3A_864 = arith.constant 32 : index
        %get3A_865 = tpu.vector_load %arg7[%get3A_863, %get3A_864] {strides = array<i32>} : memref<200x64xf32, #tpu.memory_space<vmem>>, vector<1x16xf32>,
        %get3A_866 = vector.shape_cast %get3A_865 : vector<1x16xf32> to vector<16xf32>
        %get3A_867 = arith.index_cast %scan3A_806 : i32 to index
        %get3A_868 = arith.constant 32 : index
        %get3A_869 = tpu.vector_load %arg10[%get3A_867, %get3A_868] {strides = array<i32>} : memref<400x64xf32, #tpu.memory_space<vmem>>, vector<1x16xf32>,
        %get3A_870 = vector.shape_cast %get3A_869 : vector<1x16xf32> to vector<16xf32>
        %add3A_871 = arith.addf %get3A_870, %get3A_866 : vector<16xf32>
        %swap3A_872 = arith.index_cast %scan3A_806 : i32 to index
        %swap3A_873 = arith.constant 32 : index
        %swap3A_874 = tpu.vector_load %arg10[%swap3A_872, %swap3A_873] {strides = array<i32>} : memref<400x64xf32, #tpu.memory_space<vmem>>, vector<1x16xf32>,
        %swap3A_875 = vector.shape_cast %swap3A_874 : vector<1x16xf32> to vector<16xf32>
        %swap3A_876 = vector.shape_cast %add3A_871 : vector<16xf32> to vector<1x16xf32>
        tpu.vector_store %arg10[%swap3A_872, %swap3A_873], %swap3A_876 {strides = array<i32>} : memref<400x64xf32, #tpu.memory_space<vmem>>, vector<1x16xf32>,
        %add3A_877 = arith.constant 200 : i32
        %add3A_878 = arith.addi %scan3A_806, %add3A_877 : i32
        %get3A_879 = arith.index_cast %add3A_878 : i32 to index
        %get3A_880 = arith.constant 32 : index
        %get3A_881 = tpu.vector_load %arg10[%get3A_879, %get3A_880] {strides = array<i32>} : memref<400x64xf32, #tpu.memory_space<vmem>>, vector<1x16xf32>,
        %get3A_882 = vector.shape_cast %get3A_881 : vector<1x16xf32> to vector<16xf32>
        %add3A_883 = arith.addf %get3A_882, %get3A_866 : vector<16xf32>
        %add3A_884 = arith.constant 200 : i32
        %add3A_885 = arith.addi %scan3A_806, %add3A_884 : i32
        %swap3A_886 = arith.index_cast %add3A_885 : i32 to index
        %swap3A_887 = arith.constant 32 : index
        %swap3A_888 = tpu.vector_load %arg10[%swap3A_886, %swap3A_887] {strides = array<i32>} : memref<400x64xf32, #tpu.memory_space<vmem>>, vector<1x16xf32>,
        %swap3A_889 = vector.shape_cast %swap3A_888 : vector<1x16xf32> to vector<16xf32>
        %swap3A_890 = vector.shape_cast %add3A_883 : vector<16xf32> to vector<1x16xf32>
        tpu.vector_store %arg10[%swap3A_886, %swap3A_887], %swap3A_890 {strides = array<i32>} : memref<400x64xf32, #tpu.memory_space<vmem>>, vector<1x16xf32>,
        %get3A_891 = arith.index_cast %scan3A_806 : i32 to index
        %get3A_892 = arith.constant 48 : index
        %get3A_893 = tpu.vector_load %arg7[%get3A_891, %get3A_892] {strides = array<i32>} : memref<200x64xf32, #tpu.memory_space<vmem>>, vector<1x16xf32>,
        %get3A_894 = vector.shape_cast %get3A_893 : vector<1x16xf32> to vector<16xf32>
        %get3A_895 = arith.index_cast %scan3A_806 : i32 to index
        %get3A_896 = arith.constant 48 : index
        %get3A_897 = tpu.vector_load %arg10[%get3A_895, %get3A_896] {strides = array<i32>} : memref<400x64xf32, #tpu.memory_space<vmem>>, vector<1x16xf32>,
        %get3A_898 = vector.shape_cast %get3A_897 : vector<1x16xf32> to vector<16xf32>
        %add3A_899 = arith.addf %get3A_898, %get3A_894 : vector<16xf32>
        %swap3A_900 = arith.index_cast %scan3A_806 : i32 to index
        %swap3A_901 = arith.constant 48 : index
        %swap3A_902 = tpu.vector_load %arg10[%swap3A_900, %swap3A_901] {strides = array<i32>} : memref<400x64xf32, #tpu.memory_space<vmem>>, vector<1x16xf32>,
        %swap3A_903 = vector.shape_cast %swap3A_902 : vector<1x16xf32> to vector<16xf32>
        %swap3A_904 = vector.shape_cast %add3A_899 : vector<16xf32> to vector<1x16xf32>
        tpu.vector_store %arg10[%swap3A_900, %swap3A_901], %swap3A_904 {strides = array<i32>} : memref<400x64xf32, #tpu.memory_space<vmem>>, vector<1x16xf32>,
        %add3A_905 = arith.constant 200 : i32
        %add3A_906 = arith.addi %scan3A_806, %add3A_905 : i32
        %get3A_907 = arith.index_cast %add3A_906 : i32 to index
        %get3A_908 = arith.constant 48 : index
        %get3A_909 = tpu.vector_load %arg10[%get3A_907, %get3A_908] {strides = array<i32>} : memref<400x64xf32, #tpu.memory_space<vmem>>, vector<1x16xf32>,
        %get3A_910 = vector.shape_cast %get3A_909 : vector<1x16xf32> to vector<16xf32>
        %add3A_911 = arith.addf %get3A_910, %get3A_894 : vector<16xf32>
        %add3A_912 = arith.constant 200 : i32
        %add3A_913 = arith.addi %scan3A_806, %add3A_912 : i32
        %swap3A_914 = arith.index_cast %add3A_913 : i32 to index
        %swap3A_915 = arith.constant 48 : index
        %swap3A_916 = tpu.vector_load %arg10[%swap3A_914, %swap3A_915] {strides = array<i32>} : memref<400x64xf32, #tpu.memory_space<vmem>>, vector<1x16xf32>,
        %swap3A_917 = vector.shape_cast %swap3A_916 : vector<1x16xf32> to vector<16xf32>
        %swap3A_918 = vector.shape_cast %add3A_911 : vector<16xf32> to vector<1x16xf32>
        tpu.vector_store %arg10[%swap3A_914, %swap3A_915], %swap3A_918 {strides = array<i32>} : memref<400x64xf32, #tpu.memory_space<vmem>>, vector<1x16xf32>,
        %scan3A_919 = arith.constant 3 : i32
        %scan3A_920 = arith.addi %scan3A_580, %scan3A_919 : i32
        %get3A_921 = arith.index_cast %scan3A_920 : i32 to index
        %get3A_922 = arith.constant 0 : index
        %get3A_923 = tpu.vector_load %arg7[%get3A_921, %get3A_922] {strides = array<i32>} : memref<200x64xf32, #tpu.memory_space<vmem>>, vector<1x16xf32>,
        %get3A_924 = vector.shape_cast %get3A_923 : vector<1x16xf32> to vector<16xf32>
        %get3A_925 = arith.index_cast %scan3A_920 : i32 to index
        %get3A_926 = arith.constant 0 : index
        %get3A_927 = tpu.vector_load %arg10[%get3A_925, %get3A_926] {strides = array<i32>} : memref<400x64xf32, #tpu.memory_space<vmem>>, vector<1x16xf32>,
        %get3A_928 = vector.shape_cast %get3A_927 : vector<1x16xf32> to vector<16xf32>
        %add3A_929 = arith.addf %get3A_928, %get3A_924 : vector<16xf32>
        %swap3A_930 = arith.index_cast %scan3A_920 : i32 to index
        %swap3A_931 = arith.constant 0 : index
        %swap3A_932 = tpu.vector_load %arg10[%swap3A_930, %swap3A_931] {strides = array<i32>} : memref<400x64xf32, #tpu.memory_space<vmem>>, vector<1x16xf32>,
        %swap3A_933 = vector.shape_cast %swap3A_932 : vector<1x16xf32> to vector<16xf32>
        %swap3A_934 = vector.shape_cast %add3A_929 : vector<16xf32> to vector<1x16xf32>
        tpu.vector_store %arg10[%swap3A_930, %swap3A_931], %swap3A_934 {strides = array<i32>} : memref<400x64xf32, #tpu.memory_space<vmem>>, vector<1x16xf32>,
        %add3A_935 = arith.constant 200 : i32
        %add3A_936 = arith.addi %scan3A_920, %add3A_935 : i32
        %get3A_937 = arith.index_cast %add3A_936 : i32 to index
        %get3A_938 = arith.constant 0 : index
        %get3A_939 = tpu.vector_load %arg10[%get3A_937, %get3A_938] {strides = array<i32>} : memref<400x64xf32, #tpu.memory_space<vmem>>, vector<1x16xf32>,
        %get3A_940 = vector.shape_cast %get3A_939 : vector<1x16xf32> to vector<16xf32>
        %add3A_941 = arith.addf %get3A_940, %get3A_924 : vector<16xf32>
        %add3A_942 = arith.constant 200 : i32
        %add3A_943 = arith.addi %scan3A_920, %add3A_942 : i32
        %swap3A_944 = arith.index_cast %add3A_943 : i32 to index
        %swap3A_945 = arith.constant 0 : index
        %swap3A_946 = tpu.vector_load %arg10[%swap3A_944, %swap3A_945] {strides = array<i32>} : memref<400x64xf32, #tpu.memory_space<vmem>>, vector<1x16xf32>,
        %swap3A_947 = vector.shape_cast %swap3A_946 : vector<1x16xf32> to vector<16xf32>
        %swap3A_948 = vector.shape_cast %add3A_941 : vector<16xf32> to vector<1x16xf32>
        tpu.vector_store %arg10[%swap3A_944, %swap3A_945], %swap3A_948 {strides = array<i32>} : memref<400x64xf32, #tpu.memory_space<vmem>>, vector<1x16xf32>,
        %get3A_949 = arith.index_cast %scan3A_920 : i32 to index
        %get3A_950 = arith.constant 16 : index
        %get3A_951 = tpu.vector_load %arg7[%get3A_949, %get3A_950] {strides = array<i32>} : memref<200x64xf32, #tpu.memory_space<vmem>>, vector<1x16xf32>,
        %get3A_952 = vector.shape_cast %get3A_951 : vector<1x16xf32> to vector<16xf32>
        %get3A_953 = arith.index_cast %scan3A_920 : i32 to index
        %get3A_954 = arith.constant 16 : index
        %get3A_955 = tpu.vector_load %arg10[%get3A_953, %get3A_954] {strides = array<i32>} : memref<400x64xf32, #tpu.memory_space<vmem>>, vector<1x16xf32>,
        %get3A_956 = vector.shape_cast %get3A_955 : vector<1x16xf32> to vector<16xf32>
        %add3A_957 = arith.addf %get3A_956, %get3A_952 : vector<16xf32>
        %swap3A_958 = arith.index_cast %scan3A_920 : i32 to index
        %swap3A_959 = arith.constant 16 : index
        %swap3A_960 = tpu.vector_load %arg10[%swap3A_958, %swap3A_959] {strides = array<i32>} : memref<400x64xf32, #tpu.memory_space<vmem>>, vector<1x16xf32>,
        %swap3A_961 = vector.shape_cast %swap3A_960 : vector<1x16xf32> to vector<16xf32>
        %swap3A_962 = vector.shape_cast %add3A_957 : vector<16xf32> to vector<1x16xf32>
        tpu.vector_store %arg10[%swap3A_958, %swap3A_959], %swap3A_962 {strides = array<i32>} : memref<400x64xf32, #tpu.memory_space<vmem>>, vector<1x16xf32>,
        %add3A_963 = arith.constant 200 : i32
        %add3A_964 = arith.addi %scan3A_920, %add3A_963 : i32
        %get3A_965 = arith.index_cast %add3A_964 : i32 to index
        %get3A_966 = arith.constant 16 : index
        %get3A_967 = tpu.vector_load %arg10[%get3A_965, %get3A_966] {strides = array<i32>} : memref<400x64xf32, #tpu.memory_space<vmem>>, vector<1x16xf32>,
        %get3A_968 = vector.shape_cast %get3A_967 : vector<1x16xf32> to vector<16xf32>
        %add3A_969 = arith.addf %get3A_968, %get3A_952 : vector<16xf32>
        %add3A_970 = arith.constant 200 : i32
        %add3A_971 = arith.addi %scan3A_920, %add3A_970 : i32
        %swap3A_972 = arith.index_cast %add3A_971 : i32 to index
        %swap3A_973 = arith.constant 16 : index
        %swap3A_974 = tpu.vector_load %arg10[%swap3A_972, %swap3A_973] {strides = array<i32>} : memref<400x64xf32, #tpu.memory_space<vmem>>, vector<1x16xf32>,
        %swap3A_975 = vector.shape_cast %swap3A_974 : vector<1x16xf32> to vector<16xf32>
        %swap3A_976 = vector.shape_cast %add3A_969 : vector<16xf32> to vector<1x16xf32>
        tpu.vector_store %arg10[%swap3A_972, %swap3A_973], %swap3A_976 {strides = array<i32>} : memref<400x64xf32, #tpu.memory_space<vmem>>, vector<1x16xf32>,
        %get3A_977 = arith.index_cast %scan3A_920 : i32 to index
        %get3A_978 = arith.constant 32 : index
        %get3A_979 = tpu.vector_load %arg7[%get3A_977, %get3A_978] {strides = array<i32>} : memref<200x64xf32, #tpu.memory_space<vmem>>, vector<1x16xf32>,
        %get3A_980 = vector.shape_cast %get3A_979 : vector<1x16xf32> to vector<16xf32>
        %get3A_981 = arith.index_cast %scan3A_920 : i32 to index
        %get3A_982 = arith.constant 32 : index
        %get3A_983 = tpu.vector_load %arg10[%get3A_981, %get3A_982] {strides = array<i32>} : memref<400x64xf32, #tpu.memory_space<vmem>>, vector<1x16xf32>,
        %get3A_984 = vector.shape_cast %get3A_983 : vector<1x16xf32> to vector<16xf32>
        %add3A_985 = arith.addf %get3A_984, %get3A_980 : vector<16xf32>
        %swap3A_986 = arith.index_cast %scan3A_920 : i32 to index
        %swap3A_987 = arith.constant 32 : index
        %swap3A_988 = tpu.vector_load %arg10[%swap3A_986, %swap3A_987] {strides = array<i32>} : memref<400x64xf32, #tpu.memory_space<vmem>>, vector<1x16xf32>,
        %swap3A_989 = vector.shape_cast %swap3A_988 : vector<1x16xf32> to vector<16xf32>
        %swap3A_990 = vector.shape_cast %add3A_985 : vector<16xf32> to vector<1x16xf32>
        tpu.vector_store %arg10[%swap3A_986, %swap3A_987], %swap3A_990 {strides = array<i32>} : memref<400x64xf32, #tpu.memory_space<vmem>>, vector<1x16xf32>,
        %add3A_991 = arith.constant 200 : i32
        %add3A_992 = arith.addi %scan3A_920, %add3A_991 : i32
        %get3A_993 = arith.index_cast %add3A_992 : i32 to index
        %get3A_994 = arith.constant 32 : index
        %get3A_995 = tpu.vector_load %arg10[%get3A_993, %get3A_994] {strides = array<i32>} : memref<400x64xf32, #tpu.memory_space<vmem>>, vector<1x16xf32>,
        %get3A_996 = vector.shape_cast %get3A_995 : vector<1x16xf32> to vector<16xf32>
        %add3A_997 = arith.addf %get3A_996, %get3A_980 : vector<16xf32>
        %add3A_998 = arith.constant 200 : i32
        %add3A_999 = arith.addi %scan3A_920, %add3A_998 : i32
        %swap3A_1000 = arith.index_cast %add3A_999 : i32 to index
        %swap3A_1001 = arith.constant 32 : index
        %swap3A_1002 = tpu.vector_load %arg10[%swap3A_1000, %swap3A_1001] {strides = array<i32>} : memref<400x64xf32, #tpu.memory_space<vmem>>, vector<1x16xf32>,
        %swap3A_1003 = vector.shape_cast %swap3A_1002 : vector<1x16xf32> to vector<16xf32>
        %swap3A_1004 = vector.shape_cast %add3A_997 : vector<16xf32> to vector<1x16xf32>
        tpu.vector_store %arg10[%swap3A_1000, %swap3A_1001], %swap3A_1004 {strides = array<i32>} : memref<400x64xf32, #tpu.memory_space<vmem>>, vector<1x16xf32>,
        %get3A_1005 = arith.index_cast %scan3A_920 : i32 to index
        %get3A_1006 = arith.constant 48 : index
        %get3A_1007 = tpu.vector_load %arg7[%get3A_1005, %get3A_1006] {strides = array<i32>} : memref<200x64xf32, #tpu.memory_space<vmem>>, vector<1x16xf32>,
        %get3A_1008 = vector.shape_cast %get3A_1007 : vector<1x16xf32> to vector<16xf32>
        %get3A_1009 = arith.index_cast %scan3A_920 : i32 to index
        %get3A_1010 = arith.constant 48 : index
        %get3A_1011 = tpu.vector_load %arg10[%get3A_1009, %get3A_1010] {strides = array<i32>} : memref<400x64xf32, #tpu.memory_space<vmem>>, vector<1x16xf32>,
        %get3A_1012 = vector.shape_cast %get3A_1011 : vector<1x16xf32> to vector<16xf32>
        %add3A_1013 = arith.addf %get3A_1012, %get3A_1008 : vector<16xf32>
        %swap3A_1014 = arith.index_cast %scan3A_920 : i32 to index
        %swap3A_1015 = arith.constant 48 : index
        %swap3A_1016 = tpu.vector_load %arg10[%swap3A_1014, %swap3A_1015] {strides = array<i32>} : memref<400x64xf32, #tpu.memory_space<vmem>>, vector<1x16xf32>,
        %swap3A_1017 = vector.shape_cast %swap3A_1016 : vector<1x16xf32> to vector<16xf32>
        %swap3A_1018 = vector.shape_cast %add3A_1013 : vector<16xf32> to vector<1x16xf32>
        tpu.vector_store %arg10[%swap3A_1014, %swap3A_1015], %swap3A_1018 {strides = array<i32>} : memref<400x64xf32, #tpu.memory_space<vmem>>, vector<1x16xf32>,
        %add3A_1019 = arith.constant 200 : i32
        %add3A_1020 = arith.addi %scan3A_920, %add3A_1019 : i32
        %get3A_1021 = arith.index_cast %add3A_1020 : i32 to index
        %get3A_1022 = arith.constant 48 : index
        %get3A_1023 = tpu.vector_load %arg10[%get3A_1021, %get3A_1022] {strides = array<i32>} : memref<400x64xf32, #tpu.memory_space<vmem>>, vector<1x16xf32>,
        %get3A_1024 = vector.shape_cast %get3A_1023 : vector<1x16xf32> to vector<16xf32>
        %add3A_1025 = arith.addf %get3A_1024, %get3A_1008 : vector<16xf32>
        %add3A_1026 = arith.constant 200 : i32
        %add3A_1027 = arith.addi %scan3A_920, %add3A_1026 : i32
        %swap3A_1028 = arith.index_cast %add3A_1027 : i32 to index
        %swap3A_1029 = arith.constant 48 : index
        %swap3A_1030 = tpu.vector_load %arg10[%swap3A_1028, %swap3A_1029] {strides = array<i32>} : memref<400x64xf32, #tpu.memory_space<vmem>>, vector<1x16xf32>,
        %swap3A_1031 = vector.shape_cast %swap3A_1030 : vector<1x16xf32> to vector<16xf32>
        %swap3A_1032 = vector.shape_cast %add3A_1025 : vector<16xf32> to vector<1x16xf32>
        tpu.vector_store %arg10[%swap3A_1028, %swap3A_1029], %swap3A_1032 {strides = array<i32>} : memref<400x64xf32, #tpu.memory_space<vmem>>, vector<1x16xf32>,
      }
      %scan3A_537 = arith.constant 200 : i32
      %mul3A_538 = arith.constant 128 : i32
      %mul3A_539 = arith.muli %add3A, %mul3A_538 : i32
      %mul3A_540 = arith.constant 2 : i32
      %mul3A_541 = arith.muli %mul3A_540, %add3A_453 : i32
      %add3A_542 = arith.addi %mul3A_539, %mul3A_541 : i32
      %add3A_543 = arith.constant 0 : i32
      %add3A_544 = arith.addi %add3A_542, %add3A_543 : i32
      %dma_start3A_545 = arith.constant 0 : i32
      %dma_start3A_546 = arith.constant 0 : i32
      %dma_start3A_547 = tpu.memref_slice %arg10[%dma_start3A_545, %dma_start3A_546] : memref<400x64xf32, #tpu.memory_space<vmem>> -> memref<200x64xf32, #tpu.memory_space<vmem>>
      %dma_start3A_548 = arith.constant 0 : i32
      %dma_start3A_549 = arith.constant 0 : i32
      %dma_start3A_550 = tpu.memref_slice %arg5[%add3A_544, %dma_start3A_548, %dma_start3A_549] : memref<4096x200x64xf32, #tpu.memory_space<hbm>> -> memref<1x200x64xf32, #tpu.memory_space<hbm>>
      %dma_start3A_551 = tpu.memref_squeeze %dma_start3A_550 : memref<1x200x64xf32, #tpu.memory_space<hbm>> -> memref<200x64xf32, #tpu.memory_space<hbm>>
      %dma_start3A_552 = arith.constant 0 : i32
      %dma_start3A_553 = arith.constant 0 : i32
      %dma_start3A_554 = tpu.memref_slice %arg5[%add3A_544, %dma_start3A_552, %dma_start3A_553] : memref<4096x200x64xf32, #tpu.memory_space<hbm>> -> memref<1x200x64xf32, #tpu.memory_space<hbm>>
      %dma_start3A_555 = tpu.memref_squeeze %dma_start3A_554 : memref<1x200x64xf32, #tpu.memory_space<hbm>> -> memref<200x64xf32, #tpu.memory_space<hbm>>
      %dma_start3A_556 = arith.constant 0 : i32
      %dma_start3A_557 = arith.constant 0 : i32
      %dma_start3A_558 = tpu.memref_slice %arg10[%dma_start3A_556, %dma_start3A_557] : memref<400x64xf32, #tpu.memory_space<vmem>> -> memref<200x64xf32, #tpu.memory_space<vmem>>
      tpu.enqueue_dma source(%dma_start3A_558 : memref<200x64xf32, #tpu.memory_space<vmem>>) target(%dma_start3A_555 : memref<200x64xf32, #tpu.memory_space<hbm>>) target_semaphore(%arg16 : memref<!tpu.dma_semaphore, #tpu.memory_space<semaphore_mem>>)
      %mul3A_559 = arith.constant 128 : i32
      %mul3A_560 = arith.muli %add3A, %mul3A_559 : i32
      %mul3A_561 = arith.constant 2 : i32
      %mul3A_562 = arith.muli %mul3A_561, %add3A_453 : i32
      %add3A_563 = arith.addi %mul3A_560, %mul3A_562 : i32
      %add3A_564 = arith.constant 1 : i32
      %add3A_565 = arith.addi %add3A_563, %add3A_564 : i32
      %dma_start3A_566 = arith.constant 200 : i32
      %dma_start3A_567 = arith.constant 0 : i32
      %dma_start3A_568 = tpu.memref_slice %arg10[%dma_start3A_566, %dma_start3A_567] : memref<400x64xf32, #tpu.memory_space<vmem>> -> memref<200x64xf32, #tpu.memory_space<vmem>>
      %dma_start3A_569 = arith.constant 0 : i32
      %dma_start3A_570 = arith.constant 0 : i32
      %dma_start3A_571 = tpu.memref_slice %arg5[%add3A_565, %dma_start3A_569, %dma_start3A_570] : memref<4096x200x64xf32, #tpu.memory_space<hbm>> -> memref<1x200x64xf32, #tpu.memory_space<hbm>>
      %dma_start3A_572 = tpu.memref_squeeze %dma_start3A_571 : memref<1x200x64xf32, #tpu.memory_space<hbm>> -> memref<200x64xf32, #tpu.memory_space<hbm>>
      %dma_start3A_573 = arith.constant 0 : i32
      %dma_start3A_574 = arith.constant 0 : i32
      %dma_start3A_575 = tpu.memref_slice %arg5[%add3A_565, %dma_start3A_573, %dma_start3A_574] : memref<4096x200x64xf32, #tpu.memory_space<hbm>> -> memref<1x200x64xf32, #tpu.memory_space<hbm>>
      %dma_start3A_576 = tpu.memref_squeeze %dma_start3A_575 : memref<1x200x64xf32, #tpu.memory_space<hbm>> -> memref<200x64xf32, #tpu.memory_space<hbm>>
      %dma_start3A_577 = arith.constant 200 : i32
      %dma_start3A_578 = arith.constant 0 : i32
      %dma_start3A_579 = tpu.memref_slice %arg10[%dma_start3A_577, %dma_start3A_578] : memref<400x64xf32, #tpu.memory_space<vmem>> -> memref<200x64xf32, #tpu.memory_space<vmem>>
      tpu.enqueue_dma source(%dma_start3A_579 : memref<200x64xf32, #tpu.memory_space<vmem>>) target(%dma_start3A_576 : memref<200x64xf32, #tpu.memory_space<hbm>>) target_semaphore(%arg16 : memref<!tpu.dma_semaphore, #tpu.memory_space<semaphore_mem>>)
    }
    %scan3A_56 = arith.constant 21 : i32
    %dma_wait3A = arith.constant 0 : i32
    %dma_wait3A_57 = arith.constant 0 : i32
    %dma_wait3A_58 = tpu.memref_slice %arg3[%dma_wait3A, %dma_wait3A_57] : memref<100000x64xf32, #tpu.memory_space<hbm>> -> memref<400x64xf32, #tpu.memory_space<hbm>>
    %dma_wait3A_59 = arith.constant 0 : i32
    %dma_wait3A_60 = arith.constant 0 : i32
    %dma_wait3A_61 = tpu.memref_slice %arg3[%dma_wait3A_59, %dma_wait3A_60] : memref<100000x64xf32, #tpu.memory_space<hbm>> -> memref<400x64xf32, #tpu.memory_space<hbm>>
    tpu.wait_dma2 semaphore(%arg11 : memref<!tpu.dma_semaphore, #tpu.memory_space<semaphore_mem>>) src(%dma_wait3A_61 : memref<400x64xf32, #tpu.memory_space<hbm>>) dst(%arg8 : memref<400x64xf32, #tpu.memory_space<vmem>>)
    %scan3A_62 = arith.constant 0 : i32
    %scan3A_63 = arith.constant 0 : i32
    %scan3A_64 = arith.constant 200 : i32
    %scan3A_65 = arith.addi %scan3A_63, %scan3A_64 : i32
    %scan3A_66 = arith.constant 4 : i32
    scf.for %scan3A_198 = %scan3A_63 to %scan3A_65 step %scan3A_66  : i32 {
      %get3A = arith.index_cast %scan3A_198 : i32 to index
      %get3A_199 = arith.constant 0 : index
      %get3A_200 = tpu.vector_load %arg7[%get3A, %get3A_199] {strides = array<i32>} : memref<200x64xf32, #tpu.memory_space<vmem>>, vector<1x16xf32>,
      %get3A_201 = vector.shape_cast %get3A_200 : vector<1x16xf32> to vector<16xf32>
      %get3A_202 = arith.index_cast %scan3A_198 : i32 to index
      %get3A_203 = arith.constant 0 : index
      %get3A_204 = tpu.vector_load %arg8[%get3A_202, %get3A_203] {strides = array<i32>} : memref<400x64xf32, #tpu.memory_space<vmem>>, vector<1x16xf32>,
      %get3A_205 = vector.shape_cast %get3A_204 : vector<1x16xf32> to vector<16xf32>
      %add3A_206 = arith.addf %get3A_205, %get3A_201 : vector<16xf32>
      %swap3A = arith.index_cast %scan3A_198 : i32 to index
      %swap3A_207 = arith.constant 0 : index
      %swap3A_208 = tpu.vector_load %arg8[%swap3A, %swap3A_207] {strides = array<i32>} : memref<400x64xf32, #tpu.memory_space<vmem>>, vector<1x16xf32>,
      %swap3A_209 = vector.shape_cast %swap3A_208 : vector<1x16xf32> to vector<16xf32>
      %swap3A_210 = vector.shape_cast %add3A_206 : vector<16xf32> to vector<1x16xf32>
      tpu.vector_store %arg8[%swap3A, %swap3A_207], %swap3A_210 {strides = array<i32>} : memref<400x64xf32, #tpu.memory_space<vmem>>, vector<1x16xf32>,
      %add3A_211 = arith.constant 200 : i32
      %add3A_212 = arith.addi %scan3A_198, %add3A_211 : i32
      %get3A_213 = arith.index_cast %add3A_212 : i32 to index
      %get3A_214 = arith.constant 0 : index
      %get3A_215 = tpu.vector_load %arg8[%get3A_213, %get3A_214] {strides = array<i32>} : memref<400x64xf32, #tpu.memory_space<vmem>>, vector<1x16xf32>,
      %get3A_216 = vector.shape_cast %get3A_215 : vector<1x16xf32> to vector<16xf32>
      %add3A_217 = arith.addf %get3A_216, %get3A_201 : vector<16xf32>
      %add3A_218 = arith.constant 200 : i32
      %add3A_219 = arith.addi %scan3A_198, %add3A_218 : i32
      %swap3A_220 = arith.index_cast %add3A_219 : i32 to index
      %swap3A_221 = arith.constant 0 : index
      %swap3A_222 = tpu.vector_load %arg8[%swap3A_220, %swap3A_221] {strides = array<i32>} : memref<400x64xf32, #tpu.memory_space<vmem>>, vector<1x16xf32>,
      %swap3A_223 = vector.shape_cast %swap3A_222 : vector<1x16xf32> to vector<16xf32>
      %swap3A_224 = vector.shape_cast %add3A_217 : vector<16xf32> to vector<1x16xf32>
      tpu.vector_store %arg8[%swap3A_220, %swap3A_221], %swap3A_224 {strides = array<i32>} : memref<400x64xf32, #tpu.memory_space<vmem>>, vector<1x16xf32>,
      %get3A_225 = arith.index_cast %scan3A_198 : i32 to index
      %get3A_226 = arith.constant 16 : index
      %get3A_227 = tpu.vector_load %arg7[%get3A_225, %get3A_226] {strides = array<i32>} : memref<200x64xf32, #tpu.memory_space<vmem>>, vector<1x16xf32>,
      %get3A_228 = vector.shape_cast %get3A_227 : vector<1x16xf32> to vector<16xf32>
      %get3A_229 = arith.index_cast %scan3A_198 : i32 to index
      %get3A_230 = arith.constant 16 : index
      %get3A_231 = tpu.vector_load %arg8[%get3A_229, %get3A_230] {strides = array<i32>} : memref<400x64xf32, #tpu.memory_space<vmem>>, vector<1x16xf32>,
      %get3A_232 = vector.shape_cast %get3A_231 : vector<1x16xf32> to vector<16xf32>
      %add3A_233 = arith.addf %get3A_232, %get3A_228 : vector<16xf32>
      %swap3A_234 = arith.index_cast %scan3A_198 : i32 to index
      %swap3A_235 = arith.constant 16 : index
      %swap3A_236 = tpu.vector_load %arg8[%swap3A_234, %swap3A_235] {strides = array<i32>} : memref<400x64xf32, #tpu.memory_space<vmem>>, vector<1x16xf32>,
      %swap3A_237 = vector.shape_cast %swap3A_236 : vector<1x16xf32> to vector<16xf32>
      %swap3A_238 = vector.shape_cast %add3A_233 : vector<16xf32> to vector<1x16xf32>
      tpu.vector_store %arg8[%swap3A_234, %swap3A_235], %swap3A_238 {strides = array<i32>} : memref<400x64xf32, #tpu.memory_space<vmem>>, vector<1x16xf32>,
      %add3A_239 = arith.constant 200 : i32
      %add3A_240 = arith.addi %scan3A_198, %add3A_239 : i32
      %get3A_241 = arith.index_cast %add3A_240 : i32 to index
      %get3A_242 = arith.constant 16 : index
      %get3A_243 = tpu.vector_load %arg8[%get3A_241, %get3A_242] {strides = array<i32>} : memref<400x64xf32, #tpu.memory_space<vmem>>, vector<1x16xf32>,
      %get3A_244 = vector.shape_cast %get3A_243 : vector<1x16xf32> to vector<16xf32>
      %add3A_245 = arith.addf %get3A_244, %get3A_228 : vector<16xf32>
      %add3A_246 = arith.constant 200 : i32
      %add3A_247 = arith.addi %scan3A_198, %add3A_246 : i32
      %swap3A_248 = arith.index_cast %add3A_247 : i32 to index
      %swap3A_249 = arith.constant 16 : index
      %swap3A_250 = tpu.vector_load %arg8[%swap3A_248, %swap3A_249] {strides = array<i32>} : memref<400x64xf32, #tpu.memory_space<vmem>>, vector<1x16xf32>,
      %swap3A_251 = vector.shape_cast %swap3A_250 : vector<1x16xf32> to vector<16xf32>
      %swap3A_252 = vector.shape_cast %add3A_245 : vector<16xf32> to vector<1x16xf32>
      tpu.vector_store %arg8[%swap3A_248, %swap3A_249], %swap3A_252 {strides = array<i32>} : memref<400x64xf32, #tpu.memory_space<vmem>>, vector<1x16xf32>,
      %get3A_253 = arith.index_cast %scan3A_198 : i32 to index
      %get3A_254 = arith.constant 32 : index
      %get3A_255 = tpu.vector_load %arg7[%get3A_253, %get3A_254] {strides = array<i32>} : memref<200x64xf32, #tpu.memory_space<vmem>>, vector<1x16xf32>,
      %get3A_256 = vector.shape_cast %get3A_255 : vector<1x16xf32> to vector<16xf32>
      %get3A_257 = arith.index_cast %scan3A_198 : i32 to index
      %get3A_258 = arith.constant 32 : index
      %get3A_259 = tpu.vector_load %arg8[%get3A_257, %get3A_258] {strides = array<i32>} : memref<400x64xf32, #tpu.memory_space<vmem>>, vector<1x16xf32>,
      %get3A_260 = vector.shape_cast %get3A_259 : vector<1x16xf32> to vector<16xf32>
      %add3A_261 = arith.addf %get3A_260, %get3A_256 : vector<16xf32>
      %swap3A_262 = arith.index_cast %scan3A_198 : i32 to index
      %swap3A_263 = arith.constant 32 : index
      %swap3A_264 = tpu.vector_load %arg8[%swap3A_262, %swap3A_263] {strides = array<i32>} : memref<400x64xf32, #tpu.memory_space<vmem>>, vector<1x16xf32>,
      %swap3A_265 = vector.shape_cast %swap3A_264 : vector<1x16xf32> to vector<16xf32>
      %swap3A_266 = vector.shape_cast %add3A_261 : vector<16xf32> to vector<1x16xf32>
      tpu.vector_store %arg8[%swap3A_262, %swap3A_263], %swap3A_266 {strides = array<i32>} : memref<400x64xf32, #tpu.memory_space<vmem>>, vector<1x16xf32>,
      %add3A_267 = arith.constant 200 : i32
      %add3A_268 = arith.addi %scan3A_198, %add3A_267 : i32
      %get3A_269 = arith.index_cast %add3A_268 : i32 to index
      %get3A_270 = arith.constant 32 : index
      %get3A_271 = tpu.vector_load %arg8[%get3A_269, %get3A_270] {strides = array<i32>} : memref<400x64xf32, #tpu.memory_space<vmem>>, vector<1x16xf32>,
      %get3A_272 = vector.shape_cast %get3A_271 : vector<1x16xf32> to vector<16xf32>
      %add3A_273 = arith.addf %get3A_272, %get3A_256 : vector<16xf32>
      %add3A_274 = arith.constant 200 : i32
      %add3A_275 = arith.addi %scan3A_198, %add3A_274 : i32
      %swap3A_276 = arith.index_cast %add3A_275 : i32 to index
      %swap3A_277 = arith.constant 32 : index
      %swap3A_278 = tpu.vector_load %arg8[%swap3A_276, %swap3A_277] {strides = array<i32>} : memref<400x64xf32, #tpu.memory_space<vmem>>, vector<1x16xf32>,
      %swap3A_279 = vector.shape_cast %swap3A_278 : vector<1x16xf32> to vector<16xf32>
      %swap3A_280 = vector.shape_cast %add3A_273 : vector<16xf32> to vector<1x16xf32>
      tpu.vector_store %arg8[%swap3A_276, %swap3A_277], %swap3A_280 {strides = array<i32>} : memref<400x64xf32, #tpu.memory_space<vmem>>, vector<1x16xf32>,
      %get3A_281 = arith.index_cast %scan3A_198 : i32 to index
      %get3A_282 = arith.constant 48 : index
      %get3A_283 = tpu.vector_load %arg7[%get3A_281, %get3A_282] {strides = array<i32>} : memref<200x64xf32, #tpu.memory_space<vmem>>, vector<1x16xf32>,
      %get3A_284 = vector.shape_cast %get3A_283 : vector<1x16xf32> to vector<16xf32>
      %get3A_285 = arith.index_cast %scan3A_198 : i32 to index
      %get3A_286 = arith.constant 48 : index
      %get3A_287 = tpu.vector_load %arg8[%get3A_285, %get3A_286] {strides = array<i32>} : memref<400x64xf32, #tpu.memory_space<vmem>>, vector<1x16xf32>,
      %get3A_288 = vector.shape_cast %get3A_287 : vector<1x16xf32> to vector<16xf32>
      %add3A_289 = arith.addf %get3A_288, %get3A_284 : vector<16xf32>
      %swap3A_290 = arith.index_cast %scan3A_198 : i32 to index
      %swap3A_291 = arith.constant 48 : index
      %swap3A_292 = tpu.vector_load %arg8[%swap3A_290, %swap3A_291] {strides = array<i32>} : memref<400x64xf32, #tpu.memory_space<vmem>>, vector<1x16xf32>,
      %swap3A_293 = vector.shape_cast %swap3A_292 : vector<1x16xf32> to vector<16xf32>
      %swap3A_294 = vector.shape_cast %add3A_289 : vector<16xf32> to vector<1x16xf32>
      tpu.vector_store %arg8[%swap3A_290, %swap3A_291], %swap3A_294 {strides = array<i32>} : memref<400x64xf32, #tpu.memory_space<vmem>>, vector<1x16xf32>,
      %add3A_295 = arith.constant 200 : i32
      %add3A_296 = arith.addi %scan3A_198, %add3A_295 : i32
      %get3A_297 = arith.index_cast %add3A_296 : i32 to index
      %get3A_298 = arith.constant 48 : index
      %get3A_299 = tpu.vector_load %arg8[%get3A_297, %get3A_298] {strides = array<i32>} : memref<400x64xf32, #tpu.memory_space<vmem>>, vector<1x16xf32>,
      %get3A_300 = vector.shape_cast %get3A_299 : vector<1x16xf32> to vector<16xf32>
      %add3A_301 = arith.addf %get3A_300, %get3A_284 : vector<16xf32>
      %add3A_302 = arith.constant 200 : i32
      %add3A_303 = arith.addi %scan3A_198, %add3A_302 : i32
      %swap3A_304 = arith.index_cast %add3A_303 : i32 to index
      %swap3A_305 = arith.constant 48 : index
      %swap3A_306 = tpu.vector_load %arg8[%swap3A_304, %swap3A_305] {strides = array<i32>} : memref<400x64xf32, #tpu.memory_space<vmem>>, vector<1x16xf32>,
      %swap3A_307 = vector.shape_cast %swap3A_306 : vector<1x16xf32> to vector<16xf32>
      %swap3A_308 = vector.shape_cast %add3A_301 : vector<16xf32> to vector<1x16xf32>
      tpu.vector_store %arg8[%swap3A_304, %swap3A_305], %swap3A_308 {strides = array<i32>} : memref<400x64xf32, #tpu.memory_space<vmem>>, vector<1x16xf32>,
      %scan3A_309 = arith.constant 1 : i32
      %scan3A_310 = arith.addi %scan3A_198, %scan3A_309 : i32
      %get3A_311 = arith.index_cast %scan3A_310 : i32 to index
      %get3A_312 = arith.constant 0 : index
      %get3A_313 = tpu.vector_load %arg7[%get3A_311, %get3A_312] {strides = array<i32>} : memref<200x64xf32, #tpu.memory_space<vmem>>, vector<1x16xf32>,
      %get3A_314 = vector.shape_cast %get3A_313 : vector<1x16xf32> to vector<16xf32>
      %get3A_315 = arith.index_cast %scan3A_310 : i32 to index
      %get3A_316 = arith.constant 0 : index
      %get3A_317 = tpu.vector_load %arg8[%get3A_315, %get3A_316] {strides = array<i32>} : memref<400x64xf32, #tpu.memory_space<vmem>>, vector<1x16xf32>,
      %get3A_318 = vector.shape_cast %get3A_317 : vector<1x16xf32> to vector<16xf32>
      %add3A_319 = arith.addf %get3A_318, %get3A_314 : vector<16xf32>
      %swap3A_320 = arith.index_cast %scan3A_310 : i32 to index
      %swap3A_321 = arith.constant 0 : index
      %swap3A_322 = tpu.vector_load %arg8[%swap3A_320, %swap3A_321] {strides = array<i32>} : memref<400x64xf32, #tpu.memory_space<vmem>>, vector<1x16xf32>,
      %swap3A_323 = vector.shape_cast %swap3A_322 : vector<1x16xf32> to vector<16xf32>
      %swap3A_324 = vector.shape_cast %add3A_319 : vector<16xf32> to vector<1x16xf32>
      tpu.vector_store %arg8[%swap3A_320, %swap3A_321], %swap3A_324 {strides = array<i32>} : memref<400x64xf32, #tpu.memory_space<vmem>>, vector<1x16xf32>,
      %add3A_325 = arith.constant 200 : i32
      %add3A_326 = arith.addi %scan3A_310, %add3A_325 : i32
      %get3A_327 = arith.index_cast %add3A_326 : i32 to index
      %get3A_328 = arith.constant 0 : index
      %get3A_329 = tpu.vector_load %arg8[%get3A_327, %get3A_328] {strides = array<i32>} : memref<400x64xf32, #tpu.memory_space<vmem>>, vector<1x16xf32>,
      %get3A_330 = vector.shape_cast %get3A_329 : vector<1x16xf32> to vector<16xf32>
      %add3A_331 = arith.addf %get3A_330, %get3A_314 : vector<16xf32>
      %add3A_332 = arith.constant 200 : i32
      %add3A_333 = arith.addi %scan3A_310, %add3A_332 : i32
      %swap3A_334 = arith.index_cast %add3A_333 : i32 to index
      %swap3A_335 = arith.constant 0 : index
      %swap3A_336 = tpu.vector_load %arg8[%swap3A_334, %swap3A_335] {strides = array<i32>} : memref<400x64xf32, #tpu.memory_space<vmem>>, vector<1x16xf32>,
      %swap3A_337 = vector.shape_cast %swap3A_336 : vector<1x16xf32> to vector<16xf32>
      %swap3A_338 = vector.shape_cast %add3A_331 : vector<16xf32> to vector<1x16xf32>
      tpu.vector_store %arg8[%swap3A_334, %swap3A_335], %swap3A_338 {strides = array<i32>} : memref<400x64xf32, #tpu.memory_space<vmem>>, vector<1x16xf32>,
      %get3A_339 = arith.index_cast %scan3A_310 : i32 to index
      %get3A_340 = arith.constant 16 : index
      %get3A_341 = tpu.vector_load %arg7[%get3A_339, %get3A_340] {strides = array<i32>} : memref<200x64xf32, #tpu.memory_space<vmem>>, vector<1x16xf32>,
      %get3A_342 = vector.shape_cast %get3A_341 : vector<1x16xf32> to vector<16xf32>
      %get3A_343 = arith.index_cast %scan3A_310 : i32 to index
      %get3A_344 = arith.constant 16 : index
      %get3A_345 = tpu.vector_load %arg8[%get3A_343, %get3A_344] {strides = array<i32>} : memref<400x64xf32, #tpu.memory_space<vmem>>, vector<1x16xf32>,
      %get3A_346 = vector.shape_cast %get3A_345 : vector<1x16xf32> to vector<16xf32>
      %add3A_347 = arith.addf %get3A_346, %get3A_342 : vector<16xf32>
      %swap3A_348 = arith.index_cast %scan3A_310 : i32 to index
      %swap3A_349 = arith.constant 16 : index
      %swap3A_350 = tpu.vector_load %arg8[%swap3A_348, %swap3A_349] {strides = array<i32>} : memref<400x64xf32, #tpu.memory_space<vmem>>, vector<1x16xf32>,
      %swap3A_351 = vector.shape_cast %swap3A_350 : vector<1x16xf32> to vector<16xf32>
      %swap3A_352 = vector.shape_cast %add3A_347 : vector<16xf32> to vector<1x16xf32>
      tpu.vector_store %arg8[%swap3A_348, %swap3A_349], %swap3A_352 {strides = array<i32>} : memref<400x64xf32, #tpu.memory_space<vmem>>, vector<1x16xf32>,
      %add3A_353 = arith.constant 200 : i32
      %add3A_354 = arith.addi %scan3A_310, %add3A_353 : i32
      %get3A_355 = arith.index_cast %add3A_354 : i32 to index
      %get3A_356 = arith.constant 16 : index
      %get3A_357 = tpu.vector_load %arg8[%get3A_355, %get3A_356] {strides = array<i32>} : memref<400x64xf32, #tpu.memory_space<vmem>>, vector<1x16xf32>,
      %get3A_358 = vector.shape_cast %get3A_357 : vector<1x16xf32> to vector<16xf32>
      %add3A_359 = arith.addf %get3A_358, %get3A_342 : vector<16xf32>
      %add3A_360 = arith.constant 200 : i32
      %add3A_361 = arith.addi %scan3A_310, %add3A_360 : i32
      %swap3A_362 = arith.index_cast %add3A_361 : i32 to index
      %swap3A_363 = arith.constant 16 : index
      %swap3A_364 = tpu.vector_load %arg8[%swap3A_362, %swap3A_363] {strides = array<i32>} : memref<400x64xf32, #tpu.memory_space<vmem>>, vector<1x16xf32>,
      %swap3A_365 = vector.shape_cast %swap3A_364 : vector<1x16xf32> to vector<16xf32>
      %swap3A_366 = vector.shape_cast %add3A_359 : vector<16xf32> to vector<1x16xf32>
      tpu.vector_store %arg8[%swap3A_362, %swap3A_363], %swap3A_366 {strides = array<i32>} : memref<400x64xf32, #tpu.memory_space<vmem>>, vector<1x16xf32>,
      %get3A_367 = arith.index_cast %scan3A_310 : i32 to index
      %get3A_368 = arith.constant 32 : index
      %get3A_369 = tpu.vector_load %arg7[%get3A_367, %get3A_368] {strides = array<i32>} : memref<200x64xf32, #tpu.memory_space<vmem>>, vector<1x16xf32>,
      %get3A_370 = vector.shape_cast %get3A_369 : vector<1x16xf32> to vector<16xf32>
      %get3A_371 = arith.index_cast %scan3A_310 : i32 to index
      %get3A_372 = arith.constant 32 : index
      %get3A_373 = tpu.vector_load %arg8[%get3A_371, %get3A_372] {strides = array<i32>} : memref<400x64xf32, #tpu.memory_space<vmem>>, vector<1x16xf32>,
      %get3A_374 = vector.shape_cast %get3A_373 : vector<1x16xf32> to vector<16xf32>
      %add3A_375 = arith.addf %get3A_374, %get3A_370 : vector<16xf32>
      %swap3A_376 = arith.index_cast %scan3A_310 : i32 to index
      %swap3A_377 = arith.constant 32 : index
      %swap3A_378 = tpu.vector_load %arg8[%swap3A_376, %swap3A_377] {strides = array<i32>} : memref<400x64xf32, #tpu.memory_space<vmem>>, vector<1x16xf32>,
      %swap3A_379 = vector.shape_cast %swap3A_378 : vector<1x16xf32> to vector<16xf32>
      %swap3A_380 = vector.shape_cast %add3A_375 : vector<16xf32> to vector<1x16xf32>
      tpu.vector_store %arg8[%swap3A_376, %swap3A_377], %swap3A_380 {strides = array<i32>} : memref<400x64xf32, #tpu.memory_space<vmem>>, vector<1x16xf32>,
      %add3A_381 = arith.constant 200 : i32
      %add3A_382 = arith.addi %scan3A_310, %add3A_381 : i32
      %get3A_383 = arith.index_cast %add3A_382 : i32 to index
      %get3A_384 = arith.constant 32 : index
      %get3A_385 = tpu.vector_load %arg8[%get3A_383, %get3A_384] {strides = array<i32>} : memref<400x64xf32, #tpu.memory_space<vmem>>, vector<1x16xf32>,
      %get3A_386 = vector.shape_cast %get3A_385 : vector<1x16xf32> to vector<16xf32>
      %add3A_387 = arith.addf %get3A_386, %get3A_370 : vector<16xf32>
      %add3A_388 = arith.constant 200 : i32
      %add3A_389 = arith.addi %scan3A_310, %add3A_388 : i32
      %swap3A_390 = arith.index_cast %add3A_389 : i32 to index
      %swap3A_391 = arith.constant 32 : index
      %swap3A_392 = tpu.vector_load %arg8[%swap3A_390, %swap3A_391] {strides = array<i32>} : memref<400x64xf32, #tpu.memory_space<vmem>>, vector<1x16xf32>,
      %swap3A_393 = vector.shape_cast %swap3A_392 : vector<1x16xf32> to vector<16xf32>
      %swap3A_394 = vector.shape_cast %add3A_387 : vector<16xf32> to vector<1x16xf32>
      tpu.vector_store %arg8[%swap3A_390, %swap3A_391], %swap3A_394 {strides = array<i32>} : memref<400x64xf32, #tpu.memory_space<vmem>>, vector<1x16xf32>,
      %get3A_395 = arith.index_cast %scan3A_310 : i32 to index
      %get3A_396 = arith.constant 48 : index
      %get3A_397 = tpu.vector_load %arg7[%get3A_395, %get3A_396] {strides = array<i32>} : memref<200x64xf32, #tpu.memory_space<vmem>>, vector<1x16xf32>,
      %get3A_398 = vector.shape_cast %get3A_397 : vector<1x16xf32> to vector<16xf32>
      %get3A_399 = arith.index_cast %scan3A_310 : i32 to index
      %get3A_400 = arith.constant 48 : index
      %get3A_401 = tpu.vector_load %arg8[%get3A_399, %get3A_400] {strides = array<i32>} : memref<400x64xf32, #tpu.memory_space<vmem>>, vector<1x16xf32>,
      %get3A_402 = vector.shape_cast %get3A_401 : vector<1x16xf32> to vector<16xf32>
      %add3A_403 = arith.addf %get3A_402, %get3A_398 : vector<16xf32>
      %swap3A_404 = arith.index_cast %scan3A_310 : i32 to index
      %swap3A_405 = arith.constant 48 : index
      %swap3A_406 = tpu.vector_load %arg8[%swap3A_404, %swap3A_405] {strides = array<i32>} : memref<400x64xf32, #tpu.memory_space<vmem>>, vector<1x16xf32>,
      %swap3A_407 = vector.shape_cast %swap3A_406 : vector<1x16xf32> to vector<16xf32>
      %swap3A_408 = vector.shape_cast %add3A_403 : vector<16xf32> to vector<1x16xf32>
      tpu.vector_store %arg8[%swap3A_404, %swap3A_405], %swap3A_408 {strides = array<i32>} : memref<400x64xf32, #tpu.memory_space<vmem>>, vector<1x16xf32>,
      %add3A_409 = arith.constant 200 : i32
      %add3A_410 = arith.addi %scan3A_310, %add3A_409 : i32
      %get3A_411 = arith.index_cast %add3A_410 : i32 to index
      %get3A_412 = arith.constant 48 : index
      %get3A_413 = tpu.vector_load %arg8[%get3A_411, %get3A_412] {strides = array<i32>} : memref<400x64xf32, #tpu.memory_space<vmem>>, vector<1x16xf32>,
      %get3A_414 = vector.shape_cast %get3A_413 : vector<1x16xf32> to vector<16xf32>
      %add3A_415 = arith.addf %get3A_414, %get3A_398 : vector<16xf32>
      %add3A_416 = arith.constant 200 : i32
      %add3A_417 = arith.addi %scan3A_310, %add3A_416 : i32
      %swap3A_418 = arith.index_cast %add3A_417 : i32 to index
      %swap3A_419 = arith.constant 48 : index
      %swap3A_420 = tpu.vector_load %arg8[%swap3A_418, %swap3A_419] {strides = array<i32>} : memref<400x64xf32, #tpu.memory_space<vmem>>, vector<1x16xf32>,
      %swap3A_421 = vector.shape_cast %swap3A_420 : vector<1x16xf32> to vector<16xf32>
      %swap3A_422 = vector.shape_cast %add3A_415 : vector<16xf32> to vector<1x16xf32>
      tpu.vector_store %arg8[%swap3A_418, %swap3A_419], %swap3A_422 {strides = array<i32>} : memref<400x64xf32, #tpu.memory_space<vmem>>, vector<1x16xf32>,
      %scan3A_423 = arith.constant 2 : i32
      %scan3A_424 = arith.addi %scan3A_198, %scan3A_423 : i32
      %get3A_425 = arith.index_cast %scan3A_424 : i32 to index
      %get3A_426 = arith.constant 0 : index
      %get3A_427 = tpu.vector_load %arg7[%get3A_425, %get3A_426] {strides = array<i32>} : memref<200x64xf32, #tpu.memory_space<vmem>>, vector<1x16xf32>,
      %get3A_428 = vector.shape_cast %get3A_427 : vector<1x16xf32> to vector<16xf32>
      %get3A_429 = arith.index_cast %scan3A_424 : i32 to index
      %get3A_430 = arith.constant 0 : index
      %get3A_431 = tpu.vector_load %arg8[%get3A_429, %get3A_430] {strides = array<i32>} : memref<400x64xf32, #tpu.memory_space<vmem>>, vector<1x16xf32>,
      %get3A_432 = vector.shape_cast %get3A_431 : vector<1x16xf32> to vector<16xf32>
      %add3A_433 = arith.addf %get3A_432, %get3A_428 : vector<16xf32>
      %swap3A_434 = arith.index_cast %scan3A_424 : i32 to index
      %swap3A_435 = arith.constant 0 : index
      %swap3A_436 = tpu.vector_load %arg8[%swap3A_434, %swap3A_435] {strides = array<i32>} : memref<400x64xf32, #tpu.memory_space<vmem>>, vector<1x16xf32>,
      %swap3A_437 = vector.shape_cast %swap3A_436 : vector<1x16xf32> to vector<16xf32>
      %swap3A_438 = vector.shape_cast %add3A_433 : vector<16xf32> to vector<1x16xf32>
      tpu.vector_store %arg8[%swap3A_434, %swap3A_435], %swap3A_438 {strides = array<i32>} : memref<400x64xf32, #tpu.memory_space<vmem>>, vector<1x16xf32>,
      %add3A_439 = arith.constant 200 : i32
      %add3A_440 = arith.addi %scan3A_424, %add3A_439 : i32
      %get3A_441 = arith.index_cast %add3A_440 : i32 to index
      %get3A_442 = arith.constant 0 : index
      %get3A_443 = tpu.vector_load %arg8[%get3A_441, %get3A_442] {strides = array<i32>} : memref<400x64xf32, #tpu.memory_space<vmem>>, vector<1x16xf32>,
      %get3A_444 = vector.shape_cast %get3A_443 : vector<1x16xf32> to vector<16xf32>
      %add3A_445 = arith.addf %get3A_444, %get3A_428 : vector<16xf32>
      %add3A_446 = arith.constant 200 : i32
      %add3A_447 = arith.addi %scan3A_424, %add3A_446 : i32
      %swap3A_448 = arith.index_cast %add3A_447 : i32 to index
      %swap3A_449 = arith.constant 0 : index
      %swap3A_450 = tpu.vector_load %arg8[%swap3A_448, %swap3A_449] {strides = array<i32>} : memref<400x64xf32, #tpu.memory_space<vmem>>, vector<1x16xf32>,
      %swap3A_451 = vector.shape_cast %swap3A_450 : vector<1x16xf32> to vector<16xf32>
      %swap3A_452 = vector.shape_cast %add3A_445 : vector<16xf32> to vector<1x16xf32>
      tpu.vector_store %arg8[%swap3A_448, %swap3A_449], %swap3A_452 {strides = array<i32>} : memref<400x64xf32, #tpu.memory_space<vmem>>, vector<1x16xf32>,
      %get3A_453 = arith.index_cast %scan3A_424 : i32 to index
      %get3A_454 = arith.constant 16 : index
      %get3A_455 = tpu.vector_load %arg7[%get3A_453, %get3A_454] {strides = array<i32>} : memref<200x64xf32, #tpu.memory_space<vmem>>, vector<1x16xf32>,
      %get3A_456 = vector.shape_cast %get3A_455 : vector<1x16xf32> to vector<16xf32>
      %get3A_457 = arith.index_cast %scan3A_424 : i32 to index
      %get3A_458 = arith.constant 16 : index
      %get3A_459 = tpu.vector_load %arg8[%get3A_457, %get3A_458] {strides = array<i32>} : memref<400x64xf32, #tpu.memory_space<vmem>>, vector<1x16xf32>,
      %get3A_460 = vector.shape_cast %get3A_459 : vector<1x16xf32> to vector<16xf32>
      %add3A_461 = arith.addf %get3A_460, %get3A_456 : vector<16xf32>
      %swap3A_462 = arith.index_cast %scan3A_424 : i32 to index
      %swap3A_463 = arith.constant 16 : index
      %swap3A_464 = tpu.vector_load %arg8[%swap3A_462, %swap3A_463] {strides = array<i32>} : memref<400x64xf32, #tpu.memory_space<vmem>>, vector<1x16xf32>,
      %swap3A_465 = vector.shape_cast %swap3A_464 : vector<1x16xf32> to vector<16xf32>
      %swap3A_466 = vector.shape_cast %add3A_461 : vector<16xf32> to vector<1x16xf32>
      tpu.vector_store %arg8[%swap3A_462, %swap3A_463], %swap3A_466 {strides = array<i32>} : memref<400x64xf32, #tpu.memory_space<vmem>>, vector<1x16xf32>,
      %add3A_467 = arith.constant 200 : i32
      %add3A_468 = arith.addi %scan3A_424, %add3A_467 : i32
      %get3A_469 = arith.index_cast %add3A_468 : i32 to index
      %get3A_470 = arith.constant 16 : index
      %get3A_471 = tpu.vector_load %arg8[%get3A_469, %get3A_470] {strides = array<i32>} : memref<400x64xf32, #tpu.memory_space<vmem>>, vector<1x16xf32>,
      %get3A_472 = vector.shape_cast %get3A_471 : vector<1x16xf32> to vector<16xf32>
      %add3A_473 = arith.addf %get3A_472, %get3A_456 : vector<16xf32>
      %add3A_474 = arith.constant 200 : i32
      %add3A_475 = arith.addi %scan3A_424, %add3A_474 : i32
      %swap3A_476 = arith.index_cast %add3A_475 : i32 to index
      %swap3A_477 = arith.constant 16 : index
      %swap3A_478 = tpu.vector_load %arg8[%swap3A_476, %swap3A_477] {strides = array<i32>} : memref<400x64xf32, #tpu.memory_space<vmem>>, vector<1x16xf32>,
      %swap3A_479 = vector.shape_cast %swap3A_478 : vector<1x16xf32> to vector<16xf32>
      %swap3A_480 = vector.shape_cast %add3A_473 : vector<16xf32> to vector<1x16xf32>
      tpu.vector_store %arg8[%swap3A_476, %swap3A_477], %swap3A_480 {strides = array<i32>} : memref<400x64xf32, #tpu.memory_space<vmem>>, vector<1x16xf32>,
      %get3A_481 = arith.index_cast %scan3A_424 : i32 to index
      %get3A_482 = arith.constant 32 : index
      %get3A_483 = tpu.vector_load %arg7[%get3A_481, %get3A_482] {strides = array<i32>} : memref<200x64xf32, #tpu.memory_space<vmem>>, vector<1x16xf32>,
      %get3A_484 = vector.shape_cast %get3A_483 : vector<1x16xf32> to vector<16xf32>
      %get3A_485 = arith.index_cast %scan3A_424 : i32 to index
      %get3A_486 = arith.constant 32 : index
      %get3A_487 = tpu.vector_load %arg8[%get3A_485, %get3A_486] {strides = array<i32>} : memref<400x64xf32, #tpu.memory_space<vmem>>, vector<1x16xf32>,
      %get3A_488 = vector.shape_cast %get3A_487 : vector<1x16xf32> to vector<16xf32>
      %add3A_489 = arith.addf %get3A_488, %get3A_484 : vector<16xf32>
      %swap3A_490 = arith.index_cast %scan3A_424 : i32 to index
      %swap3A_491 = arith.constant 32 : index
      %swap3A_492 = tpu.vector_load %arg8[%swap3A_490, %swap3A_491] {strides = array<i32>} : memref<400x64xf32, #tpu.memory_space<vmem>>, vector<1x16xf32>,
      %swap3A_493 = vector.shape_cast %swap3A_492 : vector<1x16xf32> to vector<16xf32>
      %swap3A_494 = vector.shape_cast %add3A_489 : vector<16xf32> to vector<1x16xf32>
      tpu.vector_store %arg8[%swap3A_490, %swap3A_491], %swap3A_494 {strides = array<i32>} : memref<400x64xf32, #tpu.memory_space<vmem>>, vector<1x16xf32>,
      %add3A_495 = arith.constant 200 : i32
      %add3A_496 = arith.addi %scan3A_424, %add3A_495 : i32
      %get3A_497 = arith.index_cast %add3A_496 : i32 to index
      %get3A_498 = arith.constant 32 : index
      %get3A_499 = tpu.vector_load %arg8[%get3A_497, %get3A_498] {strides = array<i32>} : memref<400x64xf32, #tpu.memory_space<vmem>>, vector<1x16xf32>,
      %get3A_500 = vector.shape_cast %get3A_499 : vector<1x16xf32> to vector<16xf32>
      %add3A_501 = arith.addf %get3A_500, %get3A_484 : vector<16xf32>
      %add3A_502 = arith.constant 200 : i32
      %add3A_503 = arith.addi %scan3A_424, %add3A_502 : i32
      %swap3A_504 = arith.index_cast %add3A_503 : i32 to index
      %swap3A_505 = arith.constant 32 : index
      %swap3A_506 = tpu.vector_load %arg8[%swap3A_504, %swap3A_505] {strides = array<i32>} : memref<400x64xf32, #tpu.memory_space<vmem>>, vector<1x16xf32>,
      %swap3A_507 = vector.shape_cast %swap3A_506 : vector<1x16xf32> to vector<16xf32>
      %swap3A_508 = vector.shape_cast %add3A_501 : vector<16xf32> to vector<1x16xf32>
      tpu.vector_store %arg8[%swap3A_504, %swap3A_505], %swap3A_508 {strides = array<i32>} : memref<400x64xf32, #tpu.memory_space<vmem>>, vector<1x16xf32>,
      %get3A_509 = arith.index_cast %scan3A_424 : i32 to index
      %get3A_510 = arith.constant 48 : index
      %get3A_511 = tpu.vector_load %arg7[%get3A_509, %get3A_510] {strides = array<i32>} : memref<200x64xf32, #tpu.memory_space<vmem>>, vector<1x16xf32>,
      %get3A_512 = vector.shape_cast %get3A_511 : vector<1x16xf32> to vector<16xf32>
      %get3A_513 = arith.index_cast %scan3A_424 : i32 to index
      %get3A_514 = arith.constant 48 : index
      %get3A_515 = tpu.vector_load %arg8[%get3A_513, %get3A_514] {strides = array<i32>} : memref<400x64xf32, #tpu.memory_space<vmem>>, vector<1x16xf32>,
      %get3A_516 = vector.shape_cast %get3A_515 : vector<1x16xf32> to vector<16xf32>
      %add3A_517 = arith.addf %get3A_516, %get3A_512 : vector<16xf32>
      %swap3A_518 = arith.index_cast %scan3A_424 : i32 to index
      %swap3A_519 = arith.constant 48 : index
      %swap3A_520 = tpu.vector_load %arg8[%swap3A_518, %swap3A_519] {strides = array<i32>} : memref<400x64xf32, #tpu.memory_space<vmem>>, vector<1x16xf32>,
      %swap3A_521 = vector.shape_cast %swap3A_520 : vector<1x16xf32> to vector<16xf32>
      %swap3A_522 = vector.shape_cast %add3A_517 : vector<16xf32> to vector<1x16xf32>
      tpu.vector_store %arg8[%swap3A_518, %swap3A_519], %swap3A_522 {strides = array<i32>} : memref<400x64xf32, #tpu.memory_space<vmem>>, vector<1x16xf32>,
      %add3A_523 = arith.constant 200 : i32
      %add3A_524 = arith.addi %scan3A_424, %add3A_523 : i32
      %get3A_525 = arith.index_cast %add3A_524 : i32 to index
      %get3A_526 = arith.constant 48 : index
      %get3A_527 = tpu.vector_load %arg8[%get3A_525, %get3A_526] {strides = array<i32>} : memref<400x64xf32, #tpu.memory_space<vmem>>, vector<1x16xf32>,
      %get3A_528 = vector.shape_cast %get3A_527 : vector<1x16xf32> to vector<16xf32>
      %add3A_529 = arith.addf %get3A_528, %get3A_512 : vector<16xf32>
      %add3A_530 = arith.constant 200 : i32
      %add3A_531 = arith.addi %scan3A_424, %add3A_530 : i32
      %swap3A_532 = arith.index_cast %add3A_531 : i32 to index
      %swap3A_533 = arith.constant 48 : index
      %swap3A_534 = tpu.vector_load %arg8[%swap3A_532, %swap3A_533] {strides = array<i32>} : memref<400x64xf32, #tpu.memory_space<vmem>>, vector<1x16xf32>,
      %swap3A_535 = vector.shape_cast %swap3A_534 : vector<1x16xf32> to vector<16xf32>
      %swap3A_536 = vector.shape_cast %add3A_529 : vector<16xf32> to vector<1x16xf32>
      tpu.vector_store %arg8[%swap3A_532, %swap3A_533], %swap3A_536 {strides = array<i32>} : memref<400x64xf32, #tpu.memory_space<vmem>>, vector<1x16xf32>,
      %scan3A_537 = arith.constant 3 : i32
      %scan3A_538 = arith.addi %scan3A_198, %scan3A_537 : i32
      %get3A_539 = arith.index_cast %scan3A_538 : i32 to index
      %get3A_540 = arith.constant 0 : index
      %get3A_541 = tpu.vector_load %arg7[%get3A_539, %get3A_540] {strides = array<i32>} : memref<200x64xf32, #tpu.memory_space<vmem>>, vector<1x16xf32>,
      %get3A_542 = vector.shape_cast %get3A_541 : vector<1x16xf32> to vector<16xf32>
      %get3A_543 = arith.index_cast %scan3A_538 : i32 to index
      %get3A_544 = arith.constant 0 : index
      %get3A_545 = tpu.vector_load %arg8[%get3A_543, %get3A_544] {strides = array<i32>} : memref<400x64xf32, #tpu.memory_space<vmem>>, vector<1x16xf32>,
      %get3A_546 = vector.shape_cast %get3A_545 : vector<1x16xf32> to vector<16xf32>
      %add3A_547 = arith.addf %get3A_546, %get3A_542 : vector<16xf32>
      %swap3A_548 = arith.index_cast %scan3A_538 : i32 to index
      %swap3A_549 = arith.constant 0 : index
      %swap3A_550 = tpu.vector_load %arg8[%swap3A_548, %swap3A_549] {strides = array<i32>} : memref<400x64xf32, #tpu.memory_space<vmem>>, vector<1x16xf32>,
      %swap3A_551 = vector.shape_cast %swap3A_550 : vector<1x16xf32> to vector<16xf32>
      %swap3A_552 = vector.shape_cast %add3A_547 : vector<16xf32> to vector<1x16xf32>
      tpu.vector_store %arg8[%swap3A_548, %swap3A_549], %swap3A_552 {strides = array<i32>} : memref<400x64xf32, #tpu.memory_space<vmem>>, vector<1x16xf32>,
      %add3A_553 = arith.constant 200 : i32
      %add3A_554 = arith.addi %scan3A_538, %add3A_553 : i32
      %get3A_555 = arith.index_cast %add3A_554 : i32 to index
      %get3A_556 = arith.constant 0 : index
      %get3A_557 = tpu.vector_load %arg8[%get3A_555, %get3A_556] {strides = array<i32>} : memref<400x64xf32, #tpu.memory_space<vmem>>, vector<1x16xf32>,
      %get3A_558 = vector.shape_cast %get3A_557 : vector<1x16xf32> to vector<16xf32>
      %add3A_559 = arith.addf %get3A_558, %get3A_542 : vector<16xf32>
      %add3A_560 = arith.constant 200 : i32
      %add3A_561 = arith.addi %scan3A_538, %add3A_560 : i32
      %swap3A_562 = arith.index_cast %add3A_561 : i32 to index
      %swap3A_563 = arith.constant 0 : index
      %swap3A_564 = tpu.vector_load %arg8[%swap3A_562, %swap3A_563] {strides = array<i32>} : memref<400x64xf32, #tpu.memory_space<vmem>>, vector<1x16xf32>,
      %swap3A_565 = vector.shape_cast %swap3A_564 : vector<1x16xf32> to vector<16xf32>
      %swap3A_566 = vector.shape_cast %add3A_559 : vector<16xf32> to vector<1x16xf32>
      tpu.vector_store %arg8[%swap3A_562, %swap3A_563], %swap3A_566 {strides = array<i32>} : memref<400x64xf32, #tpu.memory_space<vmem>>, vector<1x16xf32>,
      %get3A_567 = arith.index_cast %scan3A_538 : i32 to index
      %get3A_568 = arith.constant 16 : index
      %get3A_569 = tpu.vector_load %arg7[%get3A_567, %get3A_568] {strides = array<i32>} : memref<200x64xf32, #tpu.memory_space<vmem>>, vector<1x16xf32>,
      %get3A_570 = vector.shape_cast %get3A_569 : vector<1x16xf32> to vector<16xf32>
      %get3A_571 = arith.index_cast %scan3A_538 : i32 to index
      %get3A_572 = arith.constant 16 : index
      %get3A_573 = tpu.vector_load %arg8[%get3A_571, %get3A_572] {strides = array<i32>} : memref<400x64xf32, #tpu.memory_space<vmem>>, vector<1x16xf32>,
      %get3A_574 = vector.shape_cast %get3A_573 : vector<1x16xf32> to vector<16xf32>
      %add3A_575 = arith.addf %get3A_574, %get3A_570 : vector<16xf32>
      %swap3A_576 = arith.index_cast %scan3A_538 : i32 to index
      %swap3A_577 = arith.constant 16 : index
      %swap3A_578 = tpu.vector_load %arg8[%swap3A_576, %swap3A_577] {strides = array<i32>} : memref<400x64xf32, #tpu.memory_space<vmem>>, vector<1x16xf32>,
      %swap3A_579 = vector.shape_cast %swap3A_578 : vector<1x16xf32> to vector<16xf32>
      %swap3A_580 = vector.shape_cast %add3A_575 : vector<16xf32> to vector<1x16xf32>
      tpu.vector_store %arg8[%swap3A_576, %swap3A_577], %swap3A_580 {strides = array<i32>} : memref<400x64xf32, #tpu.memory_space<vmem>>, vector<1x16xf32>,
      %add3A_581 = arith.constant 200 : i32
      %add3A_582 = arith.addi %scan3A_538, %add3A_581 : i32
      %get3A_583 = arith.index_cast %add3A_582 : i32 to index
      %get3A_584 = arith.constant 16 : index
      %get3A_585 = tpu.vector_load %arg8[%get3A_583, %get3A_584] {strides = array<i32>} : memref<400x64xf32, #tpu.memory_space<vmem>>, vector<1x16xf32>,
      %get3A_586 = vector.shape_cast %get3A_585 : vector<1x16xf32> to vector<16xf32>
      %add3A_587 = arith.addf %get3A_586, %get3A_570 : vector<16xf32>
      %add3A_588 = arith.constant 200 : i32
      %add3A_589 = arith.addi %scan3A_538, %add3A_588 : i32
      %swap3A_590 = arith.index_cast %add3A_589 : i32 to index
      %swap3A_591 = arith.constant 16 : index
      %swap3A_592 = tpu.vector_load %arg8[%swap3A_590, %swap3A_591] {strides = array<i32>} : memref<400x64xf32, #tpu.memory_space<vmem>>, vector<1x16xf32>,
      %swap3A_593 = vector.shape_cast %swap3A_592 : vector<1x16xf32> to vector<16xf32>
      %swap3A_594 = vector.shape_cast %add3A_587 : vector<16xf32> to vector<1x16xf32>
      tpu.vector_store %arg8[%swap3A_590, %swap3A_591], %swap3A_594 {strides = array<i32>} : memref<400x64xf32, #tpu.memory_space<vmem>>, vector<1x16xf32>,
      %get3A_595 = arith.index_cast %scan3A_538 : i32 to index
      %get3A_596 = arith.constant 32 : index
      %get3A_597 = tpu.vector_load %arg7[%get3A_595, %get3A_596] {strides = array<i32>} : memref<200x64xf32, #tpu.memory_space<vmem>>, vector<1x16xf32>,
      %get3A_598 = vector.shape_cast %get3A_597 : vector<1x16xf32> to vector<16xf32>
      %get3A_599 = arith.index_cast %scan3A_538 : i32 to index
      %get3A_600 = arith.constant 32 : index
      %get3A_601 = tpu.vector_load %arg8[%get3A_599, %get3A_600] {strides = array<i32>} : memref<400x64xf32, #tpu.memory_space<vmem>>, vector<1x16xf32>,
      %get3A_602 = vector.shape_cast %get3A_601 : vector<1x16xf32> to vector<16xf32>
      %add3A_603 = arith.addf %get3A_602, %get3A_598 : vector<16xf32>
      %swap3A_604 = arith.index_cast %scan3A_538 : i32 to index
      %swap3A_605 = arith.constant 32 : index
      %swap3A_606 = tpu.vector_load %arg8[%swap3A_604, %swap3A_605] {strides = array<i32>} : memref<400x64xf32, #tpu.memory_space<vmem>>, vector<1x16xf32>,
      %swap3A_607 = vector.shape_cast %swap3A_606 : vector<1x16xf32> to vector<16xf32>
      %swap3A_608 = vector.shape_cast %add3A_603 : vector<16xf32> to vector<1x16xf32>
      tpu.vector_store %arg8[%swap3A_604, %swap3A_605], %swap3A_608 {strides = array<i32>} : memref<400x64xf32, #tpu.memory_space<vmem>>, vector<1x16xf32>,
      %add3A_609 = arith.constant 200 : i32
      %add3A_610 = arith.addi %scan3A_538, %add3A_609 : i32
      %get3A_611 = arith.index_cast %add3A_610 : i32 to index
      %get3A_612 = arith.constant 32 : index
      %get3A_613 = tpu.vector_load %arg8[%get3A_611, %get3A_612] {strides = array<i32>} : memref<400x64xf32, #tpu.memory_space<vmem>>, vector<1x16xf32>,
      %get3A_614 = vector.shape_cast %get3A_613 : vector<1x16xf32> to vector<16xf32>
      %add3A_615 = arith.addf %get3A_614, %get3A_598 : vector<16xf32>
      %add3A_616 = arith.constant 200 : i32
      %add3A_617 = arith.addi %scan3A_538, %add3A_616 : i32
      %swap3A_618 = arith.index_cast %add3A_617 : i32 to index
      %swap3A_619 = arith.constant 32 : index
      %swap3A_620 = tpu.vector_load %arg8[%swap3A_618, %swap3A_619] {strides = array<i32>} : memref<400x64xf32, #tpu.memory_space<vmem>>, vector<1x16xf32>,
      %swap3A_621 = vector.shape_cast %swap3A_620 : vector<1x16xf32> to vector<16xf32>
      %swap3A_622 = vector.shape_cast %add3A_615 : vector<16xf32> to vector<1x16xf32>
      tpu.vector_store %arg8[%swap3A_618, %swap3A_619], %swap3A_622 {strides = array<i32>} : memref<400x64xf32, #tpu.memory_space<vmem>>, vector<1x16xf32>,
      %get3A_623 = arith.index_cast %scan3A_538 : i32 to index
      %get3A_624 = arith.constant 48 : index
      %get3A_625 = tpu.vector_load %arg7[%get3A_623, %get3A_624] {strides = array<i32>} : memref<200x64xf32, #tpu.memory_space<vmem>>, vector<1x16xf32>,
      %get3A_626 = vector.shape_cast %get3A_625 : vector<1x16xf32> to vector<16xf32>
      %get3A_627 = arith.index_cast %scan3A_538 : i32 to index
      %get3A_628 = arith.constant 48 : index
      %get3A_629 = tpu.vector_load %arg8[%get3A_627, %get3A_628] {strides = array<i32>} : memref<400x64xf32, #tpu.memory_space<vmem>>, vector<1x16xf32>,
      %get3A_630 = vector.shape_cast %get3A_629 : vector<1x16xf32> to vector<16xf32>
      %add3A_631 = arith.addf %get3A_630, %get3A_626 : vector<16xf32>
      %swap3A_632 = arith.index_cast %scan3A_538 : i32 to index
      %swap3A_633 = arith.constant 48 : index
      %swap3A_634 = tpu.vector_load %arg8[%swap3A_632, %swap3A_633] {strides = array<i32>} : memref<400x64xf32, #tpu.memory_space<vmem>>, vector<1x16xf32>,
      %swap3A_635 = vector.shape_cast %swap3A_634 : vector<1x16xf32> to vector<16xf32>
      %swap3A_636 = vector.shape_cast %add3A_631 : vector<16xf32> to vector<1x16xf32>
      tpu.vector_store %arg8[%swap3A_632, %swap3A_633], %swap3A_636 {strides = array<i32>} : memref<400x64xf32, #tpu.memory_space<vmem>>, vector<1x16xf32>,
      %add3A_637 = arith.constant 200 : i32
      %add3A_638 = arith.addi %scan3A_538, %add3A_637 : i32
      %get3A_639 = arith.index_cast %add3A_638 : i32 to index
      %get3A_640 = arith.constant 48 : index
      %get3A_641 = tpu.vector_load %arg8[%get3A_639, %get3A_640] {strides = array<i32>} : memref<400x64xf32, #tpu.memory_space<vmem>>, vector<1x16xf32>,
      %get3A_642 = vector.shape_cast %get3A_641 : vector<1x16xf32> to vector<16xf32>
      %add3A_643 = arith.addf %get3A_642, %get3A_626 : vector<16xf32>
      %add3A_644 = arith.constant 200 : i32
      %add3A_645 = arith.addi %scan3A_538, %add3A_644 : i32
      %swap3A_646 = arith.index_cast %add3A_645 : i32 to index
      %swap3A_647 = arith.constant 48 : index
      %swap3A_648 = tpu.vector_load %arg8[%swap3A_646, %swap3A_647] {strides = array<i32>} : memref<400x64xf32, #tpu.memory_space<vmem>>, vector<1x16xf32>,
      %swap3A_649 = vector.shape_cast %swap3A_648 : vector<1x16xf32> to vector<16xf32>
      %swap3A_650 = vector.shape_cast %add3A_643 : vector<16xf32> to vector<1x16xf32>
      tpu.vector_store %arg8[%swap3A_646, %swap3A_647], %swap3A_650 {strides = array<i32>} : memref<400x64xf32, #tpu.memory_space<vmem>>, vector<1x16xf32>,
    }
    %scan3A_67 = arith.constant 200 : i32
    %mul3A_68 = arith.constant 128 : i32
    %mul3A_69 = arith.muli %add3A, %mul3A_68 : i32
    %add3A_70 = arith.constant 126 : i32
    %add3A_71 = arith.addi %mul3A_69, %add3A_70 : i32
    %add3A_72 = arith.constant 0 : i32
    %add3A_73 = arith.addi %add3A_71, %add3A_72 : i32
    %dma_start3A_74 = arith.constant 0 : i32
    %dma_start3A_75 = arith.constant 0 : i32
    %dma_start3A_76 = tpu.memref_slice %arg8[%dma_start3A_74, %dma_start3A_75] : memref<400x64xf32, #tpu.memory_space<vmem>> -> memref<200x64xf32, #tpu.memory_space<vmem>>
    %dma_start3A_77 = arith.constant 0 : i32
    %dma_start3A_78 = arith.constant 0 : i32
    %dma_start3A_79 = tpu.memref_slice %arg5[%add3A_73, %dma_start3A_77, %dma_start3A_78] : memref<4096x200x64xf32, #tpu.memory_space<hbm>> -> memref<1x200x64xf32, #tpu.memory_space<hbm>>
    %dma_start3A_80 = tpu.memref_squeeze %dma_start3A_79 : memref<1x200x64xf32, #tpu.memory_space<hbm>> -> memref<200x64xf32, #tpu.memory_space<hbm>>
    %dma_start3A_81 = arith.constant 0 : i32
    %dma_start3A_82 = arith.constant 0 : i32
    %dma_start3A_83 = tpu.memref_slice %arg5[%add3A_73, %dma_start3A_81, %dma_start3A_82] : memref<4096x200x64xf32, #tpu.memory_space<hbm>> -> memref<1x200x64xf32, #tpu.memory_space<hbm>>
    %dma_start3A_84 = tpu.memref_squeeze %dma_start3A_83 : memref<1x200x64xf32, #tpu.memory_space<hbm>> -> memref<200x64xf32, #tpu.memory_space<hbm>>
    %dma_start3A_85 = arith.constant 0 : i32
    %dma_start3A_86 = arith.constant 0 : i32
    %dma_start3A_87 = tpu.memref_slice %arg8[%dma_start3A_85, %dma_start3A_86] : memref<400x64xf32, #tpu.memory_space<vmem>> -> memref<200x64xf32, #tpu.memory_space<vmem>>
    tpu.enqueue_dma source(%dma_start3A_87 : memref<200x64xf32, #tpu.memory_space<vmem>>) target(%dma_start3A_84 : memref<200x64xf32, #tpu.memory_space<hbm>>) target_semaphore(%arg14 : memref<!tpu.dma_semaphore, #tpu.memory_space<semaphore_mem>>)
    %mul3A_88 = arith.constant 128 : i32
    %mul3A_89 = arith.muli %add3A, %mul3A_88 : i32
    %add3A_90 = arith.constant 126 : i32
    %add3A_91 = arith.addi %mul3A_89, %add3A_90 : i32
    %add3A_92 = arith.constant 1 : i32
    %add3A_93 = arith.addi %add3A_91, %add3A_92 : i32
    %dma_start3A_94 = arith.constant 200 : i32
    %dma_start3A_95 = arith.constant 0 : i32
    %dma_start3A_96 = tpu.memref_slice %arg8[%dma_start3A_94, %dma_start3A_95] : memref<400x64xf32, #tpu.memory_space<vmem>> -> memref<200x64xf32, #tpu.memory_space<vmem>>
    %dma_start3A_97 = arith.constant 0 : i32
    %dma_start3A_98 = arith.constant 0 : i32
    %dma_start3A_99 = tpu.memref_slice %arg5[%add3A_93, %dma_start3A_97, %dma_start3A_98] : memref<4096x200x64xf32, #tpu.memory_space<hbm>> -> memref<1x200x64xf32, #tpu.memory_space<hbm>>
    %dma_start3A_100 = tpu.memref_squeeze %dma_start3A_99 : memref<1x200x64xf32, #tpu.memory_space<hbm>> -> memref<200x64xf32, #tpu.memory_space<hbm>>
    %dma_start3A_101 = arith.constant 0 : i32
    %dma_start3A_102 = arith.constant 0 : i32
    %dma_start3A_103 = tpu.memref_slice %arg5[%add3A_93, %dma_start3A_101, %dma_start3A_102] : memref<4096x200x64xf32, #tpu.memory_space<hbm>> -> memref<1x200x64xf32, #tpu.memory_space<hbm>>
    %dma_start3A_104 = tpu.memref_squeeze %dma_start3A_103 : memref<1x200x64xf32, #tpu.memory_space<hbm>> -> memref<200x64xf32, #tpu.memory_space<hbm>>
    %dma_start3A_105 = arith.constant 200 : i32
    %dma_start3A_106 = arith.constant 0 : i32
    %dma_start3A_107 = tpu.memref_slice %arg8[%dma_start3A_105, %dma_start3A_106] : memref<400x64xf32, #tpu.memory_space<vmem>> -> memref<200x64xf32, #tpu.memory_space<vmem>>
    tpu.enqueue_dma source(%dma_start3A_107 : memref<200x64xf32, #tpu.memory_space<vmem>>) target(%dma_start3A_104 : memref<200x64xf32, #tpu.memory_space<hbm>>) target_semaphore(%arg14 : memref<!tpu.dma_semaphore, #tpu.memory_space<semaphore_mem>>)
    %dma_wait3A_108 = arith.constant 0 : i32
    %dma_wait3A_109 = arith.constant 0 : i32
    %dma_wait3A_110 = arith.constant 0 : i32
    %dma_wait3A_111 = tpu.memref_slice %arg8[%dma_wait3A_109, %dma_wait3A_110] : memref<400x64xf32, #tpu.memory_space<vmem>> -> memref<200x64xf32, #tpu.memory_space<vmem>>
    %dma_wait3A_112 = arith.constant 0 : i32
    %dma_wait3A_113 = arith.constant 0 : i32
    %dma_wait3A_114 = tpu.memref_slice %arg5[%dma_wait3A_108, %dma_wait3A_112, %dma_wait3A_113] : memref<4096x200x64xf32, #tpu.memory_space<hbm>> -> memref<1x200x64xf32, #tpu.memory_space<hbm>>
    %dma_wait3A_115 = tpu.memref_squeeze %dma_wait3A_114 : memref<1x200x64xf32, #tpu.memory_space<hbm>> -> memref<200x64xf32, #tpu.memory_space<hbm>>
    %dma_wait3A_116 = arith.constant 0 : i32
    %dma_wait3A_117 = arith.constant 0 : i32
    %dma_wait3A_118 = tpu.memref_slice %arg5[%dma_wait3A_108, %dma_wait3A_116, %dma_wait3A_117] : memref<4096x200x64xf32, #tpu.memory_space<hbm>> -> memref<1x200x64xf32, #tpu.memory_space<hbm>>
    %dma_wait3A_119 = tpu.memref_squeeze %dma_wait3A_118 : memref<1x200x64xf32, #tpu.memory_space<hbm>> -> memref<200x64xf32, #tpu.memory_space<hbm>>
    %dma_wait3A_120 = arith.constant 0 : i32
    %dma_wait3A_121 = arith.constant 0 : i32
    %dma_wait3A_122 = tpu.memref_slice %arg8[%dma_wait3A_120, %dma_wait3A_121] : memref<400x64xf32, #tpu.memory_space<vmem>> -> memref<200x64xf32, #tpu.memory_space<vmem>>
    tpu.wait_dma2 semaphore(%arg14 : memref<!tpu.dma_semaphore, #tpu.memory_space<semaphore_mem>>) src(%dma_wait3A_122 : memref<200x64xf32, #tpu.memory_space<vmem>>) dst(%dma_wait3A_119 : memref<200x64xf32, #tpu.memory_space<hbm>>)
    %dma_wait3A_123 = arith.constant 0 : i32
    %dma_wait3A_124 = arith.constant 0 : i32
    %dma_wait3A_125 = arith.constant 0 : i32
    %dma_wait3A_126 = tpu.memref_slice %arg8[%dma_wait3A_124, %dma_wait3A_125] : memref<400x64xf32, #tpu.memory_space<vmem>> -> memref<200x64xf32, #tpu.memory_space<vmem>>
    %dma_wait3A_127 = arith.constant 0 : i32
    %dma_wait3A_128 = arith.constant 0 : i32
    %dma_wait3A_129 = tpu.memref_slice %arg5[%dma_wait3A_123, %dma_wait3A_127, %dma_wait3A_128] : memref<4096x200x64xf32, #tpu.memory_space<hbm>> -> memref<1x200x64xf32, #tpu.memory_space<hbm>>
    %dma_wait3A_130 = tpu.memref_squeeze %dma_wait3A_129 : memref<1x200x64xf32, #tpu.memory_space<hbm>> -> memref<200x64xf32, #tpu.memory_space<hbm>>
    %dma_wait3A_131 = arith.constant 0 : i32
    %dma_wait3A_132 = arith.constant 0 : i32
    %dma_wait3A_133 = tpu.memref_slice %arg5[%dma_wait3A_123, %dma_wait3A_131, %dma_wait3A_132] : memref<4096x200x64xf32, #tpu.memory_space<hbm>> -> memref<1x200x64xf32, #tpu.memory_space<hbm>>
    %dma_wait3A_134 = tpu.memref_squeeze %dma_wait3A_133 : memref<1x200x64xf32, #tpu.memory_space<hbm>> -> memref<200x64xf32, #tpu.memory_space<hbm>>
    %dma_wait3A_135 = arith.constant 0 : i32
    %dma_wait3A_136 = arith.constant 0 : i32
    %dma_wait3A_137 = tpu.memref_slice %arg8[%dma_wait3A_135, %dma_wait3A_136] : memref<400x64xf32, #tpu.memory_space<vmem>> -> memref<200x64xf32, #tpu.memory_space<vmem>>
    tpu.wait_dma2 semaphore(%arg14 : memref<!tpu.dma_semaphore, #tpu.memory_space<semaphore_mem>>) src(%dma_wait3A_137 : memref<200x64xf32, #tpu.memory_space<vmem>>) dst(%dma_wait3A_134 : memref<200x64xf32, #tpu.memory_space<hbm>>)
    %dma_wait3A_138 = arith.constant 0 : i32
    %dma_wait3A_139 = arith.constant 0 : i32
    %dma_wait3A_140 = arith.constant 0 : i32
    %dma_wait3A_141 = tpu.memref_slice %arg9[%dma_wait3A_139, %dma_wait3A_140] : memref<400x64xf32, #tpu.memory_space<vmem>> -> memref<200x64xf32, #tpu.memory_space<vmem>>
    %dma_wait3A_142 = arith.constant 0 : i32
    %dma_wait3A_143 = arith.constant 0 : i32
    %dma_wait3A_144 = tpu.memref_slice %arg5[%dma_wait3A_138, %dma_wait3A_142, %dma_wait3A_143] : memref<4096x200x64xf32, #tpu.memory_space<hbm>> -> memref<1x200x64xf32, #tpu.memory_space<hbm>>
    %dma_wait3A_145 = tpu.memref_squeeze %dma_wait3A_144 : memref<1x200x64xf32, #tpu.memory_space<hbm>> -> memref<200x64xf32, #tpu.memory_space<hbm>>
    %dma_wait3A_146 = arith.constant 0 : i32
    %dma_wait3A_147 = arith.constant 0 : i32
    %dma_wait3A_148 = tpu.memref_slice %arg5[%dma_wait3A_138, %dma_wait3A_146, %dma_wait3A_147] : memref<4096x200x64xf32, #tpu.memory_space<hbm>> -> memref<1x200x64xf32, #tpu.memory_space<hbm>>
    %dma_wait3A_149 = tpu.memref_squeeze %dma_wait3A_148 : memref<1x200x64xf32, #tpu.memory_space<hbm>> -> memref<200x64xf32, #tpu.memory_space<hbm>>
    %dma_wait3A_150 = arith.constant 0 : i32
    %dma_wait3A_151 = arith.constant 0 : i32
    %dma_wait3A_152 = tpu.memref_slice %arg9[%dma_wait3A_150, %dma_wait3A_151] : memref<400x64xf32, #tpu.memory_space<vmem>> -> memref<200x64xf32, #tpu.memory_space<vmem>>
    tpu.wait_dma2 semaphore(%arg15 : memref<!tpu.dma_semaphore, #tpu.memory_space<semaphore_mem>>) src(%dma_wait3A_152 : memref<200x64xf32, #tpu.memory_space<vmem>>) dst(%dma_wait3A_149 : memref<200x64xf32, #tpu.memory_space<hbm>>)
    %dma_wait3A_153 = arith.constant 0 : i32
    %dma_wait3A_154 = arith.constant 0 : i32
    %dma_wait3A_155 = arith.constant 0 : i32
    %dma_wait3A_156 = tpu.memref_slice %arg9[%dma_wait3A_154, %dma_wait3A_155] : memref<400x64xf32, #tpu.memory_space<vmem>> -> memref<200x64xf32, #tpu.memory_space<vmem>>
    %dma_wait3A_157 = arith.constant 0 : i32
    %dma_wait3A_158 = arith.constant 0 : i32
    %dma_wait3A_159 = tpu.memref_slice %arg5[%dma_wait3A_153, %dma_wait3A_157, %dma_wait3A_158] : memref<4096x200x64xf32, #tpu.memory_space<hbm>> -> memref<1x200x64xf32, #tpu.memory_space<hbm>>
    %dma_wait3A_160 = tpu.memref_squeeze %dma_wait3A_159 : memref<1x200x64xf32, #tpu.memory_space<hbm>> -> memref<200x64xf32, #tpu.memory_space<hbm>>
    %dma_wait3A_161 = arith.constant 0 : i32
    %dma_wait3A_162 = arith.constant 0 : i32
    %dma_wait3A_163 = tpu.memref_slice %arg5[%dma_wait3A_153, %dma_wait3A_161, %dma_wait3A_162] : memref<4096x200x64xf32, #tpu.memory_space<hbm>> -> memref<1x200x64xf32, #tpu.memory_space<hbm>>
    %dma_wait3A_164 = tpu.memref_squeeze %dma_wait3A_163 : memref<1x200x64xf32, #tpu.memory_space<hbm>> -> memref<200x64xf32, #tpu.memory_space<hbm>>
    %dma_wait3A_165 = arith.constant 0 : i32
    %dma_wait3A_166 = arith.constant 0 : i32
    %dma_wait3A_167 = tpu.memref_slice %arg9[%dma_wait3A_165, %dma_wait3A_166] : memref<400x64xf32, #tpu.memory_space<vmem>> -> memref<200x64xf32, #tpu.memory_space<vmem>>
    tpu.wait_dma2 semaphore(%arg15 : memref<!tpu.dma_semaphore, #tpu.memory_space<semaphore_mem>>) src(%dma_wait3A_167 : memref<200x64xf32, #tpu.memory_space<vmem>>) dst(%dma_wait3A_164 : memref<200x64xf32, #tpu.memory_space<hbm>>)
    %dma_wait3A_168 = arith.constant 0 : i32
    %dma_wait3A_169 = arith.constant 0 : i32
    %dma_wait3A_170 = arith.constant 0 : i32
    %dma_wait3A_171 = tpu.memref_slice %arg10[%dma_wait3A_169, %dma_wait3A_170] : memref<400x64xf32, #tpu.memory_space<vmem>> -> memref<200x64xf32, #tpu.memory_space<vmem>>
    %dma_wait3A_172 = arith.constant 0 : i32
    %dma_wait3A_173 = arith.constant 0 : i32
    %dma_wait3A_174 = tpu.memref_slice %arg5[%dma_wait3A_168, %dma_wait3A_172, %dma_wait3A_173] : memref<4096x200x64xf32, #tpu.memory_space<hbm>> -> memref<1x200x64xf32, #tpu.memory_space<hbm>>
    %dma_wait3A_175 = tpu.memref_squeeze %dma_wait3A_174 : memref<1x200x64xf32, #tpu.memory_space<hbm>> -> memref<200x64xf32, #tpu.memory_space<hbm>>
    %dma_wait3A_176 = arith.constant 0 : i32
    %dma_wait3A_177 = arith.constant 0 : i32
    %dma_wait3A_178 = tpu.memref_slice %arg5[%dma_wait3A_168, %dma_wait3A_176, %dma_wait3A_177] : memref<4096x200x64xf32, #tpu.memory_space<hbm>> -> memref<1x200x64xf32, #tpu.memory_space<hbm>>
    %dma_wait3A_179 = tpu.memref_squeeze %dma_wait3A_178 : memref<1x200x64xf32, #tpu.memory_space<hbm>> -> memref<200x64xf32, #tpu.memory_space<hbm>>
    %dma_wait3A_180 = arith.constant 0 : i32
    %dma_wait3A_181 = arith.constant 0 : i32
    %dma_wait3A_182 = tpu.memref_slice %arg10[%dma_wait3A_180, %dma_wait3A_181] : memref<400x64xf32, #tpu.memory_space<vmem>> -> memref<200x64xf32, #tpu.memory_space<vmem>>
    tpu.wait_dma2 semaphore(%arg16 : memref<!tpu.dma_semaphore, #tpu.memory_space<semaphore_mem>>) src(%dma_wait3A_182 : memref<200x64xf32, #tpu.memory_space<vmem>>) dst(%dma_wait3A_179 : memref<200x64xf32, #tpu.memory_space<hbm>>)
    %dma_wait3A_183 = arith.constant 0 : i32
    %dma_wait3A_184 = arith.constant 0 : i32
    %dma_wait3A_185 = arith.constant 0 : i32
    %dma_wait3A_186 = tpu.memref_slice %arg10[%dma_wait3A_184, %dma_wait3A_185] : memref<400x64xf32, #tpu.memory_space<vmem>> -> memref<200x64xf32, #tpu.memory_space<vmem>>
    %dma_wait3A_187 = arith.constant 0 : i32
    %dma_wait3A_188 = arith.constant 0 : i32
    %dma_wait3A_189 = tpu.memref_slice %arg5[%dma_wait3A_183, %dma_wait3A_187, %dma_wait3A_188] : memref<4096x200x64xf32, #tpu.memory_space<hbm>> -> memref<1x200x64xf32, #tpu.memory_space<hbm>>
    %dma_wait3A_190 = tpu.memref_squeeze %dma_wait3A_189 : memref<1x200x64xf32, #tpu.memory_space<hbm>> -> memref<200x64xf32, #tpu.memory_space<hbm>>
    %dma_wait3A_191 = arith.constant 0 : i32
    %dma_wait3A_192 = arith.constant 0 : i32
    %dma_wait3A_193 = tpu.memref_slice %arg5[%dma_wait3A_183, %dma_wait3A_191, %dma_wait3A_192] : memref<4096x200x64xf32, #tpu.memory_space<hbm>> -> memref<1x200x64xf32, #tpu.memory_space<hbm>>
    %dma_wait3A_194 = tpu.memref_squeeze %dma_wait3A_193 : memref<1x200x64xf32, #tpu.memory_space<hbm>> -> memref<200x64xf32, #tpu.memory_space<hbm>>
    %dma_wait3A_195 = arith.constant 0 : i32
    %dma_wait3A_196 = arith.constant 0 : i32
    %dma_wait3A_197 = tpu.memref_slice %arg10[%dma_wait3A_195, %dma_wait3A_196] : memref<400x64xf32, #tpu.memory_space<vmem>> -> memref<200x64xf32, #tpu.memory_space<vmem>>
    tpu.wait_dma2 semaphore(%arg16 : memref<!tpu.dma_semaphore, #tpu.memory_space<semaphore_mem>>) src(%dma_wait3A_197 : memref<200x64xf32, #tpu.memory_space<vmem>>) dst(%dma_wait3A_194 : memref<200x64xf32, #tpu.memory_space<hbm>>)
    return
  }
}

</mosaic_0001>

<sc_bundles>
// kernel: kernel.3.cloned.1.call-start
scs
__scs_entry_jumppad:
0x0: {  	(pc) =	sbr.rel $0x88, $3  }
0x1: {  	(tag) =	ssettag $0x0;
	lr =	simm.s32 $0x1  }
0x2: {  	[smem:$0x3F9E] =	sst lr;
	_ =	strace $0xD0000000  }
0x3: {  	_ = 	snop  }
0x4: {  	_ = 	snop  }
0x5: {  	_ = 	snop  }
0x6: {  	_ = 	snop  }
0x7: {  	_ = 	snop  }
__scs_overlays_trampoline_lowered:
0x8: {  	[smem:$0x3FAD] =	sst s0  }
0x9: {  	[smem:$0x3FAE] =	sst s1  }
0xa: {  	[smem:$0x3FAF] =	sst s2  }
0xb: {  	[smem:$0x3FB0] =	sst s3  }
0xc: {  	[smem:$0x3FB1] =	sst s4  }
0xd: {  	[smem:$0x3FB2] =	sst s5  }
0xe: {  	[smem:$0x3FB3] =	sst s6  }
0xf: {  	[smem:$0x3FB4] =	sst s7  }
0x10: {  	[smem:$0x3FB5] =	sst s8  }
0x11: {  	[smem:$0x3FB6] =	sst s9;
	s0 =	simm.s32 @!p0 $0x0  }
0x12: {  	s1 =	sld [smem:$0x3F9C];
	s0 =	simm.s32 @p0 $0x1  }
0x13: {  	[smem:$0x3FB7] =	sst s0;
	s0 =	simm.s32 @!p1 $0x0  }
0x14: {  	s2 =	sld [smem:$0x3F9B];
	s0 =	simm.s32 @p1 $0x1  }
0x15: {  	[smem:$0x3FB8] =	sst s0;
	s0 =	simm.s32 @!p2 $0x0  }
0x16: {  	s3 =	sld [smem:$0x3FDB];
	s0 =	simm.s32 @p2 $0x1  }
0x17: {  	s4 =	simm.s32 $0x1BF5;
	[smem:$0x3FBA] =	sst s0  }
0x18: {  	s0 =	sld [smem:$0x3F9D];
	_ =	swait.ge [sflag:s4], $0x0  }
0x19: {  	s7 =	sld [smem:$0x3F9E]  }
0x1a: {  	s8 =	sadd.s32 $0xFFFFE003, lr  }
0x1b: {  	s9 =	sadd.s32 $0xFFFFFEF7, lr;
	s5 =	simm.s32 $0xFFFFFFFF;
	p2 =	slt.u32 s8, $0xFFFFF086  }
0x1c: {  	p1 =	slt.u32 s9, $0xF7A;
	s5 =	simm.s32 @!p2 $0x0  }
0x1d: {  	s5 =	simm.s32 @p1 $0x1;
	p0 =	seq.s32 s7, s2  }
0x1e: {  	s7 =	smul.u32 @!p0 $0xF7A, s2;
	p2 =	seq.s32 @!p0 s5, $0x0  }
0x1f: {  	s9 =	smul.u32 $0xF7A, s1;
	s8 =	simm.s32 @!p0 $0x1BF5;
	p2 =	por !p2, p0  }
0x20: {  	[sflag:s8] =	ssyncset.s32 @!p0 $0xFFFFF086;
	s6 =	sadd.s32 @!p0 s3, s7;
	s7 =	simm.s32 @!p0 $0x108  }
0x21: {  	s3 =	sadd.s32 s3, s9;
	s6 =	sadd.s32 @!p0 $0x88, s6;
	s7 =	simm.s32 @p2 $0x1082  }
0x22: {  	[simem:s7], [sflag:s8] =	dma.local @!p0 [hbm:s6], $0xF7A  }
0x23: {  	s9 =	sor.u32 $0xD0000000, s2;
	s6 =	simm.s32 $0x108;
	_ =	swait.ge @!p0 [sflag:s8], $0x0  }
0x24: {  	s3 =	sadd.s32 $0x88, s3;
	s6 =	simm.s32 @!p1 $0x1082;
	[sflag:s4] =	ssyncset.s32 $0xFFFFF086  }
0x25: {  	[simem:s6], [sflag:s4] =	dma.local [hbm:s3], $0xF7A  }
0x26: {  	[smem:$0x3F9E] =	sst s1;
	(tag) =	ssettag s2;
	_ =	strace s9  }
0x27: {  	s1 =	sld [smem:$0x3FAE]  }
0x28: {  	s2 =	sld [smem:$0x3FAF]  }
0x29: {  	s4 =	sld [smem:$0x3FB1]  }
0x2a: {  	p0 =	seq.s32 s5, $0x0;
	s5 =	sld [smem:$0x3FB2]  }
0x2b: {  	s6 =	sld [smem:$0x3FB3]  }
0x2c: {  	s7 =	sld [smem:$0x3FB4]  }
0x2d: {  	s3 =	simm.s32 $0x108;
	s8 =	sld [smem:$0x3FB5]  }
0x2e: {  	s3 =	simm.s32 @!p0 $0x1082;
	s9 =	sld [smem:$0x3FB6]  }
0x2f: {  	lr =	sadd.s32 s0, s3;
	s0 =	sld [smem:$0x3FAD]  }
0x30: {  	s3 =	sld [smem:$0x3FB0]  }
0x31: {  	[smem:$0x3FB9] =	sst s10  }
0x32: {  	s10 =	sld [smem:$0x3FB7];
	_ =	sdelay $0x3  }
0x33: {  	p0 =	seq.s32 s10, $0x1;
	s10 =	sld [smem:$0x3FB9];
	_ =	sdelay $0x3  }
0x34: {  	[smem:$0x3FB9] =	sst s10  }
0x35: {  	s10 =	sld [smem:$0x3FB8];
	_ =	sdelay $0x3  }
0x36: {  	p1 =	seq.s32 s10, $0x1;
	s10 =	sld [smem:$0x3FB9];
	_ =	sdelay $0x3  }
0x37: {  	[smem:$0x3FB9] =	sst s10  }
0x38: {  	s10 =	sld [smem:$0x3FBA]  }
0x39: {  	_ = 	snop;
	(pc) =	sbr.ind lr, $3  }
0x3a: {  	_ = 	snop  }
0x3b: {  	_ = 	snop  }
0x3c: {  	p2 =	seq.s32 s10, $0x1;
	s10 =	sld [smem:$0x3FB9]  }
0x3d: {  	_ =	shalt  }
0x3e: {  	_ =	shalt  }
0x3f: {  	_ =	shalt  }
0x40: {  	_ =	shalt  }
0x41: {  	_ =	shalt  }
0x42: {  	_ =	shalt  }
0x43: {  	_ =	shalt  }
0x44: {  	_ =	shalt  }
0x45: {  	_ =	shalt  }
0x46: {  	_ =	shalt  }
0x47: {  	_ =	shalt  }
0x48: {  	_ =	shalt  }
0x49: {  	_ =	shalt  }
0x4a: {  	_ =	shalt  }
0x4b: {  	_ =	shalt  }
0x4c: {  	_ =	shalt  }
0x4d: {  	_ =	shalt  }
0x4e: {  	_ =	shalt  }
0x4f: {  	_ =	shalt  }
0x50: {  	_ =	shalt  }
0x51: {  	_ =	shalt  }
0x52: {  	_ =	shalt  }
0x53: {  	_ =	shalt  }
0x54: {  	_ =	shalt  }
0x55: {  	_ =	shalt  }
0x56: {  	_ =	shalt  }
0x57: {  	_ =	shalt  }
0x58: {  	_ =	shalt  }
0x59: {  	_ =	shalt  }
0x5a: {  	_ =	shalt  }
0x5b: {  	_ =	shalt  }
0x5c: {  	_ =	shalt  }
0x5d: {  	_ =	shalt  }
0x5e: {  	_ =	shalt  }
0x5f: {  	_ =	shalt  }
0x60: {  	_ =	shalt  }
0x61: {  	_ =	shalt  }
0x62: {  	_ =	shalt  }
0x63: {  	_ =	shalt  }
0x64: {  	_ =	shalt  }
0x65: {  	_ =	shalt  }
0x66: {  	_ =	shalt  }
0x67: {  	_ =	shalt  }
0x68: {  	_ =	shalt  }
0x69: {  	_ =	shalt  }
0x6a: {  	_ =	shalt  }
0x6b: {  	_ =	shalt  }
0x6c: {  	_ =	shalt  }
0x6d: {  	_ =	shalt  }
0x6e: {  	_ =	shalt  }
0x6f: {  	_ =	shalt  }
0x70: {  	_ =	shalt  }
0x71: {  	_ =	shalt  }
0x72: {  	_ =	shalt  }
0x73: {  	_ =	shalt  }
0x74: {  	_ =	shalt  }
0x75: {  	_ =	shalt  }
0x76: {  	_ =	shalt  }
0x77: {  	_ =	shalt  }
0x78: {  	_ =	shalt  }
0x79: {  	_ =	shalt  }
0x7a: {  	_ =	shalt  }
0x7b: {  	_ =	shalt  }
0x7c: {  	_ =	shalt  }
0x7d: {  	_ =	shalt  }
0x7e: {  	_ =	shalt  }
0x7f: {  	_ =	shalt  }
0x80: {  	_ =	shalt  }
0x81: {  	_ =	shalt  }
0x82: {  	_ =	shalt  }
0x83: {  	_ =	shalt  }
0x84: {  	_ =	shalt  }
0x85: {  	_ =	shalt  }
0x86: {  	_ =	shalt  }
0x87: {  	_ =	shalt  }
.Lfunc_end0:
.L_simem_size_0:
called_computation.1_lowered:
.L_overlay_start_0:
0x88: {  	s2 =	sld [smem:$0x3FD9]  }
0x89: {  	s3 =	sld [smem:$0x3FFE];
	_ =	sdelay $0x1  }
0x8a: {  	s1 =	srdreg.scid  }
0x8b: {  	s0 =	sand.u32 $0x1, s1  }
0x8c: {  	s17 =	sshll.u32 s0, $0xA;
	s2 =	sadd.s32 s3, s2  }
0x8d: {  	s2 =	sadd.s32 s2, s17  }
0x8e: {  	[smem:$0x3FC5] =	sst s2  }
0x8f: {  	_ = 	snop  }
0x90: {  	s2 =	sld [smem:$0x3FD0];
	(tm) =	ssettm $0x1  }
0x91: {  	s18 =	sld [smem:$0x3FFB];
	_ =	sdelay $0x3  }
0x92: {  	_ =	strace s18  }
0x93: {  	s3 =	sld [smem:$0x3FFC];
	_ =	sdelay $0x3  }
0x94: {  	_ =	strace s3  }
0x95: {  	s3 =	sld [smem:$0x3FFD];
	_ =	sdelay $0x3  }
0x96: {  	_ =	strace s3  }
0x97: {  	_ =	strace $0x8FFFFFFF  }
0x98: {  	s19 =	sld [smem:$0x3FDB];
	_ =	sdelay $0x1  }
0x99: {  	s4 =	simm.s32 $_scs_section_size  }
0x9a: {  	s5 =	simm.s32 $_size__tile_overlayer_lowered;
	s6 =	simm.s32 $_tile_overlayer_lowered  }
0x9b: {  	s22 =	simm.s32 $0x1BFF;
	s21 =	sshll.u32 s6, $0x1;
	s3 =	sadd.s32 s4, s19  }
0x9c: {  	s7 =	simm.s32 $0x0;
	s20 =	sshll.u32 s5, $0x1;
	s5 =	sadd.s32 s21, s3  }
0x9d: {  	[timem:s7], [sflag:s22] =	dma.local [hbm:s5], s20  }
0x9e: {  	_ =	swait.ge [sflag:s22], s20  }
0x9f: {  	s4 =	ssub.s32 $0x0, s20;
	[sflag:s22] =	ssyncset.done $0x0  }
0xa0: {  	[sflag:s22] =	ssyncadd.s32 s4;
	_ =	sdelay $0x1  }
0xa1: {  	s23 =	simm.s32 $0x1B8B  }
0xa2: {  	_ =	swait.ge [sflag:s23], $0x1  }
0xa3: {  	[sflag:s23] =	ssyncset.done $0x0  }
0xa4: {  	s25 =	simm.s32 $0x1B8E;
	s24 =	sld [smem:$0x3FFE];
	[sflag:s23] =	ssyncadd.s32 $0xFFFFFFFF  }
0xa5: {  	s26 =	simm.s32 $execute0_lowered;
	[smem:$0x3FD2] =	sst s25  }
0xa6: {  	s5 =	sshll.u32 s26, $0x1;
	_ =	strace $0x80000046;
	[dreg:$0x1] =	wrdreg $0xFFFFFFFF  }
0xa7: {  	s28 =	simm.s32 $_size_execute0_lowered;
	s3 =	sadd.s32 s3, s5;
	[dreg:$0x0] =	wrdreg $0x0  }
0xa8: {  	s5 =	sshll.u32 s28, $0x1;
	[dreg:$0x2] =	wrdreg s3  }
0xa9: {  	[dreg:$0x3] =	wrdreg s5  }
0xaa: {  	[dreg:$0x4] =	wrdreg $0xC0  }
0xab: {  	_ =	task [dreg:s7], $0x5FFFF  }
0xac: {  	[dreg:$0x1] =	wrdreg $0xFFFFFFFF  }
0xad: {  	[dreg:$0x0] =	wrdreg $0x60  }
0xae: {  	[dreg:$0x2] =	wrdreg s24  }
0xaf: {  	[dreg:$0x3] =	wrdreg s2  }
0xb0: {  	[dreg:$0x4] =	wrdreg $0x9  }
0xb1: {  	_ =	task.clear_ibuf [dreg:s7], $0x5FFFF;
	_ =	strace $0x90000046  }
0xb2: {  	s29 =	simm.s32 $0x9;
	_ =	strace $0x80000048  }
0xb3: {  	_ =	swait.ge [sflag:s29], $0x1  }
0xb4: {  	[sflag:s29] =	ssyncadd.s32 $0xFFFFFFFF  }
0xb5: {  	_ =	strace $0x90000048  }
0xb6: {  	_ =	sfence  }
0xb7: {  	s30 =	sld [smem:$0x0];
	_ =	sdelay $0x2  }
0xb8: {  	s31 =	sshll.u32 s1, $0xD;
	s1 =	sshrl.u32 s1, $0x2  }
0xb9: {  	s3 =	sand.u32 $0x4000, s31;
	s1 =	sadd.s32 s1, s30  }
0xba: {  	s0 =	sor.u32 s3, s0;
	s1 =	sshll.u32 s1, $0x11  }
0xbb: {  	s0 =	sor.u32 s1, s0  }
0xbc: {  	s0 =	sadd.s32 $0x8F2B, s0  }
0xbd: {  	[sflag:s0] =	ssyncadd.remote.s32 $0x1  }
0xbe: {  	_ =	sfence.sel $0xFFFF  }
0xbf: {  	[dreg:$0x0] =	wrdreg $0xFFFFFFFF;
	(pc) =	sbr.abs _section_cstart, $3  }
0xc0: {  	[dreg:$0x1] =	wrdreg $0xFFFFFFFF  }
0xc1: {  	_ =	task.clear_ibuf [dreg:s7], $0x2FFFF;
	_ =	strace $0x9FFFFFFF  }
0xc2: {  	(tm) =	ssettm $0x7FFFFFFF  }
0xc3: {  	_ =	shalt  }
tec
execute0_lowered:
.L_overlay_start_1:
0x0: {  	(tag) =	ssettag $0x1  }
0x1: {  	s0 =	srdreg.scid;
	s2 =	stileid.u32  }
0x2: {  	s1 =	rddreg [dreg:$0x0];
	s13 =	simm.s32 $0x50;
	s14 =	simm.s32 $0x9600  }
0x3: {  	s15 =	simm.s32 $0xAA00;
	s17 =	simm.s32 $0xBE00;
	s19 =	simm.s32 $0xD200  }
0x4: {  	s21 =	simm.s32 $0xE600;
	s22 =	simm.s32 $0x1;
	s23 =	simm.s32 $0xFA00  }
0x5: {  	s29 =	simm.s32 $0xC800;
	s30 =	simm.s32 $0x2;
	s31 =	simm.s32 $0x15E00  }
0x6: {  	s12 =	simm.s32 $0x19A00;
	s16 =	simm.s32 $0x1AE00;
	s18 =	simm.s32 $0x12C00  }
0x7: {  	s20 =	simm.s32 $0x3;
	s0 =	sand.u32 $0x1, s0;
	s3 =	sshll.u32 s2, $0x1  }
0x8: {  	s10 =	simm.s32 $0x0;
	s2 =	rddreg [dreg:$0x1];
	s5 =	sor.u32 s0, s3  }
0x9: {  	s3 =	simm.s32 $0x0;
	s0 =	ssub.s32 $0x2, s0;
	s4 =	smul.u32 $0xC80, s5  }
0xa: {  	[smem:$0x7FF] =	sst s3;
	s6 =	smul.u32 $0x190000, s5;
	s8 =	sshrl.u32 s0, $0x1  }
0xb: {  	_ =	strace $0x80000047;
	s0 =	ssub.s32 s0, s8;
	s7 =	sadd.s32 s4, s1  }
0xc: {  	s4 =	sadd.s32 $0x1A000, s1;
	s6 =	sshrl.u32 s6, $0x3;
	s1 =	sadd.s32 $0x800, s1  }
0xd: {  	s0 =	smax.u32 s0, $0x1;
	[dreg:$0x3] =	wrdreg s1;
	s25 =	sadd.s32 s2, s6  }
0xe: {  	s26 =	sadd.s32 $0x1000, s7;
	s7 =	sshll.u32 s5, $0x7;
	[dreg:$0x7] =	wrdreg s0  }
0xf: {  	s0 =	simm.s32 $0x18600;
	[dreg:$0x4] =	wrdreg s26;
	s28 =	sadd.s32 $0x31380, s25  }
0x10: {  	s5 =	simm.s32 $0x4;
	s1 =	sadd.s32 $0x319C0, s25;
	[dreg:$0x5] =	wrdreg s28  }
0x11: {  	s6 =	simm.s32 $0x19000;
	[dreg:$0x6] =	wrdreg s1;
	s1 =	simm.s32 $0x17200  }
.LBB2_1:
0x12: {  	[dreg:$0x8] =	wrdreg s10  }
0x13: {  	s8 =	rddreg [dreg:$0x4];
	s9 =	simm.s32 $0x7  }
0x14: {  	[tilespmem:s3], [sflag:$0x7] =	stream.linear.gather [hbm4b:s8+s3], $0x6400, $0x38;
	[tilespmem:$0x1C200] =	vst v63  }
0x15: {  	_ =	swait.ge [sflag:s9], $0x6400  }
0x16: {  	[sflag:s9] =	ssyncset.done $0x0  }
0x17: {  	s24 =	simm.s32 $0x6400;
	s11 =	rddreg [dreg:$0x3];
	[sflag:s9] =	ssyncadd.s32 $0xFFFF9C00  }
0x18: {  	[tilespmem:s24], [sflag:$0x7] =	stream.linear.gather [hbm4b:s11+s3], $0x3200, $0x38;
	[tilespmem:$0x1C200] =	vst v63  }
0x19: {  	_ =	swait.ge [sflag:s9], $0x3200  }
0x1a: {  	[sflag:s9] =	ssyncset.done $0x0  }
0x1b: {  	[sflag:s9] =	ssyncadd.s32 $0xFFFFCE00  }
0x1c: {  	[tilespmem:s14], [sflag:$0x1] =	stream.indirect.gather [hbm4b:s4+s13], $0x40, s3, s13, $0xb8;
	[tilespmem:$0x1C200] =	vst v63  }
0x1d: {  	_ = 	snop  }
0x1e: {  	[tilespmem:s15], [sflag:$0x1] =	stream.indirect.gather [hbm4b:s4+s13], $0x40, s13, s13, $0xb8;
	[tilespmem:$0x1C200] =	vst v63  }
0x1f: {  	s25 =	simm.s32 $0xA0  }
0x20: {  	[tilespmem:s17], [sflag:$0x1] =	stream.indirect.gather [hbm4b:s4+s13], $0x40, s25, s13, $0xb8;
	[tilespmem:$0x1C200] =	vst v63  }
0x21: {  	s26 =	simm.s32 $0xF0  }
0x22: {  	[tilespmem:s19], [sflag:$0x1] =	stream.indirect.gather [hbm4b:s4+s13], $0x40, s26, s13, $0xb8;
	[tilespmem:$0x1C200] =	vst v63  }
0x23: {  	s28 =	simm.s32 $0x140;
	s11 =	simm.s32 $0x0  }
0x24: {  	[tilespmem:s21], [sflag:$0x1] =	stream.indirect.gather [hbm4b:s4+s13], $0x40, s28, s13, $0xb8;
	[tilespmem:$0x1C200] =	vst v63  }
.LBB2_2:
0x25: {  	_ =	swait.ge [sflag:s22], $0x6400  }
0x26: {  	p0 =	seq.s32 s11, $0x0;
	[sflag:s22] =	ssyncset.done $0x0  }
0x27: {  	s10 =	simm.s32 @!p0 $0x5;
	[sflag:s22] =	ssyncadd.s32 $0xFFFF9C00  }
0x28: {  	s9 =	smul.u32 $0x3, s11;
	_ =	swait.ge @!p0 [sflag:s10], $0x3200  }
0x29: {  	[sflag:s10] =	ssyncset.done @!p0 $0x0  }
0x2a: {  	s8 =	sadd.s32 $0x1, s9;
	[sflag:s10] =	ssyncadd.s32 @!p0 $0xFFFFCE00  }
0x2b: {  	s24 =	smul.u32 $0x640, s8;
	_ =	swait.ge @!p0 [sflag:s10], $0x3200  }
0x2c: {  	[sflag:s10] =	ssyncset.done @!p0 $0x0  }
0x2d: {  	[sflag:s10] =	ssyncadd.s32 @!p0 $0xFFFFCE00;
	s10 =	sshra.s32 s24, $0x2  }
0x2e: {  	[tilespmem:s23], [sflag:$0x2] =	stream.indirect.gather [hbm4b:s4+s13], $0x40, s10, s13, $0xb8;
	[tilespmem:$0x1C200] =	vst v63  }
0x2f: {  	s25 =	simm.s32 $0x10E00;
	s24 =	sadd.s32 $0x50, s10  }
0x30: {  	[tilespmem:s25], [sflag:$0x2] =	stream.indirect.gather [hbm4b:s4+s13], $0x40, s24, s13, $0xb8;
	[tilespmem:$0x1C200] =	vst v63  }
0x31: {  	s26 =	simm.s32 $0x12200;
	s25 =	sadd.s32 $0xA0, s10  }
0x32: {  	[tilespmem:s26], [sflag:$0x2] =	stream.indirect.gather [hbm4b:s4+s13], $0x40, s25, s13, $0xb8;
	[tilespmem:$0x1C200] =	vst v63  }
0x33: {  	s25 =	sadd.s32 $0xF0, s10;
	s26 =	simm.s32 $0x13600  }
0x34: {  	[tilespmem:s26], [sflag:$0x2] =	stream.indirect.gather [hbm4b:s4+s13], $0x40, s25, s13, $0xb8;
	[tilespmem:$0x1C200] =	vst v63  }
0x35: {  	s10 =	sadd.s32 $0x140, s10;
	s26 =	simm.s32 $0x14A00  }
0x36: {  	[tilespmem:s26], [sflag:$0x2] =	stream.indirect.gather [hbm4b:s4+s13], $0x40, s10, s13, $0xb8;
	[tilespmem:$0x1C200] =	vst v63  }
0x37: {  	s10 =	simm.s32 $0x6480  }
0x38: {  	s24 =	simm.s32 $0xC8F0;
	v0 =	vld [tilespmem:s10+$0xFFFFFF80]  }
0x39: {  	v1 =	vld [tilespmem:s24+$0xFFFFCD10]  }
0x3a: {  	v2 =	vld [tilespmem:s24+$0xFFFFFF10];
	_ =	sdelay $0x3  }
0x3b: {  	v1 =	vadd.f32 v1, v0  }
0x3c: {  	v0 =	vadd.f32 v2, v0  }
0x3d: {  	[tilespmem:s24+$0xFFFFCD10] =	vst v1  }
0x3e: {  	[tilespmem:s24+$0xFFFFFF10] =	vst v0;
	v0 =	vld [tilespmem:s24+$0xFFFFCD20]  }
0x3f: {  	v1 =	vld [tilespmem:s10+$0xFFFFFF90]  }
0x40: {  	v2 =	vld [tilespmem:s24+$0xFFFFFF20];
	_ =	sdelay $0x3  }
0x41: {  	v0 =	vadd.f32 v0, v1  }
0x42: {  	v1 =	vadd.f32 v2, v1  }
0x43: {  	[tilespmem:s24+$0xFFFFCD20] =	vst v0  }
0x44: {  	[tilespmem:s24+$0xFFFFFF20] =	vst v1;
	v1 =	vld [tilespmem:s24+$0xFFFFCD30]  }
0x45: {  	v2 =	vld [tilespmem:s10+$0xFFFFFFA0]  }
0x46: {  	v0 =	vld [tilespmem:s24+$0xFFFFFF30];
	_ =	sdelay $0x3  }
0x47: {  	v1 =	vadd.f32 v1, v2  }
0x48: {  	v0 =	vadd.f32 v0, v2  }
0x49: {  	[tilespmem:s24+$0xFFFFCD30] =	vst v1  }
0x4a: {  	[tilespmem:s24+$0xFFFFFF30] =	vst v0;
	v0 =	vld [tilespmem:s24+$0xFFFFCD40]  }
0x4b: {  	v2 =	vld [tilespmem:s10+$0xFFFFFFB0]  }
0x4c: {  	v1 =	vld [tilespmem:s24+$0xFFFFFF40];
	_ =	sdelay $0x3  }
0x4d: {  	v0 =	vadd.f32 v0, v2  }
0x4e: {  	v1 =	vadd.f32 v1, v2  }
0x4f: {  	[tilespmem:s24+$0xFFFFCD40] =	vst v0  }
0x50: {  	[tilespmem:s24+$0xFFFFFF40] =	vst v1;
	v1 =	vld [tilespmem:s24+$0xFFFFCD50]  }
0x51: {  	v2 =	vld [tilespmem:s10+$0xFFFFFFC0]  }
0x52: {  	v0 =	vld [tilespmem:s24+$0xFFFFFF50];
	_ =	sdelay $0x3  }
0x53: {  	v1 =	vadd.f32 v1, v2  }
0x54: {  	v0 =	vadd.f32 v0, v2  }
0x55: {  	[tilespmem:s24+$0xFFFFCD50] =	vst v1  }
0x56: {  	[tilespmem:s24+$0xFFFFFF50] =	vst v0;
	v0 =	vld [tilespmem:s24+$0xFFFFCD60]  }
0x57: {  	v2 =	vld [tilespmem:s10+$0xFFFFFFD0]  }
0x58: {  	v1 =	vld [tilespmem:s24+$0xFFFFFF60];
	_ =	sdelay $0x3  }
0x59: {  	v0 =	vadd.f32 v0, v2  }
0x5a: {  	v1 =	vadd.f32 v1, v2  }
0x5b: {  	[tilespmem:s24+$0xFFFFCD60] =	vst v0  }
0x5c: {  	[tilespmem:s24+$0xFFFFFF60] =	vst v1;
	v1 =	vld [tilespmem:s24+$0xFFFFCD70]  }
0x5d: {  	v2 =	vld [tilespmem:s10+$0xFFFFFFE0]  }
0x5e: {  	v0 =	vld [tilespmem:s24+$0xFFFFFF70];
	_ =	sdelay $0x3  }
0x5f: {  	v1 =	vadd.f32 v1, v2  }
0x60: {  	v0 =	vadd.f32 v0, v2  }
0x61: {  	[tilespmem:s24+$0xFFFFCD70] =	vst v1  }
0x62: {  	[tilespmem:s24+$0xFFFFFF70] =	vst v0;
	v0 =	vld [tilespmem:s24+$0xFFFFCD80]  }
0x63: {  	v2 =	vld [tilespmem:s10+$0xFFFFFFF0]  }
0x64: {  	v1 =	vld [tilespmem:s24+$0xFFFFFF80];
	_ =	sdelay $0x3  }
0x65: {  	v0 =	vadd.f32 v0, v2  }
0x66: {  	v1 =	vadd.f32 v1, v2  }
0x67: {  	[tilespmem:s24+$0xFFFFCD80] =	vst v0  }
0x68: {  	[tilespmem:s24+$0xFFFFFF80] =	vst v1;
	v1 =	vld [tilespmem:s24+$0xFFFFCD90]  }
0x69: {  	v2 =	vld [tilespmem:s10+$0x0]  }
0x6a: {  	v0 =	vld [tilespmem:s24+$0xFFFFFF90];
	_ =	sdelay $0x3  }
0x6b: {  	v1 =	vadd.f32 v1, v2  }
0x6c: {  	v0 =	vadd.f32 v0, v2  }
0x6d: {  	[tilespmem:s24+$0xFFFFCD90] =	vst v1  }
0x6e: {  	[tilespmem:s24+$0xFFFFFF90] =	vst v0;
	v0 =	vld [tilespmem:s24+$0xFFFFCDA0]  }
0x6f: {  	v2 =	vld [tilespmem:s10+$0x10]  }
0x70: {  	v1 =	vld [tilespmem:s24+$0xFFFFFFA0];
	_ =	sdelay $0x3  }
0x71: {  	v0 =	vadd.f32 v0, v2  }
0x72: {  	v1 =	vadd.f32 v1, v2  }
0x73: {  	[tilespmem:s24+$0xFFFFCDA0] =	vst v0  }
0x74: {  	[tilespmem:s24+$0xFFFFFFA0] =	vst v1;
	v1 =	vld [tilespmem:s24+$0xFFFFCDB0]  }
0x75: {  	v2 =	vld [tilespmem:s10+$0x20]  }
0x76: {  	v0 =	vld [tilespmem:s24+$0xFFFFFFB0];
	_ =	sdelay $0x3  }
0x77: {  	v1 =	vadd.f32 v1, v2  }
0x78: {  	v0 =	vadd.f32 v0, v2  }
0x79: {  	[tilespmem:s24+$0xFFFFCDB0] =	vst v1  }
0x7a: {  	[tilespmem:s24+$0xFFFFFFB0] =	vst v0;
	v0 =	vld [tilespmem:s24+$0xFFFFCDC0]  }
0x7b: {  	v2 =	vld [tilespmem:s10+$0x30]  }
0x7c: {  	v1 =	vld [tilespmem:s24+$0xFFFFFFC0];
	_ =	sdelay $0x3  }
0x7d: {  	v0 =	vadd.f32 v0, v2  }
0x7e: {  	v1 =	vadd.f32 v1, v2  }
0x7f: {  	[tilespmem:s24+$0xFFFFCDC0] =	vst v0  }
0x80: {  	[tilespmem:s24+$0xFFFFFFC0] =	vst v1;
	v1 =	vld [tilespmem:s24+$0xFFFFCDD0]  }
0x81: {  	v2 =	vld [tilespmem:s10+$0x40]  }
0x82: {  	v0 =	vld [tilespmem:s24+$0xFFFFFFD0];
	_ =	sdelay $0x3  }
0x83: {  	v1 =	vadd.f32 v1, v2  }
0x84: {  	v2 =	vadd.f32 v0, v2  }
0x85: {  	[tilespmem:s24+$0xFFFFCDD0] =	vst v1  }
0x86: {  	[tilespmem:s24+$0xFFFFFFD0] =	vst v2;
	v2 =	vld [tilespmem:s24+$0xFFFFCDE0]  }
0x87: {  	v3 =	vld [tilespmem:s10+$0x50]  }
0x88: {  	v1 =	vld [tilespmem:s24+$0xFFFFFFE0];
	_ =	sdelay $0x3  }
0x89: {  	v2 =	vadd.f32 v2, v3  }
0x8a: {  	v1 =	vadd.f32 v1, v3  }
0x8b: {  	v0 =	vld [tilespmem:s24+$0xFFFFFFF0];
	[tilespmem:s24+$0xFFFFCDE0] =	vst v2  }
0x8c: {  	[tilespmem:s24+$0xFFFFFFE0] =	vst v1;
	v1 =	vld [tilespmem:s24+$0xFFFFCDF0]  }
0x8d: {  	s28 =	simm.s32 $0x0;
	s25 =	simm.s32 $0xC8F0;
	s26 =	simm.s32 $0x6480;
	v2 =	vld [tilespmem:s10+$0x60]  }
.LBB2_3:
0x8e: {  	_ = 	snop  }
0x8f: {  	s28 =	sadd.s32 $0x4, s28;
	s24 =	sadd.s32 $0x100, s24;
	s10 =	sadd.s32 $0x100, s10  }
0x90: {  	p1 =	slt.u32 s28, $0xC4;
	_ =	sdelay $0x1  }
0x91: {  	v1 =	vadd.f32 v1, v2;
	v0 =	vadd.f32 v0, v2;
	_ =	sdelay $0x1  }
0x92: {  	[tilespmem:s25+$0xFFFFCDF0] =	vst v1;
	v1 =	vld [tilespmem:s25+$0xFFFFCE00]  }
0x93: {  	[tilespmem:s25+$0xFFFFFFF0] =	vst v0;
	v0 =	vld [tilespmem:s25+$0x0]  }
0x94: {  	v2 =	vld [tilespmem:s26+$0x70];
	s26 =	smov.u32 s10;
	_ =	sdelay $0x4  }
0x95: {  	v1 =	vadd.f32 v1, v2;
	v0 =	vadd.f32 v0, v2;
	_ =	sdelay $0x1  }
0x96: {  	[tilespmem:s25+$0xFFFFCE00] =	vst v1  }
0x97: {  	v1 =	vld [tilespmem:s24+$0xFFFFFF10];
	[tilespmem:s25+$0x0] =	vst v0;
	s25 =	smov.u32 s24  }
0x98: {  	v0 =	vld [tilespmem:s10+$0xFFFFFF80]  }
0x99: {  	v2 =	vld [tilespmem:s24+$0xFFFFCD10];
	_ =	sdelay $0x3  }
0x9a: {  	v1 =	vadd.f32 v1, v0  }
0x9b: {  	v0 =	vadd.f32 v2, v0  }
0x9c: {  	[tilespmem:s24+$0xFFFFFF10] =	vst v1;
	v1 =	vld [tilespmem:s24+$0xFFFFFF20]  }
0x9d: {  	[tilespmem:s24+$0xFFFFCD10] =	vst v0;
	v0 =	vld [tilespmem:s24+$0xFFFFCD20]  }
0x9e: {  	v2 =	vld [tilespmem:s10+$0xFFFFFF90];
	_ =	sdelay $0x4  }
0x9f: {  	v0 =	vadd.f32 v0, v2;
	v1 =	vadd.f32 v1, v2;
	_ =	sdelay $0x1  }
0xa0: {  	[tilespmem:s24+$0xFFFFCD20] =	vst v0;
	v0 =	vld [tilespmem:s24+$0xFFFFFF30]  }
0xa1: {  	[tilespmem:s24+$0xFFFFFF20] =	vst v1;
	v1 =	vld [tilespmem:s24+$0xFFFFCD30]  }
0xa2: {  	v2 =	vld [tilespmem:s10+$0xFFFFFFA0];
	_ =	sdelay $0x4  }
0xa3: {  	v1 =	vadd.f32 v1, v2;
	v0 =	vadd.f32 v0, v2;
	_ =	sdelay $0x1  }
0xa4: {  	[tilespmem:s24+$0xFFFFCD30] =	vst v1;
	v1 =	vld [tilespmem:s24+$0xFFFFFF40]  }
0xa5: {  	[tilespmem:s24+$0xFFFFFF30] =	vst v0;
	v0 =	vld [tilespmem:s24+$0xFFFFCD40]  }
0xa6: {  	v2 =	vld [tilespmem:s10+$0xFFFFFFB0];
	_ =	sdelay $0x4  }
0xa7: {  	v0 =	vadd.f32 v0, v2;
	v1 =	vadd.f32 v1, v2;
	_ =	sdelay $0x1  }
0xa8: {  	[tilespmem:s24+$0xFFFFCD40] =	vst v0;
	v0 =	vld [tilespmem:s24+$0xFFFFFF50]  }
0xa9: {  	[tilespmem:s24+$0xFFFFFF40] =	vst v1;
	v1 =	vld [tilespmem:s24+$0xFFFFCD50]  }
0xaa: {  	v2 =	vld [tilespmem:s10+$0xFFFFFFC0];
	_ =	sdelay $0x4  }
0xab: {  	v1 =	vadd.f32 v1, v2;
	v0 =	vadd.f32 v0, v2;
	_ =	sdelay $0x1  }
0xac: {  	[tilespmem:s24+$0xFFFFCD50] =	vst v1;
	v1 =	vld [tilespmem:s24+$0xFFFFFF60]  }
0xad: {  	[tilespmem:s24+$0xFFFFFF50] =	vst v0;
	v0 =	vld [tilespmem:s24+$0xFFFFCD60]  }
0xae: {  	v2 =	vld [tilespmem:s10+$0xFFFFFFD0];
	_ =	sdelay $0x4  }
0xaf: {  	v0 =	vadd.f32 v0, v2;
	v1 =	vadd.f32 v1, v2;
	_ =	sdelay $0x1  }
0xb0: {  	[tilespmem:s24+$0xFFFFCD60] =	vst v0;
	v0 =	vld [tilespmem:s24+$0xFFFFFF70]  }
0xb1: {  	[tilespmem:s24+$0xFFFFFF60] =	vst v1;
	v1 =	vld [tilespmem:s24+$0xFFFFCD70]  }
0xb2: {  	v2 =	vld [tilespmem:s10+$0xFFFFFFE0];
	_ =	sdelay $0x4  }
0xb3: {  	v1 =	vadd.f32 v1, v2;
	v0 =	vadd.f32 v0, v2;
	_ =	sdelay $0x1  }
0xb4: {  	[tilespmem:s24+$0xFFFFCD70] =	vst v1;
	v1 =	vld [tilespmem:s24+$0xFFFFFF80]  }
0xb5: {  	[tilespmem:s24+$0xFFFFFF70] =	vst v0;
	v0 =	vld [tilespmem:s24+$0xFFFFCD80]  }
0xb6: {  	v2 =	vld [tilespmem:s10+$0xFFFFFFF0];
	_ =	sdelay $0x4  }
0xb7: {  	v0 =	vadd.f32 v0, v2;
	v1 =	vadd.f32 v1, v2;
	_ =	sdelay $0x1  }
0xb8: {  	[tilespmem:s24+$0xFFFFCD80] =	vst v0;
	v0 =	vld [tilespmem:s24+$0xFFFFFF90]  }
0xb9: {  	[tilespmem:s24+$0xFFFFFF80] =	vst v1;
	v1 =	vld [tilespmem:s24+$0xFFFFCD90]  }
0xba: {  	v2 =	vld [tilespmem:s10+$0x0];
	_ =	sdelay $0x4  }
0xbb: {  	v1 =	vadd.f32 v1, v2;
	v0 =	vadd.f32 v0, v2;
	_ =	sdelay $0x1  }
0xbc: {  	[tilespmem:s24+$0xFFFFCD90] =	vst v1;
	v1 =	vld [tilespmem:s24+$0xFFFFFFA0]  }
0xbd: {  	[tilespmem:s24+$0xFFFFFF90] =	vst v0;
	v0 =	vld [tilespmem:s24+$0xFFFFCDA0]  }
0xbe: {  	v2 =	vld [tilespmem:s10+$0x10];
	_ =	sdelay $0x4  }
0xbf: {  	v0 =	vadd.f32 v0, v2;
	v1 =	vadd.f32 v1, v2;
	_ =	sdelay $0x1  }
0xc0: {  	[tilespmem:s24+$0xFFFFCDA0] =	vst v0;
	v0 =	vld [tilespmem:s24+$0xFFFFFFB0]  }
0xc1: {  	[tilespmem:s24+$0xFFFFFFA0] =	vst v1;
	v1 =	vld [tilespmem:s24+$0xFFFFCDB0]  }
0xc2: {  	v2 =	vld [tilespmem:s10+$0x20];
	_ =	sdelay $0x4  }
0xc3: {  	v1 =	vadd.f32 v1, v2;
	v0 =	vadd.f32 v0, v2;
	_ =	sdelay $0x1  }
0xc4: {  	[tilespmem:s24+$0xFFFFCDB0] =	vst v1;
	v1 =	vld [tilespmem:s24+$0xFFFFFFC0]  }
0xc5: {  	[tilespmem:s24+$0xFFFFFFB0] =	vst v0;
	v0 =	vld [tilespmem:s24+$0xFFFFCDC0]  }
0xc6: {  	v2 =	vld [tilespmem:s10+$0x30];
	_ =	sdelay $0x4  }
0xc7: {  	v0 =	vadd.f32 v0, v2;
	v1 =	vadd.f32 v1, v2;
	_ =	sdelay $0x1  }
0xc8: {  	[tilespmem:s24+$0xFFFFCDC0] =	vst v0;
	v0 =	vld [tilespmem:s24+$0xFFFFFFD0]  }
0xc9: {  	[tilespmem:s24+$0xFFFFFFC0] =	vst v1;
	v1 =	vld [tilespmem:s24+$0xFFFFCDD0]  }
0xca: {  	v2 =	vld [tilespmem:s10+$0x40];
	_ =	sdelay $0x4  }
0xcb: {  	v1 =	vadd.f32 v1, v2;
	v2 =	vadd.f32 v0, v2;
	v0 =	vld [tilespmem:s24+$0xFFFFFFF0];
	_ =	sdelay $0x1  }
0xcc: {  	[tilespmem:s24+$0xFFFFCDD0] =	vst v1;
	v1 =	vld [tilespmem:s24+$0xFFFFFFE0]  }
0xcd: {  	[tilespmem:s24+$0xFFFFFFD0] =	vst v2;
	v2 =	vld [tilespmem:s24+$0xFFFFCDE0]  }
0xce: {  	v3 =	vld [tilespmem:s10+$0x50];
	_ =	sdelay $0x4  }
.Ltmp0:
0xcf: {  	v2 =	vadd.f32 v2, v3;
	v1 =	vadd.f32 v1, v3;
	(pc) =	sbr.rel @p1 .LBB2_3-.Ltmp0, $4  }
0xd0: {  	_ = 	snop  }
0xd1: {  	[tilespmem:s24+$0xFFFFCDE0] =	vst v2  }
0xd2: {  	[tilespmem:s24+$0xFFFFFFE0] =	vst v1;
	v1 =	vld [tilespmem:s24+$0xFFFFCDF0]  }
0xd3: {  	v2 =	vld [tilespmem:s10+$0x60]  }
0xd4: {  	_ =	sdelay $0x3  }
0xd5: {  	v1 =	vadd.f32 v1, v2  }
0xd6: {  	v0 =	vadd.f32 v0, v2  }
0xd7: {  	[tilespmem:s25+$0xFFFFCDF0] =	vst v1  }
0xd8: {  	v1 =	vld [tilespmem:s25+$0xFFFFCE00];
	[tilespmem:s25+$0xFFFFFFF0] =	vst v0  }
0xd9: {  	v0 =	vld [tilespmem:s26+$0x70]  }
0xda: {  	s10 =	smul.u32 $0x6, s11;
	v2 =	vld [tilespmem:s25+$0x0];
	_ =	sdelay $0x1  }
0xdb: {  	s10 =	sadd.s32 s7, s10  }
0xdc: {  	s24 =	smul.u32 $0x640, s10  }
0xdd: {  	s10 =	smul.u32 $0x3200, s10;
	v1 =	vadd.f32 v1, v0  }
0xde: {  	v0 =	vadd.f32 v2, v0  }
0xdf: {  	s10 =	sshrl.u32 s10, $0x3;
	[tilespmem:s25+$0xFFFFCE00] =	vst v1  }
0xe0: {  	s24 =	sadd.s32 s2, s24;
	s10 =	sadd.s32 s2, s10;
	[tilespmem:s25+$0x0] =	vst v0  }
0xe1: {  	[hbm4b:s24+s3] =	stream.linear.scatter [tilespmem:s14], [sflag:$0x4], $0x3200, $0x38;
	[tilespmem:$0x1C200] =	vst v63  }
0xe2: {  	s10 =	sadd.s32 $0x640, s10  }
0xe3: {  	[hbm4b:s10+s3] =	stream.linear.scatter [tilespmem:s29], [sflag:$0x4], $0x3200, $0x38;
	[tilespmem:$0x1C200] =	vst v63  }
0xe4: {  	_ =	swait.ge [sflag:s30], $0x6400  }
0xe5: {  	[sflag:s30] =	ssyncset.done $0x0  }
0xe6: {  	s10 =	simm.s32 @!p0 $0x6;
	[sflag:s30] =	ssyncadd.s32 $0xFFFF9C00  }
0xe7: {  	_ =	swait.ge @!p0 [sflag:s10], $0x3200  }
0xe8: {  	[sflag:s10] =	ssyncset.done @!p0 $0x0  }
0xe9: {  	s9 =	sadd.s32 $0x2, s9;
	[sflag:s10] =	ssyncadd.s32 @!p0 $0xFFFFCE00  }
0xea: {  	s26 =	smul.u32 $0x640, s9;
	_ =	swait.ge @!p0 [sflag:s10], $0x3200  }
0xeb: {  	[sflag:s10] =	ssyncset.done @!p0 $0x0  }
0xec: {  	[sflag:s10] =	ssyncadd.s32 @!p0 $0xFFFFCE00;
	s10 =	sshra.s32 s26, $0x2  }
0xed: {  	[tilespmem:s31], [sflag:$0x3] =	stream.indirect.gather [hbm4b:s4+s13], $0x40, s10, s13, $0xb8;
	[tilespmem:$0x1C200] =	vst v63  }
0xee: {  	s24 =	sadd.s32 $0x50, s10  }
0xef: {  	[tilespmem:s1], [sflag:$0x3] =	stream.indirect.gather [hbm4b:s4+s13], $0x40, s24, s13, $0xb8;
	[tilespmem:$0x1C200] =	vst v63  }
0xf0: {  	s25 =	sadd.s32 $0xA0, s10  }
0xf1: {  	[tilespmem:s0], [sflag:$0x3] =	stream.indirect.gather [hbm4b:s4+s13], $0x40, s25, s13, $0xb8;
	[tilespmem:$0x1C200] =	vst v63  }
0xf2: {  	s26 =	sadd.s32 $0xF0, s10  }
0xf3: {  	[tilespmem:s12], [sflag:$0x3] =	stream.indirect.gather [hbm4b:s4+s13], $0x40, s26, s13, $0xb8;
	[tilespmem:$0x1C200] =	vst v63  }
0xf4: {  	s10 =	sadd.s32 $0x140, s10  }
0xf5: {  	[tilespmem:s16], [sflag:$0x3] =	stream.indirect.gather [hbm4b:s4+s13], $0x40, s10, s13, $0xb8;
	[tilespmem:$0x1C200] =	vst v63  }
0xf6: {  	s10 =	simm.s32 $0x6480  }
0xf7: {  	s24 =	simm.s32 $0x12CF0;
	v0 =	vld [tilespmem:s10+$0xFFFFFF80]  }
0xf8: {  	v1 =	vld [tilespmem:s24+$0xFFFFCD10]  }
0xf9: {  	v2 =	vld [tilespmem:s24+$0xFFFFFF10];
	_ =	sdelay $0x3  }
0xfa: {  	v1 =	vadd.f32 v1, v0  }
0xfb: {  	v0 =	vadd.f32 v2, v0  }
0xfc: {  	[tilespmem:s24+$0xFFFFCD10] =	vst v1  }
0xfd: {  	[tilespmem:s24+$0xFFFFFF10] =	vst v0;
	v0 =	vld [tilespmem:s24+$0xFFFFCD20]  }
0xfe: {  	v1 =	vld [tilespmem:s10+$0xFFFFFF90]  }
0xff: {  	v2 =	vld [tilespmem:s24+$0xFFFFFF20];
	_ =	sdelay $0x3  }
0x100: {  	v0 =	vadd.f32 v0, v1  }
0x101: {  	v1 =	vadd.f32 v2, v1  }
0x102: {  	[tilespmem:s24+$0xFFFFCD20] =	vst v0  }
0x103: {  	[tilespmem:s24+$0xFFFFFF20] =	vst v1;
	v1 =	vld [tilespmem:s24+$0xFFFFCD30]  }
0x104: {  	v2 =	vld [tilespmem:s10+$0xFFFFFFA0]  }
0x105: {  	v0 =	vld [tilespmem:s24+$0xFFFFFF30];
	_ =	sdelay $0x3  }
0x106: {  	v1 =	vadd.f32 v1, v2  }
0x107: {  	v0 =	vadd.f32 v0, v2  }
0x108: {  	[tilespmem:s24+$0xFFFFCD30] =	vst v1  }
0x109: {  	[tilespmem:s24+$0xFFFFFF30] =	vst v0;
	v0 =	vld [tilespmem:s24+$0xFFFFCD40]  }
0x10a: {  	v2 =	vld [tilespmem:s10+$0xFFFFFFB0]  }
0x10b: {  	v1 =	vld [tilespmem:s24+$0xFFFFFF40];
	_ =	sdelay $0x3  }
0x10c: {  	v0 =	vadd.f32 v0, v2  }
0x10d: {  	v1 =	vadd.f32 v1, v2  }
0x10e: {  	[tilespmem:s24+$0xFFFFCD40] =	vst v0  }
0x10f: {  	[tilespmem:s24+$0xFFFFFF40] =	vst v1;
	v1 =	vld [tilespmem:s24+$0xFFFFCD50]  }
0x110: {  	v2 =	vld [tilespmem:s10+$0xFFFFFFC0]  }
0x111: {  	v0 =	vld [tilespmem:s24+$0xFFFFFF50];
	_ =	sdelay $0x3  }
0x112: {  	v1 =	vadd.f32 v1, v2  }
0x113: {  	v0 =	vadd.f32 v0, v2  }
0x114: {  	[tilespmem:s24+$0xFFFFCD50] =	vst v1  }
0x115: {  	[tilespmem:s24+$0xFFFFFF50] =	vst v0;
	v0 =	vld [tilespmem:s24+$0xFFFFCD60]  }
0x116: {  	v2 =	vld [tilespmem:s10+$0xFFFFFFD0]  }
0x117: {  	v1 =	vld [tilespmem:s24+$0xFFFFFF60];
	_ =	sdelay $0x3  }
0x118: {  	v0 =	vadd.f32 v0, v2  }
0x119: {  	v1 =	vadd.f32 v1, v2  }
0x11a: {  	[tilespmem:s24+$0xFFFFCD60] =	vst v0  }
0x11b: {  	[tilespmem:s24+$0xFFFFFF60] =	vst v1;
	v1 =	vld [tilespmem:s24+$0xFFFFCD70]  }
0x11c: {  	v2 =	vld [tilespmem:s10+$0xFFFFFFE0]  }
0x11d: {  	v0 =	vld [tilespmem:s24+$0xFFFFFF70];
	_ =	sdelay $0x3  }
0x11e: {  	v1 =	vadd.f32 v1, v2  }
0x11f: {  	v0 =	vadd.f32 v0, v2  }
0x120: {  	[tilespmem:s24+$0xFFFFCD70] =	vst v1  }
0x121: {  	[tilespmem:s24+$0xFFFFFF70] =	vst v0;
	v0 =	vld [tilespmem:s24+$0xFFFFCD80]  }
0x122: {  	v2 =	vld [tilespmem:s10+$0xFFFFFFF0]  }
0x123: {  	v1 =	vld [tilespmem:s24+$0xFFFFFF80];
	_ =	sdelay $0x3  }
0x124: {  	v0 =	vadd.f32 v0, v2  }
0x125: {  	v1 =	vadd.f32 v1, v2  }
0x126: {  	[tilespmem:s24+$0xFFFFCD80] =	vst v0  }
0x127: {  	[tilespmem:s24+$0xFFFFFF80] =	vst v1;
	v1 =	vld [tilespmem:s24+$0xFFFFCD90]  }
0x128: {  	v2 =	vld [tilespmem:s10+$0x0]  }
0x129: {  	v0 =	vld [tilespmem:s24+$0xFFFFFF90];
	_ =	sdelay $0x3  }
0x12a: {  	v1 =	vadd.f32 v1, v2  }
0x12b: {  	v0 =	vadd.f32 v0, v2  }
0x12c: {  	[tilespmem:s24+$0xFFFFCD90] =	vst v1  }
0x12d: {  	[tilespmem:s24+$0xFFFFFF90] =	vst v0;
	v0 =	vld [tilespmem:s24+$0xFFFFCDA0]  }
0x12e: {  	v2 =	vld [tilespmem:s10+$0x10]  }
0x12f: {  	v1 =	vld [tilespmem:s24+$0xFFFFFFA0];
	_ =	sdelay $0x3  }
0x130: {  	v0 =	vadd.f32 v0, v2  }
0x131: {  	v1 =	vadd.f32 v1, v2  }
0x132: {  	[tilespmem:s24+$0xFFFFCDA0] =	vst v0  }
0x133: {  	[tilespmem:s24+$0xFFFFFFA0] =	vst v1;
	v1 =	vld [tilespmem:s24+$0xFFFFCDB0]  }
0x134: {  	v2 =	vld [tilespmem:s10+$0x20]  }
0x135: {  	v0 =	vld [tilespmem:s24+$0xFFFFFFB0];
	_ =	sdelay $0x3  }
0x136: {  	v1 =	vadd.f32 v1, v2  }
0x137: {  	v0 =	vadd.f32 v0, v2  }
0x138: {  	[tilespmem:s24+$0xFFFFCDB0] =	vst v1  }
0x139: {  	[tilespmem:s24+$0xFFFFFFB0] =	vst v0;
	v0 =	vld [tilespmem:s24+$0xFFFFCDC0]  }
0x13a: {  	v2 =	vld [tilespmem:s10+$0x30]  }
0x13b: {  	v1 =	vld [tilespmem:s24+$0xFFFFFFC0];
	_ =	sdelay $0x3  }
0x13c: {  	v0 =	vadd.f32 v0, v2  }
0x13d: {  	v1 =	vadd.f32 v1, v2  }
0x13e: {  	[tilespmem:s24+$0xFFFFCDC0] =	vst v0  }
0x13f: {  	[tilespmem:s24+$0xFFFFFFC0] =	vst v1;
	v1 =	vld [tilespmem:s24+$0xFFFFCDD0]  }
0x140: {  	v2 =	vld [tilespmem:s10+$0x40]  }
0x141: {  	v0 =	vld [tilespmem:s24+$0xFFFFFFD0];
	_ =	sdelay $0x3  }
0x142: {  	v1 =	vadd.f32 v1, v2  }
0x143: {  	v2 =	vadd.f32 v0, v2  }
0x144: {  	[tilespmem:s24+$0xFFFFCDD0] =	vst v1  }
0x145: {  	[tilespmem:s24+$0xFFFFFFD0] =	vst v2;
	v2 =	vld [tilespmem:s24+$0xFFFFCDE0]  }
0x146: {  	v3 =	vld [tilespmem:s10+$0x50]  }
0x147: {  	v1 =	vld [tilespmem:s24+$0xFFFFFFE0];
	_ =	sdelay $0x3  }
0x148: {  	v2 =	vadd.f32 v2, v3  }
0x149: {  	v1 =	vadd.f32 v1, v3  }
0x14a: {  	v0 =	vld [tilespmem:s24+$0xFFFFFFF0];
	[tilespmem:s24+$0xFFFFCDE0] =	vst v2  }
0x14b: {  	[tilespmem:s24+$0xFFFFFFE0] =	vst v1;
	v1 =	vld [tilespmem:s24+$0xFFFFCDF0]  }
0x14c: {  	s28 =	simm.s32 $0x0;
	s25 =	simm.s32 $0x12CF0;
	s26 =	simm.s32 $0x6480;
	v2 =	vld [tilespmem:s10+$0x60]  }
.LBB2_5:
0x14d: {  	_ = 	snop  }
0x14e: {  	s28 =	sadd.s32 $0x4, s28;
	s24 =	sadd.s32 $0x100, s24;
	s10 =	sadd.s32 $0x100, s10  }
0x14f: {  	p0 =	slt.u32 s28, $0xC4;
	_ =	sdelay $0x1  }
0x150: {  	v1 =	vadd.f32 v1, v2;
	v0 =	vadd.f32 v0, v2;
	_ =	sdelay $0x1  }
0x151: {  	[tilespmem:s25+$0xFFFFCDF0] =	vst v1;
	v1 =	vld [tilespmem:s25+$0xFFFFCE00]  }
0x152: {  	[tilespmem:s25+$0xFFFFFFF0] =	vst v0;
	v0 =	vld [tilespmem:s25+$0x0]  }
0x153: {  	v2 =	vld [tilespmem:s26+$0x70];
	s26 =	smov.u32 s10;
	_ =	sdelay $0x4  }
0x154: {  	v1 =	vadd.f32 v1, v2;
	v0 =	vadd.f32 v0, v2;
	_ =	sdelay $0x1  }
0x155: {  	[tilespmem:s25+$0xFFFFCE00] =	vst v1  }
0x156: {  	v1 =	vld [tilespmem:s24+$0xFFFFFF10];
	[tilespmem:s25+$0x0] =	vst v0;
	s25 =	smov.u32 s24  }
0x157: {  	v0 =	vld [tilespmem:s10+$0xFFFFFF80]  }
0x158: {  	v2 =	vld [tilespmem:s24+$0xFFFFCD10];
	_ =	sdelay $0x3  }
0x159: {  	v1 =	vadd.f32 v1, v0  }
0x15a: {  	v0 =	vadd.f32 v2, v0  }
0x15b: {  	[tilespmem:s24+$0xFFFFFF10] =	vst v1;
	v1 =	vld [tilespmem:s24+$0xFFFFFF20]  }
0x15c: {  	[tilespmem:s24+$0xFFFFCD10] =	vst v0;
	v0 =	vld [tilespmem:s24+$0xFFFFCD20]  }
0x15d: {  	v2 =	vld [tilespmem:s10+$0xFFFFFF90];
	_ =	sdelay $0x4  }
0x15e: {  	v0 =	vadd.f32 v0, v2;
	v1 =	vadd.f32 v1, v2;
	_ =	sdelay $0x1  }
0x15f: {  	[tilespmem:s24+$0xFFFFCD20] =	vst v0;
	v0 =	vld [tilespmem:s24+$0xFFFFFF30]  }
0x160: {  	[tilespmem:s24+$0xFFFFFF20] =	vst v1;
	v1 =	vld [tilespmem:s24+$0xFFFFCD30]  }
0x161: {  	v2 =	vld [tilespmem:s10+$0xFFFFFFA0];
	_ =	sdelay $0x4  }
0x162: {  	v1 =	vadd.f32 v1, v2;
	v0 =	vadd.f32 v0, v2;
	_ =	sdelay $0x1  }
0x163: {  	[tilespmem:s24+$0xFFFFCD30] =	vst v1;
	v1 =	vld [tilespmem:s24+$0xFFFFFF40]  }
0x164: {  	[tilespmem:s24+$0xFFFFFF30] =	vst v0;
	v0 =	vld [tilespmem:s24+$0xFFFFCD40]  }
0x165: {  	v2 =	vld [tilespmem:s10+$0xFFFFFFB0];
	_ =	sdelay $0x4  }
0x166: {  	v0 =	vadd.f32 v0, v2;
	v1 =	vadd.f32 v1, v2;
	_ =	sdelay $0x1  }
0x167: {  	[tilespmem:s24+$0xFFFFCD40] =	vst v0;
	v0 =	vld [tilespmem:s24+$0xFFFFFF50]  }
0x168: {  	[tilespmem:s24+$0xFFFFFF40] =	vst v1;
	v1 =	vld [tilespmem:s24+$0xFFFFCD50]  }
0x169: {  	v2 =	vld [tilespmem:s10+$0xFFFFFFC0];
	_ =	sdelay $0x4  }
0x16a: {  	v1 =	vadd.f32 v1, v2;
	v0 =	vadd.f32 v0, v2;
	_ =	sdelay $0x1  }
0x16b: {  	[tilespmem:s24+$0xFFFFCD50] =	vst v1;
	v1 =	vld [tilespmem:s24+$0xFFFFFF60]  }
0x16c: {  	[tilespmem:s24+$0xFFFFFF50] =	vst v0;
	v0 =	vld [tilespmem:s24+$0xFFFFCD60]  }
0x16d: {  	v2 =	vld [tilespmem:s10+$0xFFFFFFD0];
	_ =	sdelay $0x4  }
0x16e: {  	v0 =	vadd.f32 v0, v2;
	v1 =	vadd.f32 v1, v2;
	_ =	sdelay $0x1  }
0x16f: {  	[tilespmem:s24+$0xFFFFCD60] =	vst v0;
	v0 =	vld [tilespmem:s24+$0xFFFFFF70]  }
0x170: {  	[tilespmem:s24+$0xFFFFFF60] =	vst v1;
	v1 =	vld [tilespmem:s24+$0xFFFFCD70]  }
0x171: {  	v2 =	vld [tilespmem:s10+$0xFFFFFFE0];
	_ =	sdelay $0x4  }
0x172: {  	v1 =	vadd.f32 v1, v2;
	v0 =	vadd.f32 v0, v2;
	_ =	sdelay $0x1  }
0x173: {  	[tilespmem:s24+$0xFFFFCD70] =	vst v1;
	v1 =	vld [tilespmem:s24+$0xFFFFFF80]  }
0x174: {  	[tilespmem:s24+$0xFFFFFF70] =	vst v0;
	v0 =	vld [tilespmem:s24+$0xFFFFCD80]  }
0x175: {  	v2 =	vld [tilespmem:s10+$0xFFFFFFF0];
	_ =	sdelay $0x4  }
0x176: {  	v0 =	vadd.f32 v0, v2;
	v1 =	vadd.f32 v1, v2;
	_ =	sdelay $0x1  }
0x177: {  	[tilespmem:s24+$0xFFFFCD80] =	vst v0;
	v0 =	vld [tilespmem:s24+$0xFFFFFF90]  }
0x178: {  	[tilespmem:s24+$0xFFFFFF80] =	vst v1;
	v1 =	vld [tilespmem:s24+$0xFFFFCD90]  }
0x179: {  	v2 =	vld [tilespmem:s10+$0x0];
	_ =	sdelay $0x4  }
0x17a: {  	v1 =	vadd.f32 v1, v2;
	v0 =	vadd.f32 v0, v2;
	_ =	sdelay $0x1  }
0x17b: {  	[tilespmem:s24+$0xFFFFCD90] =	vst v1;
	v1 =	vld [tilespmem:s24+$0xFFFFFFA0]  }
0x17c: {  	[tilespmem:s24+$0xFFFFFF90] =	vst v0;
	v0 =	vld [tilespmem:s24+$0xFFFFCDA0]  }
0x17d: {  	v2 =	vld [tilespmem:s10+$0x10];
	_ =	sdelay $0x4  }
0x17e: {  	v0 =	vadd.f32 v0, v2;
	v1 =	vadd.f32 v1, v2;
	_ =	sdelay $0x1  }
0x17f: {  	[tilespmem:s24+$0xFFFFCDA0] =	vst v0;
	v0 =	vld [tilespmem:s24+$0xFFFFFFB0]  }
0x180: {  	[tilespmem:s24+$0xFFFFFFA0] =	vst v1;
	v1 =	vld [tilespmem:s24+$0xFFFFCDB0]  }
0x181: {  	v2 =	vld [tilespmem:s10+$0x20];
	_ =	sdelay $0x4  }
0x182: {  	v1 =	vadd.f32 v1, v2;
	v0 =	vadd.f32 v0, v2;
	_ =	sdelay $0x1  }
0x183: {  	[tilespmem:s24+$0xFFFFCDB0] =	vst v1;
	v1 =	vld [tilespmem:s24+$0xFFFFFFC0]  }
0x184: {  	[tilespmem:s24+$0xFFFFFFB0] =	vst v0;
	v0 =	vld [tilespmem:s24+$0xFFFFCDC0]  }
0x185: {  	v2 =	vld [tilespmem:s10+$0x30];
	_ =	sdelay $0x4  }
0x186: {  	v0 =	vadd.f32 v0, v2;
	v1 =	vadd.f32 v1, v2;
	_ =	sdelay $0x1  }
0x187: {  	[tilespmem:s24+$0xFFFFCDC0] =	vst v0;
	v0 =	vld [tilespmem:s24+$0xFFFFFFD0]  }
0x188: {  	[tilespmem:s24+$0xFFFFFFC0] =	vst v1;
	v1 =	vld [tilespmem:s24+$0xFFFFCDD0]  }
0x189: {  	v2 =	vld [tilespmem:s10+$0x40];
	_ =	sdelay $0x4  }
0x18a: {  	v1 =	vadd.f32 v1, v2;
	v2 =	vadd.f32 v0, v2;
	v0 =	vld [tilespmem:s24+$0xFFFFFFF0];
	_ =	sdelay $0x1  }
0x18b: {  	[tilespmem:s24+$0xFFFFCDD0] =	vst v1;
	v1 =	vld [tilespmem:s24+$0xFFFFFFE0]  }
0x18c: {  	[tilespmem:s24+$0xFFFFFFD0] =	vst v2;
	v2 =	vld [tilespmem:s24+$0xFFFFCDE0]  }
0x18d: {  	v3 =	vld [tilespmem:s10+$0x50];
	_ =	sdelay $0x4  }
.Ltmp1:
0x18e: {  	v2 =	vadd.f32 v2, v3;
	v1 =	vadd.f32 v1, v3;
	(pc) =	sbr.rel @p0 .LBB2_5-.Ltmp1, $4  }
0x18f: {  	_ = 	snop  }
0x190: {  	[tilespmem:s24+$0xFFFFCDE0] =	vst v2  }
0x191: {  	[tilespmem:s24+$0xFFFFFFE0] =	vst v1;
	v1 =	vld [tilespmem:s24+$0xFFFFCDF0]  }
0x192: {  	v2 =	vld [tilespmem:s10+$0x60]  }
0x193: {  	_ =	sdelay $0x3  }
0x194: {  	v1 =	vadd.f32 v1, v2  }
0x195: {  	v0 =	vadd.f32 v0, v2  }
0x196: {  	[tilespmem:s25+$0xFFFFCDF0] =	vst v1  }
0x197: {  	v1 =	vld [tilespmem:s25+$0xFFFFCE00];
	[tilespmem:s25+$0xFFFFFFF0] =	vst v0  }
0x198: {  	v0 =	vld [tilespmem:s26+$0x70]  }
0x199: {  	v2 =	vld [tilespmem:s25+$0x0]  }
0x19a: {  	s8 =	sshll.u32 s8, $0x1  }
0x19b: {  	s8 =	sadd.s32 s7, s8  }
0x19c: {  	s10 =	smul.u32 $0x640, s8  }
0x19d: {  	s8 =	smul.u32 $0x3200, s8;
	v1 =	vadd.f32 v1, v0  }
0x19e: {  	v0 =	vadd.f32 v2, v0  }
0x19f: {  	s8 =	sshrl.u32 s8, $0x3;
	[tilespmem:s25+$0xFFFFCE00] =	vst v1  }
0x1a0: {  	s10 =	sadd.s32 s2, s10;
	s8 =	sadd.s32 s2, s8;
	[tilespmem:s25+$0x0] =	vst v0  }
0x1a1: {  	[hbm4b:s10+s3] =	stream.linear.scatter [tilespmem:s23], [sflag:$0x5], $0x3200, $0x38;
	[tilespmem:$0x1C200] =	vst v63  }
0x1a2: {  	s8 =	sadd.s32 $0x640, s8  }
0x1a3: {  	[hbm4b:s8+s3] =	stream.linear.scatter [tilespmem:s18], [sflag:$0x5], $0x3200, $0x38;
	[tilespmem:$0x1C200] =	vst v63  }
0x1a4: {  	_ =	swait.ge [sflag:s20], $0x6400  }
0x1a5: {  	[sflag:s20] =	ssyncset.done $0x0  }
0x1a6: {  	[sflag:s20] =	ssyncadd.s32 $0xFFFF9C00  }
0x1a7: {  	_ =	swait.ge [sflag:s5], $0x3200  }
0x1a8: {  	[sflag:s5] =	ssyncset.done $0x0  }
0x1a9: {  	s10 =	smul.u32 $0x12C0, s11;
	[sflag:s5] =	ssyncadd.s32 $0xFFFFCE00  }
0x1aa: {  	_ =	swait.ge [sflag:s5], $0x3200  }
0x1ab: {  	s8 =	sshra.s32 s10, $0x2;
	[sflag:s5] =	ssyncset.done $0x0  }
0x1ac: {  	s24 =	sadd.s32 $0x4B0, s8;
	[sflag:s5] =	ssyncadd.s32 $0xFFFFCE00  }
0x1ad: {  	[tilespmem:s14], [sflag:$0x1] =	stream.indirect.gather [hbm4b:s4+s13], $0x40, s24, s13, $0xb8;
	[tilespmem:$0x1C200] =	vst v63  }
0x1ae: {  	s25 =	sadd.s32 $0x500, s8  }
0x1af: {  	[tilespmem:s15], [sflag:$0x1] =	stream.indirect.gather [hbm4b:s4+s13], $0x40, s25, s13, $0xb8;
	[tilespmem:$0x1C200] =	vst v63  }
0x1b0: {  	s26 =	sadd.s32 $0x550, s8  }
0x1b1: {  	[tilespmem:s17], [sflag:$0x1] =	stream.indirect.gather [hbm4b:s4+s13], $0x40, s26, s13, $0xb8;
	[tilespmem:$0x1C200] =	vst v63  }
0x1b2: {  	s28 =	sadd.s32 $0x5A0, s8  }
0x1b3: {  	[tilespmem:s19], [sflag:$0x1] =	stream.indirect.gather [hbm4b:s4+s13], $0x40, s28, s13, $0xb8;
	[tilespmem:$0x1C200] =	vst v63  }
0x1b4: {  	s8 =	sadd.s32 $0x5F0, s8  }
0x1b5: {  	[tilespmem:s21], [sflag:$0x1] =	stream.indirect.gather [hbm4b:s4+s13], $0x40, s8, s13, $0xb8;
	[tilespmem:$0x1C200] =	vst v63  }
0x1b6: {  	s8 =	simm.s32 $0x6480  }
0x1b7: {  	s10 =	simm.s32 $0x190F0;
	v0 =	vld [tilespmem:s8+$0xFFFFFF80]  }
0x1b8: {  	v1 =	vld [tilespmem:s10+$0xFFFFCD10]  }
0x1b9: {  	v2 =	vld [tilespmem:s10+$0xFFFFFF10];
	_ =	sdelay $0x3  }
0x1ba: {  	v1 =	vadd.f32 v1, v0  }
0x1bb: {  	v0 =	vadd.f32 v2, v0  }
0x1bc: {  	[tilespmem:s10+$0xFFFFCD10] =	vst v1  }
0x1bd: {  	[tilespmem:s10+$0xFFFFFF10] =	vst v0;
	v0 =	vld [tilespmem:s10+$0xFFFFCD20]  }
0x1be: {  	v1 =	vld [tilespmem:s8+$0xFFFFFF90]  }
0x1bf: {  	v2 =	vld [tilespmem:s10+$0xFFFFFF20];
	_ =	sdelay $0x3  }
0x1c0: {  	v0 =	vadd.f32 v0, v1  }
0x1c1: {  	v1 =	vadd.f32 v2, v1  }
0x1c2: {  	[tilespmem:s10+$0xFFFFCD20] =	vst v0  }
0x1c3: {  	[tilespmem:s10+$0xFFFFFF20] =	vst v1;
	v1 =	vld [tilespmem:s10+$0xFFFFCD30]  }
0x1c4: {  	v2 =	vld [tilespmem:s8+$0xFFFFFFA0]  }
0x1c5: {  	v0 =	vld [tilespmem:s10+$0xFFFFFF30];
	_ =	sdelay $0x3  }
0x1c6: {  	v1 =	vadd.f32 v1, v2  }
0x1c7: {  	v0 =	vadd.f32 v0, v2  }
0x1c8: {  	[tilespmem:s10+$0xFFFFCD30] =	vst v1  }
0x1c9: {  	[tilespmem:s10+$0xFFFFFF30] =	vst v0;
	v0 =	vld [tilespmem:s10+$0xFFFFCD40]  }
0x1ca: {  	v2 =	vld [tilespmem:s8+$0xFFFFFFB0]  }
0x1cb: {  	v1 =	vld [tilespmem:s10+$0xFFFFFF40];
	_ =	sdelay $0x3  }
0x1cc: {  	v0 =	vadd.f32 v0, v2  }
0x1cd: {  	v1 =	vadd.f32 v1, v2  }
0x1ce: {  	[tilespmem:s10+$0xFFFFCD40] =	vst v0  }
0x1cf: {  	[tilespmem:s10+$0xFFFFFF40] =	vst v1;
	v1 =	vld [tilespmem:s10+$0xFFFFCD50]  }
0x1d0: {  	v2 =	vld [tilespmem:s8+$0xFFFFFFC0]  }
0x1d1: {  	v0 =	vld [tilespmem:s10+$0xFFFFFF50];
	_ =	sdelay $0x3  }
0x1d2: {  	v1 =	vadd.f32 v1, v2  }
0x1d3: {  	v0 =	vadd.f32 v0, v2  }
0x1d4: {  	[tilespmem:s10+$0xFFFFCD50] =	vst v1  }
0x1d5: {  	[tilespmem:s10+$0xFFFFFF50] =	vst v0;
	v0 =	vld [tilespmem:s10+$0xFFFFCD60]  }
0x1d6: {  	v2 =	vld [tilespmem:s8+$0xFFFFFFD0]  }
0x1d7: {  	v1 =	vld [tilespmem:s10+$0xFFFFFF60];
	_ =	sdelay $0x3  }
0x1d8: {  	v0 =	vadd.f32 v0, v2  }
0x1d9: {  	v1 =	vadd.f32 v1, v2  }
0x1da: {  	[tilespmem:s10+$0xFFFFCD60] =	vst v0  }
0x1db: {  	[tilespmem:s10+$0xFFFFFF60] =	vst v1;
	v1 =	vld [tilespmem:s10+$0xFFFFCD70]  }
0x1dc: {  	v2 =	vld [tilespmem:s8+$0xFFFFFFE0]  }
0x1dd: {  	v0 =	vld [tilespmem:s10+$0xFFFFFF70];
	_ =	sdelay $0x3  }
0x1de: {  	v1 =	vadd.f32 v1, v2  }
0x1df: {  	v0 =	vadd.f32 v0, v2  }
0x1e0: {  	[tilespmem:s10+$0xFFFFCD70] =	vst v1  }
0x1e1: {  	[tilespmem:s10+$0xFFFFFF70] =	vst v0;
	v0 =	vld [tilespmem:s10+$0xFFFFCD80]  }
0x1e2: {  	v2 =	vld [tilespmem:s8+$0xFFFFFFF0]  }
0x1e3: {  	v1 =	vld [tilespmem:s10+$0xFFFFFF80];
	_ =	sdelay $0x3  }
0x1e4: {  	v0 =	vadd.f32 v0, v2  }
0x1e5: {  	v1 =	vadd.f32 v1, v2  }
0x1e6: {  	[tilespmem:s10+$0xFFFFCD80] =	vst v0  }
0x1e7: {  	[tilespmem:s10+$0xFFFFFF80] =	vst v1;
	v1 =	vld [tilespmem:s10+$0xFFFFCD90]  }
0x1e8: {  	v2 =	vld [tilespmem:s8+$0x0]  }
0x1e9: {  	v0 =	vld [tilespmem:s10+$0xFFFFFF90];
	_ =	sdelay $0x3  }
0x1ea: {  	v1 =	vadd.f32 v1, v2  }
0x1eb: {  	v0 =	vadd.f32 v0, v2  }
0x1ec: {  	[tilespmem:s10+$0xFFFFCD90] =	vst v1  }
0x1ed: {  	[tilespmem:s10+$0xFFFFFF90] =	vst v0;
	v0 =	vld [tilespmem:s10+$0xFFFFCDA0]  }
0x1ee: {  	v2 =	vld [tilespmem:s8+$0x10]  }
0x1ef: {  	v1 =	vld [tilespmem:s10+$0xFFFFFFA0];
	_ =	sdelay $0x3  }
0x1f0: {  	v0 =	vadd.f32 v0, v2  }
0x1f1: {  	v1 =	vadd.f32 v1, v2  }
0x1f2: {  	[tilespmem:s10+$0xFFFFCDA0] =	vst v0  }
0x1f3: {  	[tilespmem:s10+$0xFFFFFFA0] =	vst v1;
	v1 =	vld [tilespmem:s10+$0xFFFFCDB0]  }
0x1f4: {  	v2 =	vld [tilespmem:s8+$0x20]  }
0x1f5: {  	v0 =	vld [tilespmem:s10+$0xFFFFFFB0];
	_ =	sdelay $0x3  }
0x1f6: {  	v1 =	vadd.f32 v1, v2  }
0x1f7: {  	v0 =	vadd.f32 v0, v2  }
0x1f8: {  	[tilespmem:s10+$0xFFFFCDB0] =	vst v1  }
0x1f9: {  	[tilespmem:s10+$0xFFFFFFB0] =	vst v0;
	v0 =	vld [tilespmem:s10+$0xFFFFCDC0]  }
0x1fa: {  	v2 =	vld [tilespmem:s8+$0x30]  }
0x1fb: {  	v1 =	vld [tilespmem:s10+$0xFFFFFFC0];
	_ =	sdelay $0x3  }
0x1fc: {  	v0 =	vadd.f32 v0, v2  }
0x1fd: {  	v1 =	vadd.f32 v1, v2  }
0x1fe: {  	[tilespmem:s10+$0xFFFFCDC0] =	vst v0  }
0x1ff: {  	[tilespmem:s10+$0xFFFFFFC0] =	vst v1;
	v1 =	vld [tilespmem:s10+$0xFFFFCDD0]  }
0x200: {  	v2 =	vld [tilespmem:s8+$0x40]  }
0x201: {  	v0 =	vld [tilespmem:s10+$0xFFFFFFD0];
	_ =	sdelay $0x3  }
0x202: {  	v1 =	vadd.f32 v1, v2  }
0x203: {  	v2 =	vadd.f32 v0, v2  }
0x204: {  	[tilespmem:s10+$0xFFFFCDD0] =	vst v1  }
0x205: {  	[tilespmem:s10+$0xFFFFFFD0] =	vst v2;
	v2 =	vld [tilespmem:s10+$0xFFFFCDE0]  }
0x206: {  	v3 =	vld [tilespmem:s8+$0x50]  }
0x207: {  	v1 =	vld [tilespmem:s10+$0xFFFFFFE0];
	_ =	sdelay $0x3  }
0x208: {  	v2 =	vadd.f32 v2, v3  }
0x209: {  	v1 =	vadd.f32 v1, v3  }
0x20a: {  	v0 =	vld [tilespmem:s10+$0xFFFFFFF0];
	[tilespmem:s10+$0xFFFFCDE0] =	vst v2  }
0x20b: {  	[tilespmem:s10+$0xFFFFFFE0] =	vst v1;
	v1 =	vld [tilespmem:s10+$0xFFFFCDF0]  }
0x20c: {  	s24 =	simm.s32 $0x190F0;
	s25 =	simm.s32 $0x6480;
	s26 =	simm.s32 $0x0;
	v2 =	vld [tilespmem:s8+$0x60]  }
.LBB2_7:
0x20d: {  	_ = 	snop  }
0x20e: {  	s26 =	sadd.s32 $0x4, s26;
	s10 =	sadd.s32 $0x100, s10;
	s8 =	sadd.s32 $0x100, s8  }
0x20f: {  	p0 =	slt.u32 s26, $0xC4;
	_ =	sdelay $0x1  }
0x210: {  	v1 =	vadd.f32 v1, v2;
	v0 =	vadd.f32 v0, v2;
	_ =	sdelay $0x1  }
0x211: {  	[tilespmem:s24+$0xFFFFCDF0] =	vst v1;
	v1 =	vld [tilespmem:s24+$0xFFFFCE00]  }
0x212: {  	[tilespmem:s24+$0xFFFFFFF0] =	vst v0;
	v0 =	vld [tilespmem:s24+$0x0]  }
0x213: {  	v2 =	vld [tilespmem:s25+$0x70];
	s25 =	smov.u32 s8;
	_ =	sdelay $0x4  }
0x214: {  	v1 =	vadd.f32 v1, v2;
	v0 =	vadd.f32 v0, v2;
	_ =	sdelay $0x1  }
0x215: {  	[tilespmem:s24+$0xFFFFCE00] =	vst v1  }
0x216: {  	v1 =	vld [tilespmem:s10+$0xFFFFFF10];
	[tilespmem:s24+$0x0] =	vst v0;
	s24 =	smov.u32 s10  }
0x217: {  	v0 =	vld [tilespmem:s8+$0xFFFFFF80]  }
0x218: {  	v2 =	vld [tilespmem:s10+$0xFFFFCD10];
	_ =	sdelay $0x3  }
0x219: {  	v1 =	vadd.f32 v1, v0  }
0x21a: {  	v0 =	vadd.f32 v2, v0  }
0x21b: {  	[tilespmem:s10+$0xFFFFFF10] =	vst v1;
	v1 =	vld [tilespmem:s10+$0xFFFFFF20]  }
0x21c: {  	[tilespmem:s10+$0xFFFFCD10] =	vst v0;
	v0 =	vld [tilespmem:s10+$0xFFFFCD20]  }
0x21d: {  	v2 =	vld [tilespmem:s8+$0xFFFFFF90];
	_ =	sdelay $0x4  }
0x21e: {  	v0 =	vadd.f32 v0, v2;
	v1 =	vadd.f32 v1, v2;
	_ =	sdelay $0x1  }
0x21f: {  	[tilespmem:s10+$0xFFFFCD20] =	vst v0;
	v0 =	vld [tilespmem:s10+$0xFFFFFF30]  }
0x220: {  	[tilespmem:s10+$0xFFFFFF20] =	vst v1;
	v1 =	vld [tilespmem:s10+$0xFFFFCD30]  }
0x221: {  	v2 =	vld [tilespmem:s8+$0xFFFFFFA0];
	_ =	sdelay $0x4  }
0x222: {  	v1 =	vadd.f32 v1, v2;
	v0 =	vadd.f32 v0, v2;
	_ =	sdelay $0x1  }
0x223: {  	[tilespmem:s10+$0xFFFFCD30] =	vst v1;
	v1 =	vld [tilespmem:s10+$0xFFFFFF40]  }
0x224: {  	[tilespmem:s10+$0xFFFFFF30] =	vst v0;
	v0 =	vld [tilespmem:s10+$0xFFFFCD40]  }
0x225: {  	v2 =	vld [tilespmem:s8+$0xFFFFFFB0];
	_ =	sdelay $0x4  }
0x226: {  	v0 =	vadd.f32 v0, v2;
	v1 =	vadd.f32 v1, v2;
	_ =	sdelay $0x1  }
0x227: {  	[tilespmem:s10+$0xFFFFCD40] =	vst v0;
	v0 =	vld [tilespmem:s10+$0xFFFFFF50]  }
0x228: {  	[tilespmem:s10+$0xFFFFFF40] =	vst v1;
	v1 =	vld [tilespmem:s10+$0xFFFFCD50]  }
0x229: {  	v2 =	vld [tilespmem:s8+$0xFFFFFFC0];
	_ =	sdelay $0x4  }
0x22a: {  	v1 =	vadd.f32 v1, v2;
	v0 =	vadd.f32 v0, v2;
	_ =	sdelay $0x1  }
0x22b: {  	[tilespmem:s10+$0xFFFFCD50] =	vst v1;
	v1 =	vld [tilespmem:s10+$0xFFFFFF60]  }
0x22c: {  	[tilespmem:s10+$0xFFFFFF50] =	vst v0;
	v0 =	vld [tilespmem:s10+$0xFFFFCD60]  }
0x22d: {  	v2 =	vld [tilespmem:s8+$0xFFFFFFD0];
	_ =	sdelay $0x4  }
0x22e: {  	v0 =	vadd.f32 v0, v2;
	v1 =	vadd.f32 v1, v2;
	_ =	sdelay $0x1  }
0x22f: {  	[tilespmem:s10+$0xFFFFCD60] =	vst v0;
	v0 =	vld [tilespmem:s10+$0xFFFFFF70]  }
0x230: {  	[tilespmem:s10+$0xFFFFFF60] =	vst v1;
	v1 =	vld [tilespmem:s10+$0xFFFFCD70]  }
0x231: {  	v2 =	vld [tilespmem:s8+$0xFFFFFFE0];
	_ =	sdelay $0x4  }
0x232: {  	v1 =	vadd.f32 v1, v2;
	v0 =	vadd.f32 v0, v2;
	_ =	sdelay $0x1  }
0x233: {  	[tilespmem:s10+$0xFFFFCD70] =	vst v1;
	v1 =	vld [tilespmem:s10+$0xFFFFFF80]  }
0x234: {  	[tilespmem:s10+$0xFFFFFF70] =	vst v0;
	v0 =	vld [tilespmem:s10+$0xFFFFCD80]  }
0x235: {  	v2 =	vld [tilespmem:s8+$0xFFFFFFF0];
	_ =	sdelay $0x4  }
0x236: {  	v0 =	vadd.f32 v0, v2;
	v1 =	vadd.f32 v1, v2;
	_ =	sdelay $0x1  }
0x237: {  	[tilespmem:s10+$0xFFFFCD80] =	vst v0;
	v0 =	vld [tilespmem:s10+$0xFFFFFF90]  }
0x238: {  	[tilespmem:s10+$0xFFFFFF80] =	vst v1;
	v1 =	vld [tilespmem:s10+$0xFFFFCD90]  }
0x239: {  	v2 =	vld [tilespmem:s8+$0x0];
	_ =	sdelay $0x4  }
0x23a: {  	v1 =	vadd.f32 v1, v2;
	v0 =	vadd.f32 v0, v2;
	_ =	sdelay $0x1  }
0x23b: {  	[tilespmem:s10+$0xFFFFCD90] =	vst v1;
	v1 =	vld [tilespmem:s10+$0xFFFFFFA0]  }
0x23c: {  	[tilespmem:s10+$0xFFFFFF90] =	vst v0;
	v0 =	vld [tilespmem:s10+$0xFFFFCDA0]  }
0x23d: {  	v2 =	vld [tilespmem:s8+$0x10];
	_ =	sdelay $0x4  }
0x23e: {  	v0 =	vadd.f32 v0, v2;
	v1 =	vadd.f32 v1, v2;
	_ =	sdelay $0x1  }
0x23f: {  	[tilespmem:s10+$0xFFFFCDA0] =	vst v0;
	v0 =	vld [tilespmem:s10+$0xFFFFFFB0]  }
0x240: {  	[tilespmem:s10+$0xFFFFFFA0] =	vst v1;
	v1 =	vld [tilespmem:s10+$0xFFFFCDB0]  }
0x241: {  	v2 =	vld [tilespmem:s8+$0x20];
	_ =	sdelay $0x4  }
0x242: {  	v1 =	vadd.f32 v1, v2;
	v0 =	vadd.f32 v0, v2;
	_ =	sdelay $0x1  }
0x243: {  	[tilespmem:s10+$0xFFFFCDB0] =	vst v1;
	v1 =	vld [tilespmem:s10+$0xFFFFFFC0]  }
0x244: {  	[tilespmem:s10+$0xFFFFFFB0] =	vst v0;
	v0 =	vld [tilespmem:s10+$0xFFFFCDC0]  }
0x245: {  	v2 =	vld [tilespmem:s8+$0x30];
	_ =	sdelay $0x4  }
0x246: {  	v0 =	vadd.f32 v0, v2;
	v1 =	vadd.f32 v1, v2;
	_ =	sdelay $0x1  }
0x247: {  	[tilespmem:s10+$0xFFFFCDC0] =	vst v0;
	v0 =	vld [tilespmem:s10+$0xFFFFFFD0]  }
0x248: {  	[tilespmem:s10+$0xFFFFFFC0] =	vst v1;
	v1 =	vld [tilespmem:s10+$0xFFFFCDD0]  }
0x249: {  	v2 =	vld [tilespmem:s8+$0x40];
	_ =	sdelay $0x4  }
0x24a: {  	v1 =	vadd.f32 v1, v2;
	v2 =	vadd.f32 v0, v2;
	v0 =	vld [tilespmem:s10+$0xFFFFFFF0];
	_ =	sdelay $0x1  }
0x24b: {  	[tilespmem:s10+$0xFFFFCDD0] =	vst v1;
	v1 =	vld [tilespmem:s10+$0xFFFFFFE0]  }
0x24c: {  	[tilespmem:s10+$0xFFFFFFD0] =	vst v2;
	v2 =	vld [tilespmem:s10+$0xFFFFCDE0]  }
0x24d: {  	v3 =	vld [tilespmem:s8+$0x50];
	_ =	sdelay $0x4  }
.Ltmp2:
0x24e: {  	v2 =	vadd.f32 v2, v3;
	v1 =	vadd.f32 v1, v3;
	(pc) =	sbr.rel @p0 .LBB2_7-.Ltmp2, $4  }
0x24f: {  	_ = 	snop  }
0x250: {  	[tilespmem:s10+$0xFFFFCDE0] =	vst v2  }
0x251: {  	[tilespmem:s10+$0xFFFFFFE0] =	vst v1;
	v1 =	vld [tilespmem:s10+$0xFFFFCDF0]  }
0x252: {  	v2 =	vld [tilespmem:s8+$0x60]  }
0x253: {  	_ =	sdelay $0x3  }
0x254: {  	v1 =	vadd.f32 v1, v2  }
0x255: {  	v0 =	vadd.f32 v0, v2  }
0x256: {  	[tilespmem:s24+$0xFFFFCDF0] =	vst v1  }
0x257: {  	v62 =	vld [tilespmem:s24+$0xFFFFCE00];
	[tilespmem:s24+$0xFFFFFFF0] =	vst v0  }
0x258: {  	v0 =	vld [tilespmem:s25+$0x70]  }
0x259: {  	v63 =	vld [tilespmem:s24+$0x0]  }
0x25a: {  	s8 =	sshll.u32 s9, $0x1  }
0x25b: {  	s8 =	sadd.s32 s7, s8  }
0x25c: {  	s28 =	smul.u32 $0x640, s8  }
0x25d: {  	s11 =	sadd.s32 $0x1, s11;
	s8 =	smul.u32 $0x3200, s8;
	v1 =	vadd.f32 v62, v0  }
0x25e: {  	p0 =	sne.s32 s11, $0x15;
	v0 =	vadd.f32 v63, v0  }
.Ltmp3:
0x25f: {  	s8 =	sshrl.u32 s8, $0x3;
	[tilespmem:s24+$0xFFFFCE00] =	vst v1;
	(pc) =	sbr.rel @p0 .LBB2_2-.Ltmp3, $4  }
0x260: {  	s9 =	sadd.s32 s2, s28;
	s8 =	sadd.s32 s2, s8;
	[tilespmem:s24+$0x0] =	vst v0  }
0x261: {  	[hbm4b:s9+s3] =	stream.linear.scatter [tilespmem:s31], [sflag:$0x6], $0x3200, $0x38;
	[tilespmem:$0x1C200] =	vst v63  }
0x262: {  	s8 =	sadd.s32 $0x640, s8  }
0x263: {  	[hbm4b:s8+s3] =	stream.linear.scatter [tilespmem:s6], [sflag:$0x6], $0x3200, $0x38;
	[tilespmem:$0x1C200] =	vst v63  }
0x264: {  	_ =	swait.ge [sflag:s22], $0x6400  }
0x265: {  	[sflag:s22] =	ssyncset.done $0x0  }
0x266: {  	s8 =	simm.s32 $0x6480;
	[sflag:s22] =	ssyncadd.s32 $0xFFFF9C00  }
0x267: {  	s9 =	simm.s32 $0xC8F0;
	v0 =	vld [tilespmem:s8+$0xFFFFFF80]  }
0x268: {  	v1 =	vld [tilespmem:s9+$0xFFFFCD10]  }
0x269: {  	v2 =	vld [tilespmem:s9+$0xFFFFFF10];
	_ =	sdelay $0x3  }
0x26a: {  	v1 =	vadd.f32 v1, v0  }
0x26b: {  	v0 =	vadd.f32 v2, v0  }
0x26c: {  	[tilespmem:s9+$0xFFFFCD10] =	vst v1  }
0x26d: {  	[tilespmem:s9+$0xFFFFFF10] =	vst v0;
	v0 =	vld [tilespmem:s9+$0xFFFFCD20]  }
0x26e: {  	v1 =	vld [tilespmem:s8+$0xFFFFFF90]  }
0x26f: {  	v2 =	vld [tilespmem:s9+$0xFFFFFF20];
	_ =	sdelay $0x3  }
0x270: {  	v0 =	vadd.f32 v0, v1  }
0x271: {  	v1 =	vadd.f32 v2, v1  }
0x272: {  	[tilespmem:s9+$0xFFFFCD20] =	vst v0  }
0x273: {  	[tilespmem:s9+$0xFFFFFF20] =	vst v1;
	v1 =	vld [tilespmem:s9+$0xFFFFCD30]  }
0x274: {  	v2 =	vld [tilespmem:s8+$0xFFFFFFA0]  }
0x275: {  	v0 =	vld [tilespmem:s9+$0xFFFFFF30];
	_ =	sdelay $0x3  }
0x276: {  	v1 =	vadd.f32 v1, v2  }
0x277: {  	v0 =	vadd.f32 v0, v2  }
0x278: {  	[tilespmem:s9+$0xFFFFCD30] =	vst v1  }
0x279: {  	[tilespmem:s9+$0xFFFFFF30] =	vst v0;
	v0 =	vld [tilespmem:s9+$0xFFFFCD40]  }
0x27a: {  	v2 =	vld [tilespmem:s8+$0xFFFFFFB0]  }
0x27b: {  	v1 =	vld [tilespmem:s9+$0xFFFFFF40];
	_ =	sdelay $0x3  }
0x27c: {  	v0 =	vadd.f32 v0, v2  }
0x27d: {  	v1 =	vadd.f32 v1, v2  }
0x27e: {  	[tilespmem:s9+$0xFFFFCD40] =	vst v0  }
0x27f: {  	[tilespmem:s9+$0xFFFFFF40] =	vst v1;
	v1 =	vld [tilespmem:s9+$0xFFFFCD50]  }
0x280: {  	v2 =	vld [tilespmem:s8+$0xFFFFFFC0]  }
0x281: {  	v0 =	vld [tilespmem:s9+$0xFFFFFF50];
	_ =	sdelay $0x3  }
0x282: {  	v1 =	vadd.f32 v1, v2  }
0x283: {  	v0 =	vadd.f32 v0, v2  }
0x284: {  	[tilespmem:s9+$0xFFFFCD50] =	vst v1  }
0x285: {  	[tilespmem:s9+$0xFFFFFF50] =	vst v0;
	v0 =	vld [tilespmem:s9+$0xFFFFCD60]  }
0x286: {  	v2 =	vld [tilespmem:s8+$0xFFFFFFD0]  }
0x287: {  	v1 =	vld [tilespmem:s9+$0xFFFFFF60];
	_ =	sdelay $0x3  }
0x288: {  	v0 =	vadd.f32 v0, v2  }
0x289: {  	v1 =	vadd.f32 v1, v2  }
0x28a: {  	[tilespmem:s9+$0xFFFFCD60] =	vst v0  }
0x28b: {  	[tilespmem:s9+$0xFFFFFF60] =	vst v1;
	v1 =	vld [tilespmem:s9+$0xFFFFCD70]  }
0x28c: {  	v2 =	vld [tilespmem:s8+$0xFFFFFFE0]  }
0x28d: {  	v0 =	vld [tilespmem:s9+$0xFFFFFF70];
	_ =	sdelay $0x3  }
0x28e: {  	v1 =	vadd.f32 v1, v2  }
0x28f: {  	v0 =	vadd.f32 v0, v2  }
0x290: {  	[tilespmem:s9+$0xFFFFCD70] =	vst v1  }
0x291: {  	[tilespmem:s9+$0xFFFFFF70] =	vst v0;
	v0 =	vld [tilespmem:s9+$0xFFFFCD80]  }
0x292: {  	v2 =	vld [tilespmem:s8+$0xFFFFFFF0]  }
0x293: {  	v1 =	vld [tilespmem:s9+$0xFFFFFF80];
	_ =	sdelay $0x3  }
0x294: {  	v0 =	vadd.f32 v0, v2  }
0x295: {  	v1 =	vadd.f32 v1, v2  }
0x296: {  	[tilespmem:s9+$0xFFFFCD80] =	vst v0  }
0x297: {  	[tilespmem:s9+$0xFFFFFF80] =	vst v1;
	v1 =	vld [tilespmem:s9+$0xFFFFCD90]  }
0x298: {  	v2 =	vld [tilespmem:s8+$0x0]  }
0x299: {  	v0 =	vld [tilespmem:s9+$0xFFFFFF90];
	_ =	sdelay $0x3  }
0x29a: {  	v1 =	vadd.f32 v1, v2  }
0x29b: {  	v0 =	vadd.f32 v0, v2  }
0x29c: {  	[tilespmem:s9+$0xFFFFCD90] =	vst v1  }
0x29d: {  	[tilespmem:s9+$0xFFFFFF90] =	vst v0;
	v0 =	vld [tilespmem:s9+$0xFFFFCDA0]  }
0x29e: {  	v2 =	vld [tilespmem:s8+$0x10]  }
0x29f: {  	v1 =	vld [tilespmem:s9+$0xFFFFFFA0];
	_ =	sdelay $0x3  }
0x2a0: {  	v0 =	vadd.f32 v0, v2  }
0x2a1: {  	v1 =	vadd.f32 v1, v2  }
0x2a2: {  	[tilespmem:s9+$0xFFFFCDA0] =	vst v0  }
0x2a3: {  	[tilespmem:s9+$0xFFFFFFA0] =	vst v1;
	v1 =	vld [tilespmem:s9+$0xFFFFCDB0]  }
0x2a4: {  	v2 =	vld [tilespmem:s8+$0x20]  }
0x2a5: {  	v0 =	vld [tilespmem:s9+$0xFFFFFFB0];
	_ =	sdelay $0x3  }
0x2a6: {  	v1 =	vadd.f32 v1, v2  }
0x2a7: {  	v0 =	vadd.f32 v0, v2  }
0x2a8: {  	[tilespmem:s9+$0xFFFFCDB0] =	vst v1  }
0x2a9: {  	[tilespmem:s9+$0xFFFFFFB0] =	vst v0;
	v0 =	vld [tilespmem:s9+$0xFFFFCDC0]  }
0x2aa: {  	v2 =	vld [tilespmem:s8+$0x30]  }
0x2ab: {  	v1 =	vld [tilespmem:s9+$0xFFFFFFC0];
	_ =	sdelay $0x3  }
0x2ac: {  	v0 =	vadd.f32 v0, v2  }
0x2ad: {  	v1 =	vadd.f32 v1, v2  }
0x2ae: {  	[tilespmem:s9+$0xFFFFCDC0] =	vst v0  }
0x2af: {  	[tilespmem:s9+$0xFFFFFFC0] =	vst v1;
	v1 =	vld [tilespmem:s9+$0xFFFFCDD0]  }
0x2b0: {  	v2 =	vld [tilespmem:s8+$0x40]  }
0x2b1: {  	v0 =	vld [tilespmem:s9+$0xFFFFFFD0];
	_ =	sdelay $0x3  }
0x2b2: {  	v1 =	vadd.f32 v1, v2  }
0x2b3: {  	v2 =	vadd.f32 v0, v2  }
0x2b4: {  	[tilespmem:s9+$0xFFFFCDD0] =	vst v1  }
0x2b5: {  	[tilespmem:s9+$0xFFFFFFD0] =	vst v2;
	v2 =	vld [tilespmem:s9+$0xFFFFCDE0]  }
0x2b6: {  	v3 =	vld [tilespmem:s8+$0x50]  }
0x2b7: {  	v1 =	vld [tilespmem:s9+$0xFFFFFFE0];
	_ =	sdelay $0x3  }
0x2b8: {  	v2 =	vadd.f32 v2, v3  }
0x2b9: {  	v1 =	vadd.f32 v1, v3  }
0x2ba: {  	v0 =	vld [tilespmem:s9+$0xFFFFFFF0];
	[tilespmem:s9+$0xFFFFCDE0] =	vst v2  }
0x2bb: {  	[tilespmem:s9+$0xFFFFFFE0] =	vst v1;
	v1 =	vld [tilespmem:s9+$0xFFFFCDF0]  }
0x2bc: {  	s24 =	simm.s32 $0x0;
	s10 =	simm.s32 $0xC8F0;
	s11 =	simm.s32 $0x6480;
	v2 =	vld [tilespmem:s8+$0x60]  }
.LBB2_10:
0x2bd: {  	_ = 	snop  }
0x2be: {  	s24 =	sadd.s32 $0x4, s24;
	s9 =	sadd.s32 $0x100, s9;
	s8 =	sadd.s32 $0x100, s8  }
0x2bf: {  	p0 =	slt.u32 s24, $0xC4;
	_ =	sdelay $0x1  }
0x2c0: {  	v1 =	vadd.f32 v1, v2;
	v0 =	vadd.f32 v0, v2;
	_ =	sdelay $0x1  }
0x2c1: {  	[tilespmem:s10+$0xFFFFCDF0] =	vst v1;
	v1 =	vld [tilespmem:s10+$0xFFFFCE00]  }
0x2c2: {  	[tilespmem:s10+$0xFFFFFFF0] =	vst v0;
	v0 =	vld [tilespmem:s10+$0x0]  }
0x2c3: {  	v2 =	vld [tilespmem:s11+$0x70];
	s11 =	smov.u32 s8;
	_ =	sdelay $0x4  }
0x2c4: {  	v1 =	vadd.f32 v1, v2;
	v0 =	vadd.f32 v0, v2;
	_ =	sdelay $0x1  }
0x2c5: {  	[tilespmem:s10+$0xFFFFCE00] =	vst v1  }
0x2c6: {  	v1 =	vld [tilespmem:s9+$0xFFFFFF10];
	[tilespmem:s10+$0x0] =	vst v0;
	s10 =	smov.u32 s9  }
0x2c7: {  	v0 =	vld [tilespmem:s8+$0xFFFFFF80]  }
0x2c8: {  	v2 =	vld [tilespmem:s9+$0xFFFFCD10];
	_ =	sdelay $0x3  }
0x2c9: {  	v1 =	vadd.f32 v1, v0  }
0x2ca: {  	v0 =	vadd.f32 v2, v0  }
0x2cb: {  	[tilespmem:s9+$0xFFFFFF10] =	vst v1;
	v1 =	vld [tilespmem:s9+$0xFFFFFF20]  }
0x2cc: {  	[tilespmem:s9+$0xFFFFCD10] =	vst v0;
	v0 =	vld [tilespmem:s9+$0xFFFFCD20]  }
0x2cd: {  	v2 =	vld [tilespmem:s8+$0xFFFFFF90];
	_ =	sdelay $0x4  }
0x2ce: {  	v0 =	vadd.f32 v0, v2;
	v1 =	vadd.f32 v1, v2;
	_ =	sdelay $0x1  }
0x2cf: {  	[tilespmem:s9+$0xFFFFCD20] =	vst v0;
	v0 =	vld [tilespmem:s9+$0xFFFFFF30]  }
0x2d0: {  	[tilespmem:s9+$0xFFFFFF20] =	vst v1;
	v1 =	vld [tilespmem:s9+$0xFFFFCD30]  }
0x2d1: {  	v2 =	vld [tilespmem:s8+$0xFFFFFFA0];
	_ =	sdelay $0x4  }
0x2d2: {  	v1 =	vadd.f32 v1, v2;
	v0 =	vadd.f32 v0, v2;
	_ =	sdelay $0x1  }
0x2d3: {  	[tilespmem:s9+$0xFFFFCD30] =	vst v1;
	v1 =	vld [tilespmem:s9+$0xFFFFFF40]  }
0x2d4: {  	[tilespmem:s9+$0xFFFFFF30] =	vst v0;
	v0 =	vld [tilespmem:s9+$0xFFFFCD40]  }
0x2d5: {  	v2 =	vld [tilespmem:s8+$0xFFFFFFB0];
	_ =	sdelay $0x4  }
0x2d6: {  	v0 =	vadd.f32 v0, v2;
	v1 =	vadd.f32 v1, v2;
	_ =	sdelay $0x1  }
0x2d7: {  	[tilespmem:s9+$0xFFFFCD40] =	vst v0;
	v0 =	vld [tilespmem:s9+$0xFFFFFF50]  }
0x2d8: {  	[tilespmem:s9+$0xFFFFFF40] =	vst v1;
	v1 =	vld [tilespmem:s9+$0xFFFFCD50]  }
0x2d9: {  	v2 =	vld [tilespmem:s8+$0xFFFFFFC0];
	_ =	sdelay $0x4  }
0x2da: {  	v1 =	vadd.f32 v1, v2;
	v0 =	vadd.f32 v0, v2;
	_ =	sdelay $0x1  }
0x2db: {  	[tilespmem:s9+$0xFFFFCD50] =	vst v1;
	v1 =	vld [tilespmem:s9+$0xFFFFFF60]  }
0x2dc: {  	[tilespmem:s9+$0xFFFFFF50] =	vst v0;
	v0 =	vld [tilespmem:s9+$0xFFFFCD60]  }
0x2dd: {  	v2 =	vld [tilespmem:s8+$0xFFFFFFD0];
	_ =	sdelay $0x4  }
0x2de: {  	v0 =	vadd.f32 v0, v2;
	v1 =	vadd.f32 v1, v2;
	_ =	sdelay $0x1  }
0x2df: {  	[tilespmem:s9+$0xFFFFCD60] =	vst v0;
	v0 =	vld [tilespmem:s9+$0xFFFFFF70]  }
0x2e0: {  	[tilespmem:s9+$0xFFFFFF60] =	vst v1;
	v1 =	vld [tilespmem:s9+$0xFFFFCD70]  }
0x2e1: {  	v2 =	vld [tilespmem:s8+$0xFFFFFFE0];
	_ =	sdelay $0x4  }
0x2e2: {  	v1 =	vadd.f32 v1, v2;
	v0 =	vadd.f32 v0, v2;
	_ =	sdelay $0x1  }
0x2e3: {  	[tilespmem:s9+$0xFFFFCD70] =	vst v1;
	v1 =	vld [tilespmem:s9+$0xFFFFFF80]  }
0x2e4: {  	[tilespmem:s9+$0xFFFFFF70] =	vst v0;
	v0 =	vld [tilespmem:s9+$0xFFFFCD80]  }
0x2e5: {  	v2 =	vld [tilespmem:s8+$0xFFFFFFF0];
	_ =	sdelay $0x4  }
0x2e6: {  	v0 =	vadd.f32 v0, v2;
	v1 =	vadd.f32 v1, v2;
	_ =	sdelay $0x1  }
0x2e7: {  	[tilespmem:s9+$0xFFFFCD80] =	vst v0;
	v0 =	vld [tilespmem:s9+$0xFFFFFF90]  }
0x2e8: {  	[tilespmem:s9+$0xFFFFFF80] =	vst v1;
	v1 =	vld [tilespmem:s9+$0xFFFFCD90]  }
0x2e9: {  	v2 =	vld [tilespmem:s8+$0x0];
	_ =	sdelay $0x4  }
0x2ea: {  	v1 =	vadd.f32 v1, v2;
	v0 =	vadd.f32 v0, v2;
	_ =	sdelay $0x1  }
0x2eb: {  	[tilespmem:s9+$0xFFFFCD90] =	vst v1;
	v1 =	vld [tilespmem:s9+$0xFFFFFFA0]  }
0x2ec: {  	[tilespmem:s9+$0xFFFFFF90] =	vst v0;
	v0 =	vld [tilespmem:s9+$0xFFFFCDA0]  }
0x2ed: {  	v2 =	vld [tilespmem:s8+$0x10];
	_ =	sdelay $0x4  }
0x2ee: {  	v0 =	vadd.f32 v0, v2;
	v1 =	vadd.f32 v1, v2;
	_ =	sdelay $0x1  }
0x2ef: {  	[tilespmem:s9+$0xFFFFCDA0] =	vst v0;
	v0 =	vld [tilespmem:s9+$0xFFFFFFB0]  }
0x2f0: {  	[tilespmem:s9+$0xFFFFFFA0] =	vst v1;
	v1 =	vld [tilespmem:s9+$0xFFFFCDB0]  }
0x2f1: {  	v2 =	vld [tilespmem:s8+$0x20];
	_ =	sdelay $0x4  }
0x2f2: {  	v1 =	vadd.f32 v1, v2;
	v0 =	vadd.f32 v0, v2;
	_ =	sdelay $0x1  }
0x2f3: {  	[tilespmem:s9+$0xFFFFCDB0] =	vst v1;
	v1 =	vld [tilespmem:s9+$0xFFFFFFC0]  }
0x2f4: {  	[tilespmem:s9+$0xFFFFFFB0] =	vst v0;
	v0 =	vld [tilespmem:s9+$0xFFFFCDC0]  }
0x2f5: {  	v2 =	vld [tilespmem:s8+$0x30];
	_ =	sdelay $0x4  }
0x2f6: {  	v0 =	vadd.f32 v0, v2;
	v1 =	vadd.f32 v1, v2;
	_ =	sdelay $0x1  }
0x2f7: {  	[tilespmem:s9+$0xFFFFCDC0] =	vst v0;
	v0 =	vld [tilespmem:s9+$0xFFFFFFD0]  }
0x2f8: {  	[tilespmem:s9+$0xFFFFFFC0] =	vst v1;
	v1 =	vld [tilespmem:s9+$0xFFFFCDD0]  }
0x2f9: {  	v2 =	vld [tilespmem:s8+$0x40];
	_ =	sdelay $0x4  }
0x2fa: {  	v1 =	vadd.f32 v1, v2;
	v2 =	vadd.f32 v0, v2;
	v0 =	vld [tilespmem:s9+$0xFFFFFFF0];
	_ =	sdelay $0x1  }
0x2fb: {  	[tilespmem:s9+$0xFFFFCDD0] =	vst v1;
	v1 =	vld [tilespmem:s9+$0xFFFFFFE0]  }
0x2fc: {  	[tilespmem:s9+$0xFFFFFFD0] =	vst v2;
	v2 =	vld [tilespmem:s9+$0xFFFFCDE0]  }
0x2fd: {  	v3 =	vld [tilespmem:s8+$0x50];
	_ =	sdelay $0x4  }
.Ltmp4:
0x2fe: {  	v2 =	vadd.f32 v2, v3;
	v1 =	vadd.f32 v1, v3;
	(pc) =	sbr.rel @p0 .LBB2_10-.Ltmp4, $4  }
0x2ff: {  	_ = 	snop  }
0x300: {  	[tilespmem:s9+$0xFFFFCDE0] =	vst v2  }
0x301: {  	[tilespmem:s9+$0xFFFFFFE0] =	vst v1;
	v1 =	vld [tilespmem:s9+$0xFFFFCDF0]  }
0x302: {  	v2 =	vld [tilespmem:s8+$0x60]  }
0x303: {  	_ =	sdelay $0x3  }
0x304: {  	v1 =	vadd.f32 v1, v2  }
0x305: {  	v0 =	vadd.f32 v0, v2  }
0x306: {  	[tilespmem:s10+$0xFFFFCDF0] =	vst v1  }
0x307: {  	v62 =	vld [tilespmem:s10+$0xFFFFCE00];
	[tilespmem:s10+$0xFFFFFFF0] =	vst v0  }
0x308: {  	v0 =	vld [tilespmem:s11+$0x70]  }
0x309: {  	v63 =	vld [tilespmem:s10+$0x0];
	_ =	sdelay $0x3  }
0x30a: {  	v1 =	vadd.f32 v62, v0  }
0x30b: {  	v0 =	vadd.f32 v63, v0  }
0x30c: {  	[tilespmem:s10+$0xFFFFCE00] =	vst v1  }
0x30d: {  	s8 =	rddreg [dreg:$0x5];
	[tilespmem:s10+$0x0] =	vst v0  }
0x30e: {  	[hbm4b:s8+s3] =	stream.linear.scatter [tilespmem:s14], [sflag:$0x4], $0x3200, $0x38;
	[tilespmem:$0x1C200] =	vst v63  }
0x30f: {  	s24 =	rddreg [dreg:$0x6]  }
0x310: {  	[hbm4b:s24+s3] =	stream.linear.scatter [tilespmem:s29], [sflag:$0x4], $0x3200, $0x38;
	[tilespmem:$0x1C200] =	vst v63  }
0x311: {  	_ =	swait.ge [sflag:s5], $0x3200  }
0x312: {  	[sflag:s5] =	ssyncset.done $0x0  }
0x313: {  	[sflag:s5] =	ssyncadd.s32 $0xFFFFCE00  }
0x314: {  	_ =	swait.ge [sflag:s5], $0x3200  }
0x315: {  	[sflag:s5] =	ssyncset.done $0x0  }
0x316: {  	s25 =	simm.s32 $0x5;
	[sflag:s5] =	ssyncadd.s32 $0xFFFFCE00  }
0x317: {  	_ =	swait.ge [sflag:s25], $0x3200  }
0x318: {  	[sflag:s25] =	ssyncset.done $0x0  }
0x319: {  	[sflag:s25] =	ssyncadd.s32 $0xFFFFCE00  }
0x31a: {  	_ =	swait.ge [sflag:s25], $0x3200  }
0x31b: {  	[sflag:s25] =	ssyncset.done $0x0  }
0x31c: {  	s9 =	simm.s32 $0x6;
	[sflag:s25] =	ssyncadd.s32 $0xFFFFCE00  }
0x31d: {  	_ =	swait.ge [sflag:s9], $0x3200  }
0x31e: {  	[sflag:s9] =	ssyncset.done $0x0  }
0x31f: {  	[sflag:s9] =	ssyncadd.s32 $0xFFFFCE00  }
0x320: {  	_ =	swait.ge [sflag:s9], $0x3200  }
0x321: {  	s26 =	rddreg [dreg:$0x8]  }
0x322: {  	s28 =	rddreg [dreg:$0x7];
	s10 =	sadd.s32 $0x1, s26  }
0x323: {  	p0 =	sne.s32 s10, s28  }
.Ltmp5:
0x324: {  	_ = 	snop;
	(pc) =	sbr.rel @p0 .LBB2_1-.Ltmp5, $3  }
0x325: {  	_ =	sdelay $0x1  }
0x326: {  	[sflag:s9] =	ssyncset.done $0x0  }
0x327: {  	[sflag:s9] =	ssyncadd.s32 $0xFFFFCE00  }
0x328: {  	_ =	sfence.sel $0x180000  }
0x329: {  	[bflag:$0x0] =	sbarrier.arrive $0xFFFF  }
0x32a: {  	_ =	strace $0x90000047  }
0x32b: {  	s0 =	stileid.u32;
	[bflag:$0x2] =	sbarrier.arrive $0xFFFF  }
0x32c: {  	p0 =	sne.s32 s0, $0x0;
	s0 =	rddreg [dreg:$0x2]  }
0x32d: {  	s0 =	sadd.s32 @!p0 $0x100000, s0  }
0x32e: {  	[sflag:s0] =	ssyncadd.tile.s32 @!p0 $0x1;
	_ =	shalt  }
.Lfunc_end2:
_tile_overlayer_lowered:
.L_overlay_start_2:
0x32f: {  	(tag) =	ssettag $0x2  }
0x330: {  	s0 =	rddreg [dreg:$0x0];
	s2 =	stileid.u32  }
0x331: {  	s1 =	rddreg [dreg:$0x1];
	p0 =	sne.s32 s2, $0x0  }
0x332: {  	s3 =	rddreg [dreg:$0x2];
	[bflag:$0x3] =	sbarrier.arrive $0xFFFF;
	s2 =	simm.s32 @!p0 $0x1C07  }
0x333: {  	[timem:s3], [sflag:s2] =	dma.local @!p0 [hbm:s0], s1  }
0x334: {  	s0 =	simm.s32 @!p0 $0x7  }
0x335: {  	_ =	swait.ge @!p0 [sflag:s0], s1  }
0x336: {  	s1 =	ssub.s32 @!p0 $0x0, s1;
	[sflag:s0] =	ssyncset.done @!p0 $0x0  }
0x337: {  	[sflag:s0] =	ssyncadd.s32 @!p0 s1  }
0x338: {  	[bflag:$0x3] =	sbarrier.arrive $0xFFFF  }
0x339: {  	_ =	shalt  }

// kernel: sparse-core-data-format-call.cloned.1.call-start
scs
called_computation_lowered:
.L_overlay_start_0:
0x0: {  	s2 =	sld [smem:$0x3FD9]  }
0x1: {  	s3 =	sld [smem:$0x3FFE];
	_ =	sdelay $0x1  }
0x2: {  	s1 =	srdreg.scid  }
0x3: {  	s0 =	sand.u32 $0x1, s1  }
0x4: {  	s18 =	sshll.u32 s0, $0xA;
	s2 =	sadd.s32 s3, s2  }
0x5: {  	s2 =	sadd.s32 s2, s18  }
0x6: {  	[smem:$0x3FC5] =	sst s2  }
0x7: {  	_ = 	snop  }
0x8: {  	s2 =	sld [smem:$0x3FD0];
	(tm) =	ssettm $0x1  }
0x9: {  	s19 =	sld [smem:$0x3FFB];
	_ =	sdelay $0x3  }
0xa: {  	_ =	strace s19  }
0xb: {  	s3 =	sld [smem:$0x3FFC];
	_ =	sdelay $0x3  }
0xc: {  	_ =	strace s3  }
0xd: {  	s3 =	sld [smem:$0x3FFD];
	_ =	sdelay $0x3  }
0xe: {  	_ =	strace s3  }
0xf: {  	_ =	strace $0x8FFFFFFF  }
0x10: {  	s20 =	sld [smem:$0x3FDB];
	_ =	sdelay $0x1  }
0x11: {  	s4 =	simm.s32 $_scs_section_size  }
0x12: {  	s5 =	simm.s32 $_size__tile_overlayer_lowered;
	s6 =	simm.s32 $_tile_overlayer_lowered  }
0x13: {  	s23 =	simm.s32 $0x1BFF;
	s22 =	sshll.u32 s6, $0x1;
	s3 =	sadd.s32 s4, s20  }
0x14: {  	s7 =	simm.s32 $0x0;
	s21 =	sshll.u32 s5, $0x1;
	s5 =	sadd.s32 s22, s3  }
0x15: {  	[timem:s7], [sflag:s23] =	dma.local [hbm:s5], s21  }
0x16: {  	_ =	swait.ge [sflag:s23], s21  }
0x17: {  	s4 =	ssub.s32 $0x0, s21;
	[sflag:s23] =	ssyncset.done $0x0  }
0x18: {  	[sflag:s23] =	ssyncadd.s32 s4;
	_ =	sdelay $0x1  }
0x19: {  	s24 =	simm.s32 $0x1B8B  }
0x1a: {  	_ =	swait.ge [sflag:s24], $0x1  }
0x1b: {  	[sflag:s24] =	ssyncset.done $0x0  }
0x1c: {  	s26 =	simm.s32 $0x1B8E;
	s25 =	sld [smem:$0x3FFE];
	[sflag:s24] =	ssyncadd.s32 $0xFFFFFFFF  }
0x1d: {  	s27 =	simm.s32 $execute0_lowered;
	[smem:$0x3FD2] =	sst s26  }
0x1e: {  	s5 =	sshll.u32 s27, $0x1;
	_ =	strace $0x80000049;
	[dreg:$0x1] =	wrdreg $0xFFFFFFFF  }
0x1f: {  	s28 =	simm.s32 $_size_execute0_lowered;
	s3 =	sadd.s32 s3, s5;
	[dreg:$0x0] =	wrdreg $0x0  }
0x20: {  	s5 =	sshll.u32 s28, $0x1;
	[dreg:$0x2] =	wrdreg s3  }
0x21: {  	[dreg:$0x3] =	wrdreg s5  }
0x22: {  	[dreg:$0x4] =	wrdreg $0xC0  }
0x23: {  	_ =	task [dreg:s7], $0x5FFFF  }
0x24: {  	[dreg:$0x1] =	wrdreg $0xFFFFFFFF  }
0x25: {  	[dreg:$0x0] =	wrdreg $0x60  }
0x26: {  	[dreg:$0x2] =	wrdreg s25  }
0x27: {  	[dreg:$0x3] =	wrdreg s2  }
0x28: {  	[dreg:$0x4] =	wrdreg $0x9  }
0x29: {  	_ =	task.clear_ibuf [dreg:s7], $0x5FFFF;
	_ =	strace $0x90000049  }
0x2a: {  	s29 =	simm.s32 $0x9;
	_ =	strace $0x8000004B  }
0x2b: {  	_ =	swait.ge [sflag:s29], $0x1  }
0x2c: {  	[sflag:s29] =	ssyncadd.s32 $0xFFFFFFFF  }
0x2d: {  	_ =	strace $0x9000004B  }
0x2e: {  	_ =	sfence  }
0x2f: {  	s30 =	sld [smem:$0x0];
	_ =	sdelay $0x2  }
0x30: {  	s31 =	sshll.u32 s1, $0xD;
	s1 =	sshrl.u32 s1, $0x2  }
0x31: {  	s3 =	sand.u32 $0x4000, s31;
	s1 =	sadd.s32 s1, s30  }
0x32: {  	s0 =	sor.u32 s3, s0;
	s1 =	sshll.u32 s1, $0x11  }
0x33: {  	s0 =	sor.u32 s1, s0  }
0x34: {  	s0 =	sadd.s32 $0x8F2B, s0  }
0x35: {  	[sflag:s0] =	ssyncadd.remote.s32 $0x1  }
0x36: {  	_ =	sfence.sel $0xFFFF  }
0x37: {  	[dreg:$0x0] =	wrdreg $0xFFFFFFFF;
	(pc) =	sbr.abs _section_cstart, $3  }
0x38: {  	[dreg:$0x1] =	wrdreg $0xFFFFFFFF  }
0x39: {  	_ =	task.clear_ibuf [dreg:s7], $0x2FFFF;
	_ =	strace $0x9FFFFFFF  }
0x3a: {  	(tm) =	ssettm $0x7FFFFFFF  }
0x3b: {  	_ =	shalt  }
tec
execute0_lowered:
.L_overlay_start_1:
0x0: {  	(tag) =	ssettag $0x1  }
0x1: {  	s0 =	srdreg.scid  }
0x2: {  	s1 =	sshll.u32 s0, $0x4  }
0x3: {  	s0 =	stileid.u32;
	s1 =	sand.u32 $0x10, s1  }
0x4: {  	s1 =	sor.u32 s0, s1  }
0x5: {  	s6 =	rddreg [dreg:$0x0];
	s4 =	simm.s32 $0x1;
	s2 =	sshll.u32 s1, $0x7  }
0x6: {  	s7 =	simm.s32 $0x2;
	s12 =	simm.s32 $0x0;
	s1 =	ssub.s32 $0x1000, s2  }
0x7: {  	s8 =	simm.s32 $0x8000;
	s13 =	simm.s32 $0x0;
	s3 =	sand.u32 $0xF80, s1  }
0x8: {  	s9 =	simm.s32 $0x0;
	s5 =	sshrl.u32 s1, $0xC;
	p0 =	sne.s32 s3, $0x0  }
.Ltmp0:
0x9: {  	s1 =	rddreg [dreg:$0x2];
	s4 =	simm.s32 @!p0 $0x0;
	(pc) =	sbr.rel .LBB1_1-.Ltmp0, $4  }
0xa: {  	s11 =	simm.s32 $0x0;
	s3 =	rddreg [dreg:$0x1];
	s5 =	sadd.s32 s4, s5  }
0xb: {  	_ =	strace $0x8000004A;
	s4 =	simm.s32 $0x1;
	s5 =	smul.u32 $0xC8, s5  }
0xc: {  	s6 =	sadd.s32 $0x800, s6;
	s10 =	smov.u32 s2;
	[sflag:s4] =	ssyncpa.u1 $0x0  }
0xd: {  	p0 =	por $0x0, $0x0;
	[sflag:s7] =	ssyncpa.u1 $0x0;
	s7 =	sor.u32 $0x1, s5  }
.LBB1_4:
0xe: {  	s16 =	sshll.u32 s13, $0x3;
	s17 =	sand.u32 $0x78, s13  }
0xf: {  	s30 =	sand.u32 $0x7E00, s13;
	s12 =	sshll.u32 s12, $0xF;
	s16 =	sand.u32 $0xC00, s16  }
0x10: {  	[tilespmem:s15+$0x810 ss:$0x81] =	vst.msk $0xffff, v2;
	s31 =	sand.u32 $0x7, s13;
	s16 =	sor.u32 s17, s16;
	s17 =	sadd.s32 s3, s30  }
0x11: {  	[tilespmem:s15+$0x1020 ss:$0x81] =	vst.msk $0xffff, v0;
	s13 =	sshll.u32 s31, $0x12;
	s12 =	sadd.s32 s12, s17;
	s16 =	sshrl.u32 s16, $0x3  }
0x12: {  	[tilespmem:s15+$0x0 ss:$0x81] =	vst.msk $0xffff, v1;
	s13 =	sor.u32 $0x400, s13;
	s12 =	sadd.s32 s16, s12  }
0x13: {  	[hbm4b:s12+s13] =	stream.strided.scatter [tilespmem:s14], [sflag:$0x2], $0x2000, s8, s13, $0x20;
	[tilespmem:$0x8080] =	vst v63  }
.LBB1_5:
0x14: {  	s14 =	sadd.s32 $0x1, s9  }
0x15: {  	s12 =	sadd.s32 $0x1000, s10;
	s16 =	smov.u32 s10;
	p2 =	sgt.s32 s14, $0xC7  }
0x16: {  	s16 =	smov.u32 @p2 s12  }
0x17: {  	s14 =	simm.s32 @p2 $0x0;
	p2 =	sgt.s32 s16, $0xFFF  }
0x18: {  	s16 =	smov.u32 @p2 s2;
	p2 =	sne.s32 s11, s7  }
.Ltmp1:
0x19: {  	p1 =	slt.u32 s11, $0x2;
	(pc) =	sbr.rel @!p2 .LBB1_6-.Ltmp1, $4  }
0x1a: {  	s15 =	simm.s32 @!p1 $0x2  }
0x1b: {  	s13 =	smov.u32 s10;
	p0 =	por !p0, !p0;
	_ =	swait.ge @!p1 [sflag:s15], $0x2000  }
0x1c: {  	s12 =	smov.u32 s9;
	[sflag:s15] =	ssyncset.done @!p1 $0x0;
	s9 =	smov.u32 s14  }
0x1d: {  	s11 =	sadd.s32 $0x1, s11;
	[sflag:s15] =	ssyncadd.s32 @!p1 $0xFFFFE000;
	s10 =	smov.u32 s16  }
.LBB1_1:
0x1e: {  	p1 =	sge.u32 s11, s5  }
0x1f: {  	s14 =	sand.u32 @!p1 $0x1FFFFFF, s9  }
0x20: {  	s15 =	smulhi.u32 @!p1 $0x147AE15, s14;
	_ =	sdelay $0x1  }
0x21: {  	s15 =	smul.u32 @!p1 $0xC8, s15  }
0x22: {  	s16 =	sxor.u32 @!p1 $0xFFFFFFFF, s11;
	s17 =	smul.u32 @!p1 $0xC80, s10  }
0x23: {  	s31 =	sadd.s32 $0xFFFFFFFF, s11;
	s16 =	sshll.u32 @!p1 s16, $0xD;
	s14 =	ssub.s32 @!p1 s14, s15  }
0x24: {  	s15 =	sand.u32 @!p1 $0x2000, s16;
	s16 =	sadd.s32 @!p1 s6, s17;
	s14 =	sshll.u32 @!p1 s14, $0x4  }
0x25: {  	s17 =	simm.s32 @!p1 $0x6400;
	s14 =	sadd.s32 @!p1 s14, s16;
	s16 =	simm.s32 @!p1 $0x40  }
0x26: {  	[tilespmem:s15], [sflag:$0x1] =	stream.strided.gather @!p1 [hbm4b:s14+s16], $0x2000, s17, s16, $0x38;
	[tilespmem:$0x8080] =	vst v63  }
0x27: {  	p1 =	sge.u32 s31, s5  }
.Ltmp2:
0x28: {  	_ = 	snop;
	(pc) =	sbr.rel @p1 .LBB1_5-.Ltmp2, $1  }
0x29: {  	_ =	sdelay $0x3  }
0x2a: {  	s14 =	simm.s32 $0x1  }
0x2b: {  	_ =	swait.ge [sflag:s4], $0x2000;
	s14 =	simm.s32 @!p0 $0x0  }
0x2c: {  	[sflag:s4] =	ssyncset.done $0x0;
	s15 =	sshll.u32 s14, $0xD  }
0x2d: {  	[sflag:s4] =	ssyncadd.s32 $0xFFFFE000;
	s18 =	sor.u32 $0x20, s15  }
0x2e: {  	s14 =	smul.u32 $0x8100, s14;
	v3 =	vld [tilespmem:s18+$0x10]  }
0x2f: {  	s30 =	sand.u32 $0x1, s11;
	v2 =	vld [tilespmem:s18+$0xFFFFFFF0]  }
0x30: {  	s15 =	smul.u32 $0x8100, s30;
	s14 =	sshrl.u32 s14, $0x2;
	v0 =	vld [tilespmem:s18+$0x0]  }
0x31: {  	v1 =	vld [tilespmem:s18+$0xFFFFFFE0];
	s16 =	sor.u32 $0x4000, s14  }
0x32: {  	s31 =	sshrl.u32 s15, $0x2;
	s15 =	sadd.s32 $0x0, s16  }
0x33: {  	s17 =	simm.s32 $0x4;
	s18 =	sadd.s32 $0x40, s18;
	s14 =	sor.u32 $0x4000, s31;
	[tilespmem:s15+$0x1830 ss:$0x81] =	vst.msk $0xffff, v3  }
.LBB1_3:
0x34: {  	v3 =	vld [tilespmem:s18+$0x10];
	p1 =	sne.s32 s17, $0x1FC;
	[tilespmem:s15+$0x810 ss:$0x81] =	vst.msk $0xffff, v2;
	s19 =	smov.u32 s17;
	s17 =	sadd.s32 $0x4, s17  }
.Ltmp3:
0x35: {  	v2 =	vld [tilespmem:s18+$0xFFFFFFF0];
	[tilespmem:s15+$0x1020 ss:$0x81] =	vst.msk $0xffff, v0;
	(pc) =	sbr.rel @p1 .LBB1_3-.Ltmp3, $4  }
0x36: {  	v0 =	vld [tilespmem:s18+$0x0];
	[tilespmem:s15+$0x0 ss:$0x81] =	vst.msk $0xffff, v1  }
0x37: {  	s15 =	sshra.s32 s19, $0x2;
	v1 =	vld [tilespmem:s18+$0xFFFFFFE0]  }
0x38: {  	s15 =	sadd.s32 s15, s16  }
0x39: {  	s18 =	sadd.s32 $0x40, s18;
	[tilespmem:s15+$0x1830 ss:$0x81] =	vst.msk $0xffff, v3  }
.Ltmp4:
0x3a: {  	_ = 	snop;
	(pc) =	sbr.rel .LBB1_4-.Ltmp4, $1  }
0x3b: {  	_ =	sdelay $0x3  }
.LBB1_6:
0x3c: {  	_ =	sfence.sel $0x180000  }
0x3d: {  	s2 =	simm.s32 $0x1;
	[bflag:$0x0] =	sbarrier.arrive $0xFFFF  }
0x3e: {  	s31 =	simm.s32 $0x2;
	[sflag:s2] =	ssyncpa.u1 $0x1  }
0x3f: {  	[sflag:s31] =	ssyncpa.u1 $0x1  }
0x40: {  	p0 =	sne.s32 s0, $0x0;
	_ =	strace $0x9000004A  }
0x41: {  	s0 =	sadd.s32 @!p0 $0x100000, s1;
	[bflag:$0x2] =	sbarrier.arrive $0xFFFF  }
0x42: {  	[sflag:s0] =	ssyncadd.tile.s32 @!p0 $0x1;
	_ =	shalt  }
.Lfunc_end1:
_tile_overlayer_lowered:
.L_overlay_start_2:
0x43: {  	(tag) =	ssettag $0x2  }
0x44: {  	s0 =	rddreg [dreg:$0x0];
	s2 =	stileid.u32  }
0x45: {  	s1 =	rddreg [dreg:$0x1];
	p0 =	sne.s32 s2, $0x0  }
0x46: {  	s3 =	rddreg [dreg:$0x2];
	[bflag:$0x3] =	sbarrier.arrive $0xFFFF;
	s2 =	simm.s32 @!p0 $0x1C01  }
0x47: {  	[timem:s3], [sflag:s2] =	dma.local @!p0 [hbm:s0], s1  }
0x48: {  	s0 =	simm.s32 @!p0 $0x1  }
0x49: {  	_ =	swait.ge @!p0 [sflag:s0], s1  }
0x4a: {  	s1 =	ssub.s32 @!p0 $0x0, s1;
	[sflag:s0] =	ssyncset.done @!p0 $0x0  }
0x4b: {  	[sflag:s0] =	ssyncadd.s32 @!p0 s1  }
0x4c: {  	[bflag:$0x3] =	sbarrier.arrive $0xFFFF  }
0x4d: {  	_ =	shalt  }

</sc_bundles>
